<compile_context>
chip_gen: v7x
topology: tpu7x:2x2x1
jax: 0.10.2.dev20260603
libtpu: 0.0.44.dev20260713+nightly
codegen_flags: <defaults>
</compile_context>

<pallas_src>
import jax
import jax.numpy as jnp
from jax import lax
from jax.experimental import pallas as pl
from jax.experimental.pallas import tpu as pltpu
from jax.experimental.pallas import tpu_sc as plsc

_SIZE = 1000000
_CHUNK = 16
_NUM_HASHES = 2
_RANGE = _SIZE - _CHUNK
_ROWS = _SIZE // _CHUNK

_B, _F = 16384, 26
_N = _B * _F
_NC, _NS, _L = 2, 16, 16
_NW = _NC * _NS
_W = _N // _NW
_K = 512
_NBLK = _W // _K
_NIDX = 4 * _K

_DNUMS = lax.GatherDimensionNumbers(
    offset_dims=(), collapsed_slice_dims=(0,), start_index_map=(0,))


def _dyng(v, idx):
    return lax.gather(v, idx[:, None], _DNUMS, (1,),
                      mode=lax.GatherScatterMode.PROMISE_IN_BOUNDS)


def _body(x_hbm, tab_hbm, co_hbm, out_hbm, x_v, co_v,
          idx_a, idx_b, stage_a, stage_b, s0_a, s0_b, s1_a, s1_b,
          out_a, out_b, sem_ga, sem_gb, sem_oa, sem_ob):
    wid = lax.axis_index("s") * _NC + lax.axis_index("c")
    base_in = wid * _W
    pltpu.sync_copy(co_hbm, co_v)
    pltpu.sync_copy(x_hbm.at[pl.ds(base_in, _W)], x_v)
    c0 = co_v[0]
    c1 = co_v[1]
    iota = lax.iota(jnp.int32, _L)
    rng = jnp.uint32(_RANGE)

    bufs = ((idx_a, stage_a, s0_a, s1_a, out_a, sem_ga, sem_oa),
            (idx_b, stage_b, s0_b, s1_b, out_b, sem_gb, sem_ob))

    def hash_block(b, parity):
        idx_v, _, s0_v, s1_v, _, _, _ = bufs[parity]

        def hash_step(i2, _):
            sl = pl.ds(i2 * _L, _L)
            xu = x_v[pl.ds(b * _K + i2 * _L, _L)].astype(jnp.uint32)
            hv0 = ((xu * c0) % rng).astype(jnp.int32)
            hv1 = ((xu * c1) % rng).astype(jnp.int32)
            r0 = hv0 >> 4
            r1 = hv1 >> 4
            idx_v[sl] = r0
            idx_v[pl.ds(_K + i2 * _L, _L)] = r0 + 1
            idx_v[pl.ds(2 * _K + i2 * _L, _L)] = r1
            idx_v[pl.ds(3 * _K + i2 * _L, _L)] = r1 + 1
            s0_v[sl] = hv0 & 15
            s1_v[sl] = hv1 & 15
            return _

        lax.fori_loop(0, _K // _L, hash_step, None)

    def fire_gather(b, parity):
        idx_v, stage_v, _, _, _, sem_g, _ = bufs[parity]
        for j in range(_NIDX // 128):
            pltpu.async_copy(tab_hbm.at[idx_v.at[pl.ds(j * 128, 128)]],
                             stage_v.at[pl.ds(j * 128, 128)], sem_g)

    def extract_block(parity):
        _, stage_v, s0_v, s1_v, out_v, _, _ = bufs[parity]

        @plsc.parallel_loop(0, _K // _L)
        def _extract(g):
            s0vec = s0_v[pl.ds(g * _L, _L)]
            s1vec = s1_v[pl.ds(g * _L, _L)]
            for j in range(_L):
                ii = g * _L + j
                for h, svec in ((0, s0vec), (1, s1vec)):
                    sv = jnp.full((_L,), svec[j], jnp.int32)
                    v_lo = stage_v[2 * h * _K + ii]
                    v_hi = stage_v[(2 * h + 1) * _K + ii]
                    comb = jnp.where(iota >= sv, v_lo, v_hi)
                    vals = _dyng(comb, (sv + iota) & 15)
                    out_v[pl.ds(32 * ii + 16 * h, _L)] = vals

    def fire_out(b, parity):
        _, _, _, _, out_v, _, sem_o = bufs[parity]
        pltpu.async_copy(
            out_v, out_hbm.at[pl.ds((base_in + b * _K) * 32, _K * 32)], sem_o)

    def wait_gather(parity):
        idx_v, stage_v, _, _, _, sem_g, _ = bufs[parity]
        for j in range(_NIDX // 128):
            pltpu.make_async_copy(
                tab_hbm.at[idx_v.at[pl.ds(j * 128, 128)]],
                stage_v.at[pl.ds(j * 128, 128)], sem_g).wait()

    def wait_out(parity):
        _, _, _, _, out_v, _, sem_o = bufs[parity]
        pltpu.make_async_copy(
            out_v, out_hbm.at[pl.ds(0, _K * 32)], sem_o).wait()

    npair = _NBLK // 2
    hash_block(0, 0)
    fire_gather(0, 0)

    def pair(i, _):
        b0 = 2 * i
        hash_block(b0 + 1, 1)
        fire_gather(b0 + 1, 1)
        wait_gather(0)

        @pl.when(i > 0)
        def _():
            wait_out(0)

        extract_block(0)
        fire_out(b0, 0)

        @pl.when(i < npair - 1)
        def _():
            hash_block(b0 + 2, 0)
            fire_gather(b0 + 2, 0)

        wait_gather(1)

        @pl.when(i > 0)
        def _():
            wait_out(1)

        extract_block(1)
        fire_out(b0 + 1, 1)
        return _

    lax.fori_loop(0, npair, pair, None)
    wait_out(0)
    wait_out(1)


def kernel(input_tensor, table, hash_coeffs):
    x = input_tensor.reshape(_N)
    tab = table.reshape(_ROWS, _CHUNK)
    co = jnp.broadcast_to(hash_coeffs.reshape(_NUM_HASHES, 1),
                          (_NUM_HASHES, _L)).astype(jnp.uint32)
    mesh = plsc.VectorSubcoreMesh(core_axis_name="c", subcore_axis_name="s")
    dbuf = lambda shape, dtype: [pltpu.VMEM(shape, dtype)] * 2
    run = pl.kernel(
        _body,
        out_type=jax.ShapeDtypeStruct((_N * 32,), jnp.float32),
        mesh=mesh,
        compiler_params=pltpu.CompilerParams(use_tc_tiling_on_sc=False),
        scratch_types=[
            pltpu.VMEM((_W,), jnp.int32),
            pltpu.VMEM((_NUM_HASHES, _L), jnp.uint32),
            *dbuf((_NIDX,), jnp.int32),
            *dbuf((_NIDX, _CHUNK), jnp.float32),
            *dbuf((_K,), jnp.int32),
            *dbuf((_K,), jnp.int32),
            *dbuf((_K * 32,), jnp.float32),
            pltpu.SemaphoreType.DMA,
            pltpu.SemaphoreType.DMA,
            pltpu.SemaphoreType.DMA,
            pltpu.SemaphoreType.DMA,
        ],
    )
    out = run(x, tab, co)
    return out.reshape(_B, _F, _NUM_HASHES * _CHUNK)

# --- scband reference (transcript-rebuilt; emitter-appended) ---
"""Pipeline reference for scband-robe-embedding-43602507989340 (READ-ONLY COPY).

The authoritative reference and input builder live on the scoring server;
editing this copy changes nothing except your own understanding.
"""

import jax, jax.numpy as jnp
import numpy as np

SIZE = 1000000
CHUNK_SIZE = 16
NUM_HASHES = 2
OUTPUT_RANGE = SIZE - CHUNK_SIZE  # keep hash_value + chunk offsets in-bounds of the table
DIM = CHUNK_SIZE * NUM_HASHES


def setup_inputs(seed: int = 0) -> dict:
    key = jax.random.key(seed)
    k1, k2, k3 = jax.random.split(key, 3)
    input_tensor = jax.random.randint(k1, (16384, 26), 0, 1000000, dtype=jnp.int32)
    bound = DIM ** (-0.5)
    table = jax.random.uniform(k2, (SIZE,), minval=-bound, maxval=bound, dtype=jnp.float32)
    # MultiHash coefficients: random odd 32-bit multipliers (one per hash function)
    hash_coeffs = (jax.random.randint(k3, (NUM_HASHES,), 1, 2**31 - 1, dtype=jnp.int32).astype(jnp.uint32) | jnp.uint32(1))
    return {"input_tensor": input_tensor, "table": table, "hash_coeffs": hash_coeffs}


def multi_hash(x, coeffs):
    # Universal multiplicative hashing in uint32 arithmetic (wraps mod 2^32), then mod output range.
    xu = x.astype(jnp.uint32)
    hv = (xu[..., None] * coeffs) % jnp.uint32(OUTPUT_RANGE)
    return hv.astype(jnp.int32)  # [..., NUM_HASHES]


def reference(input_tensor, table, hash_coeffs):
    batch_size = input_tensor.shape  # (B, F)
    hash_values = multi_hash(input_tensor, hash_coeffs)  # [B, F, NUM_HASHES]
    offsets = jnp.arange(CHUNK_SIZE, dtype=jnp.int32) % table.shape[0]
    idx = hash_values[..., None] + offsets  # [B, F, NUM_HASHES, CHUNK_SIZE]
    slices = jnp.take(table, idx, axis=0)
    return slices.reshape(*batch_size, -1)  # [B, F, NUM_HASHES * CHUNK_SIZE]

if __name__ == "__main__":
    import jax
    _d = setup_inputs()
    print(jax.jit(kernel)(*tuple(_d.values())))

</pallas_src>

<mosaic_0001>
#map = affine_map<(d0, d1) -> (0)>
#map1 = affine_map<(d0, d1) -> (0, 0)>
module attributes {stable_mosaic.version = 14 : i64} {
  func.func @_body(%arg0: i32, %arg1: i32, %arg2: memref<425984xi32, #tpu.memory_space<hbm>>, %arg3: memref<62500x16xf32, #tpu.memory_space<hbm>>, %arg4: memref<2x16xi32, #tpu.memory_space<hbm>>, %arg5: memref<13631488xf32, #tpu.memory_space<hbm>>, %arg6: memref<13312xi32, #tpu.memory_space<vmem>>, %arg7: memref<2x16xi32, #tpu.memory_space<vmem>>, %arg8: memref<2048xi32, #tpu.memory_space<vmem>>, %arg9: memref<2048xi32, #tpu.memory_space<vmem>>, %arg10: memref<2048x16xf32, #tpu.memory_space<vmem>>, %arg11: memref<2048x16xf32, #tpu.memory_space<vmem>>, %arg12: memref<512xi32, #tpu.memory_space<vmem>>, %arg13: memref<512xi32, #tpu.memory_space<vmem>>, %arg14: memref<512xi32, #tpu.memory_space<vmem>>, %arg15: memref<512xi32, #tpu.memory_space<vmem>>, %arg16: memref<16384xf32, #tpu.memory_space<vmem>>, %arg17: memref<16384xf32, #tpu.memory_space<vmem>>, %arg18: memref<!tpu.dma_semaphore, #tpu.memory_space<semaphore_mem>>, %arg19: memref<!tpu.dma_semaphore, #tpu.memory_space<semaphore_mem>>, %arg20: memref<!tpu.dma_semaphore, #tpu.memory_space<semaphore_mem>>, %arg21: memref<!tpu.dma_semaphore, #tpu.memory_space<semaphore_mem>>) attributes {dimension_semantics = [#tpu.dimension_semantics<core_parallel>, #tpu.dimension_semantics<subcore_parallel>], iteration_bounds = array<i64: 2, 16>, scalar_prefetch = 0 : i64, scratch_operands = 16 : i64, tpu.core_type = #tpu.core_type<sc_vector_subcore>, window_params = [{transform_indices = #map}, {transform_indices = #map1}, {transform_indices = #map1}, {transform_indices = #map}]} {
    %mul3A = arith.constant 2 : i32
    %mul3A_0 = arith.muli %arg1, %mul3A : i32
    %add3A = arith.addi %mul3A_0, %arg0 : i32
    %mul3A_1 = arith.constant 13312 : i32
    %mul3A_2 = arith.muli %add3A, %mul3A_1 : i32
    "tpu.region"() ({
      %run_scoped3A = tpu.sem_alloc : memref<!tpu.dma_semaphore, #tpu.memory_space<semaphore_mem>>
      tpu.enqueue_dma source(%arg4 : memref<2x16xi32, #tpu.memory_space<hbm>>) target(%arg7 : memref<2x16xi32, #tpu.memory_space<vmem>>) target_semaphore(%run_scoped3A : memref<!tpu.dma_semaphore, #tpu.memory_space<semaphore_mem>>)
      tpu.wait_dma2 semaphore(%run_scoped3A : memref<!tpu.dma_semaphore, #tpu.memory_space<semaphore_mem>>) src(%arg4 : memref<2x16xi32, #tpu.memory_space<hbm>>) dst(%arg7 : memref<2x16xi32, #tpu.memory_space<vmem>>)
      tpu.yield
    }) : () -> ()
    "tpu.region"() ({
      %run_scoped3A = tpu.sem_alloc : memref<!tpu.dma_semaphore, #tpu.memory_space<semaphore_mem>>
      %dma_start3A_157 = tpu.memref_slice %arg2[%mul3A_2] : memref<425984xi32, #tpu.memory_space<hbm>> -> memref<13312xi32, #tpu.memory_space<hbm>>
      %dma_start3A_158 = tpu.memref_slice %arg2[%mul3A_2] : memref<425984xi32, #tpu.memory_space<hbm>> -> memref<13312xi32, #tpu.memory_space<hbm>>
      tpu.enqueue_dma source(%dma_start3A_158 : memref<13312xi32, #tpu.memory_space<hbm>>) target(%arg6 : memref<13312xi32, #tpu.memory_space<vmem>>) target_semaphore(%run_scoped3A : memref<!tpu.dma_semaphore, #tpu.memory_space<semaphore_mem>>)
      %dma_wait3A_159 = tpu.memref_slice %arg2[%mul3A_2] : memref<425984xi32, #tpu.memory_space<hbm>> -> memref<13312xi32, #tpu.memory_space<hbm>>
      %dma_wait3A_160 = tpu.memref_slice %arg2[%mul3A_2] : memref<425984xi32, #tpu.memory_space<hbm>> -> memref<13312xi32, #tpu.memory_space<hbm>>
      tpu.wait_dma2 semaphore(%run_scoped3A : memref<!tpu.dma_semaphore, #tpu.memory_space<semaphore_mem>>) src(%dma_wait3A_160 : memref<13312xi32, #tpu.memory_space<hbm>>) dst(%arg6 : memref<13312xi32, #tpu.memory_space<vmem>>)
      tpu.yield
    }) : () -> ()
    %get3A = arith.constant 0 : i32
    %get3A_3 = arith.index_cast %get3A : i32 to index
    %get3A_4 = arith.constant 0 : index
    %get3A_5 = tpu.vector_load %arg7[%get3A_3, %get3A_4] {strides = array<i32>} : memref<2x16xi32, #tpu.memory_space<vmem>>, vector<1x16xi32>,
    %get3A_6 = vector.shape_cast %get3A_5 : vector<1x16xi32> to vector<16xi32>
    %get3A_7 = arith.constant 1 : i32
    %get3A_8 = arith.index_cast %get3A_7 : i32 to index
    %get3A_9 = arith.constant 0 : index
    %get3A_10 = tpu.vector_load %arg7[%get3A_8, %get3A_9] {strides = array<i32>} : memref<2x16xi32, #tpu.memory_space<vmem>>, vector<1x16xi32>,
    %get3A_11 = vector.shape_cast %get3A_10 : vector<1x16xi32> to vector<16xi32>
    %iota3A = tpu.iota {dimensions = array<i32: 0>} : vector<16xi32>
    %scan3A = arith.constant 999984 : i32
    %scan3A_12 = arith.constant 0 : i32
    %scan3A_13 = arith.constant 32 : i32
    %scan3A_14 = arith.addi %scan3A_12, %scan3A_13 : i32
    %scan3A_15 = arith.constant 1 : i32
    scf.for %scan3A_157 = %scan3A_12 to %scan3A_14 step %scan3A_15  : i32 {
      %mul3A_158 = arith.constant 16 : i32
      %mul3A_159 = arith.muli %scan3A_157, %mul3A_158 : i32
      %mul3A_160 = arith.constant 16 : i32
      %mul3A_161 = arith.muli %scan3A_157, %mul3A_160 : i32
      %add3A_162 = arith.constant 0 : i32
      %add3A_163 = arith.addi %add3A_162, %mul3A_161 : i32
      %get3A_164 = arith.index_cast %add3A_163 : i32 to index
      %get3A_165 = tpu.vector_load %arg6[%get3A_164] {strides = array<i32>} : memref<13312xi32, #tpu.memory_space<vmem>>, vector<16xi32>,
      %get3A_166 = vector.shape_cast %get3A_165 : vector<16xi32> to vector<16xi32>
      %mul3A_167 = arith.muli %get3A_166, %get3A_6 : vector<16xi32>
      %eq3A = arith.constant 0 : i32
      %eq3A_168 = arith.cmpi eq, %scan3A, %eq3A : i32
      %jit3A = arith.constant 1 : i32
      %select_n3A = arith.select %eq3A_168, %jit3A, %scan3A : i32
      %rem3A = vector.broadcast %select_n3A : i32 to vector<16xi32>
      %rem3A_169 = arith.remui %mul3A_167, %rem3A : vector<16xi32>
      %ne3A = arith.constant 0 : i32
      %ne3A_170 = vector.broadcast %ne3A : i32 to vector<16xi32>
      %ne3A_171 = arith.cmpi ne, %rem3A_169, %ne3A_170 : vector<16xi32>
      %lt3A = arith.constant 0 : i32
      %lt3A_172 = vector.broadcast %lt3A : i32 to vector<16xi32>
      %lt3A_173 = arith.cmpi ult, %rem3A_169, %lt3A_172 : vector<16xi32>
      %lt3A_174 = arith.constant 0 : i32
      %lt3A_175 = arith.cmpi ult, %select_n3A, %lt3A_174 : i32
      %ne3A_176 = vector.broadcast %lt3A_175 : i1 to vector<16xi1>
      %ne3A_177 = vector.broadcast %ne3A_176 : vector<16xi1> to vector<16xi1>
      %ne3A_178 = arith.xori %lt3A_173, %ne3A_177 : vector<16xi1>
      %and3A = arith.andi %ne3A_178, %ne3A_171 : vector<16xi1>
      %add3A_179 = vector.broadcast %select_n3A : i32 to vector<16xi32>
      %add3A_180 = arith.addi %rem3A_169, %add3A_179 : vector<16xi32>
      %select_n3A_181 = arith.select %and3A, %add3A_180, %rem3A_169 : vector<16xi1>, vector<16xi32>
      %mul3A_182 = arith.muli %get3A_166, %get3A_11 : vector<16xi32>
      %eq3A_183 = arith.constant 0 : i32
      %eq3A_184 = arith.cmpi eq, %scan3A, %eq3A_183 : i32
      %jit3A_185 = arith.constant 1 : i32
      %select_n3A_186 = arith.select %eq3A_184, %jit3A_185, %scan3A : i32
      %rem3A_187 = vector.broadcast %select_n3A_186 : i32 to vector<16xi32>
      %rem3A_188 = arith.remui %mul3A_182, %rem3A_187 : vector<16xi32>
      %ne3A_189 = arith.constant 0 : i32
      %ne3A_190 = vector.broadcast %ne3A_189 : i32 to vector<16xi32>
      %ne3A_191 = arith.cmpi ne, %rem3A_188, %ne3A_190 : vector<16xi32>
      %lt3A_192 = arith.constant 0 : i32
      %lt3A_193 = vector.broadcast %lt3A_192 : i32 to vector<16xi32>
      %lt3A_194 = arith.cmpi ult, %rem3A_188, %lt3A_193 : vector<16xi32>
      %lt3A_195 = arith.constant 0 : i32
      %lt3A_196 = arith.cmpi ult, %select_n3A_186, %lt3A_195 : i32
      %ne3A_197 = vector.broadcast %lt3A_196 : i1 to vector<16xi1>
      %ne3A_198 = vector.broadcast %ne3A_197 : vector<16xi1> to vector<16xi1>
      %ne3A_199 = arith.xori %lt3A_194, %ne3A_198 : vector<16xi1>
      %and3A_200 = arith.andi %ne3A_199, %ne3A_191 : vector<16xi1>
      %add3A_201 = vector.broadcast %select_n3A_186 : i32 to vector<16xi32>
      %add3A_202 = arith.addi %rem3A_188, %add3A_201 : vector<16xi32>
      %select_n3A_203 = arith.select %and3A_200, %add3A_202, %rem3A_188 : vector<16xi1>, vector<16xi32>
      %shift_right_arithmetic3A = arith.constant 4 : i32
      %shift_right_arithmetic3A_204 = vector.broadcast %shift_right_arithmetic3A : i32 to vector<16xi32>
      %shift_right_arithmetic3A_205 = arith.shrsi %select_n3A_181, %shift_right_arithmetic3A_204 : vector<16xi32>
      %shift_right_arithmetic3A_206 = arith.constant 4 : i32
      %shift_right_arithmetic3A_207 = vector.broadcast %shift_right_arithmetic3A_206 : i32 to vector<16xi32>
      %shift_right_arithmetic3A_208 = arith.shrsi %select_n3A_203, %shift_right_arithmetic3A_207 : vector<16xi32>
      %swap3A = arith.index_cast %mul3A_159 : i32 to index
      %swap3A_209 = tpu.vector_load %arg8[%swap3A] {strides = array<i32>} : memref<2048xi32, #tpu.memory_space<vmem>>, vector<16xi32>,
      %swap3A_210 = vector.shape_cast %swap3A_209 : vector<16xi32> to vector<16xi32>
      %swap3A_211 = vector.shape_cast %shift_right_arithmetic3A_205 : vector<16xi32> to vector<16xi32>
      tpu.vector_store %arg8[%swap3A], %swap3A_211 {strides = array<i32>} : memref<2048xi32, #tpu.memory_space<vmem>>, vector<16xi32>,
      %add3A_212 = arith.constant 1 : i32
      %add3A_213 = vector.broadcast %add3A_212 : i32 to vector<16xi32>
      %add3A_214 = arith.addi %shift_right_arithmetic3A_205, %add3A_213 : vector<16xi32>
      %mul3A_215 = arith.constant 16 : i32
      %mul3A_216 = arith.muli %scan3A_157, %mul3A_215 : i32
      %add3A_217 = arith.constant 512 : i32
      %add3A_218 = arith.addi %add3A_217, %mul3A_216 : i32
      %swap3A_219 = arith.index_cast %add3A_218 : i32 to index
      %swap3A_220 = tpu.vector_load %arg8[%swap3A_219] {strides = array<i32>} : memref<2048xi32, #tpu.memory_space<vmem>>, vector<16xi32>,
      %swap3A_221 = vector.shape_cast %swap3A_220 : vector<16xi32> to vector<16xi32>
      %swap3A_222 = vector.shape_cast %add3A_214 : vector<16xi32> to vector<16xi32>
      tpu.vector_store %arg8[%swap3A_219], %swap3A_222 {strides = array<i32>} : memref<2048xi32, #tpu.memory_space<vmem>>, vector<16xi32>,
      %mul3A_223 = arith.constant 16 : i32
      %mul3A_224 = arith.muli %scan3A_157, %mul3A_223 : i32
      %add3A_225 = arith.constant 1024 : i32
      %add3A_226 = arith.addi %add3A_225, %mul3A_224 : i32
      %swap3A_227 = arith.index_cast %add3A_226 : i32 to index
      %swap3A_228 = tpu.vector_load %arg8[%swap3A_227] {strides = array<i32>} : memref<2048xi32, #tpu.memory_space<vmem>>, vector<16xi32>,
      %swap3A_229 = vector.shape_cast %swap3A_228 : vector<16xi32> to vector<16xi32>
      %swap3A_230 = vector.shape_cast %shift_right_arithmetic3A_208 : vector<16xi32> to vector<16xi32>
      tpu.vector_store %arg8[%swap3A_227], %swap3A_230 {strides = array<i32>} : memref<2048xi32, #tpu.memory_space<vmem>>, vector<16xi32>,
      %add3A_231 = arith.constant 1 : i32
      %add3A_232 = vector.broadcast %add3A_231 : i32 to vector<16xi32>
      %add3A_233 = arith.addi %shift_right_arithmetic3A_208, %add3A_232 : vector<16xi32>
      %mul3A_234 = arith.constant 16 : i32
      %mul3A_235 = arith.muli %scan3A_157, %mul3A_234 : i32
      %add3A_236 = arith.constant 1536 : i32
      %add3A_237 = arith.addi %add3A_236, %mul3A_235 : i32
      %swap3A_238 = arith.index_cast %add3A_237 : i32 to index
      %swap3A_239 = tpu.vector_load %arg8[%swap3A_238] {strides = array<i32>} : memref<2048xi32, #tpu.memory_space<vmem>>, vector<16xi32>,
      %swap3A_240 = vector.shape_cast %swap3A_239 : vector<16xi32> to vector<16xi32>
      %swap3A_241 = vector.shape_cast %add3A_233 : vector<16xi32> to vector<16xi32>
      tpu.vector_store %arg8[%swap3A_238], %swap3A_241 {strides = array<i32>} : memref<2048xi32, #tpu.memory_space<vmem>>, vector<16xi32>,
      %and3A_242 = arith.constant 15 : i32
      %and3A_243 = vector.broadcast %and3A_242 : i32 to vector<16xi32>
      %and3A_244 = arith.andi %select_n3A_181, %and3A_243 : vector<16xi32>
      %swap3A_245 = arith.index_cast %mul3A_159 : i32 to index
      %swap3A_246 = tpu.vector_load %arg12[%swap3A_245] {strides = array<i32>} : memref<512xi32, #tpu.memory_space<vmem>>, vector<16xi32>,
      %swap3A_247 = vector.shape_cast %swap3A_246 : vector<16xi32> to vector<16xi32>
      %swap3A_248 = vector.shape_cast %and3A_244 : vector<16xi32> to vector<16xi32>
      tpu.vector_store %arg12[%swap3A_245], %swap3A_248 {strides = array<i32>} : memref<512xi32, #tpu.memory_space<vmem>>, vector<16xi32>,
      %and3A_249 = arith.constant 15 : i32
      %and3A_250 = vector.broadcast %and3A_249 : i32 to vector<16xi32>
      %and3A_251 = arith.andi %select_n3A_203, %and3A_250 : vector<16xi32>
      %swap3A_252 = arith.index_cast %mul3A_159 : i32 to index
      %swap3A_253 = tpu.vector_load %arg14[%swap3A_252] {strides = array<i32>} : memref<512xi32, #tpu.memory_space<vmem>>, vector<16xi32>,
      %swap3A_254 = vector.shape_cast %swap3A_253 : vector<16xi32> to vector<16xi32>
      %swap3A_255 = vector.shape_cast %and3A_251 : vector<16xi32> to vector<16xi32>
      tpu.vector_store %arg14[%swap3A_252], %swap3A_255 {strides = array<i32>} : memref<512xi32, #tpu.memory_space<vmem>>, vector<16xi32>,
    }
    %scan3A_16 = arith.constant 32 : i32
    %dma_start3A = arith.constant 0 : i32
    %dma_start3A_17 = arith.constant 0 : i32
    %dma_start3A_18 = tpu.memref_slice %arg10[%dma_start3A, %dma_start3A_17] : memref<2048x16xf32, #tpu.memory_space<vmem>> -> memref<128x16xf32, #tpu.memory_space<vmem>>
    %dma_start3A_19 = arith.constant 0 : i32
    %dma_start3A_20 = tpu.memref_slice %arg8[%dma_start3A_19] : memref<2048xi32, #tpu.memory_space<vmem>> -> memref<128xi32, #tpu.memory_space<vmem>>
    %dma_start3A_21 = arith.constant 0 : i32
    %dma_start3A_22 = arith.constant 0 : i32
    %dma_start3A_23 = tpu.memref_slice %arg3[%dma_start3A_21, %dma_start3A_22] : memref<62500x16xf32, #tpu.memory_space<hbm>> -> memref<62500x16xf32, #tpu.memory_space<hbm>>
    tpu.enqueue_indirect_dma source(%dma_start3A_23 : memref<62500x16xf32, #tpu.memory_space<hbm>>) target(%dma_start3A_18 : memref<128x16xf32, #tpu.memory_space<vmem>>) offsets(%dma_start3A_20 : memref<128xi32, #tpu.memory_space<vmem>>) semaphore(%arg18 : memref<!tpu.dma_semaphore, #tpu.memory_space<semaphore_mem>>)
    %dma_start3A_24 = arith.constant 128 : i32
    %dma_start3A_25 = arith.constant 0 : i32
    %dma_start3A_26 = tpu.memref_slice %arg10[%dma_start3A_24, %dma_start3A_25] : memref<2048x16xf32, #tpu.memory_space<vmem>> -> memref<128x16xf32, #tpu.memory_space<vmem>>
    %dma_start3A_27 = arith.constant 128 : i32
    %dma_start3A_28 = tpu.memref_slice %arg8[%dma_start3A_27] : memref<2048xi32, #tpu.memory_space<vmem>> -> memref<128xi32, #tpu.memory_space<vmem>>
    %dma_start3A_29 = arith.constant 0 : i32
    %dma_start3A_30 = arith.constant 0 : i32
    %dma_start3A_31 = tpu.memref_slice %arg3[%dma_start3A_29, %dma_start3A_30] : memref<62500x16xf32, #tpu.memory_space<hbm>> -> memref<62500x16xf32, #tpu.memory_space<hbm>>
    tpu.enqueue_indirect_dma source(%dma_start3A_31 : memref<62500x16xf32, #tpu.memory_space<hbm>>) target(%dma_start3A_26 : memref<128x16xf32, #tpu.memory_space<vmem>>) offsets(%dma_start3A_28 : memref<128xi32, #tpu.memory_space<vmem>>) semaphore(%arg18 : memref<!tpu.dma_semaphore, #tpu.memory_space<semaphore_mem>>)
    %dma_start3A_32 = arith.constant 256 : i32
    %dma_start3A_33 = arith.constant 0 : i32
    %dma_start3A_34 = tpu.memref_slice %arg10[%dma_start3A_32, %dma_start3A_33] : memref<2048x16xf32, #tpu.memory_space<vmem>> -> memref<128x16xf32, #tpu.memory_space<vmem>>
    %dma_start3A_35 = arith.constant 256 : i32
    %dma_start3A_36 = tpu.memref_slice %arg8[%dma_start3A_35] : memref<2048xi32, #tpu.memory_space<vmem>> -> memref<128xi32, #tpu.memory_space<vmem>>
    %dma_start3A_37 = arith.constant 0 : i32
    %dma_start3A_38 = arith.constant 0 : i32
    %dma_start3A_39 = tpu.memref_slice %arg3[%dma_start3A_37, %dma_start3A_38] : memref<62500x16xf32, #tpu.memory_space<hbm>> -> memref<62500x16xf32, #tpu.memory_space<hbm>>
    tpu.enqueue_indirect_dma source(%dma_start3A_39 : memref<62500x16xf32, #tpu.memory_space<hbm>>) target(%dma_start3A_34 : memref<128x16xf32, #tpu.memory_space<vmem>>) offsets(%dma_start3A_36 : memref<128xi32, #tpu.memory_space<vmem>>) semaphore(%arg18 : memref<!tpu.dma_semaphore, #tpu.memory_space<semaphore_mem>>)
    %dma_start3A_40 = arith.constant 384 : i32
    %dma_start3A_41 = arith.constant 0 : i32
    %dma_start3A_42 = tpu.memref_slice %arg10[%dma_start3A_40, %dma_start3A_41] : memref<2048x16xf32, #tpu.memory_space<vmem>> -> memref<128x16xf32, #tpu.memory_space<vmem>>
    %dma_start3A_43 = arith.constant 384 : i32
    %dma_start3A_44 = tpu.memref_slice %arg8[%dma_start3A_43] : memref<2048xi32, #tpu.memory_space<vmem>> -> memref<128xi32, #tpu.memory_space<vmem>>
    %dma_start3A_45 = arith.constant 0 : i32
    %dma_start3A_46 = arith.constant 0 : i32
    %dma_start3A_47 = tpu.memref_slice %arg3[%dma_start3A_45, %dma_start3A_46] : memref<62500x16xf32, #tpu.memory_space<hbm>> -> memref<62500x16xf32, #tpu.memory_space<hbm>>
    tpu.enqueue_indirect_dma source(%dma_start3A_47 : memref<62500x16xf32, #tpu.memory_space<hbm>>) target(%dma_start3A_42 : memref<128x16xf32, #tpu.memory_space<vmem>>) offsets(%dma_start3A_44 : memref<128xi32, #tpu.memory_space<vmem>>) semaphore(%arg18 : memref<!tpu.dma_semaphore, #tpu.memory_space<semaphore_mem>>)
    %dma_start3A_48 = arith.constant 512 : i32
    %dma_start3A_49 = arith.constant 0 : i32
    %dma_start3A_50 = tpu.memref_slice %arg10[%dma_start3A_48, %dma_start3A_49] : memref<2048x16xf32, #tpu.memory_space<vmem>> -> memref<128x16xf32, #tpu.memory_space<vmem>>
    %dma_start3A_51 = arith.constant 512 : i32
    %dma_start3A_52 = tpu.memref_slice %arg8[%dma_start3A_51] : memref<2048xi32, #tpu.memory_space<vmem>> -> memref<128xi32, #tpu.memory_space<vmem>>
    %dma_start3A_53 = arith.constant 0 : i32
    %dma_start3A_54 = arith.constant 0 : i32
    %dma_start3A_55 = tpu.memref_slice %arg3[%dma_start3A_53, %dma_start3A_54] : memref<62500x16xf32, #tpu.memory_space<hbm>> -> memref<62500x16xf32, #tpu.memory_space<hbm>>
    tpu.enqueue_indirect_dma source(%dma_start3A_55 : memref<62500x16xf32, #tpu.memory_space<hbm>>) target(%dma_start3A_50 : memref<128x16xf32, #tpu.memory_space<vmem>>) offsets(%dma_start3A_52 : memref<128xi32, #tpu.memory_space<vmem>>) semaphore(%arg18 : memref<!tpu.dma_semaphore, #tpu.memory_space<semaphore_mem>>)
    %dma_start3A_56 = arith.constant 640 : i32
    %dma_start3A_57 = arith.constant 0 : i32
    %dma_start3A_58 = tpu.memref_slice %arg10[%dma_start3A_56, %dma_start3A_57] : memref<2048x16xf32, #tpu.memory_space<vmem>> -> memref<128x16xf32, #tpu.memory_space<vmem>>
    %dma_start3A_59 = arith.constant 640 : i32
    %dma_start3A_60 = tpu.memref_slice %arg8[%dma_start3A_59] : memref<2048xi32, #tpu.memory_space<vmem>> -> memref<128xi32, #tpu.memory_space<vmem>>
    %dma_start3A_61 = arith.constant 0 : i32
    %dma_start3A_62 = arith.constant 0 : i32
    %dma_start3A_63 = tpu.memref_slice %arg3[%dma_start3A_61, %dma_start3A_62] : memref<62500x16xf32, #tpu.memory_space<hbm>> -> memref<62500x16xf32, #tpu.memory_space<hbm>>
    tpu.enqueue_indirect_dma source(%dma_start3A_63 : memref<62500x16xf32, #tpu.memory_space<hbm>>) target(%dma_start3A_58 : memref<128x16xf32, #tpu.memory_space<vmem>>) offsets(%dma_start3A_60 : memref<128xi32, #tpu.memory_space<vmem>>) semaphore(%arg18 : memref<!tpu.dma_semaphore, #tpu.memory_space<semaphore_mem>>)
    %dma_start3A_64 = arith.constant 768 : i32
    %dma_start3A_65 = arith.constant 0 : i32
    %dma_start3A_66 = tpu.memref_slice %arg10[%dma_start3A_64, %dma_start3A_65] : memref<2048x16xf32, #tpu.memory_space<vmem>> -> memref<128x16xf32, #tpu.memory_space<vmem>>
    %dma_start3A_67 = arith.constant 768 : i32
    %dma_start3A_68 = tpu.memref_slice %arg8[%dma_start3A_67] : memref<2048xi32, #tpu.memory_space<vmem>> -> memref<128xi32, #tpu.memory_space<vmem>>
    %dma_start3A_69 = arith.constant 0 : i32
    %dma_start3A_70 = arith.constant 0 : i32
    %dma_start3A_71 = tpu.memref_slice %arg3[%dma_start3A_69, %dma_start3A_70] : memref<62500x16xf32, #tpu.memory_space<hbm>> -> memref<62500x16xf32, #tpu.memory_space<hbm>>
    tpu.enqueue_indirect_dma source(%dma_start3A_71 : memref<62500x16xf32, #tpu.memory_space<hbm>>) target(%dma_start3A_66 : memref<128x16xf32, #tpu.memory_space<vmem>>) offsets(%dma_start3A_68 : memref<128xi32, #tpu.memory_space<vmem>>) semaphore(%arg18 : memref<!tpu.dma_semaphore, #tpu.memory_space<semaphore_mem>>)
    %dma_start3A_72 = arith.constant 896 : i32
    %dma_start3A_73 = arith.constant 0 : i32
    %dma_start3A_74 = tpu.memref_slice %arg10[%dma_start3A_72, %dma_start3A_73] : memref<2048x16xf32, #tpu.memory_space<vmem>> -> memref<128x16xf32, #tpu.memory_space<vmem>>
    %dma_start3A_75 = arith.constant 896 : i32
    %dma_start3A_76 = tpu.memref_slice %arg8[%dma_start3A_75] : memref<2048xi32, #tpu.memory_space<vmem>> -> memref<128xi32, #tpu.memory_space<vmem>>
    %dma_start3A_77 = arith.constant 0 : i32
    %dma_start3A_78 = arith.constant 0 : i32
    %dma_start3A_79 = tpu.memref_slice %arg3[%dma_start3A_77, %dma_start3A_78] : memref<62500x16xf32, #tpu.memory_space<hbm>> -> memref<62500x16xf32, #tpu.memory_space<hbm>>
    tpu.enqueue_indirect_dma source(%dma_start3A_79 : memref<62500x16xf32, #tpu.memory_space<hbm>>) target(%dma_start3A_74 : memref<128x16xf32, #tpu.memory_space<vmem>>) offsets(%dma_start3A_76 : memref<128xi32, #tpu.memory_space<vmem>>) semaphore(%arg18 : memref<!tpu.dma_semaphore, #tpu.memory_space<semaphore_mem>>)
    %dma_start3A_80 = arith.constant 1024 : i32
    %dma_start3A_81 = arith.constant 0 : i32
    %dma_start3A_82 = tpu.memref_slice %arg10[%dma_start3A_80, %dma_start3A_81] : memref<2048x16xf32, #tpu.memory_space<vmem>> -> memref<128x16xf32, #tpu.memory_space<vmem>>
    %dma_start3A_83 = arith.constant 1024 : i32
    %dma_start3A_84 = tpu.memref_slice %arg8[%dma_start3A_83] : memref<2048xi32, #tpu.memory_space<vmem>> -> memref<128xi32, #tpu.memory_space<vmem>>
    %dma_start3A_85 = arith.constant 0 : i32
    %dma_start3A_86 = arith.constant 0 : i32
    %dma_start3A_87 = tpu.memref_slice %arg3[%dma_start3A_85, %dma_start3A_86] : memref<62500x16xf32, #tpu.memory_space<hbm>> -> memref<62500x16xf32, #tpu.memory_space<hbm>>
    tpu.enqueue_indirect_dma source(%dma_start3A_87 : memref<62500x16xf32, #tpu.memory_space<hbm>>) target(%dma_start3A_82 : memref<128x16xf32, #tpu.memory_space<vmem>>) offsets(%dma_start3A_84 : memref<128xi32, #tpu.memory_space<vmem>>) semaphore(%arg18 : memref<!tpu.dma_semaphore, #tpu.memory_space<semaphore_mem>>)
    %dma_start3A_88 = arith.constant 1152 : i32
    %dma_start3A_89 = arith.constant 0 : i32
    %dma_start3A_90 = tpu.memref_slice %arg10[%dma_start3A_88, %dma_start3A_89] : memref<2048x16xf32, #tpu.memory_space<vmem>> -> memref<128x16xf32, #tpu.memory_space<vmem>>
    %dma_start3A_91 = arith.constant 1152 : i32
    %dma_start3A_92 = tpu.memref_slice %arg8[%dma_start3A_91] : memref<2048xi32, #tpu.memory_space<vmem>> -> memref<128xi32, #tpu.memory_space<vmem>>
    %dma_start3A_93 = arith.constant 0 : i32
    %dma_start3A_94 = arith.constant 0 : i32
    %dma_start3A_95 = tpu.memref_slice %arg3[%dma_start3A_93, %dma_start3A_94] : memref<62500x16xf32, #tpu.memory_space<hbm>> -> memref<62500x16xf32, #tpu.memory_space<hbm>>
    tpu.enqueue_indirect_dma source(%dma_start3A_95 : memref<62500x16xf32, #tpu.memory_space<hbm>>) target(%dma_start3A_90 : memref<128x16xf32, #tpu.memory_space<vmem>>) offsets(%dma_start3A_92 : memref<128xi32, #tpu.memory_space<vmem>>) semaphore(%arg18 : memref<!tpu.dma_semaphore, #tpu.memory_space<semaphore_mem>>)
    %dma_start3A_96 = arith.constant 1280 : i32
    %dma_start3A_97 = arith.constant 0 : i32
    %dma_start3A_98 = tpu.memref_slice %arg10[%dma_start3A_96, %dma_start3A_97] : memref<2048x16xf32, #tpu.memory_space<vmem>> -> memref<128x16xf32, #tpu.memory_space<vmem>>
    %dma_start3A_99 = arith.constant 1280 : i32
    %dma_start3A_100 = tpu.memref_slice %arg8[%dma_start3A_99] : memref<2048xi32, #tpu.memory_space<vmem>> -> memref<128xi32, #tpu.memory_space<vmem>>
    %dma_start3A_101 = arith.constant 0 : i32
    %dma_start3A_102 = arith.constant 0 : i32
    %dma_start3A_103 = tpu.memref_slice %arg3[%dma_start3A_101, %dma_start3A_102] : memref<62500x16xf32, #tpu.memory_space<hbm>> -> memref<62500x16xf32, #tpu.memory_space<hbm>>
    tpu.enqueue_indirect_dma source(%dma_start3A_103 : memref<62500x16xf32, #tpu.memory_space<hbm>>) target(%dma_start3A_98 : memref<128x16xf32, #tpu.memory_space<vmem>>) offsets(%dma_start3A_100 : memref<128xi32, #tpu.memory_space<vmem>>) semaphore(%arg18 : memref<!tpu.dma_semaphore, #tpu.memory_space<semaphore_mem>>)
    %dma_start3A_104 = arith.constant 1408 : i32
    %dma_start3A_105 = arith.constant 0 : i32
    %dma_start3A_106 = tpu.memref_slice %arg10[%dma_start3A_104, %dma_start3A_105] : memref<2048x16xf32, #tpu.memory_space<vmem>> -> memref<128x16xf32, #tpu.memory_space<vmem>>
    %dma_start3A_107 = arith.constant 1408 : i32
    %dma_start3A_108 = tpu.memref_slice %arg8[%dma_start3A_107] : memref<2048xi32, #tpu.memory_space<vmem>> -> memref<128xi32, #tpu.memory_space<vmem>>
    %dma_start3A_109 = arith.constant 0 : i32
    %dma_start3A_110 = arith.constant 0 : i32
    %dma_start3A_111 = tpu.memref_slice %arg3[%dma_start3A_109, %dma_start3A_110] : memref<62500x16xf32, #tpu.memory_space<hbm>> -> memref<62500x16xf32, #tpu.memory_space<hbm>>
    tpu.enqueue_indirect_dma source(%dma_start3A_111 : memref<62500x16xf32, #tpu.memory_space<hbm>>) target(%dma_start3A_106 : memref<128x16xf32, #tpu.memory_space<vmem>>) offsets(%dma_start3A_108 : memref<128xi32, #tpu.memory_space<vmem>>) semaphore(%arg18 : memref<!tpu.dma_semaphore, #tpu.memory_space<semaphore_mem>>)
    %dma_start3A_112 = arith.constant 1536 : i32
    %dma_start3A_113 = arith.constant 0 : i32
    %dma_start3A_114 = tpu.memref_slice %arg10[%dma_start3A_112, %dma_start3A_113] : memref<2048x16xf32, #tpu.memory_space<vmem>> -> memref<128x16xf32, #tpu.memory_space<vmem>>
    %dma_start3A_115 = arith.constant 1536 : i32
    %dma_start3A_116 = tpu.memref_slice %arg8[%dma_start3A_115] : memref<2048xi32, #tpu.memory_space<vmem>> -> memref<128xi32, #tpu.memory_space<vmem>>
    %dma_start3A_117 = arith.constant 0 : i32
    %dma_start3A_118 = arith.constant 0 : i32
    %dma_start3A_119 = tpu.memref_slice %arg3[%dma_start3A_117, %dma_start3A_118] : memref<62500x16xf32, #tpu.memory_space<hbm>> -> memref<62500x16xf32, #tpu.memory_space<hbm>>
    tpu.enqueue_indirect_dma source(%dma_start3A_119 : memref<62500x16xf32, #tpu.memory_space<hbm>>) target(%dma_start3A_114 : memref<128x16xf32, #tpu.memory_space<vmem>>) offsets(%dma_start3A_116 : memref<128xi32, #tpu.memory_space<vmem>>) semaphore(%arg18 : memref<!tpu.dma_semaphore, #tpu.memory_space<semaphore_mem>>)
    %dma_start3A_120 = arith.constant 1664 : i32
    %dma_start3A_121 = arith.constant 0 : i32
    %dma_start3A_122 = tpu.memref_slice %arg10[%dma_start3A_120, %dma_start3A_121] : memref<2048x16xf32, #tpu.memory_space<vmem>> -> memref<128x16xf32, #tpu.memory_space<vmem>>
    %dma_start3A_123 = arith.constant 1664 : i32
    %dma_start3A_124 = tpu.memref_slice %arg8[%dma_start3A_123] : memref<2048xi32, #tpu.memory_space<vmem>> -> memref<128xi32, #tpu.memory_space<vmem>>
    %dma_start3A_125 = arith.constant 0 : i32
    %dma_start3A_126 = arith.constant 0 : i32
    %dma_start3A_127 = tpu.memref_slice %arg3[%dma_start3A_125, %dma_start3A_126] : memref<62500x16xf32, #tpu.memory_space<hbm>> -> memref<62500x16xf32, #tpu.memory_space<hbm>>
    tpu.enqueue_indirect_dma source(%dma_start3A_127 : memref<62500x16xf32, #tpu.memory_space<hbm>>) target(%dma_start3A_122 : memref<128x16xf32, #tpu.memory_space<vmem>>) offsets(%dma_start3A_124 : memref<128xi32, #tpu.memory_space<vmem>>) semaphore(%arg18 : memref<!tpu.dma_semaphore, #tpu.memory_space<semaphore_mem>>)
    %dma_start3A_128 = arith.constant 1792 : i32
    %dma_start3A_129 = arith.constant 0 : i32
    %dma_start3A_130 = tpu.memref_slice %arg10[%dma_start3A_128, %dma_start3A_129] : memref<2048x16xf32, #tpu.memory_space<vmem>> -> memref<128x16xf32, #tpu.memory_space<vmem>>
    %dma_start3A_131 = arith.constant 1792 : i32
    %dma_start3A_132 = tpu.memref_slice %arg8[%dma_start3A_131] : memref<2048xi32, #tpu.memory_space<vmem>> -> memref<128xi32, #tpu.memory_space<vmem>>
    %dma_start3A_133 = arith.constant 0 : i32
    %dma_start3A_134 = arith.constant 0 : i32
    %dma_start3A_135 = tpu.memref_slice %arg3[%dma_start3A_133, %dma_start3A_134] : memref<62500x16xf32, #tpu.memory_space<hbm>> -> memref<62500x16xf32, #tpu.memory_space<hbm>>
    tpu.enqueue_indirect_dma source(%dma_start3A_135 : memref<62500x16xf32, #tpu.memory_space<hbm>>) target(%dma_start3A_130 : memref<128x16xf32, #tpu.memory_space<vmem>>) offsets(%dma_start3A_132 : memref<128xi32, #tpu.memory_space<vmem>>) semaphore(%arg18 : memref<!tpu.dma_semaphore, #tpu.memory_space<semaphore_mem>>)
    %dma_start3A_136 = arith.constant 1920 : i32
    %dma_start3A_137 = arith.constant 0 : i32
    %dma_start3A_138 = tpu.memref_slice %arg10[%dma_start3A_136, %dma_start3A_137] : memref<2048x16xf32, #tpu.memory_space<vmem>> -> memref<128x16xf32, #tpu.memory_space<vmem>>
    %dma_start3A_139 = arith.constant 1920 : i32
    %dma_start3A_140 = tpu.memref_slice %arg8[%dma_start3A_139] : memref<2048xi32, #tpu.memory_space<vmem>> -> memref<128xi32, #tpu.memory_space<vmem>>
    %dma_start3A_141 = arith.constant 0 : i32
    %dma_start3A_142 = arith.constant 0 : i32
    %dma_start3A_143 = tpu.memref_slice %arg3[%dma_start3A_141, %dma_start3A_142] : memref<62500x16xf32, #tpu.memory_space<hbm>> -> memref<62500x16xf32, #tpu.memory_space<hbm>>
    tpu.enqueue_indirect_dma source(%dma_start3A_143 : memref<62500x16xf32, #tpu.memory_space<hbm>>) target(%dma_start3A_138 : memref<128x16xf32, #tpu.memory_space<vmem>>) offsets(%dma_start3A_140 : memref<128xi32, #tpu.memory_space<vmem>>) semaphore(%arg18 : memref<!tpu.dma_semaphore, #tpu.memory_space<semaphore_mem>>)
    %scan3A_144 = arith.constant 999984 : i32
    %scan3A_145 = arith.constant 0 : i32
    %scan3A_146 = arith.constant 13 : i32
    %scan3A_147 = arith.addi %scan3A_145, %scan3A_146 : i32
    %scan3A_148 = arith.constant 1 : i32
    scf.for %scan3A_157 = %scan3A_145 to %scan3A_147 step %scan3A_148  : i32 {
      %mul3A_158 = arith.constant 2 : i32
      %mul3A_159 = arith.muli %mul3A_158, %scan3A_157 : i32
      %add3A_160 = arith.constant 1 : i32
      %add3A_161 = arith.addi %mul3A_159, %add3A_160 : i32
      %scan3A_162 = arith.constant 0 : i32
      %scan3A_163 = arith.constant 32 : i32
      %scan3A_164 = arith.addi %scan3A_162, %scan3A_163 : i32
      %scan3A_165 = arith.constant 1 : i32
      scf.for %scan3A_585 = %scan3A_162 to %scan3A_164 step %scan3A_165  : i32 {
        %mul3A_586 = arith.constant 16 : i32
        %mul3A_587 = arith.muli %scan3A_585, %mul3A_586 : i32
        %mul3A_588 = arith.constant 512 : i32
        %mul3A_589 = arith.muli %add3A_161, %mul3A_588 : i32
        %mul3A_590 = arith.constant 16 : i32
        %mul3A_591 = arith.muli %scan3A_585, %mul3A_590 : i32
        %add3A_592 = arith.addi %mul3A_589, %mul3A_591 : i32
        %get3A_593 = arith.index_cast %add3A_592 : i32 to index
        %get3A_594 = tpu.vector_load %arg6[%get3A_593] {strides = array<i32>} : memref<13312xi32, #tpu.memory_space<vmem>>, vector<16xi32>,
        %get3A_595 = vector.shape_cast %get3A_594 : vector<16xi32> to vector<16xi32>
        %mul3A_596 = arith.muli %get3A_595, %get3A_6 : vector<16xi32>
        %eq3A = arith.constant 0 : i32
        %eq3A_597 = arith.cmpi eq, %scan3A_144, %eq3A : i32
        %jit3A = arith.constant 1 : i32
        %select_n3A = arith.select %eq3A_597, %jit3A, %scan3A_144 : i32
        %rem3A = vector.broadcast %select_n3A : i32 to vector<16xi32>
        %rem3A_598 = arith.remui %mul3A_596, %rem3A : vector<16xi32>
        %ne3A = arith.constant 0 : i32
        %ne3A_599 = vector.broadcast %ne3A : i32 to vector<16xi32>
        %ne3A_600 = arith.cmpi ne, %rem3A_598, %ne3A_599 : vector<16xi32>
        %lt3A_601 = arith.constant 0 : i32
        %lt3A_602 = vector.broadcast %lt3A_601 : i32 to vector<16xi32>
        %lt3A_603 = arith.cmpi ult, %rem3A_598, %lt3A_602 : vector<16xi32>
        %lt3A_604 = arith.constant 0 : i32
        %lt3A_605 = arith.cmpi ult, %select_n3A, %lt3A_604 : i32
        %ne3A_606 = vector.broadcast %lt3A_605 : i1 to vector<16xi1>
        %ne3A_607 = vector.broadcast %ne3A_606 : vector<16xi1> to vector<16xi1>
        %ne3A_608 = arith.xori %lt3A_603, %ne3A_607 : vector<16xi1>
        %and3A = arith.andi %ne3A_608, %ne3A_600 : vector<16xi1>
        %add3A_609 = vector.broadcast %select_n3A : i32 to vector<16xi32>
        %add3A_610 = arith.addi %rem3A_598, %add3A_609 : vector<16xi32>
        %select_n3A_611 = arith.select %and3A, %add3A_610, %rem3A_598 : vector<16xi1>, vector<16xi32>
        %mul3A_612 = arith.muli %get3A_595, %get3A_11 : vector<16xi32>
        %eq3A_613 = arith.constant 0 : i32
        %eq3A_614 = arith.cmpi eq, %scan3A_144, %eq3A_613 : i32
        %jit3A_615 = arith.constant 1 : i32
        %select_n3A_616 = arith.select %eq3A_614, %jit3A_615, %scan3A_144 : i32
        %rem3A_617 = vector.broadcast %select_n3A_616 : i32 to vector<16xi32>
        %rem3A_618 = arith.remui %mul3A_612, %rem3A_617 : vector<16xi32>
        %ne3A_619 = arith.constant 0 : i32
        %ne3A_620 = vector.broadcast %ne3A_619 : i32 to vector<16xi32>
        %ne3A_621 = arith.cmpi ne, %rem3A_618, %ne3A_620 : vector<16xi32>
        %lt3A_622 = arith.constant 0 : i32
        %lt3A_623 = vector.broadcast %lt3A_622 : i32 to vector<16xi32>
        %lt3A_624 = arith.cmpi ult, %rem3A_618, %lt3A_623 : vector<16xi32>
        %lt3A_625 = arith.constant 0 : i32
        %lt3A_626 = arith.cmpi ult, %select_n3A_616, %lt3A_625 : i32
        %ne3A_627 = vector.broadcast %lt3A_626 : i1 to vector<16xi1>
        %ne3A_628 = vector.broadcast %ne3A_627 : vector<16xi1> to vector<16xi1>
        %ne3A_629 = arith.xori %lt3A_624, %ne3A_628 : vector<16xi1>
        %and3A_630 = arith.andi %ne3A_629, %ne3A_621 : vector<16xi1>
        %add3A_631 = vector.broadcast %select_n3A_616 : i32 to vector<16xi32>
        %add3A_632 = arith.addi %rem3A_618, %add3A_631 : vector<16xi32>
        %select_n3A_633 = arith.select %and3A_630, %add3A_632, %rem3A_618 : vector<16xi1>, vector<16xi32>
        %shift_right_arithmetic3A = arith.constant 4 : i32
        %shift_right_arithmetic3A_634 = vector.broadcast %shift_right_arithmetic3A : i32 to vector<16xi32>
        %shift_right_arithmetic3A_635 = arith.shrsi %select_n3A_611, %shift_right_arithmetic3A_634 : vector<16xi32>
        %shift_right_arithmetic3A_636 = arith.constant 4 : i32
        %shift_right_arithmetic3A_637 = vector.broadcast %shift_right_arithmetic3A_636 : i32 to vector<16xi32>
        %shift_right_arithmetic3A_638 = arith.shrsi %select_n3A_633, %shift_right_arithmetic3A_637 : vector<16xi32>
        %swap3A = arith.index_cast %mul3A_587 : i32 to index
        %swap3A_639 = tpu.vector_load %arg9[%swap3A] {strides = array<i32>} : memref<2048xi32, #tpu.memory_space<vmem>>, vector<16xi32>,
        %swap3A_640 = vector.shape_cast %swap3A_639 : vector<16xi32> to vector<16xi32>
        %swap3A_641 = vector.shape_cast %shift_right_arithmetic3A_635 : vector<16xi32> to vector<16xi32>
        tpu.vector_store %arg9[%swap3A], %swap3A_641 {strides = array<i32>} : memref<2048xi32, #tpu.memory_space<vmem>>, vector<16xi32>,
        %add3A_642 = arith.constant 1 : i32
        %add3A_643 = vector.broadcast %add3A_642 : i32 to vector<16xi32>
        %add3A_644 = arith.addi %shift_right_arithmetic3A_635, %add3A_643 : vector<16xi32>
        %mul3A_645 = arith.constant 16 : i32
        %mul3A_646 = arith.muli %scan3A_585, %mul3A_645 : i32
        %add3A_647 = arith.constant 512 : i32
        %add3A_648 = arith.addi %add3A_647, %mul3A_646 : i32
        %swap3A_649 = arith.index_cast %add3A_648 : i32 to index
        %swap3A_650 = tpu.vector_load %arg9[%swap3A_649] {strides = array<i32>} : memref<2048xi32, #tpu.memory_space<vmem>>, vector<16xi32>,
        %swap3A_651 = vector.shape_cast %swap3A_650 : vector<16xi32> to vector<16xi32>
        %swap3A_652 = vector.shape_cast %add3A_644 : vector<16xi32> to vector<16xi32>
        tpu.vector_store %arg9[%swap3A_649], %swap3A_652 {strides = array<i32>} : memref<2048xi32, #tpu.memory_space<vmem>>, vector<16xi32>,
        %mul3A_653 = arith.constant 16 : i32
        %mul3A_654 = arith.muli %scan3A_585, %mul3A_653 : i32
        %add3A_655 = arith.constant 1024 : i32
        %add3A_656 = arith.addi %add3A_655, %mul3A_654 : i32
        %swap3A_657 = arith.index_cast %add3A_656 : i32 to index
        %swap3A_658 = tpu.vector_load %arg9[%swap3A_657] {strides = array<i32>} : memref<2048xi32, #tpu.memory_space<vmem>>, vector<16xi32>,
        %swap3A_659 = vector.shape_cast %swap3A_658 : vector<16xi32> to vector<16xi32>
        %swap3A_660 = vector.shape_cast %shift_right_arithmetic3A_638 : vector<16xi32> to vector<16xi32>
        tpu.vector_store %arg9[%swap3A_657], %swap3A_660 {strides = array<i32>} : memref<2048xi32, #tpu.memory_space<vmem>>, vector<16xi32>,
        %add3A_661 = arith.constant 1 : i32
        %add3A_662 = vector.broadcast %add3A_661 : i32 to vector<16xi32>
        %add3A_663 = arith.addi %shift_right_arithmetic3A_638, %add3A_662 : vector<16xi32>
        %mul3A_664 = arith.constant 16 : i32
        %mul3A_665 = arith.muli %scan3A_585, %mul3A_664 : i32
        %add3A_666 = arith.constant 1536 : i32
        %add3A_667 = arith.addi %add3A_666, %mul3A_665 : i32
        %swap3A_668 = arith.index_cast %add3A_667 : i32 to index
        %swap3A_669 = tpu.vector_load %arg9[%swap3A_668] {strides = array<i32>} : memref<2048xi32, #tpu.memory_space<vmem>>, vector<16xi32>,
        %swap3A_670 = vector.shape_cast %swap3A_669 : vector<16xi32> to vector<16xi32>
        %swap3A_671 = vector.shape_cast %add3A_663 : vector<16xi32> to vector<16xi32>
        tpu.vector_store %arg9[%swap3A_668], %swap3A_671 {strides = array<i32>} : memref<2048xi32, #tpu.memory_space<vmem>>, vector<16xi32>,
        %and3A_672 = arith.constant 15 : i32
        %and3A_673 = vector.broadcast %and3A_672 : i32 to vector<16xi32>
        %and3A_674 = arith.andi %select_n3A_611, %and3A_673 : vector<16xi32>
        %swap3A_675 = arith.index_cast %mul3A_587 : i32 to index
        %swap3A_676 = tpu.vector_load %arg13[%swap3A_675] {strides = array<i32>} : memref<512xi32, #tpu.memory_space<vmem>>, vector<16xi32>,
        %swap3A_677 = vector.shape_cast %swap3A_676 : vector<16xi32> to vector<16xi32>
        %swap3A_678 = vector.shape_cast %and3A_674 : vector<16xi32> to vector<16xi32>
        tpu.vector_store %arg13[%swap3A_675], %swap3A_678 {strides = array<i32>} : memref<512xi32, #tpu.memory_space<vmem>>, vector<16xi32>,
        %and3A_679 = arith.constant 15 : i32
        %and3A_680 = vector.broadcast %and3A_679 : i32 to vector<16xi32>
        %and3A_681 = arith.andi %select_n3A_633, %and3A_680 : vector<16xi32>
        %swap3A_682 = arith.index_cast %mul3A_587 : i32 to index
        %swap3A_683 = tpu.vector_load %arg15[%swap3A_682] {strides = array<i32>} : memref<512xi32, #tpu.memory_space<vmem>>, vector<16xi32>,
        %swap3A_684 = vector.shape_cast %swap3A_683 : vector<16xi32> to vector<16xi32>
        %swap3A_685 = vector.shape_cast %and3A_681 : vector<16xi32> to vector<16xi32>
        tpu.vector_store %arg15[%swap3A_682], %swap3A_685 {strides = array<i32>} : memref<512xi32, #tpu.memory_space<vmem>>, vector<16xi32>,
      }
      %scan3A_166 = arith.constant 32 : i32
      %add3A_167 = arith.constant 1 : i32
      %add3A_168 = arith.addi %mul3A_159, %add3A_167 : i32
      %dma_start3A_169 = arith.constant 0 : i32
      %dma_start3A_170 = arith.constant 0 : i32
      %dma_start3A_171 = tpu.memref_slice %arg11[%dma_start3A_169, %dma_start3A_170] : memref<2048x16xf32, #tpu.memory_space<vmem>> -> memref<128x16xf32, #tpu.memory_space<vmem>>
      %dma_start3A_172 = arith.constant 0 : i32
      %dma_start3A_173 = tpu.memref_slice %arg9[%dma_start3A_172] : memref<2048xi32, #tpu.memory_space<vmem>> -> memref<128xi32, #tpu.memory_space<vmem>>
      %dma_start3A_174 = arith.constant 0 : i32
      %dma_start3A_175 = arith.constant 0 : i32
      %dma_start3A_176 = tpu.memref_slice %arg3[%dma_start3A_174, %dma_start3A_175] : memref<62500x16xf32, #tpu.memory_space<hbm>> -> memref<62500x16xf32, #tpu.memory_space<hbm>>
      tpu.enqueue_indirect_dma source(%dma_start3A_176 : memref<62500x16xf32, #tpu.memory_space<hbm>>) target(%dma_start3A_171 : memref<128x16xf32, #tpu.memory_space<vmem>>) offsets(%dma_start3A_173 : memref<128xi32, #tpu.memory_space<vmem>>) semaphore(%arg19 : memref<!tpu.dma_semaphore, #tpu.memory_space<semaphore_mem>>)
      %dma_start3A_177 = arith.constant 128 : i32
      %dma_start3A_178 = arith.constant 0 : i32
      %dma_start3A_179 = tpu.memref_slice %arg11[%dma_start3A_177, %dma_start3A_178] : memref<2048x16xf32, #tpu.memory_space<vmem>> -> memref<128x16xf32, #tpu.memory_space<vmem>>
      %dma_start3A_180 = arith.constant 128 : i32
      %dma_start3A_181 = tpu.memref_slice %arg9[%dma_start3A_180] : memref<2048xi32, #tpu.memory_space<vmem>> -> memref<128xi32, #tpu.memory_space<vmem>>
      %dma_start3A_182 = arith.constant 0 : i32
      %dma_start3A_183 = arith.constant 0 : i32
      %dma_start3A_184 = tpu.memref_slice %arg3[%dma_start3A_182, %dma_start3A_183] : memref<62500x16xf32, #tpu.memory_space<hbm>> -> memref<62500x16xf32, #tpu.memory_space<hbm>>
      tpu.enqueue_indirect_dma source(%dma_start3A_184 : memref<62500x16xf32, #tpu.memory_space<hbm>>) target(%dma_start3A_179 : memref<128x16xf32, #tpu.memory_space<vmem>>) offsets(%dma_start3A_181 : memref<128xi32, #tpu.memory_space<vmem>>) semaphore(%arg19 : memref<!tpu.dma_semaphore, #tpu.memory_space<semaphore_mem>>)
      %dma_start3A_185 = arith.constant 256 : i32
      %dma_start3A_186 = arith.constant 0 : i32
      %dma_start3A_187 = tpu.memref_slice %arg11[%dma_start3A_185, %dma_start3A_186] : memref<2048x16xf32, #tpu.memory_space<vmem>> -> memref<128x16xf32, #tpu.memory_space<vmem>>
      %dma_start3A_188 = arith.constant 256 : i32
      %dma_start3A_189 = tpu.memref_slice %arg9[%dma_start3A_188] : memref<2048xi32, #tpu.memory_space<vmem>> -> memref<128xi32, #tpu.memory_space<vmem>>
      %dma_start3A_190 = arith.constant 0 : i32
      %dma_start3A_191 = arith.constant 0 : i32
      %dma_start3A_192 = tpu.memref_slice %arg3[%dma_start3A_190, %dma_start3A_191] : memref<62500x16xf32, #tpu.memory_space<hbm>> -> memref<62500x16xf32, #tpu.memory_space<hbm>>
      tpu.enqueue_indirect_dma source(%dma_start3A_192 : memref<62500x16xf32, #tpu.memory_space<hbm>>) target(%dma_start3A_187 : memref<128x16xf32, #tpu.memory_space<vmem>>) offsets(%dma_start3A_189 : memref<128xi32, #tpu.memory_space<vmem>>) semaphore(%arg19 : memref<!tpu.dma_semaphore, #tpu.memory_space<semaphore_mem>>)
      %dma_start3A_193 = arith.constant 384 : i32
      %dma_start3A_194 = arith.constant 0 : i32
      %dma_start3A_195 = tpu.memref_slice %arg11[%dma_start3A_193, %dma_start3A_194] : memref<2048x16xf32, #tpu.memory_space<vmem>> -> memref<128x16xf32, #tpu.memory_space<vmem>>
      %dma_start3A_196 = arith.constant 384 : i32
      %dma_start3A_197 = tpu.memref_slice %arg9[%dma_start3A_196] : memref<2048xi32, #tpu.memory_space<vmem>> -> memref<128xi32, #tpu.memory_space<vmem>>
      %dma_start3A_198 = arith.constant 0 : i32
      %dma_start3A_199 = arith.constant 0 : i32
      %dma_start3A_200 = tpu.memref_slice %arg3[%dma_start3A_198, %dma_start3A_199] : memref<62500x16xf32, #tpu.memory_space<hbm>> -> memref<62500x16xf32, #tpu.memory_space<hbm>>
      tpu.enqueue_indirect_dma source(%dma_start3A_200 : memref<62500x16xf32, #tpu.memory_space<hbm>>) target(%dma_start3A_195 : memref<128x16xf32, #tpu.memory_space<vmem>>) offsets(%dma_start3A_197 : memref<128xi32, #tpu.memory_space<vmem>>) semaphore(%arg19 : memref<!tpu.dma_semaphore, #tpu.memory_space<semaphore_mem>>)
      %dma_start3A_201 = arith.constant 512 : i32
      %dma_start3A_202 = arith.constant 0 : i32
      %dma_start3A_203 = tpu.memref_slice %arg11[%dma_start3A_201, %dma_start3A_202] : memref<2048x16xf32, #tpu.memory_space<vmem>> -> memref<128x16xf32, #tpu.memory_space<vmem>>
      %dma_start3A_204 = arith.constant 512 : i32
      %dma_start3A_205 = tpu.memref_slice %arg9[%dma_start3A_204] : memref<2048xi32, #tpu.memory_space<vmem>> -> memref<128xi32, #tpu.memory_space<vmem>>
      %dma_start3A_206 = arith.constant 0 : i32
      %dma_start3A_207 = arith.constant 0 : i32
      %dma_start3A_208 = tpu.memref_slice %arg3[%dma_start3A_206, %dma_start3A_207] : memref<62500x16xf32, #tpu.memory_space<hbm>> -> memref<62500x16xf32, #tpu.memory_space<hbm>>
      tpu.enqueue_indirect_dma source(%dma_start3A_208 : memref<62500x16xf32, #tpu.memory_space<hbm>>) target(%dma_start3A_203 : memref<128x16xf32, #tpu.memory_space<vmem>>) offsets(%dma_start3A_205 : memref<128xi32, #tpu.memory_space<vmem>>) semaphore(%arg19 : memref<!tpu.dma_semaphore, #tpu.memory_space<semaphore_mem>>)
      %dma_start3A_209 = arith.constant 640 : i32
      %dma_start3A_210 = arith.constant 0 : i32
      %dma_start3A_211 = tpu.memref_slice %arg11[%dma_start3A_209, %dma_start3A_210] : memref<2048x16xf32, #tpu.memory_space<vmem>> -> memref<128x16xf32, #tpu.memory_space<vmem>>
      %dma_start3A_212 = arith.constant 640 : i32
      %dma_start3A_213 = tpu.memref_slice %arg9[%dma_start3A_212] : memref<2048xi32, #tpu.memory_space<vmem>> -> memref<128xi32, #tpu.memory_space<vmem>>
      %dma_start3A_214 = arith.constant 0 : i32
      %dma_start3A_215 = arith.constant 0 : i32
      %dma_start3A_216 = tpu.memref_slice %arg3[%dma_start3A_214, %dma_start3A_215] : memref<62500x16xf32, #tpu.memory_space<hbm>> -> memref<62500x16xf32, #tpu.memory_space<hbm>>
      tpu.enqueue_indirect_dma source(%dma_start3A_216 : memref<62500x16xf32, #tpu.memory_space<hbm>>) target(%dma_start3A_211 : memref<128x16xf32, #tpu.memory_space<vmem>>) offsets(%dma_start3A_213 : memref<128xi32, #tpu.memory_space<vmem>>) semaphore(%arg19 : memref<!tpu.dma_semaphore, #tpu.memory_space<semaphore_mem>>)
      %dma_start3A_217 = arith.constant 768 : i32
      %dma_start3A_218 = arith.constant 0 : i32
      %dma_start3A_219 = tpu.memref_slice %arg11[%dma_start3A_217, %dma_start3A_218] : memref<2048x16xf32, #tpu.memory_space<vmem>> -> memref<128x16xf32, #tpu.memory_space<vmem>>
      %dma_start3A_220 = arith.constant 768 : i32
      %dma_start3A_221 = tpu.memref_slice %arg9[%dma_start3A_220] : memref<2048xi32, #tpu.memory_space<vmem>> -> memref<128xi32, #tpu.memory_space<vmem>>
      %dma_start3A_222 = arith.constant 0 : i32
      %dma_start3A_223 = arith.constant 0 : i32
      %dma_start3A_224 = tpu.memref_slice %arg3[%dma_start3A_222, %dma_start3A_223] : memref<62500x16xf32, #tpu.memory_space<hbm>> -> memref<62500x16xf32, #tpu.memory_space<hbm>>
      tpu.enqueue_indirect_dma source(%dma_start3A_224 : memref<62500x16xf32, #tpu.memory_space<hbm>>) target(%dma_start3A_219 : memref<128x16xf32, #tpu.memory_space<vmem>>) offsets(%dma_start3A_221 : memref<128xi32, #tpu.memory_space<vmem>>) semaphore(%arg19 : memref<!tpu.dma_semaphore, #tpu.memory_space<semaphore_mem>>)
      %dma_start3A_225 = arith.constant 896 : i32
      %dma_start3A_226 = arith.constant 0 : i32
      %dma_start3A_227 = tpu.memref_slice %arg11[%dma_start3A_225, %dma_start3A_226] : memref<2048x16xf32, #tpu.memory_space<vmem>> -> memref<128x16xf32, #tpu.memory_space<vmem>>
      %dma_start3A_228 = arith.constant 896 : i32
      %dma_start3A_229 = tpu.memref_slice %arg9[%dma_start3A_228] : memref<2048xi32, #tpu.memory_space<vmem>> -> memref<128xi32, #tpu.memory_space<vmem>>
      %dma_start3A_230 = arith.constant 0 : i32
      %dma_start3A_231 = arith.constant 0 : i32
      %dma_start3A_232 = tpu.memref_slice %arg3[%dma_start3A_230, %dma_start3A_231] : memref<62500x16xf32, #tpu.memory_space<hbm>> -> memref<62500x16xf32, #tpu.memory_space<hbm>>
      tpu.enqueue_indirect_dma source(%dma_start3A_232 : memref<62500x16xf32, #tpu.memory_space<hbm>>) target(%dma_start3A_227 : memref<128x16xf32, #tpu.memory_space<vmem>>) offsets(%dma_start3A_229 : memref<128xi32, #tpu.memory_space<vmem>>) semaphore(%arg19 : memref<!tpu.dma_semaphore, #tpu.memory_space<semaphore_mem>>)
      %dma_start3A_233 = arith.constant 1024 : i32
      %dma_start3A_234 = arith.constant 0 : i32
      %dma_start3A_235 = tpu.memref_slice %arg11[%dma_start3A_233, %dma_start3A_234] : memref<2048x16xf32, #tpu.memory_space<vmem>> -> memref<128x16xf32, #tpu.memory_space<vmem>>
      %dma_start3A_236 = arith.constant 1024 : i32
      %dma_start3A_237 = tpu.memref_slice %arg9[%dma_start3A_236] : memref<2048xi32, #tpu.memory_space<vmem>> -> memref<128xi32, #tpu.memory_space<vmem>>
      %dma_start3A_238 = arith.constant 0 : i32
      %dma_start3A_239 = arith.constant 0 : i32
      %dma_start3A_240 = tpu.memref_slice %arg3[%dma_start3A_238, %dma_start3A_239] : memref<62500x16xf32, #tpu.memory_space<hbm>> -> memref<62500x16xf32, #tpu.memory_space<hbm>>
      tpu.enqueue_indirect_dma source(%dma_start3A_240 : memref<62500x16xf32, #tpu.memory_space<hbm>>) target(%dma_start3A_235 : memref<128x16xf32, #tpu.memory_space<vmem>>) offsets(%dma_start3A_237 : memref<128xi32, #tpu.memory_space<vmem>>) semaphore(%arg19 : memref<!tpu.dma_semaphore, #tpu.memory_space<semaphore_mem>>)
      %dma_start3A_241 = arith.constant 1152 : i32
      %dma_start3A_242 = arith.constant 0 : i32
      %dma_start3A_243 = tpu.memref_slice %arg11[%dma_start3A_241, %dma_start3A_242] : memref<2048x16xf32, #tpu.memory_space<vmem>> -> memref<128x16xf32, #tpu.memory_space<vmem>>
      %dma_start3A_244 = arith.constant 1152 : i32
      %dma_start3A_245 = tpu.memref_slice %arg9[%dma_start3A_244] : memref<2048xi32, #tpu.memory_space<vmem>> -> memref<128xi32, #tpu.memory_space<vmem>>
      %dma_start3A_246 = arith.constant 0 : i32
      %dma_start3A_247 = arith.constant 0 : i32
      %dma_start3A_248 = tpu.memref_slice %arg3[%dma_start3A_246, %dma_start3A_247] : memref<62500x16xf32, #tpu.memory_space<hbm>> -> memref<62500x16xf32, #tpu.memory_space<hbm>>
      tpu.enqueue_indirect_dma source(%dma_start3A_248 : memref<62500x16xf32, #tpu.memory_space<hbm>>) target(%dma_start3A_243 : memref<128x16xf32, #tpu.memory_space<vmem>>) offsets(%dma_start3A_245 : memref<128xi32, #tpu.memory_space<vmem>>) semaphore(%arg19 : memref<!tpu.dma_semaphore, #tpu.memory_space<semaphore_mem>>)
      %dma_start3A_249 = arith.constant 1280 : i32
      %dma_start3A_250 = arith.constant 0 : i32
      %dma_start3A_251 = tpu.memref_slice %arg11[%dma_start3A_249, %dma_start3A_250] : memref<2048x16xf32, #tpu.memory_space<vmem>> -> memref<128x16xf32, #tpu.memory_space<vmem>>
      %dma_start3A_252 = arith.constant 1280 : i32
      %dma_start3A_253 = tpu.memref_slice %arg9[%dma_start3A_252] : memref<2048xi32, #tpu.memory_space<vmem>> -> memref<128xi32, #tpu.memory_space<vmem>>
      %dma_start3A_254 = arith.constant 0 : i32
      %dma_start3A_255 = arith.constant 0 : i32
      %dma_start3A_256 = tpu.memref_slice %arg3[%dma_start3A_254, %dma_start3A_255] : memref<62500x16xf32, #tpu.memory_space<hbm>> -> memref<62500x16xf32, #tpu.memory_space<hbm>>
      tpu.enqueue_indirect_dma source(%dma_start3A_256 : memref<62500x16xf32, #tpu.memory_space<hbm>>) target(%dma_start3A_251 : memref<128x16xf32, #tpu.memory_space<vmem>>) offsets(%dma_start3A_253 : memref<128xi32, #tpu.memory_space<vmem>>) semaphore(%arg19 : memref<!tpu.dma_semaphore, #tpu.memory_space<semaphore_mem>>)
      %dma_start3A_257 = arith.constant 1408 : i32
      %dma_start3A_258 = arith.constant 0 : i32
      %dma_start3A_259 = tpu.memref_slice %arg11[%dma_start3A_257, %dma_start3A_258] : memref<2048x16xf32, #tpu.memory_space<vmem>> -> memref<128x16xf32, #tpu.memory_space<vmem>>
      %dma_start3A_260 = arith.constant 1408 : i32
      %dma_start3A_261 = tpu.memref_slice %arg9[%dma_start3A_260] : memref<2048xi32, #tpu.memory_space<vmem>> -> memref<128xi32, #tpu.memory_space<vmem>>
      %dma_start3A_262 = arith.constant 0 : i32
      %dma_start3A_263 = arith.constant 0 : i32
      %dma_start3A_264 = tpu.memref_slice %arg3[%dma_start3A_262, %dma_start3A_263] : memref<62500x16xf32, #tpu.memory_space<hbm>> -> memref<62500x16xf32, #tpu.memory_space<hbm>>
      tpu.enqueue_indirect_dma source(%dma_start3A_264 : memref<62500x16xf32, #tpu.memory_space<hbm>>) target(%dma_start3A_259 : memref<128x16xf32, #tpu.memory_space<vmem>>) offsets(%dma_start3A_261 : memref<128xi32, #tpu.memory_space<vmem>>) semaphore(%arg19 : memref<!tpu.dma_semaphore, #tpu.memory_space<semaphore_mem>>)
      %dma_start3A_265 = arith.constant 1536 : i32
      %dma_start3A_266 = arith.constant 0 : i32
      %dma_start3A_267 = tpu.memref_slice %arg11[%dma_start3A_265, %dma_start3A_266] : memref<2048x16xf32, #tpu.memory_space<vmem>> -> memref<128x16xf32, #tpu.memory_space<vmem>>
      %dma_start3A_268 = arith.constant 1536 : i32
      %dma_start3A_269 = tpu.memref_slice %arg9[%dma_start3A_268] : memref<2048xi32, #tpu.memory_space<vmem>> -> memref<128xi32, #tpu.memory_space<vmem>>
      %dma_start3A_270 = arith.constant 0 : i32
      %dma_start3A_271 = arith.constant 0 : i32
      %dma_start3A_272 = tpu.memref_slice %arg3[%dma_start3A_270, %dma_start3A_271] : memref<62500x16xf32, #tpu.memory_space<hbm>> -> memref<62500x16xf32, #tpu.memory_space<hbm>>
      tpu.enqueue_indirect_dma source(%dma_start3A_272 : memref<62500x16xf32, #tpu.memory_space<hbm>>) target(%dma_start3A_267 : memref<128x16xf32, #tpu.memory_space<vmem>>) offsets(%dma_start3A_269 : memref<128xi32, #tpu.memory_space<vmem>>) semaphore(%arg19 : memref<!tpu.dma_semaphore, #tpu.memory_space<semaphore_mem>>)
      %dma_start3A_273 = arith.constant 1664 : i32
      %dma_start3A_274 = arith.constant 0 : i32
      %dma_start3A_275 = tpu.memref_slice %arg11[%dma_start3A_273, %dma_start3A_274] : memref<2048x16xf32, #tpu.memory_space<vmem>> -> memref<128x16xf32, #tpu.memory_space<vmem>>
      %dma_start3A_276 = arith.constant 1664 : i32
      %dma_start3A_277 = tpu.memref_slice %arg9[%dma_start3A_276] : memref<2048xi32, #tpu.memory_space<vmem>> -> memref<128xi32, #tpu.memory_space<vmem>>
      %dma_start3A_278 = arith.constant 0 : i32
      %dma_start3A_279 = arith.constant 0 : i32
      %dma_start3A_280 = tpu.memref_slice %arg3[%dma_start3A_278, %dma_start3A_279] : memref<62500x16xf32, #tpu.memory_space<hbm>> -> memref<62500x16xf32, #tpu.memory_space<hbm>>
      tpu.enqueue_indirect_dma source(%dma_start3A_280 : memref<62500x16xf32, #tpu.memory_space<hbm>>) target(%dma_start3A_275 : memref<128x16xf32, #tpu.memory_space<vmem>>) offsets(%dma_start3A_277 : memref<128xi32, #tpu.memory_space<vmem>>) semaphore(%arg19 : memref<!tpu.dma_semaphore, #tpu.memory_space<semaphore_mem>>)
      %dma_start3A_281 = arith.constant 1792 : i32
      %dma_start3A_282 = arith.constant 0 : i32
      %dma_start3A_283 = tpu.memref_slice %arg11[%dma_start3A_281, %dma_start3A_282] : memref<2048x16xf32, #tpu.memory_space<vmem>> -> memref<128x16xf32, #tpu.memory_space<vmem>>
      %dma_start3A_284 = arith.constant 1792 : i32
      %dma_start3A_285 = tpu.memref_slice %arg9[%dma_start3A_284] : memref<2048xi32, #tpu.memory_space<vmem>> -> memref<128xi32, #tpu.memory_space<vmem>>
      %dma_start3A_286 = arith.constant 0 : i32
      %dma_start3A_287 = arith.constant 0 : i32
      %dma_start3A_288 = tpu.memref_slice %arg3[%dma_start3A_286, %dma_start3A_287] : memref<62500x16xf32, #tpu.memory_space<hbm>> -> memref<62500x16xf32, #tpu.memory_space<hbm>>
      tpu.enqueue_indirect_dma source(%dma_start3A_288 : memref<62500x16xf32, #tpu.memory_space<hbm>>) target(%dma_start3A_283 : memref<128x16xf32, #tpu.memory_space<vmem>>) offsets(%dma_start3A_285 : memref<128xi32, #tpu.memory_space<vmem>>) semaphore(%arg19 : memref<!tpu.dma_semaphore, #tpu.memory_space<semaphore_mem>>)
      %dma_start3A_289 = arith.constant 1920 : i32
      %dma_start3A_290 = arith.constant 0 : i32
      %dma_start3A_291 = tpu.memref_slice %arg11[%dma_start3A_289, %dma_start3A_290] : memref<2048x16xf32, #tpu.memory_space<vmem>> -> memref<128x16xf32, #tpu.memory_space<vmem>>
      %dma_start3A_292 = arith.constant 1920 : i32
      %dma_start3A_293 = tpu.memref_slice %arg9[%dma_start3A_292] : memref<2048xi32, #tpu.memory_space<vmem>> -> memref<128xi32, #tpu.memory_space<vmem>>
      %dma_start3A_294 = arith.constant 0 : i32
      %dma_start3A_295 = arith.constant 0 : i32
      %dma_start3A_296 = tpu.memref_slice %arg3[%dma_start3A_294, %dma_start3A_295] : memref<62500x16xf32, #tpu.memory_space<hbm>> -> memref<62500x16xf32, #tpu.memory_space<hbm>>
      tpu.enqueue_indirect_dma source(%dma_start3A_296 : memref<62500x16xf32, #tpu.memory_space<hbm>>) target(%dma_start3A_291 : memref<128x16xf32, #tpu.memory_space<vmem>>) offsets(%dma_start3A_293 : memref<128xi32, #tpu.memory_space<vmem>>) semaphore(%arg19 : memref<!tpu.dma_semaphore, #tpu.memory_space<semaphore_mem>>)
      %dma_wait3A_297 = arith.constant 0 : i32
      %dma_wait3A_298 = arith.constant 0 : i32
      %dma_wait3A_299 = tpu.memref_slice %arg10[%dma_wait3A_297, %dma_wait3A_298] : memref<2048x16xf32, #tpu.memory_space<vmem>> -> memref<128x16xf32, #tpu.memory_space<vmem>>
      %dma_wait3A_300 = arith.constant 0 : i32
      %dma_wait3A_301 = tpu.memref_slice %arg8[%dma_wait3A_300] : memref<2048xi32, #tpu.memory_space<vmem>> -> memref<128xi32, #tpu.memory_space<vmem>>
      %dma_wait3A_302 = arith.constant 0 : i32
      %dma_wait3A_303 = arith.constant 0 : i32
      %dma_wait3A_304 = tpu.memref_slice %arg3[%dma_wait3A_302, %dma_wait3A_303] : memref<62500x16xf32, #tpu.memory_space<hbm>> -> memref<62500x16xf32, #tpu.memory_space<hbm>>
      tpu.wait_indirect_dma semaphore(%arg18 : memref<!tpu.dma_semaphore, #tpu.memory_space<semaphore_mem>>) src(%dma_wait3A_304 : memref<62500x16xf32, #tpu.memory_space<hbm>>) dst(%dma_wait3A_299 : memref<128x16xf32, #tpu.memory_space<vmem>>)
      %dma_wait3A_305 = arith.constant 128 : i32
      %dma_wait3A_306 = arith.constant 0 : i32
      %dma_wait3A_307 = tpu.memref_slice %arg10[%dma_wait3A_305, %dma_wait3A_306] : memref<2048x16xf32, #tpu.memory_space<vmem>> -> memref<128x16xf32, #tpu.memory_space<vmem>>
      %dma_wait3A_308 = arith.constant 128 : i32
      %dma_wait3A_309 = tpu.memref_slice %arg8[%dma_wait3A_308] : memref<2048xi32, #tpu.memory_space<vmem>> -> memref<128xi32, #tpu.memory_space<vmem>>
      %dma_wait3A_310 = arith.constant 0 : i32
      %dma_wait3A_311 = arith.constant 0 : i32
      %dma_wait3A_312 = tpu.memref_slice %arg3[%dma_wait3A_310, %dma_wait3A_311] : memref<62500x16xf32, #tpu.memory_space<hbm>> -> memref<62500x16xf32, #tpu.memory_space<hbm>>
      tpu.wait_indirect_dma semaphore(%arg18 : memref<!tpu.dma_semaphore, #tpu.memory_space<semaphore_mem>>) src(%dma_wait3A_312 : memref<62500x16xf32, #tpu.memory_space<hbm>>) dst(%dma_wait3A_307 : memref<128x16xf32, #tpu.memory_space<vmem>>)
      %dma_wait3A_313 = arith.constant 256 : i32
      %dma_wait3A_314 = arith.constant 0 : i32
      %dma_wait3A_315 = tpu.memref_slice %arg10[%dma_wait3A_313, %dma_wait3A_314] : memref<2048x16xf32, #tpu.memory_space<vmem>> -> memref<128x16xf32, #tpu.memory_space<vmem>>
      %dma_wait3A_316 = arith.constant 256 : i32
      %dma_wait3A_317 = tpu.memref_slice %arg8[%dma_wait3A_316] : memref<2048xi32, #tpu.memory_space<vmem>> -> memref<128xi32, #tpu.memory_space<vmem>>
      %dma_wait3A_318 = arith.constant 0 : i32
      %dma_wait3A_319 = arith.constant 0 : i32
      %dma_wait3A_320 = tpu.memref_slice %arg3[%dma_wait3A_318, %dma_wait3A_319] : memref<62500x16xf32, #tpu.memory_space<hbm>> -> memref<62500x16xf32, #tpu.memory_space<hbm>>
      tpu.wait_indirect_dma semaphore(%arg18 : memref<!tpu.dma_semaphore, #tpu.memory_space<semaphore_mem>>) src(%dma_wait3A_320 : memref<62500x16xf32, #tpu.memory_space<hbm>>) dst(%dma_wait3A_315 : memref<128x16xf32, #tpu.memory_space<vmem>>)
      %dma_wait3A_321 = arith.constant 384 : i32
      %dma_wait3A_322 = arith.constant 0 : i32
      %dma_wait3A_323 = tpu.memref_slice %arg10[%dma_wait3A_321, %dma_wait3A_322] : memref<2048x16xf32, #tpu.memory_space<vmem>> -> memref<128x16xf32, #tpu.memory_space<vmem>>
      %dma_wait3A_324 = arith.constant 384 : i32
      %dma_wait3A_325 = tpu.memref_slice %arg8[%dma_wait3A_324] : memref<2048xi32, #tpu.memory_space<vmem>> -> memref<128xi32, #tpu.memory_space<vmem>>
      %dma_wait3A_326 = arith.constant 0 : i32
      %dma_wait3A_327 = arith.constant 0 : i32
      %dma_wait3A_328 = tpu.memref_slice %arg3[%dma_wait3A_326, %dma_wait3A_327] : memref<62500x16xf32, #tpu.memory_space<hbm>> -> memref<62500x16xf32, #tpu.memory_space<hbm>>
      tpu.wait_indirect_dma semaphore(%arg18 : memref<!tpu.dma_semaphore, #tpu.memory_space<semaphore_mem>>) src(%dma_wait3A_328 : memref<62500x16xf32, #tpu.memory_space<hbm>>) dst(%dma_wait3A_323 : memref<128x16xf32, #tpu.memory_space<vmem>>)
      %dma_wait3A_329 = arith.constant 512 : i32
      %dma_wait3A_330 = arith.constant 0 : i32
      %dma_wait3A_331 = tpu.memref_slice %arg10[%dma_wait3A_329, %dma_wait3A_330] : memref<2048x16xf32, #tpu.memory_space<vmem>> -> memref<128x16xf32, #tpu.memory_space<vmem>>
      %dma_wait3A_332 = arith.constant 512 : i32
      %dma_wait3A_333 = tpu.memref_slice %arg8[%dma_wait3A_332] : memref<2048xi32, #tpu.memory_space<vmem>> -> memref<128xi32, #tpu.memory_space<vmem>>
      %dma_wait3A_334 = arith.constant 0 : i32
      %dma_wait3A_335 = arith.constant 0 : i32
      %dma_wait3A_336 = tpu.memref_slice %arg3[%dma_wait3A_334, %dma_wait3A_335] : memref<62500x16xf32, #tpu.memory_space<hbm>> -> memref<62500x16xf32, #tpu.memory_space<hbm>>
      tpu.wait_indirect_dma semaphore(%arg18 : memref<!tpu.dma_semaphore, #tpu.memory_space<semaphore_mem>>) src(%dma_wait3A_336 : memref<62500x16xf32, #tpu.memory_space<hbm>>) dst(%dma_wait3A_331 : memref<128x16xf32, #tpu.memory_space<vmem>>)
      %dma_wait3A_337 = arith.constant 640 : i32
      %dma_wait3A_338 = arith.constant 0 : i32
      %dma_wait3A_339 = tpu.memref_slice %arg10[%dma_wait3A_337, %dma_wait3A_338] : memref<2048x16xf32, #tpu.memory_space<vmem>> -> memref<128x16xf32, #tpu.memory_space<vmem>>
      %dma_wait3A_340 = arith.constant 640 : i32
      %dma_wait3A_341 = tpu.memref_slice %arg8[%dma_wait3A_340] : memref<2048xi32, #tpu.memory_space<vmem>> -> memref<128xi32, #tpu.memory_space<vmem>>
      %dma_wait3A_342 = arith.constant 0 : i32
      %dma_wait3A_343 = arith.constant 0 : i32
      %dma_wait3A_344 = tpu.memref_slice %arg3[%dma_wait3A_342, %dma_wait3A_343] : memref<62500x16xf32, #tpu.memory_space<hbm>> -> memref<62500x16xf32, #tpu.memory_space<hbm>>
      tpu.wait_indirect_dma semaphore(%arg18 : memref<!tpu.dma_semaphore, #tpu.memory_space<semaphore_mem>>) src(%dma_wait3A_344 : memref<62500x16xf32, #tpu.memory_space<hbm>>) dst(%dma_wait3A_339 : memref<128x16xf32, #tpu.memory_space<vmem>>)
      %dma_wait3A_345 = arith.constant 768 : i32
      %dma_wait3A_346 = arith.constant 0 : i32
      %dma_wait3A_347 = tpu.memref_slice %arg10[%dma_wait3A_345, %dma_wait3A_346] : memref<2048x16xf32, #tpu.memory_space<vmem>> -> memref<128x16xf32, #tpu.memory_space<vmem>>
      %dma_wait3A_348 = arith.constant 768 : i32
      %dma_wait3A_349 = tpu.memref_slice %arg8[%dma_wait3A_348] : memref<2048xi32, #tpu.memory_space<vmem>> -> memref<128xi32, #tpu.memory_space<vmem>>
      %dma_wait3A_350 = arith.constant 0 : i32
      %dma_wait3A_351 = arith.constant 0 : i32
      %dma_wait3A_352 = tpu.memref_slice %arg3[%dma_wait3A_350, %dma_wait3A_351] : memref<62500x16xf32, #tpu.memory_space<hbm>> -> memref<62500x16xf32, #tpu.memory_space<hbm>>
      tpu.wait_indirect_dma semaphore(%arg18 : memref<!tpu.dma_semaphore, #tpu.memory_space<semaphore_mem>>) src(%dma_wait3A_352 : memref<62500x16xf32, #tpu.memory_space<hbm>>) dst(%dma_wait3A_347 : memref<128x16xf32, #tpu.memory_space<vmem>>)
      %dma_wait3A_353 = arith.constant 896 : i32
      %dma_wait3A_354 = arith.constant 0 : i32
      %dma_wait3A_355 = tpu.memref_slice %arg10[%dma_wait3A_353, %dma_wait3A_354] : memref<2048x16xf32, #tpu.memory_space<vmem>> -> memref<128x16xf32, #tpu.memory_space<vmem>>
      %dma_wait3A_356 = arith.constant 896 : i32
      %dma_wait3A_357 = tpu.memref_slice %arg8[%dma_wait3A_356] : memref<2048xi32, #tpu.memory_space<vmem>> -> memref<128xi32, #tpu.memory_space<vmem>>
      %dma_wait3A_358 = arith.constant 0 : i32
      %dma_wait3A_359 = arith.constant 0 : i32
      %dma_wait3A_360 = tpu.memref_slice %arg3[%dma_wait3A_358, %dma_wait3A_359] : memref<62500x16xf32, #tpu.memory_space<hbm>> -> memref<62500x16xf32, #tpu.memory_space<hbm>>
      tpu.wait_indirect_dma semaphore(%arg18 : memref<!tpu.dma_semaphore, #tpu.memory_space<semaphore_mem>>) src(%dma_wait3A_360 : memref<62500x16xf32, #tpu.memory_space<hbm>>) dst(%dma_wait3A_355 : memref<128x16xf32, #tpu.memory_space<vmem>>)
      %dma_wait3A_361 = arith.constant 1024 : i32
      %dma_wait3A_362 = arith.constant 0 : i32
      %dma_wait3A_363 = tpu.memref_slice %arg10[%dma_wait3A_361, %dma_wait3A_362] : memref<2048x16xf32, #tpu.memory_space<vmem>> -> memref<128x16xf32, #tpu.memory_space<vmem>>
      %dma_wait3A_364 = arith.constant 1024 : i32
      %dma_wait3A_365 = tpu.memref_slice %arg8[%dma_wait3A_364] : memref<2048xi32, #tpu.memory_space<vmem>> -> memref<128xi32, #tpu.memory_space<vmem>>
      %dma_wait3A_366 = arith.constant 0 : i32
      %dma_wait3A_367 = arith.constant 0 : i32
      %dma_wait3A_368 = tpu.memref_slice %arg3[%dma_wait3A_366, %dma_wait3A_367] : memref<62500x16xf32, #tpu.memory_space<hbm>> -> memref<62500x16xf32, #tpu.memory_space<hbm>>
      tpu.wait_indirect_dma semaphore(%arg18 : memref<!tpu.dma_semaphore, #tpu.memory_space<semaphore_mem>>) src(%dma_wait3A_368 : memref<62500x16xf32, #tpu.memory_space<hbm>>) dst(%dma_wait3A_363 : memref<128x16xf32, #tpu.memory_space<vmem>>)
      %dma_wait3A_369 = arith.constant 1152 : i32
      %dma_wait3A_370 = arith.constant 0 : i32
      %dma_wait3A_371 = tpu.memref_slice %arg10[%dma_wait3A_369, %dma_wait3A_370] : memref<2048x16xf32, #tpu.memory_space<vmem>> -> memref<128x16xf32, #tpu.memory_space<vmem>>
      %dma_wait3A_372 = arith.constant 1152 : i32
      %dma_wait3A_373 = tpu.memref_slice %arg8[%dma_wait3A_372] : memref<2048xi32, #tpu.memory_space<vmem>> -> memref<128xi32, #tpu.memory_space<vmem>>
      %dma_wait3A_374 = arith.constant 0 : i32
      %dma_wait3A_375 = arith.constant 0 : i32
      %dma_wait3A_376 = tpu.memref_slice %arg3[%dma_wait3A_374, %dma_wait3A_375] : memref<62500x16xf32, #tpu.memory_space<hbm>> -> memref<62500x16xf32, #tpu.memory_space<hbm>>
      tpu.wait_indirect_dma semaphore(%arg18 : memref<!tpu.dma_semaphore, #tpu.memory_space<semaphore_mem>>) src(%dma_wait3A_376 : memref<62500x16xf32, #tpu.memory_space<hbm>>) dst(%dma_wait3A_371 : memref<128x16xf32, #tpu.memory_space<vmem>>)
      %dma_wait3A_377 = arith.constant 1280 : i32
      %dma_wait3A_378 = arith.constant 0 : i32
      %dma_wait3A_379 = tpu.memref_slice %arg10[%dma_wait3A_377, %dma_wait3A_378] : memref<2048x16xf32, #tpu.memory_space<vmem>> -> memref<128x16xf32, #tpu.memory_space<vmem>>
      %dma_wait3A_380 = arith.constant 1280 : i32
      %dma_wait3A_381 = tpu.memref_slice %arg8[%dma_wait3A_380] : memref<2048xi32, #tpu.memory_space<vmem>> -> memref<128xi32, #tpu.memory_space<vmem>>
      %dma_wait3A_382 = arith.constant 0 : i32
      %dma_wait3A_383 = arith.constant 0 : i32
      %dma_wait3A_384 = tpu.memref_slice %arg3[%dma_wait3A_382, %dma_wait3A_383] : memref<62500x16xf32, #tpu.memory_space<hbm>> -> memref<62500x16xf32, #tpu.memory_space<hbm>>
      tpu.wait_indirect_dma semaphore(%arg18 : memref<!tpu.dma_semaphore, #tpu.memory_space<semaphore_mem>>) src(%dma_wait3A_384 : memref<62500x16xf32, #tpu.memory_space<hbm>>) dst(%dma_wait3A_379 : memref<128x16xf32, #tpu.memory_space<vmem>>)
      %dma_wait3A_385 = arith.constant 1408 : i32
      %dma_wait3A_386 = arith.constant 0 : i32
      %dma_wait3A_387 = tpu.memref_slice %arg10[%dma_wait3A_385, %dma_wait3A_386] : memref<2048x16xf32, #tpu.memory_space<vmem>> -> memref<128x16xf32, #tpu.memory_space<vmem>>
      %dma_wait3A_388 = arith.constant 1408 : i32
      %dma_wait3A_389 = tpu.memref_slice %arg8[%dma_wait3A_388] : memref<2048xi32, #tpu.memory_space<vmem>> -> memref<128xi32, #tpu.memory_space<vmem>>
      %dma_wait3A_390 = arith.constant 0 : i32
      %dma_wait3A_391 = arith.constant 0 : i32
      %dma_wait3A_392 = tpu.memref_slice %arg3[%dma_wait3A_390, %dma_wait3A_391] : memref<62500x16xf32, #tpu.memory_space<hbm>> -> memref<62500x16xf32, #tpu.memory_space<hbm>>
      tpu.wait_indirect_dma semaphore(%arg18 : memref<!tpu.dma_semaphore, #tpu.memory_space<semaphore_mem>>) src(%dma_wait3A_392 : memref<62500x16xf32, #tpu.memory_space<hbm>>) dst(%dma_wait3A_387 : memref<128x16xf32, #tpu.memory_space<vmem>>)
      %dma_wait3A_393 = arith.constant 1536 : i32
      %dma_wait3A_394 = arith.constant 0 : i32
      %dma_wait3A_395 = tpu.memref_slice %arg10[%dma_wait3A_393, %dma_wait3A_394] : memref<2048x16xf32, #tpu.memory_space<vmem>> -> memref<128x16xf32, #tpu.memory_space<vmem>>
      %dma_wait3A_396 = arith.constant 1536 : i32
      %dma_wait3A_397 = tpu.memref_slice %arg8[%dma_wait3A_396] : memref<2048xi32, #tpu.memory_space<vmem>> -> memref<128xi32, #tpu.memory_space<vmem>>
      %dma_wait3A_398 = arith.constant 0 : i32
      %dma_wait3A_399 = arith.constant 0 : i32
      %dma_wait3A_400 = tpu.memref_slice %arg3[%dma_wait3A_398, %dma_wait3A_399] : memref<62500x16xf32, #tpu.memory_space<hbm>> -> memref<62500x16xf32, #tpu.memory_space<hbm>>
      tpu.wait_indirect_dma semaphore(%arg18 : memref<!tpu.dma_semaphore, #tpu.memory_space<semaphore_mem>>) src(%dma_wait3A_400 : memref<62500x16xf32, #tpu.memory_space<hbm>>) dst(%dma_wait3A_395 : memref<128x16xf32, #tpu.memory_space<vmem>>)
      %dma_wait3A_401 = arith.constant 1664 : i32
      %dma_wait3A_402 = arith.constant 0 : i32
      %dma_wait3A_403 = tpu.memref_slice %arg10[%dma_wait3A_401, %dma_wait3A_402] : memref<2048x16xf32, #tpu.memory_space<vmem>> -> memref<128x16xf32, #tpu.memory_space<vmem>>
      %dma_wait3A_404 = arith.constant 1664 : i32
      %dma_wait3A_405 = tpu.memref_slice %arg8[%dma_wait3A_404] : memref<2048xi32, #tpu.memory_space<vmem>> -> memref<128xi32, #tpu.memory_space<vmem>>
      %dma_wait3A_406 = arith.constant 0 : i32
      %dma_wait3A_407 = arith.constant 0 : i32
      %dma_wait3A_408 = tpu.memref_slice %arg3[%dma_wait3A_406, %dma_wait3A_407] : memref<62500x16xf32, #tpu.memory_space<hbm>> -> memref<62500x16xf32, #tpu.memory_space<hbm>>
      tpu.wait_indirect_dma semaphore(%arg18 : memref<!tpu.dma_semaphore, #tpu.memory_space<semaphore_mem>>) src(%dma_wait3A_408 : memref<62500x16xf32, #tpu.memory_space<hbm>>) dst(%dma_wait3A_403 : memref<128x16xf32, #tpu.memory_space<vmem>>)
      %dma_wait3A_409 = arith.constant 1792 : i32
      %dma_wait3A_410 = arith.constant 0 : i32
      %dma_wait3A_411 = tpu.memref_slice %arg10[%dma_wait3A_409, %dma_wait3A_410] : memref<2048x16xf32, #tpu.memory_space<vmem>> -> memref<128x16xf32, #tpu.memory_space<vmem>>
      %dma_wait3A_412 = arith.constant 1792 : i32
      %dma_wait3A_413 = tpu.memref_slice %arg8[%dma_wait3A_412] : memref<2048xi32, #tpu.memory_space<vmem>> -> memref<128xi32, #tpu.memory_space<vmem>>
      %dma_wait3A_414 = arith.constant 0 : i32
      %dma_wait3A_415 = arith.constant 0 : i32
      %dma_wait3A_416 = tpu.memref_slice %arg3[%dma_wait3A_414, %dma_wait3A_415] : memref<62500x16xf32, #tpu.memory_space<hbm>> -> memref<62500x16xf32, #tpu.memory_space<hbm>>
      tpu.wait_indirect_dma semaphore(%arg18 : memref<!tpu.dma_semaphore, #tpu.memory_space<semaphore_mem>>) src(%dma_wait3A_416 : memref<62500x16xf32, #tpu.memory_space<hbm>>) dst(%dma_wait3A_411 : memref<128x16xf32, #tpu.memory_space<vmem>>)
      %dma_wait3A_417 = arith.constant 1920 : i32
      %dma_wait3A_418 = arith.constant 0 : i32
      %dma_wait3A_419 = tpu.memref_slice %arg10[%dma_wait3A_417, %dma_wait3A_418] : memref<2048x16xf32, #tpu.memory_space<vmem>> -> memref<128x16xf32, #tpu.memory_space<vmem>>
      %dma_wait3A_420 = arith.constant 1920 : i32
      %dma_wait3A_421 = tpu.memref_slice %arg8[%dma_wait3A_420] : memref<2048xi32, #tpu.memory_space<vmem>> -> memref<128xi32, #tpu.memory_space<vmem>>
      %dma_wait3A_422 = arith.constant 0 : i32
      %dma_wait3A_423 = arith.constant 0 : i32
      %dma_wait3A_424 = tpu.memref_slice %arg3[%dma_wait3A_422, %dma_wait3A_423] : memref<62500x16xf32, #tpu.memory_space<hbm>> -> memref<62500x16xf32, #tpu.memory_space<hbm>>
      tpu.wait_indirect_dma semaphore(%arg18 : memref<!tpu.dma_semaphore, #tpu.memory_space<semaphore_mem>>) src(%dma_wait3A_424 : memref<62500x16xf32, #tpu.memory_space<hbm>>) dst(%dma_wait3A_419 : memref<128x16xf32, #tpu.memory_space<vmem>>)
      %gt3A = arith.constant 0 : i32
      %gt3A_425 = arith.cmpi sgt, %scan3A_157, %gt3A : i32
      %convert_element_type3A = arith.extui %gt3A_425 : i1 to i32
      %cond3A = arith.constant 0 : i32
      %cond3A_426 = arith.cmpi ne, %convert_element_type3A, %cond3A : i32
      scf.if %cond3A_426 {
        %dma_wait3A_585 = arith.constant 0 : i32
        %dma_wait3A_586 = tpu.memref_slice %arg5[%dma_wait3A_585] : memref<13631488xf32, #tpu.memory_space<hbm>> -> memref<16384xf32, #tpu.memory_space<hbm>>
        %dma_wait3A_587 = arith.constant 0 : i32
        %dma_wait3A_588 = tpu.memref_slice %arg5[%dma_wait3A_587] : memref<13631488xf32, #tpu.memory_space<hbm>> -> memref<16384xf32, #tpu.memory_space<hbm>>
        tpu.wait_dma2 semaphore(%arg20 : memref<!tpu.dma_semaphore, #tpu.memory_space<semaphore_mem>>) src(%arg16 : memref<16384xf32, #tpu.memory_space<vmem>>) dst(%dma_wait3A_588 : memref<16384xf32, #tpu.memory_space<hbm>>)
      } else {
      }
      %parallel_loop3A = arith.constant 0 : i32
      %parallel_loop3A_427 = arith.constant 32 : i32
      %parallel_loop3A_428 = arith.constant 1 : i32
      scf.for %parallel_loop3A_585 = %parallel_loop3A to %parallel_loop3A_427 step %parallel_loop3A_428  : i32 {
        %parallel_loop3A_586 = arith.constant 16 : i32
        %parallel_loop3A_587 = arith.muli %parallel_loop3A_585, %parallel_loop3A_586 : i32
        %parallel_loop3A_588 = arith.index_cast %parallel_loop3A_587 : i32 to index
        %parallel_loop3A_589 = tpu.vector_load %arg12[%parallel_loop3A_588] {strides = array<i32>} : memref<512xi32, #tpu.memory_space<vmem>>, vector<16xi32>,
        %parallel_loop3A_590 = vector.shape_cast %parallel_loop3A_589 : vector<16xi32> to vector<16xi32>
        %parallel_loop3A_591 = arith.constant 16 : i32
        %parallel_loop3A_592 = arith.muli %parallel_loop3A_585, %parallel_loop3A_591 : i32
        %parallel_loop3A_593 = arith.index_cast %parallel_loop3A_592 : i32 to index
        %parallel_loop3A_594 = tpu.vector_load %arg14[%parallel_loop3A_593] {strides = array<i32>} : memref<512xi32, #tpu.memory_space<vmem>>, vector<16xi32>,
        %parallel_loop3A_595 = vector.shape_cast %parallel_loop3A_594 : vector<16xi32> to vector<16xi32>
        %parallel_loop3A_596 = arith.constant 16 : i32
        %parallel_loop3A_597 = arith.muli %parallel_loop3A_585, %parallel_loop3A_596 : i32
        %parallel_loop3A_598 = arith.constant 0 : i32
        %parallel_loop3A_599 = arith.addi %parallel_loop3A_597, %parallel_loop3A_598 : i32
        %parallel_loop3A_600 = vector.extract_strided_slice %parallel_loop3A_590 {offsets = [0], sizes = [1], strides = [1]} : vector<16xi32> to vector<1xi32>
        %parallel_loop3A_601 = vector.extract %parallel_loop3A_600[0] : i32 from vector<1xi32>
        %parallel_loop3A_602 = vector.broadcast %parallel_loop3A_601 : i32 to vector<16xi32>
        %parallel_loop3A_603 = arith.constant 0 : i32
        %parallel_loop3A_604 = arith.addi %parallel_loop3A_603, %parallel_loop3A_599 : i32
        %parallel_loop3A_605 = arith.index_cast %parallel_loop3A_604 : i32 to index
        %parallel_loop3A_606 = arith.constant 0 : index
        %parallel_loop3A_607 = tpu.vector_load %arg10[%parallel_loop3A_605, %parallel_loop3A_606] {strides = array<i32>} : memref<2048x16xf32, #tpu.memory_space<vmem>>, vector<1x16xf32>,
        %parallel_loop3A_608 = vector.shape_cast %parallel_loop3A_607 : vector<1x16xf32> to vector<16xf32>
        %parallel_loop3A_609 = arith.constant 512 : i32
        %parallel_loop3A_610 = arith.addi %parallel_loop3A_609, %parallel_loop3A_599 : i32
        %parallel_loop3A_611 = arith.index_cast %parallel_loop3A_610 : i32 to index
        %parallel_loop3A_612 = arith.constant 0 : index
        %parallel_loop3A_613 = tpu.vector_load %arg10[%parallel_loop3A_611, %parallel_loop3A_612] {strides = array<i32>} : memref<2048x16xf32, #tpu.memory_space<vmem>>, vector<1x16xf32>,
        %parallel_loop3A_614 = vector.shape_cast %parallel_loop3A_613 : vector<1x16xf32> to vector<16xf32>
        %parallel_loop3A_615 = arith.cmpi sge, %iota3A, %parallel_loop3A_602 : vector<16xi32>
        %parallel_loop3A_616 = arith.select %parallel_loop3A_615, %parallel_loop3A_608, %parallel_loop3A_614 : vector<16xi1>, vector<16xf32>
        %parallel_loop3A_617 = arith.addi %parallel_loop3A_602, %iota3A : vector<16xi32>
        %parallel_loop3A_618 = arith.constant 15 : i32
        %parallel_loop3A_619 = vector.broadcast %parallel_loop3A_618 : i32 to vector<16xi32>
        %parallel_loop3A_620 = arith.andi %parallel_loop3A_617, %parallel_loop3A_619 : vector<16xi32>
        %parallel_loop3A_621 = vector.shape_cast %parallel_loop3A_620 : vector<16xi32> to vector<16x1xi32>
        %parallel_loop3A_622 = vector.shape_cast %parallel_loop3A_621 : vector<16x1xi32> to vector<16xi32>
        %parallel_loop3A_623 = tpu.dynamic_gather %parallel_loop3A_616[%parallel_loop3A_622] in [0] : vector<16xf32>, vector<16xi32> -> vector<16xf32>
        %parallel_loop3A_624 = arith.constant 32 : i32
        %parallel_loop3A_625 = arith.muli %parallel_loop3A_624, %parallel_loop3A_599 : i32
        %parallel_loop3A_626 = arith.constant 0 : i32
        %parallel_loop3A_627 = arith.addi %parallel_loop3A_625, %parallel_loop3A_626 : i32
        %parallel_loop3A_628 = arith.index_cast %parallel_loop3A_627 : i32 to index
        %parallel_loop3A_629 = tpu.vector_load %arg16[%parallel_loop3A_628] {strides = array<i32>} : memref<16384xf32, #tpu.memory_space<vmem>>, vector<16xf32>,
        %parallel_loop3A_630 = vector.shape_cast %parallel_loop3A_629 : vector<16xf32> to vector<16xf32>
        %parallel_loop3A_631 = vector.shape_cast %parallel_loop3A_623 : vector<16xf32> to vector<16xf32>
        tpu.vector_store %arg16[%parallel_loop3A_628], %parallel_loop3A_631 {strides = array<i32>} : memref<16384xf32, #tpu.memory_space<vmem>>, vector<16xf32>,
        %parallel_loop3A_632 = vector.extract_strided_slice %parallel_loop3A_595 {offsets = [0], sizes = [1], strides = [1]} : vector<16xi32> to vector<1xi32>
        %parallel_loop3A_633 = vector.extract %parallel_loop3A_632[0] : i32 from vector<1xi32>
        %parallel_loop3A_634 = vector.broadcast %parallel_loop3A_633 : i32 to vector<16xi32>
        %parallel_loop3A_635 = arith.constant 1024 : i32
        %parallel_loop3A_636 = arith.addi %parallel_loop3A_635, %parallel_loop3A_599 : i32
        %parallel_loop3A_637 = arith.index_cast %parallel_loop3A_636 : i32 to index
        %parallel_loop3A_638 = arith.constant 0 : index
        %parallel_loop3A_639 = tpu.vector_load %arg10[%parallel_loop3A_637, %parallel_loop3A_638] {strides = array<i32>} : memref<2048x16xf32, #tpu.memory_space<vmem>>, vector<1x16xf32>,
        %parallel_loop3A_640 = vector.shape_cast %parallel_loop3A_639 : vector<1x16xf32> to vector<16xf32>
        %parallel_loop3A_641 = arith.constant 1536 : i32
        %parallel_loop3A_642 = arith.addi %parallel_loop3A_641, %parallel_loop3A_599 : i32
        %parallel_loop3A_643 = arith.index_cast %parallel_loop3A_642 : i32 to index
        %parallel_loop3A_644 = arith.constant 0 : index
        %parallel_loop3A_645 = tpu.vector_load %arg10[%parallel_loop3A_643, %parallel_loop3A_644] {strides = array<i32>} : memref<2048x16xf32, #tpu.memory_space<vmem>>, vector<1x16xf32>,
        %parallel_loop3A_646 = vector.shape_cast %parallel_loop3A_645 : vector<1x16xf32> to vector<16xf32>
        %parallel_loop3A_647 = arith.cmpi sge, %iota3A, %parallel_loop3A_634 : vector<16xi32>
        %parallel_loop3A_648 = arith.select %parallel_loop3A_647, %parallel_loop3A_640, %parallel_loop3A_646 : vector<16xi1>, vector<16xf32>
        %parallel_loop3A_649 = arith.addi %parallel_loop3A_634, %iota3A : vector<16xi32>
        %parallel_loop3A_650 = arith.constant 15 : i32
        %parallel_loop3A_651 = vector.broadcast %parallel_loop3A_650 : i32 to vector<16xi32>
        %parallel_loop3A_652 = arith.andi %parallel_loop3A_649, %parallel_loop3A_651 : vector<16xi32>
        %parallel_loop3A_653 = vector.shape_cast %parallel_loop3A_652 : vector<16xi32> to vector<16x1xi32>
        %parallel_loop3A_654 = vector.shape_cast %parallel_loop3A_653 : vector<16x1xi32> to vector<16xi32>
        %parallel_loop3A_655 = tpu.dynamic_gather %parallel_loop3A_648[%parallel_loop3A_654] in [0] : vector<16xf32>, vector<16xi32> -> vector<16xf32>
        %parallel_loop3A_656 = arith.constant 32 : i32
        %parallel_loop3A_657 = arith.muli %parallel_loop3A_656, %parallel_loop3A_599 : i32
        %parallel_loop3A_658 = arith.constant 16 : i32
        %parallel_loop3A_659 = arith.addi %parallel_loop3A_657, %parallel_loop3A_658 : i32
        %parallel_loop3A_660 = arith.index_cast %parallel_loop3A_659 : i32 to index
        %parallel_loop3A_661 = tpu.vector_load %arg16[%parallel_loop3A_660] {strides = array<i32>} : memref<16384xf32, #tpu.memory_space<vmem>>, vector<16xf32>,
        %parallel_loop3A_662 = vector.shape_cast %parallel_loop3A_661 : vector<16xf32> to vector<16xf32>
        %parallel_loop3A_663 = vector.shape_cast %parallel_loop3A_655 : vector<16xf32> to vector<16xf32>
        tpu.vector_store %arg16[%parallel_loop3A_660], %parallel_loop3A_663 {strides = array<i32>} : memref<16384xf32, #tpu.memory_space<vmem>>, vector<16xf32>,
        %parallel_loop3A_664 = arith.constant 16 : i32
        %parallel_loop3A_665 = arith.muli %parallel_loop3A_585, %parallel_loop3A_664 : i32
        %parallel_loop3A_666 = arith.constant 1 : i32
        %parallel_loop3A_667 = arith.addi %parallel_loop3A_665, %parallel_loop3A_666 : i32
        %parallel_loop3A_668 = vector.extract_strided_slice %parallel_loop3A_590 {offsets = [1], sizes = [1], strides = [1]} : vector<16xi32> to vector<1xi32>
        %parallel_loop3A_669 = vector.extract %parallel_loop3A_668[0] : i32 from vector<1xi32>
        %parallel_loop3A_670 = vector.broadcast %parallel_loop3A_669 : i32 to vector<16xi32>
        %parallel_loop3A_671 = arith.constant 0 : i32
        %parallel_loop3A_672 = arith.addi %parallel_loop3A_671, %parallel_loop3A_667 : i32
        %parallel_loop3A_673 = arith.index_cast %parallel_loop3A_672 : i32 to index
        %parallel_loop3A_674 = arith.constant 0 : index
        %parallel_loop3A_675 = tpu.vector_load %arg10[%parallel_loop3A_673, %parallel_loop3A_674] {strides = array<i32>} : memref<2048x16xf32, #tpu.memory_space<vmem>>, vector<1x16xf32>,
        %parallel_loop3A_676 = vector.shape_cast %parallel_loop3A_675 : vector<1x16xf32> to vector<16xf32>
        %parallel_loop3A_677 = arith.constant 512 : i32
        %parallel_loop3A_678 = arith.addi %parallel_loop3A_677, %parallel_loop3A_667 : i32
        %parallel_loop3A_679 = arith.index_cast %parallel_loop3A_678 : i32 to index
        %parallel_loop3A_680 = arith.constant 0 : index
        %parallel_loop3A_681 = tpu.vector_load %arg10[%parallel_loop3A_679, %parallel_loop3A_680] {strides = array<i32>} : memref<2048x16xf32, #tpu.memory_space<vmem>>, vector<1x16xf32>,
        %parallel_loop3A_682 = vector.shape_cast %parallel_loop3A_681 : vector<1x16xf32> to vector<16xf32>
        %parallel_loop3A_683 = arith.cmpi sge, %iota3A, %parallel_loop3A_670 : vector<16xi32>
        %parallel_loop3A_684 = arith.select %parallel_loop3A_683, %parallel_loop3A_676, %parallel_loop3A_682 : vector<16xi1>, vector<16xf32>
        %parallel_loop3A_685 = arith.addi %parallel_loop3A_670, %iota3A : vector<16xi32>
        %parallel_loop3A_686 = arith.constant 15 : i32
        %parallel_loop3A_687 = vector.broadcast %parallel_loop3A_686 : i32 to vector<16xi32>
        %parallel_loop3A_688 = arith.andi %parallel_loop3A_685, %parallel_loop3A_687 : vector<16xi32>
        %parallel_loop3A_689 = vector.shape_cast %parallel_loop3A_688 : vector<16xi32> to vector<16x1xi32>
        %parallel_loop3A_690 = vector.shape_cast %parallel_loop3A_689 : vector<16x1xi32> to vector<16xi32>
        %parallel_loop3A_691 = tpu.dynamic_gather %parallel_loop3A_684[%parallel_loop3A_690] in [0] : vector<16xf32>, vector<16xi32> -> vector<16xf32>
        %parallel_loop3A_692 = arith.constant 32 : i32
        %parallel_loop3A_693 = arith.muli %parallel_loop3A_692, %parallel_loop3A_667 : i32
        %parallel_loop3A_694 = arith.constant 0 : i32
        %parallel_loop3A_695 = arith.addi %parallel_loop3A_693, %parallel_loop3A_694 : i32
        %parallel_loop3A_696 = arith.index_cast %parallel_loop3A_695 : i32 to index
        %parallel_loop3A_697 = tpu.vector_load %arg16[%parallel_loop3A_696] {strides = array<i32>} : memref<16384xf32, #tpu.memory_space<vmem>>, vector<16xf32>,
        %parallel_loop3A_698 = vector.shape_cast %parallel_loop3A_697 : vector<16xf32> to vector<16xf32>
        %parallel_loop3A_699 = vector.shape_cast %parallel_loop3A_691 : vector<16xf32> to vector<16xf32>
        tpu.vector_store %arg16[%parallel_loop3A_696], %parallel_loop3A_699 {strides = array<i32>} : memref<16384xf32, #tpu.memory_space<vmem>>, vector<16xf32>,
        %parallel_loop3A_700 = vector.extract_strided_slice %parallel_loop3A_595 {offsets = [1], sizes = [1], strides = [1]} : vector<16xi32> to vector<1xi32>
        %parallel_loop3A_701 = vector.extract %parallel_loop3A_700[0] : i32 from vector<1xi32>
        %parallel_loop3A_702 = vector.broadcast %parallel_loop3A_701 : i32 to vector<16xi32>
        %parallel_loop3A_703 = arith.constant 1024 : i32
        %parallel_loop3A_704 = arith.addi %parallel_loop3A_703, %parallel_loop3A_667 : i32
        %parallel_loop3A_705 = arith.index_cast %parallel_loop3A_704 : i32 to index
        %parallel_loop3A_706 = arith.constant 0 : index
        %parallel_loop3A_707 = tpu.vector_load %arg10[%parallel_loop3A_705, %parallel_loop3A_706] {strides = array<i32>} : memref<2048x16xf32, #tpu.memory_space<vmem>>, vector<1x16xf32>,
        %parallel_loop3A_708 = vector.shape_cast %parallel_loop3A_707 : vector<1x16xf32> to vector<16xf32>
        %parallel_loop3A_709 = arith.constant 1536 : i32
        %parallel_loop3A_710 = arith.addi %parallel_loop3A_709, %parallel_loop3A_667 : i32
        %parallel_loop3A_711 = arith.index_cast %parallel_loop3A_710 : i32 to index
        %parallel_loop3A_712 = arith.constant 0 : index
        %parallel_loop3A_713 = tpu.vector_load %arg10[%parallel_loop3A_711, %parallel_loop3A_712] {strides = array<i32>} : memref<2048x16xf32, #tpu.memory_space<vmem>>, vector<1x16xf32>,
        %parallel_loop3A_714 = vector.shape_cast %parallel_loop3A_713 : vector<1x16xf32> to vector<16xf32>
        %parallel_loop3A_715 = arith.cmpi sge, %iota3A, %parallel_loop3A_702 : vector<16xi32>
        %parallel_loop3A_716 = arith.select %parallel_loop3A_715, %parallel_loop3A_708, %parallel_loop3A_714 : vector<16xi1>, vector<16xf32>
        %parallel_loop3A_717 = arith.addi %parallel_loop3A_702, %iota3A : vector<16xi32>
        %parallel_loop3A_718 = arith.constant 15 : i32
        %parallel_loop3A_719 = vector.broadcast %parallel_loop3A_718 : i32 to vector<16xi32>
        %parallel_loop3A_720 = arith.andi %parallel_loop3A_717, %parallel_loop3A_719 : vector<16xi32>
        %parallel_loop3A_721 = vector.shape_cast %parallel_loop3A_720 : vector<16xi32> to vector<16x1xi32>
        %parallel_loop3A_722 = vector.shape_cast %parallel_loop3A_721 : vector<16x1xi32> to vector<16xi32>
        %parallel_loop3A_723 = tpu.dynamic_gather %parallel_loop3A_716[%parallel_loop3A_722] in [0] : vector<16xf32>, vector<16xi32> -> vector<16xf32>
        %parallel_loop3A_724 = arith.constant 32 : i32
        %parallel_loop3A_725 = arith.muli %parallel_loop3A_724, %parallel_loop3A_667 : i32
        %parallel_loop3A_726 = arith.constant 16 : i32
        %parallel_loop3A_727 = arith.addi %parallel_loop3A_725, %parallel_loop3A_726 : i32
        %parallel_loop3A_728 = arith.index_cast %parallel_loop3A_727 : i32 to index
        %parallel_loop3A_729 = tpu.vector_load %arg16[%parallel_loop3A_728] {strides = array<i32>} : memref<16384xf32, #tpu.memory_space<vmem>>, vector<16xf32>,
        %parallel_loop3A_730 = vector.shape_cast %parallel_loop3A_729 : vector<16xf32> to vector<16xf32>
        %parallel_loop3A_731 = vector.shape_cast %parallel_loop3A_723 : vector<16xf32> to vector<16xf32>
        tpu.vector_store %arg16[%parallel_loop3A_728], %parallel_loop3A_731 {strides = array<i32>} : memref<16384xf32, #tpu.memory_space<vmem>>, vector<16xf32>,
        %parallel_loop3A_732 = arith.constant 16 : i32
        %parallel_loop3A_733 = arith.muli %parallel_loop3A_585, %parallel_loop3A_732 : i32
        %parallel_loop3A_734 = arith.constant 2 : i32
        %parallel_loop3A_735 = arith.addi %parallel_loop3A_733, %parallel_loop3A_734 : i32
        %parallel_loop3A_736 = vector.extract_strided_slice %parallel_loop3A_590 {offsets = [2], sizes = [1], strides = [1]} : vector<16xi32> to vector<1xi32>
        %parallel_loop3A_737 = vector.extract %parallel_loop3A_736[0] : i32 from vector<1xi32>
        %parallel_loop3A_738 = vector.broadcast %parallel_loop3A_737 : i32 to vector<16xi32>
        %parallel_loop3A_739 = arith.constant 0 : i32
        %parallel_loop3A_740 = arith.addi %parallel_loop3A_739, %parallel_loop3A_735 : i32
        %parallel_loop3A_741 = arith.index_cast %parallel_loop3A_740 : i32 to index
        %parallel_loop3A_742 = arith.constant 0 : index
        %parallel_loop3A_743 = tpu.vector_load %arg10[%parallel_loop3A_741, %parallel_loop3A_742] {strides = array<i32>} : memref<2048x16xf32, #tpu.memory_space<vmem>>, vector<1x16xf32>,
        %parallel_loop3A_744 = vector.shape_cast %parallel_loop3A_743 : vector<1x16xf32> to vector<16xf32>
        %parallel_loop3A_745 = arith.constant 512 : i32
        %parallel_loop3A_746 = arith.addi %parallel_loop3A_745, %parallel_loop3A_735 : i32
        %parallel_loop3A_747 = arith.index_cast %parallel_loop3A_746 : i32 to index
        %parallel_loop3A_748 = arith.constant 0 : index
        %parallel_loop3A_749 = tpu.vector_load %arg10[%parallel_loop3A_747, %parallel_loop3A_748] {strides = array<i32>} : memref<2048x16xf32, #tpu.memory_space<vmem>>, vector<1x16xf32>,
        %parallel_loop3A_750 = vector.shape_cast %parallel_loop3A_749 : vector<1x16xf32> to vector<16xf32>
        %parallel_loop3A_751 = arith.cmpi sge, %iota3A, %parallel_loop3A_738 : vector<16xi32>
        %parallel_loop3A_752 = arith.select %parallel_loop3A_751, %parallel_loop3A_744, %parallel_loop3A_750 : vector<16xi1>, vector<16xf32>
        %parallel_loop3A_753 = arith.addi %parallel_loop3A_738, %iota3A : vector<16xi32>
        %parallel_loop3A_754 = arith.constant 15 : i32
        %parallel_loop3A_755 = vector.broadcast %parallel_loop3A_754 : i32 to vector<16xi32>
        %parallel_loop3A_756 = arith.andi %parallel_loop3A_753, %parallel_loop3A_755 : vector<16xi32>
        %parallel_loop3A_757 = vector.shape_cast %parallel_loop3A_756 : vector<16xi32> to vector<16x1xi32>
        %parallel_loop3A_758 = vector.shape_cast %parallel_loop3A_757 : vector<16x1xi32> to vector<16xi32>
        %parallel_loop3A_759 = tpu.dynamic_gather %parallel_loop3A_752[%parallel_loop3A_758] in [0] : vector<16xf32>, vector<16xi32> -> vector<16xf32>
        %parallel_loop3A_760 = arith.constant 32 : i32
        %parallel_loop3A_761 = arith.muli %parallel_loop3A_760, %parallel_loop3A_735 : i32
        %parallel_loop3A_762 = arith.constant 0 : i32
        %parallel_loop3A_763 = arith.addi %parallel_loop3A_761, %parallel_loop3A_762 : i32
        %parallel_loop3A_764 = arith.index_cast %parallel_loop3A_763 : i32 to index
        %parallel_loop3A_765 = tpu.vector_load %arg16[%parallel_loop3A_764] {strides = array<i32>} : memref<16384xf32, #tpu.memory_space<vmem>>, vector<16xf32>,
        %parallel_loop3A_766 = vector.shape_cast %parallel_loop3A_765 : vector<16xf32> to vector<16xf32>
        %parallel_loop3A_767 = vector.shape_cast %parallel_loop3A_759 : vector<16xf32> to vector<16xf32>
        tpu.vector_store %arg16[%parallel_loop3A_764], %parallel_loop3A_767 {strides = array<i32>} : memref<16384xf32, #tpu.memory_space<vmem>>, vector<16xf32>,
        %parallel_loop3A_768 = vector.extract_strided_slice %parallel_loop3A_595 {offsets = [2], sizes = [1], strides = [1]} : vector<16xi32> to vector<1xi32>
        %parallel_loop3A_769 = vector.extract %parallel_loop3A_768[0] : i32 from vector<1xi32>
        %parallel_loop3A_770 = vector.broadcast %parallel_loop3A_769 : i32 to vector<16xi32>
        %parallel_loop3A_771 = arith.constant 1024 : i32
        %parallel_loop3A_772 = arith.addi %parallel_loop3A_771, %parallel_loop3A_735 : i32
        %parallel_loop3A_773 = arith.index_cast %parallel_loop3A_772 : i32 to index
        %parallel_loop3A_774 = arith.constant 0 : index
        %parallel_loop3A_775 = tpu.vector_load %arg10[%parallel_loop3A_773, %parallel_loop3A_774] {strides = array<i32>} : memref<2048x16xf32, #tpu.memory_space<vmem>>, vector<1x16xf32>,
        %parallel_loop3A_776 = vector.shape_cast %parallel_loop3A_775 : vector<1x16xf32> to vector<16xf32>
        %parallel_loop3A_777 = arith.constant 1536 : i32
        %parallel_loop3A_778 = arith.addi %parallel_loop3A_777, %parallel_loop3A_735 : i32
        %parallel_loop3A_779 = arith.index_cast %parallel_loop3A_778 : i32 to index
        %parallel_loop3A_780 = arith.constant 0 : index
        %parallel_loop3A_781 = tpu.vector_load %arg10[%parallel_loop3A_779, %parallel_loop3A_780] {strides = array<i32>} : memref<2048x16xf32, #tpu.memory_space<vmem>>, vector<1x16xf32>,
        %parallel_loop3A_782 = vector.shape_cast %parallel_loop3A_781 : vector<1x16xf32> to vector<16xf32>
        %parallel_loop3A_783 = arith.cmpi sge, %iota3A, %parallel_loop3A_770 : vector<16xi32>
        %parallel_loop3A_784 = arith.select %parallel_loop3A_783, %parallel_loop3A_776, %parallel_loop3A_782 : vector<16xi1>, vector<16xf32>
        %parallel_loop3A_785 = arith.addi %parallel_loop3A_770, %iota3A : vector<16xi32>
        %parallel_loop3A_786 = arith.constant 15 : i32
        %parallel_loop3A_787 = vector.broadcast %parallel_loop3A_786 : i32 to vector<16xi32>
        %parallel_loop3A_788 = arith.andi %parallel_loop3A_785, %parallel_loop3A_787 : vector<16xi32>
        %parallel_loop3A_789 = vector.shape_cast %parallel_loop3A_788 : vector<16xi32> to vector<16x1xi32>
        %parallel_loop3A_790 = vector.shape_cast %parallel_loop3A_789 : vector<16x1xi32> to vector<16xi32>
        %parallel_loop3A_791 = tpu.dynamic_gather %parallel_loop3A_784[%parallel_loop3A_790] in [0] : vector<16xf32>, vector<16xi32> -> vector<16xf32>
        %parallel_loop3A_792 = arith.constant 32 : i32
        %parallel_loop3A_793 = arith.muli %parallel_loop3A_792, %parallel_loop3A_735 : i32
        %parallel_loop3A_794 = arith.constant 16 : i32
        %parallel_loop3A_795 = arith.addi %parallel_loop3A_793, %parallel_loop3A_794 : i32
        %parallel_loop3A_796 = arith.index_cast %parallel_loop3A_795 : i32 to index
        %parallel_loop3A_797 = tpu.vector_load %arg16[%parallel_loop3A_796] {strides = array<i32>} : memref<16384xf32, #tpu.memory_space<vmem>>, vector<16xf32>,
        %parallel_loop3A_798 = vector.shape_cast %parallel_loop3A_797 : vector<16xf32> to vector<16xf32>
        %parallel_loop3A_799 = vector.shape_cast %parallel_loop3A_791 : vector<16xf32> to vector<16xf32>
        tpu.vector_store %arg16[%parallel_loop3A_796], %parallel_loop3A_799 {strides = array<i32>} : memref<16384xf32, #tpu.memory_space<vmem>>, vector<16xf32>,
        %parallel_loop3A_800 = arith.constant 16 : i32
        %parallel_loop3A_801 = arith.muli %parallel_loop3A_585, %parallel_loop3A_800 : i32
        %parallel_loop3A_802 = arith.constant 3 : i32
        %parallel_loop3A_803 = arith.addi %parallel_loop3A_801, %parallel_loop3A_802 : i32
        %parallel_loop3A_804 = vector.extract_strided_slice %parallel_loop3A_590 {offsets = [3], sizes = [1], strides = [1]} : vector<16xi32> to vector<1xi32>
        %parallel_loop3A_805 = vector.extract %parallel_loop3A_804[0] : i32 from vector<1xi32>
        %parallel_loop3A_806 = vector.broadcast %parallel_loop3A_805 : i32 to vector<16xi32>
        %parallel_loop3A_807 = arith.constant 0 : i32
        %parallel_loop3A_808 = arith.addi %parallel_loop3A_807, %parallel_loop3A_803 : i32
        %parallel_loop3A_809 = arith.index_cast %parallel_loop3A_808 : i32 to index
        %parallel_loop3A_810 = arith.constant 0 : index
        %parallel_loop3A_811 = tpu.vector_load %arg10[%parallel_loop3A_809, %parallel_loop3A_810] {strides = array<i32>} : memref<2048x16xf32, #tpu.memory_space<vmem>>, vector<1x16xf32>,
        %parallel_loop3A_812 = vector.shape_cast %parallel_loop3A_811 : vector<1x16xf32> to vector<16xf32>
        %parallel_loop3A_813 = arith.constant 512 : i32
        %parallel_loop3A_814 = arith.addi %parallel_loop3A_813, %parallel_loop3A_803 : i32
        %parallel_loop3A_815 = arith.index_cast %parallel_loop3A_814 : i32 to index
        %parallel_loop3A_816 = arith.constant 0 : index
        %parallel_loop3A_817 = tpu.vector_load %arg10[%parallel_loop3A_815, %parallel_loop3A_816] {strides = array<i32>} : memref<2048x16xf32, #tpu.memory_space<vmem>>, vector<1x16xf32>,
        %parallel_loop3A_818 = vector.shape_cast %parallel_loop3A_817 : vector<1x16xf32> to vector<16xf32>
        %parallel_loop3A_819 = arith.cmpi sge, %iota3A, %parallel_loop3A_806 : vector<16xi32>
        %parallel_loop3A_820 = arith.select %parallel_loop3A_819, %parallel_loop3A_812, %parallel_loop3A_818 : vector<16xi1>, vector<16xf32>
        %parallel_loop3A_821 = arith.addi %parallel_loop3A_806, %iota3A : vector<16xi32>
        %parallel_loop3A_822 = arith.constant 15 : i32
        %parallel_loop3A_823 = vector.broadcast %parallel_loop3A_822 : i32 to vector<16xi32>
        %parallel_loop3A_824 = arith.andi %parallel_loop3A_821, %parallel_loop3A_823 : vector<16xi32>
        %parallel_loop3A_825 = vector.shape_cast %parallel_loop3A_824 : vector<16xi32> to vector<16x1xi32>
        %parallel_loop3A_826 = vector.shape_cast %parallel_loop3A_825 : vector<16x1xi32> to vector<16xi32>
        %parallel_loop3A_827 = tpu.dynamic_gather %parallel_loop3A_820[%parallel_loop3A_826] in [0] : vector<16xf32>, vector<16xi32> -> vector<16xf32>
        %parallel_loop3A_828 = arith.constant 32 : i32
        %parallel_loop3A_829 = arith.muli %parallel_loop3A_828, %parallel_loop3A_803 : i32
        %parallel_loop3A_830 = arith.constant 0 : i32
        %parallel_loop3A_831 = arith.addi %parallel_loop3A_829, %parallel_loop3A_830 : i32
        %parallel_loop3A_832 = arith.index_cast %parallel_loop3A_831 : i32 to index
        %parallel_loop3A_833 = tpu.vector_load %arg16[%parallel_loop3A_832] {strides = array<i32>} : memref<16384xf32, #tpu.memory_space<vmem>>, vector<16xf32>,
        %parallel_loop3A_834 = vector.shape_cast %parallel_loop3A_833 : vector<16xf32> to vector<16xf32>
        %parallel_loop3A_835 = vector.shape_cast %parallel_loop3A_827 : vector<16xf32> to vector<16xf32>
        tpu.vector_store %arg16[%parallel_loop3A_832], %parallel_loop3A_835 {strides = array<i32>} : memref<16384xf32, #tpu.memory_space<vmem>>, vector<16xf32>,
        %parallel_loop3A_836 = vector.extract_strided_slice %parallel_loop3A_595 {offsets = [3], sizes = [1], strides = [1]} : vector<16xi32> to vector<1xi32>
        %parallel_loop3A_837 = vector.extract %parallel_loop3A_836[0] : i32 from vector<1xi32>
        %parallel_loop3A_838 = vector.broadcast %parallel_loop3A_837 : i32 to vector<16xi32>
        %parallel_loop3A_839 = arith.constant 1024 : i32
        %parallel_loop3A_840 = arith.addi %parallel_loop3A_839, %parallel_loop3A_803 : i32
        %parallel_loop3A_841 = arith.index_cast %parallel_loop3A_840 : i32 to index
        %parallel_loop3A_842 = arith.constant 0 : index
        %parallel_loop3A_843 = tpu.vector_load %arg10[%parallel_loop3A_841, %parallel_loop3A_842] {strides = array<i32>} : memref<2048x16xf32, #tpu.memory_space<vmem>>, vector<1x16xf32>,
        %parallel_loop3A_844 = vector.shape_cast %parallel_loop3A_843 : vector<1x16xf32> to vector<16xf32>
        %parallel_loop3A_845 = arith.constant 1536 : i32
        %parallel_loop3A_846 = arith.addi %parallel_loop3A_845, %parallel_loop3A_803 : i32
        %parallel_loop3A_847 = arith.index_cast %parallel_loop3A_846 : i32 to index
        %parallel_loop3A_848 = arith.constant 0 : index
        %parallel_loop3A_849 = tpu.vector_load %arg10[%parallel_loop3A_847, %parallel_loop3A_848] {strides = array<i32>} : memref<2048x16xf32, #tpu.memory_space<vmem>>, vector<1x16xf32>,
        %parallel_loop3A_850 = vector.shape_cast %parallel_loop3A_849 : vector<1x16xf32> to vector<16xf32>
        %parallel_loop3A_851 = arith.cmpi sge, %iota3A, %parallel_loop3A_838 : vector<16xi32>
        %parallel_loop3A_852 = arith.select %parallel_loop3A_851, %parallel_loop3A_844, %parallel_loop3A_850 : vector<16xi1>, vector<16xf32>
        %parallel_loop3A_853 = arith.addi %parallel_loop3A_838, %iota3A : vector<16xi32>
        %parallel_loop3A_854 = arith.constant 15 : i32
        %parallel_loop3A_855 = vector.broadcast %parallel_loop3A_854 : i32 to vector<16xi32>
        %parallel_loop3A_856 = arith.andi %parallel_loop3A_853, %parallel_loop3A_855 : vector<16xi32>
        %parallel_loop3A_857 = vector.shape_cast %parallel_loop3A_856 : vector<16xi32> to vector<16x1xi32>
        %parallel_loop3A_858 = vector.shape_cast %parallel_loop3A_857 : vector<16x1xi32> to vector<16xi32>
        %parallel_loop3A_859 = tpu.dynamic_gather %parallel_loop3A_852[%parallel_loop3A_858] in [0] : vector<16xf32>, vector<16xi32> -> vector<16xf32>
        %parallel_loop3A_860 = arith.constant 32 : i32
        %parallel_loop3A_861 = arith.muli %parallel_loop3A_860, %parallel_loop3A_803 : i32
        %parallel_loop3A_862 = arith.constant 16 : i32
        %parallel_loop3A_863 = arith.addi %parallel_loop3A_861, %parallel_loop3A_862 : i32
        %parallel_loop3A_864 = arith.index_cast %parallel_loop3A_863 : i32 to index
        %parallel_loop3A_865 = tpu.vector_load %arg16[%parallel_loop3A_864] {strides = array<i32>} : memref<16384xf32, #tpu.memory_space<vmem>>, vector<16xf32>,
        %parallel_loop3A_866 = vector.shape_cast %parallel_loop3A_865 : vector<16xf32> to vector<16xf32>
        %parallel_loop3A_867 = vector.shape_cast %parallel_loop3A_859 : vector<16xf32> to vector<16xf32>
        tpu.vector_store %arg16[%parallel_loop3A_864], %parallel_loop3A_867 {strides = array<i32>} : memref<16384xf32, #tpu.memory_space<vmem>>, vector<16xf32>,
        %parallel_loop3A_868 = arith.constant 16 : i32
        %parallel_loop3A_869 = arith.muli %parallel_loop3A_585, %parallel_loop3A_868 : i32
        %parallel_loop3A_870 = arith.constant 4 : i32
        %parallel_loop3A_871 = arith.addi %parallel_loop3A_869, %parallel_loop3A_870 : i32
        %parallel_loop3A_872 = vector.extract_strided_slice %parallel_loop3A_590 {offsets = [4], sizes = [1], strides = [1]} : vector<16xi32> to vector<1xi32>
        %parallel_loop3A_873 = vector.extract %parallel_loop3A_872[0] : i32 from vector<1xi32>
        %parallel_loop3A_874 = vector.broadcast %parallel_loop3A_873 : i32 to vector<16xi32>
        %parallel_loop3A_875 = arith.constant 0 : i32
        %parallel_loop3A_876 = arith.addi %parallel_loop3A_875, %parallel_loop3A_871 : i32
        %parallel_loop3A_877 = arith.index_cast %parallel_loop3A_876 : i32 to index
        %parallel_loop3A_878 = arith.constant 0 : index
        %parallel_loop3A_879 = tpu.vector_load %arg10[%parallel_loop3A_877, %parallel_loop3A_878] {strides = array<i32>} : memref<2048x16xf32, #tpu.memory_space<vmem>>, vector<1x16xf32>,
        %parallel_loop3A_880 = vector.shape_cast %parallel_loop3A_879 : vector<1x16xf32> to vector<16xf32>
        %parallel_loop3A_881 = arith.constant 512 : i32
        %parallel_loop3A_882 = arith.addi %parallel_loop3A_881, %parallel_loop3A_871 : i32
        %parallel_loop3A_883 = arith.index_cast %parallel_loop3A_882 : i32 to index
        %parallel_loop3A_884 = arith.constant 0 : index
        %parallel_loop3A_885 = tpu.vector_load %arg10[%parallel_loop3A_883, %parallel_loop3A_884] {strides = array<i32>} : memref<2048x16xf32, #tpu.memory_space<vmem>>, vector<1x16xf32>,
        %parallel_loop3A_886 = vector.shape_cast %parallel_loop3A_885 : vector<1x16xf32> to vector<16xf32>
        %parallel_loop3A_887 = arith.cmpi sge, %iota3A, %parallel_loop3A_874 : vector<16xi32>
        %parallel_loop3A_888 = arith.select %parallel_loop3A_887, %parallel_loop3A_880, %parallel_loop3A_886 : vector<16xi1>, vector<16xf32>
        %parallel_loop3A_889 = arith.addi %parallel_loop3A_874, %iota3A : vector<16xi32>
        %parallel_loop3A_890 = arith.constant 15 : i32
        %parallel_loop3A_891 = vector.broadcast %parallel_loop3A_890 : i32 to vector<16xi32>
        %parallel_loop3A_892 = arith.andi %parallel_loop3A_889, %parallel_loop3A_891 : vector<16xi32>
        %parallel_loop3A_893 = vector.shape_cast %parallel_loop3A_892 : vector<16xi32> to vector<16x1xi32>
        %parallel_loop3A_894 = vector.shape_cast %parallel_loop3A_893 : vector<16x1xi32> to vector<16xi32>
        %parallel_loop3A_895 = tpu.dynamic_gather %parallel_loop3A_888[%parallel_loop3A_894] in [0] : vector<16xf32>, vector<16xi32> -> vector<16xf32>
        %parallel_loop3A_896 = arith.constant 32 : i32
        %parallel_loop3A_897 = arith.muli %parallel_loop3A_896, %parallel_loop3A_871 : i32
        %parallel_loop3A_898 = arith.constant 0 : i32
        %parallel_loop3A_899 = arith.addi %parallel_loop3A_897, %parallel_loop3A_898 : i32
        %parallel_loop3A_900 = arith.index_cast %parallel_loop3A_899 : i32 to index
        %parallel_loop3A_901 = tpu.vector_load %arg16[%parallel_loop3A_900] {strides = array<i32>} : memref<16384xf32, #tpu.memory_space<vmem>>, vector<16xf32>,
        %parallel_loop3A_902 = vector.shape_cast %parallel_loop3A_901 : vector<16xf32> to vector<16xf32>
        %parallel_loop3A_903 = vector.shape_cast %parallel_loop3A_895 : vector<16xf32> to vector<16xf32>
        tpu.vector_store %arg16[%parallel_loop3A_900], %parallel_loop3A_903 {strides = array<i32>} : memref<16384xf32, #tpu.memory_space<vmem>>, vector<16xf32>,
        %parallel_loop3A_904 = vector.extract_strided_slice %parallel_loop3A_595 {offsets = [4], sizes = [1], strides = [1]} : vector<16xi32> to vector<1xi32>
        %parallel_loop3A_905 = vector.extract %parallel_loop3A_904[0] : i32 from vector<1xi32>
        %parallel_loop3A_906 = vector.broadcast %parallel_loop3A_905 : i32 to vector<16xi32>
        %parallel_loop3A_907 = arith.constant 1024 : i32
        %parallel_loop3A_908 = arith.addi %parallel_loop3A_907, %parallel_loop3A_871 : i32
        %parallel_loop3A_909 = arith.index_cast %parallel_loop3A_908 : i32 to index
        %parallel_loop3A_910 = arith.constant 0 : index
        %parallel_loop3A_911 = tpu.vector_load %arg10[%parallel_loop3A_909, %parallel_loop3A_910] {strides = array<i32>} : memref<2048x16xf32, #tpu.memory_space<vmem>>, vector<1x16xf32>,
        %parallel_loop3A_912 = vector.shape_cast %parallel_loop3A_911 : vector<1x16xf32> to vector<16xf32>
        %parallel_loop3A_913 = arith.constant 1536 : i32
        %parallel_loop3A_914 = arith.addi %parallel_loop3A_913, %parallel_loop3A_871 : i32
        %parallel_loop3A_915 = arith.index_cast %parallel_loop3A_914 : i32 to index
        %parallel_loop3A_916 = arith.constant 0 : index
        %parallel_loop3A_917 = tpu.vector_load %arg10[%parallel_loop3A_915, %parallel_loop3A_916] {strides = array<i32>} : memref<2048x16xf32, #tpu.memory_space<vmem>>, vector<1x16xf32>,
        %parallel_loop3A_918 = vector.shape_cast %parallel_loop3A_917 : vector<1x16xf32> to vector<16xf32>
        %parallel_loop3A_919 = arith.cmpi sge, %iota3A, %parallel_loop3A_906 : vector<16xi32>
        %parallel_loop3A_920 = arith.select %parallel_loop3A_919, %parallel_loop3A_912, %parallel_loop3A_918 : vector<16xi1>, vector<16xf32>
        %parallel_loop3A_921 = arith.addi %parallel_loop3A_906, %iota3A : vector<16xi32>
        %parallel_loop3A_922 = arith.constant 15 : i32
        %parallel_loop3A_923 = vector.broadcast %parallel_loop3A_922 : i32 to vector<16xi32>
        %parallel_loop3A_924 = arith.andi %parallel_loop3A_921, %parallel_loop3A_923 : vector<16xi32>
        %parallel_loop3A_925 = vector.shape_cast %parallel_loop3A_924 : vector<16xi32> to vector<16x1xi32>
        %parallel_loop3A_926 = vector.shape_cast %parallel_loop3A_925 : vector<16x1xi32> to vector<16xi32>
        %parallel_loop3A_927 = tpu.dynamic_gather %parallel_loop3A_920[%parallel_loop3A_926] in [0] : vector<16xf32>, vector<16xi32> -> vector<16xf32>
        %parallel_loop3A_928 = arith.constant 32 : i32
        %parallel_loop3A_929 = arith.muli %parallel_loop3A_928, %parallel_loop3A_871 : i32
        %parallel_loop3A_930 = arith.constant 16 : i32
        %parallel_loop3A_931 = arith.addi %parallel_loop3A_929, %parallel_loop3A_930 : i32
        %parallel_loop3A_932 = arith.index_cast %parallel_loop3A_931 : i32 to index
        %parallel_loop3A_933 = tpu.vector_load %arg16[%parallel_loop3A_932] {strides = array<i32>} : memref<16384xf32, #tpu.memory_space<vmem>>, vector<16xf32>,
        %parallel_loop3A_934 = vector.shape_cast %parallel_loop3A_933 : vector<16xf32> to vector<16xf32>
        %parallel_loop3A_935 = vector.shape_cast %parallel_loop3A_927 : vector<16xf32> to vector<16xf32>
        tpu.vector_store %arg16[%parallel_loop3A_932], %parallel_loop3A_935 {strides = array<i32>} : memref<16384xf32, #tpu.memory_space<vmem>>, vector<16xf32>,
        %parallel_loop3A_936 = arith.constant 16 : i32
        %parallel_loop3A_937 = arith.muli %parallel_loop3A_585, %parallel_loop3A_936 : i32
        %parallel_loop3A_938 = arith.constant 5 : i32
        %parallel_loop3A_939 = arith.addi %parallel_loop3A_937, %parallel_loop3A_938 : i32
        %parallel_loop3A_940 = vector.extract_strided_slice %parallel_loop3A_590 {offsets = [5], sizes = [1], strides = [1]} : vector<16xi32> to vector<1xi32>
        %parallel_loop3A_941 = vector.extract %parallel_loop3A_940[0] : i32 from vector<1xi32>
        %parallel_loop3A_942 = vector.broadcast %parallel_loop3A_941 : i32 to vector<16xi32>
        %parallel_loop3A_943 = arith.constant 0 : i32
        %parallel_loop3A_944 = arith.addi %parallel_loop3A_943, %parallel_loop3A_939 : i32
        %parallel_loop3A_945 = arith.index_cast %parallel_loop3A_944 : i32 to index
        %parallel_loop3A_946 = arith.constant 0 : index
        %parallel_loop3A_947 = tpu.vector_load %arg10[%parallel_loop3A_945, %parallel_loop3A_946] {strides = array<i32>} : memref<2048x16xf32, #tpu.memory_space<vmem>>, vector<1x16xf32>,
        %parallel_loop3A_948 = vector.shape_cast %parallel_loop3A_947 : vector<1x16xf32> to vector<16xf32>
        %parallel_loop3A_949 = arith.constant 512 : i32
        %parallel_loop3A_950 = arith.addi %parallel_loop3A_949, %parallel_loop3A_939 : i32
        %parallel_loop3A_951 = arith.index_cast %parallel_loop3A_950 : i32 to index
        %parallel_loop3A_952 = arith.constant 0 : index
        %parallel_loop3A_953 = tpu.vector_load %arg10[%parallel_loop3A_951, %parallel_loop3A_952] {strides = array<i32>} : memref<2048x16xf32, #tpu.memory_space<vmem>>, vector<1x16xf32>,
        %parallel_loop3A_954 = vector.shape_cast %parallel_loop3A_953 : vector<1x16xf32> to vector<16xf32>
        %parallel_loop3A_955 = arith.cmpi sge, %iota3A, %parallel_loop3A_942 : vector<16xi32>
        %parallel_loop3A_956 = arith.select %parallel_loop3A_955, %parallel_loop3A_948, %parallel_loop3A_954 : vector<16xi1>, vector<16xf32>
        %parallel_loop3A_957 = arith.addi %parallel_loop3A_942, %iota3A : vector<16xi32>
        %parallel_loop3A_958 = arith.constant 15 : i32
        %parallel_loop3A_959 = vector.broadcast %parallel_loop3A_958 : i32 to vector<16xi32>
        %parallel_loop3A_960 = arith.andi %parallel_loop3A_957, %parallel_loop3A_959 : vector<16xi32>
        %parallel_loop3A_961 = vector.shape_cast %parallel_loop3A_960 : vector<16xi32> to vector<16x1xi32>
        %parallel_loop3A_962 = vector.shape_cast %parallel_loop3A_961 : vector<16x1xi32> to vector<16xi32>
        %parallel_loop3A_963 = tpu.dynamic_gather %parallel_loop3A_956[%parallel_loop3A_962] in [0] : vector<16xf32>, vector<16xi32> -> vector<16xf32>
        %parallel_loop3A_964 = arith.constant 32 : i32
        %parallel_loop3A_965 = arith.muli %parallel_loop3A_964, %parallel_loop3A_939 : i32
        %parallel_loop3A_966 = arith.constant 0 : i32
        %parallel_loop3A_967 = arith.addi %parallel_loop3A_965, %parallel_loop3A_966 : i32
        %parallel_loop3A_968 = arith.index_cast %parallel_loop3A_967 : i32 to index
        %parallel_loop3A_969 = tpu.vector_load %arg16[%parallel_loop3A_968] {strides = array<i32>} : memref<16384xf32, #tpu.memory_space<vmem>>, vector<16xf32>,
        %parallel_loop3A_970 = vector.shape_cast %parallel_loop3A_969 : vector<16xf32> to vector<16xf32>
        %parallel_loop3A_971 = vector.shape_cast %parallel_loop3A_963 : vector<16xf32> to vector<16xf32>
        tpu.vector_store %arg16[%parallel_loop3A_968], %parallel_loop3A_971 {strides = array<i32>} : memref<16384xf32, #tpu.memory_space<vmem>>, vector<16xf32>,
        %parallel_loop3A_972 = vector.extract_strided_slice %parallel_loop3A_595 {offsets = [5], sizes = [1], strides = [1]} : vector<16xi32> to vector<1xi32>
        %parallel_loop3A_973 = vector.extract %parallel_loop3A_972[0] : i32 from vector<1xi32>
        %parallel_loop3A_974 = vector.broadcast %parallel_loop3A_973 : i32 to vector<16xi32>
        %parallel_loop3A_975 = arith.constant 1024 : i32
        %parallel_loop3A_976 = arith.addi %parallel_loop3A_975, %parallel_loop3A_939 : i32
        %parallel_loop3A_977 = arith.index_cast %parallel_loop3A_976 : i32 to index
        %parallel_loop3A_978 = arith.constant 0 : index
        %parallel_loop3A_979 = tpu.vector_load %arg10[%parallel_loop3A_977, %parallel_loop3A_978] {strides = array<i32>} : memref<2048x16xf32, #tpu.memory_space<vmem>>, vector<1x16xf32>,
        %parallel_loop3A_980 = vector.shape_cast %parallel_loop3A_979 : vector<1x16xf32> to vector<16xf32>
        %parallel_loop3A_981 = arith.constant 1536 : i32
        %parallel_loop3A_982 = arith.addi %parallel_loop3A_981, %parallel_loop3A_939 : i32
        %parallel_loop3A_983 = arith.index_cast %parallel_loop3A_982 : i32 to index
        %parallel_loop3A_984 = arith.constant 0 : index
        %parallel_loop3A_985 = tpu.vector_load %arg10[%parallel_loop3A_983, %parallel_loop3A_984] {strides = array<i32>} : memref<2048x16xf32, #tpu.memory_space<vmem>>, vector<1x16xf32>,
        %parallel_loop3A_986 = vector.shape_cast %parallel_loop3A_985 : vector<1x16xf32> to vector<16xf32>
        %parallel_loop3A_987 = arith.cmpi sge, %iota3A, %parallel_loop3A_974 : vector<16xi32>
        %parallel_loop3A_988 = arith.select %parallel_loop3A_987, %parallel_loop3A_980, %parallel_loop3A_986 : vector<16xi1>, vector<16xf32>
        %parallel_loop3A_989 = arith.addi %parallel_loop3A_974, %iota3A : vector<16xi32>
        %parallel_loop3A_990 = arith.constant 15 : i32
        %parallel_loop3A_991 = vector.broadcast %parallel_loop3A_990 : i32 to vector<16xi32>
        %parallel_loop3A_992 = arith.andi %parallel_loop3A_989, %parallel_loop3A_991 : vector<16xi32>
        %parallel_loop3A_993 = vector.shape_cast %parallel_loop3A_992 : vector<16xi32> to vector<16x1xi32>
        %parallel_loop3A_994 = vector.shape_cast %parallel_loop3A_993 : vector<16x1xi32> to vector<16xi32>
        %parallel_loop3A_995 = tpu.dynamic_gather %parallel_loop3A_988[%parallel_loop3A_994] in [0] : vector<16xf32>, vector<16xi32> -> vector<16xf32>
        %parallel_loop3A_996 = arith.constant 32 : i32
        %parallel_loop3A_997 = arith.muli %parallel_loop3A_996, %parallel_loop3A_939 : i32
        %parallel_loop3A_998 = arith.constant 16 : i32
        %parallel_loop3A_999 = arith.addi %parallel_loop3A_997, %parallel_loop3A_998 : i32
        %parallel_loop3A_1000 = arith.index_cast %parallel_loop3A_999 : i32 to index
        %parallel_loop3A_1001 = tpu.vector_load %arg16[%parallel_loop3A_1000] {strides = array<i32>} : memref<16384xf32, #tpu.memory_space<vmem>>, vector<16xf32>,
        %parallel_loop3A_1002 = vector.shape_cast %parallel_loop3A_1001 : vector<16xf32> to vector<16xf32>
        %parallel_loop3A_1003 = vector.shape_cast %parallel_loop3A_995 : vector<16xf32> to vector<16xf32>
        tpu.vector_store %arg16[%parallel_loop3A_1000], %parallel_loop3A_1003 {strides = array<i32>} : memref<16384xf32, #tpu.memory_space<vmem>>, vector<16xf32>,
        %parallel_loop3A_1004 = arith.constant 16 : i32
        %parallel_loop3A_1005 = arith.muli %parallel_loop3A_585, %parallel_loop3A_1004 : i32
        %parallel_loop3A_1006 = arith.constant 6 : i32
        %parallel_loop3A_1007 = arith.addi %parallel_loop3A_1005, %parallel_loop3A_1006 : i32
        %parallel_loop3A_1008 = vector.extract_strided_slice %parallel_loop3A_590 {offsets = [6], sizes = [1], strides = [1]} : vector<16xi32> to vector<1xi32>
        %parallel_loop3A_1009 = vector.extract %parallel_loop3A_1008[0] : i32 from vector<1xi32>
        %parallel_loop3A_1010 = vector.broadcast %parallel_loop3A_1009 : i32 to vector<16xi32>
        %parallel_loop3A_1011 = arith.constant 0 : i32
        %parallel_loop3A_1012 = arith.addi %parallel_loop3A_1011, %parallel_loop3A_1007 : i32
        %parallel_loop3A_1013 = arith.index_cast %parallel_loop3A_1012 : i32 to index
        %parallel_loop3A_1014 = arith.constant 0 : index
        %parallel_loop3A_1015 = tpu.vector_load %arg10[%parallel_loop3A_1013, %parallel_loop3A_1014] {strides = array<i32>} : memref<2048x16xf32, #tpu.memory_space<vmem>>, vector<1x16xf32>,
        %parallel_loop3A_1016 = vector.shape_cast %parallel_loop3A_1015 : vector<1x16xf32> to vector<16xf32>
        %parallel_loop3A_1017 = arith.constant 512 : i32
        %parallel_loop3A_1018 = arith.addi %parallel_loop3A_1017, %parallel_loop3A_1007 : i32
        %parallel_loop3A_1019 = arith.index_cast %parallel_loop3A_1018 : i32 to index
        %parallel_loop3A_1020 = arith.constant 0 : index
        %parallel_loop3A_1021 = tpu.vector_load %arg10[%parallel_loop3A_1019, %parallel_loop3A_1020] {strides = array<i32>} : memref<2048x16xf32, #tpu.memory_space<vmem>>, vector<1x16xf32>,
        %parallel_loop3A_1022 = vector.shape_cast %parallel_loop3A_1021 : vector<1x16xf32> to vector<16xf32>
        %parallel_loop3A_1023 = arith.cmpi sge, %iota3A, %parallel_loop3A_1010 : vector<16xi32>
        %parallel_loop3A_1024 = arith.select %parallel_loop3A_1023, %parallel_loop3A_1016, %parallel_loop3A_1022 : vector<16xi1>, vector<16xf32>
        %parallel_loop3A_1025 = arith.addi %parallel_loop3A_1010, %iota3A : vector<16xi32>
        %parallel_loop3A_1026 = arith.constant 15 : i32
        %parallel_loop3A_1027 = vector.broadcast %parallel_loop3A_1026 : i32 to vector<16xi32>
        %parallel_loop3A_1028 = arith.andi %parallel_loop3A_1025, %parallel_loop3A_1027 : vector<16xi32>
        %parallel_loop3A_1029 = vector.shape_cast %parallel_loop3A_1028 : vector<16xi32> to vector<16x1xi32>
        %parallel_loop3A_1030 = vector.shape_cast %parallel_loop3A_1029 : vector<16x1xi32> to vector<16xi32>
        %parallel_loop3A_1031 = tpu.dynamic_gather %parallel_loop3A_1024[%parallel_loop3A_1030] in [0] : vector<16xf32>, vector<16xi32> -> vector<16xf32>
        %parallel_loop3A_1032 = arith.constant 32 : i32
        %parallel_loop3A_1033 = arith.muli %parallel_loop3A_1032, %parallel_loop3A_1007 : i32
        %parallel_loop3A_1034 = arith.constant 0 : i32
        %parallel_loop3A_1035 = arith.addi %parallel_loop3A_1033, %parallel_loop3A_1034 : i32
        %parallel_loop3A_1036 = arith.index_cast %parallel_loop3A_1035 : i32 to index
        %parallel_loop3A_1037 = tpu.vector_load %arg16[%parallel_loop3A_1036] {strides = array<i32>} : memref<16384xf32, #tpu.memory_space<vmem>>, vector<16xf32>,
        %parallel_loop3A_1038 = vector.shape_cast %parallel_loop3A_1037 : vector<16xf32> to vector<16xf32>
        %parallel_loop3A_1039 = vector.shape_cast %parallel_loop3A_1031 : vector<16xf32> to vector<16xf32>
        tpu.vector_store %arg16[%parallel_loop3A_1036], %parallel_loop3A_1039 {strides = array<i32>} : memref<16384xf32, #tpu.memory_space<vmem>>, vector<16xf32>,
        %parallel_loop3A_1040 = vector.extract_strided_slice %parallel_loop3A_595 {offsets = [6], sizes = [1], strides = [1]} : vector<16xi32> to vector<1xi32>
        %parallel_loop3A_1041 = vector.extract %parallel_loop3A_1040[0] : i32 from vector<1xi32>
        %parallel_loop3A_1042 = vector.broadcast %parallel_loop3A_1041 : i32 to vector<16xi32>
        %parallel_loop3A_1043 = arith.constant 1024 : i32
        %parallel_loop3A_1044 = arith.addi %parallel_loop3A_1043, %parallel_loop3A_1007 : i32
        %parallel_loop3A_1045 = arith.index_cast %parallel_loop3A_1044 : i32 to index
        %parallel_loop3A_1046 = arith.constant 0 : index
        %parallel_loop3A_1047 = tpu.vector_load %arg10[%parallel_loop3A_1045, %parallel_loop3A_1046] {strides = array<i32>} : memref<2048x16xf32, #tpu.memory_space<vmem>>, vector<1x16xf32>,
        %parallel_loop3A_1048 = vector.shape_cast %parallel_loop3A_1047 : vector<1x16xf32> to vector<16xf32>
        %parallel_loop3A_1049 = arith.constant 1536 : i32
        %parallel_loop3A_1050 = arith.addi %parallel_loop3A_1049, %parallel_loop3A_1007 : i32
        %parallel_loop3A_1051 = arith.index_cast %parallel_loop3A_1050 : i32 to index
        %parallel_loop3A_1052 = arith.constant 0 : index
        %parallel_loop3A_1053 = tpu.vector_load %arg10[%parallel_loop3A_1051, %parallel_loop3A_1052] {strides = array<i32>} : memref<2048x16xf32, #tpu.memory_space<vmem>>, vector<1x16xf32>,
        %parallel_loop3A_1054 = vector.shape_cast %parallel_loop3A_1053 : vector<1x16xf32> to vector<16xf32>
        %parallel_loop3A_1055 = arith.cmpi sge, %iota3A, %parallel_loop3A_1042 : vector<16xi32>
        %parallel_loop3A_1056 = arith.select %parallel_loop3A_1055, %parallel_loop3A_1048, %parallel_loop3A_1054 : vector<16xi1>, vector<16xf32>
        %parallel_loop3A_1057 = arith.addi %parallel_loop3A_1042, %iota3A : vector<16xi32>
        %parallel_loop3A_1058 = arith.constant 15 : i32
        %parallel_loop3A_1059 = vector.broadcast %parallel_loop3A_1058 : i32 to vector<16xi32>
        %parallel_loop3A_1060 = arith.andi %parallel_loop3A_1057, %parallel_loop3A_1059 : vector<16xi32>
        %parallel_loop3A_1061 = vector.shape_cast %parallel_loop3A_1060 : vector<16xi32> to vector<16x1xi32>
        %parallel_loop3A_1062 = vector.shape_cast %parallel_loop3A_1061 : vector<16x1xi32> to vector<16xi32>
        %parallel_loop3A_1063 = tpu.dynamic_gather %parallel_loop3A_1056[%parallel_loop3A_1062] in [0] : vector<16xf32>, vector<16xi32> -> vector<16xf32>
        %parallel_loop3A_1064 = arith.constant 32 : i32
        %parallel_loop3A_1065 = arith.muli %parallel_loop3A_1064, %parallel_loop3A_1007 : i32
        %parallel_loop3A_1066 = arith.constant 16 : i32
        %parallel_loop3A_1067 = arith.addi %parallel_loop3A_1065, %parallel_loop3A_1066 : i32
        %parallel_loop3A_1068 = arith.index_cast %parallel_loop3A_1067 : i32 to index
        %parallel_loop3A_1069 = tpu.vector_load %arg16[%parallel_loop3A_1068] {strides = array<i32>} : memref<16384xf32, #tpu.memory_space<vmem>>, vector<16xf32>,
        %parallel_loop3A_1070 = vector.shape_cast %parallel_loop3A_1069 : vector<16xf32> to vector<16xf32>
        %parallel_loop3A_1071 = vector.shape_cast %parallel_loop3A_1063 : vector<16xf32> to vector<16xf32>
        tpu.vector_store %arg16[%parallel_loop3A_1068], %parallel_loop3A_1071 {strides = array<i32>} : memref<16384xf32, #tpu.memory_space<vmem>>, vector<16xf32>,
        %parallel_loop3A_1072 = arith.constant 16 : i32
        %parallel_loop3A_1073 = arith.muli %parallel_loop3A_585, %parallel_loop3A_1072 : i32
        %parallel_loop3A_1074 = arith.constant 7 : i32
        %parallel_loop3A_1075 = arith.addi %parallel_loop3A_1073, %parallel_loop3A_1074 : i32
        %parallel_loop3A_1076 = vector.extract_strided_slice %parallel_loop3A_590 {offsets = [7], sizes = [1], strides = [1]} : vector<16xi32> to vector<1xi32>
        %parallel_loop3A_1077 = vector.extract %parallel_loop3A_1076[0] : i32 from vector<1xi32>
        %parallel_loop3A_1078 = vector.broadcast %parallel_loop3A_1077 : i32 to vector<16xi32>
        %parallel_loop3A_1079 = arith.constant 0 : i32
        %parallel_loop3A_1080 = arith.addi %parallel_loop3A_1079, %parallel_loop3A_1075 : i32
        %parallel_loop3A_1081 = arith.index_cast %parallel_loop3A_1080 : i32 to index
        %parallel_loop3A_1082 = arith.constant 0 : index
        %parallel_loop3A_1083 = tpu.vector_load %arg10[%parallel_loop3A_1081, %parallel_loop3A_1082] {strides = array<i32>} : memref<2048x16xf32, #tpu.memory_space<vmem>>, vector<1x16xf32>,
        %parallel_loop3A_1084 = vector.shape_cast %parallel_loop3A_1083 : vector<1x16xf32> to vector<16xf32>
        %parallel_loop3A_1085 = arith.constant 512 : i32
        %parallel_loop3A_1086 = arith.addi %parallel_loop3A_1085, %parallel_loop3A_1075 : i32
        %parallel_loop3A_1087 = arith.index_cast %parallel_loop3A_1086 : i32 to index
        %parallel_loop3A_1088 = arith.constant 0 : index
        %parallel_loop3A_1089 = tpu.vector_load %arg10[%parallel_loop3A_1087, %parallel_loop3A_1088] {strides = array<i32>} : memref<2048x16xf32, #tpu.memory_space<vmem>>, vector<1x16xf32>,
        %parallel_loop3A_1090 = vector.shape_cast %parallel_loop3A_1089 : vector<1x16xf32> to vector<16xf32>
        %parallel_loop3A_1091 = arith.cmpi sge, %iota3A, %parallel_loop3A_1078 : vector<16xi32>
        %parallel_loop3A_1092 = arith.select %parallel_loop3A_1091, %parallel_loop3A_1084, %parallel_loop3A_1090 : vector<16xi1>, vector<16xf32>
        %parallel_loop3A_1093 = arith.addi %parallel_loop3A_1078, %iota3A : vector<16xi32>
        %parallel_loop3A_1094 = arith.constant 15 : i32
        %parallel_loop3A_1095 = vector.broadcast %parallel_loop3A_1094 : i32 to vector<16xi32>
        %parallel_loop3A_1096 = arith.andi %parallel_loop3A_1093, %parallel_loop3A_1095 : vector<16xi32>
        %parallel_loop3A_1097 = vector.shape_cast %parallel_loop3A_1096 : vector<16xi32> to vector<16x1xi32>
        %parallel_loop3A_1098 = vector.shape_cast %parallel_loop3A_1097 : vector<16x1xi32> to vector<16xi32>
        %parallel_loop3A_1099 = tpu.dynamic_gather %parallel_loop3A_1092[%parallel_loop3A_1098] in [0] : vector<16xf32>, vector<16xi32> -> vector<16xf32>
        %parallel_loop3A_1100 = arith.constant 32 : i32
        %parallel_loop3A_1101 = arith.muli %parallel_loop3A_1100, %parallel_loop3A_1075 : i32
        %parallel_loop3A_1102 = arith.constant 0 : i32
        %parallel_loop3A_1103 = arith.addi %parallel_loop3A_1101, %parallel_loop3A_1102 : i32
        %parallel_loop3A_1104 = arith.index_cast %parallel_loop3A_1103 : i32 to index
        %parallel_loop3A_1105 = tpu.vector_load %arg16[%parallel_loop3A_1104] {strides = array<i32>} : memref<16384xf32, #tpu.memory_space<vmem>>, vector<16xf32>,
        %parallel_loop3A_1106 = vector.shape_cast %parallel_loop3A_1105 : vector<16xf32> to vector<16xf32>
        %parallel_loop3A_1107 = vector.shape_cast %parallel_loop3A_1099 : vector<16xf32> to vector<16xf32>
        tpu.vector_store %arg16[%parallel_loop3A_1104], %parallel_loop3A_1107 {strides = array<i32>} : memref<16384xf32, #tpu.memory_space<vmem>>, vector<16xf32>,
        %parallel_loop3A_1108 = vector.extract_strided_slice %parallel_loop3A_595 {offsets = [7], sizes = [1], strides = [1]} : vector<16xi32> to vector<1xi32>
        %parallel_loop3A_1109 = vector.extract %parallel_loop3A_1108[0] : i32 from vector<1xi32>
        %parallel_loop3A_1110 = vector.broadcast %parallel_loop3A_1109 : i32 to vector<16xi32>
        %parallel_loop3A_1111 = arith.constant 1024 : i32
        %parallel_loop3A_1112 = arith.addi %parallel_loop3A_1111, %parallel_loop3A_1075 : i32
        %parallel_loop3A_1113 = arith.index_cast %parallel_loop3A_1112 : i32 to index
        %parallel_loop3A_1114 = arith.constant 0 : index
        %parallel_loop3A_1115 = tpu.vector_load %arg10[%parallel_loop3A_1113, %parallel_loop3A_1114] {strides = array<i32>} : memref<2048x16xf32, #tpu.memory_space<vmem>>, vector<1x16xf32>,
        %parallel_loop3A_1116 = vector.shape_cast %parallel_loop3A_1115 : vector<1x16xf32> to vector<16xf32>
        %parallel_loop3A_1117 = arith.constant 1536 : i32
        %parallel_loop3A_1118 = arith.addi %parallel_loop3A_1117, %parallel_loop3A_1075 : i32
        %parallel_loop3A_1119 = arith.index_cast %parallel_loop3A_1118 : i32 to index
        %parallel_loop3A_1120 = arith.constant 0 : index
        %parallel_loop3A_1121 = tpu.vector_load %arg10[%parallel_loop3A_1119, %parallel_loop3A_1120] {strides = array<i32>} : memref<2048x16xf32, #tpu.memory_space<vmem>>, vector<1x16xf32>,
        %parallel_loop3A_1122 = vector.shape_cast %parallel_loop3A_1121 : vector<1x16xf32> to vector<16xf32>
        %parallel_loop3A_1123 = arith.cmpi sge, %iota3A, %parallel_loop3A_1110 : vector<16xi32>
        %parallel_loop3A_1124 = arith.select %parallel_loop3A_1123, %parallel_loop3A_1116, %parallel_loop3A_1122 : vector<16xi1>, vector<16xf32>
        %parallel_loop3A_1125 = arith.addi %parallel_loop3A_1110, %iota3A : vector<16xi32>
        %parallel_loop3A_1126 = arith.constant 15 : i32
        %parallel_loop3A_1127 = vector.broadcast %parallel_loop3A_1126 : i32 to vector<16xi32>
        %parallel_loop3A_1128 = arith.andi %parallel_loop3A_1125, %parallel_loop3A_1127 : vector<16xi32>
        %parallel_loop3A_1129 = vector.shape_cast %parallel_loop3A_1128 : vector<16xi32> to vector<16x1xi32>
        %parallel_loop3A_1130 = vector.shape_cast %parallel_loop3A_1129 : vector<16x1xi32> to vector<16xi32>
        %parallel_loop3A_1131 = tpu.dynamic_gather %parallel_loop3A_1124[%parallel_loop3A_1130] in [0] : vector<16xf32>, vector<16xi32> -> vector<16xf32>
        %parallel_loop3A_1132 = arith.constant 32 : i32
        %parallel_loop3A_1133 = arith.muli %parallel_loop3A_1132, %parallel_loop3A_1075 : i32
        %parallel_loop3A_1134 = arith.constant 16 : i32
        %parallel_loop3A_1135 = arith.addi %parallel_loop3A_1133, %parallel_loop3A_1134 : i32
        %parallel_loop3A_1136 = arith.index_cast %parallel_loop3A_1135 : i32 to index
        %parallel_loop3A_1137 = tpu.vector_load %arg16[%parallel_loop3A_1136] {strides = array<i32>} : memref<16384xf32, #tpu.memory_space<vmem>>, vector<16xf32>,
        %parallel_loop3A_1138 = vector.shape_cast %parallel_loop3A_1137 : vector<16xf32> to vector<16xf32>
        %parallel_loop3A_1139 = vector.shape_cast %parallel_loop3A_1131 : vector<16xf32> to vector<16xf32>
        tpu.vector_store %arg16[%parallel_loop3A_1136], %parallel_loop3A_1139 {strides = array<i32>} : memref<16384xf32, #tpu.memory_space<vmem>>, vector<16xf32>,
        %parallel_loop3A_1140 = arith.constant 16 : i32
        %parallel_loop3A_1141 = arith.muli %parallel_loop3A_585, %parallel_loop3A_1140 : i32
        %parallel_loop3A_1142 = arith.constant 8 : i32
        %parallel_loop3A_1143 = arith.addi %parallel_loop3A_1141, %parallel_loop3A_1142 : i32
        %parallel_loop3A_1144 = vector.extract_strided_slice %parallel_loop3A_590 {offsets = [8], sizes = [1], strides = [1]} : vector<16xi32> to vector<1xi32>
        %parallel_loop3A_1145 = vector.extract %parallel_loop3A_1144[0] : i32 from vector<1xi32>
        %parallel_loop3A_1146 = vector.broadcast %parallel_loop3A_1145 : i32 to vector<16xi32>
        %parallel_loop3A_1147 = arith.constant 0 : i32
        %parallel_loop3A_1148 = arith.addi %parallel_loop3A_1147, %parallel_loop3A_1143 : i32
        %parallel_loop3A_1149 = arith.index_cast %parallel_loop3A_1148 : i32 to index
        %parallel_loop3A_1150 = arith.constant 0 : index
        %parallel_loop3A_1151 = tpu.vector_load %arg10[%parallel_loop3A_1149, %parallel_loop3A_1150] {strides = array<i32>} : memref<2048x16xf32, #tpu.memory_space<vmem>>, vector<1x16xf32>,
        %parallel_loop3A_1152 = vector.shape_cast %parallel_loop3A_1151 : vector<1x16xf32> to vector<16xf32>
        %parallel_loop3A_1153 = arith.constant 512 : i32
        %parallel_loop3A_1154 = arith.addi %parallel_loop3A_1153, %parallel_loop3A_1143 : i32
        %parallel_loop3A_1155 = arith.index_cast %parallel_loop3A_1154 : i32 to index
        %parallel_loop3A_1156 = arith.constant 0 : index
        %parallel_loop3A_1157 = tpu.vector_load %arg10[%parallel_loop3A_1155, %parallel_loop3A_1156] {strides = array<i32>} : memref<2048x16xf32, #tpu.memory_space<vmem>>, vector<1x16xf32>,
        %parallel_loop3A_1158 = vector.shape_cast %parallel_loop3A_1157 : vector<1x16xf32> to vector<16xf32>
        %parallel_loop3A_1159 = arith.cmpi sge, %iota3A, %parallel_loop3A_1146 : vector<16xi32>
        %parallel_loop3A_1160 = arith.select %parallel_loop3A_1159, %parallel_loop3A_1152, %parallel_loop3A_1158 : vector<16xi1>, vector<16xf32>
        %parallel_loop3A_1161 = arith.addi %parallel_loop3A_1146, %iota3A : vector<16xi32>
        %parallel_loop3A_1162 = arith.constant 15 : i32
        %parallel_loop3A_1163 = vector.broadcast %parallel_loop3A_1162 : i32 to vector<16xi32>
        %parallel_loop3A_1164 = arith.andi %parallel_loop3A_1161, %parallel_loop3A_1163 : vector<16xi32>
        %parallel_loop3A_1165 = vector.shape_cast %parallel_loop3A_1164 : vector<16xi32> to vector<16x1xi32>
        %parallel_loop3A_1166 = vector.shape_cast %parallel_loop3A_1165 : vector<16x1xi32> to vector<16xi32>
        %parallel_loop3A_1167 = tpu.dynamic_gather %parallel_loop3A_1160[%parallel_loop3A_1166] in [0] : vector<16xf32>, vector<16xi32> -> vector<16xf32>
        %parallel_loop3A_1168 = arith.constant 32 : i32
        %parallel_loop3A_1169 = arith.muli %parallel_loop3A_1168, %parallel_loop3A_1143 : i32
        %parallel_loop3A_1170 = arith.constant 0 : i32
        %parallel_loop3A_1171 = arith.addi %parallel_loop3A_1169, %parallel_loop3A_1170 : i32
        %parallel_loop3A_1172 = arith.index_cast %parallel_loop3A_1171 : i32 to index
        %parallel_loop3A_1173 = tpu.vector_load %arg16[%parallel_loop3A_1172] {strides = array<i32>} : memref<16384xf32, #tpu.memory_space<vmem>>, vector<16xf32>,
        %parallel_loop3A_1174 = vector.shape_cast %parallel_loop3A_1173 : vector<16xf32> to vector<16xf32>
        %parallel_loop3A_1175 = vector.shape_cast %parallel_loop3A_1167 : vector<16xf32> to vector<16xf32>
        tpu.vector_store %arg16[%parallel_loop3A_1172], %parallel_loop3A_1175 {strides = array<i32>} : memref<16384xf32, #tpu.memory_space<vmem>>, vector<16xf32>,
        %parallel_loop3A_1176 = vector.extract_strided_slice %parallel_loop3A_595 {offsets = [8], sizes = [1], strides = [1]} : vector<16xi32> to vector<1xi32>
        %parallel_loop3A_1177 = vector.extract %parallel_loop3A_1176[0] : i32 from vector<1xi32>
        %parallel_loop3A_1178 = vector.broadcast %parallel_loop3A_1177 : i32 to vector<16xi32>
        %parallel_loop3A_1179 = arith.constant 1024 : i32
        %parallel_loop3A_1180 = arith.addi %parallel_loop3A_1179, %parallel_loop3A_1143 : i32
        %parallel_loop3A_1181 = arith.index_cast %parallel_loop3A_1180 : i32 to index
        %parallel_loop3A_1182 = arith.constant 0 : index
        %parallel_loop3A_1183 = tpu.vector_load %arg10[%parallel_loop3A_1181, %parallel_loop3A_1182] {strides = array<i32>} : memref<2048x16xf32, #tpu.memory_space<vmem>>, vector<1x16xf32>,
        %parallel_loop3A_1184 = vector.shape_cast %parallel_loop3A_1183 : vector<1x16xf32> to vector<16xf32>
        %parallel_loop3A_1185 = arith.constant 1536 : i32
        %parallel_loop3A_1186 = arith.addi %parallel_loop3A_1185, %parallel_loop3A_1143 : i32
        %parallel_loop3A_1187 = arith.index_cast %parallel_loop3A_1186 : i32 to index
        %parallel_loop3A_1188 = arith.constant 0 : index
        %parallel_loop3A_1189 = tpu.vector_load %arg10[%parallel_loop3A_1187, %parallel_loop3A_1188] {strides = array<i32>} : memref<2048x16xf32, #tpu.memory_space<vmem>>, vector<1x16xf32>,
        %parallel_loop3A_1190 = vector.shape_cast %parallel_loop3A_1189 : vector<1x16xf32> to vector<16xf32>
        %parallel_loop3A_1191 = arith.cmpi sge, %iota3A, %parallel_loop3A_1178 : vector<16xi32>
        %parallel_loop3A_1192 = arith.select %parallel_loop3A_1191, %parallel_loop3A_1184, %parallel_loop3A_1190 : vector<16xi1>, vector<16xf32>
        %parallel_loop3A_1193 = arith.addi %parallel_loop3A_1178, %iota3A : vector<16xi32>
        %parallel_loop3A_1194 = arith.constant 15 : i32
        %parallel_loop3A_1195 = vector.broadcast %parallel_loop3A_1194 : i32 to vector<16xi32>
        %parallel_loop3A_1196 = arith.andi %parallel_loop3A_1193, %parallel_loop3A_1195 : vector<16xi32>
        %parallel_loop3A_1197 = vector.shape_cast %parallel_loop3A_1196 : vector<16xi32> to vector<16x1xi32>
        %parallel_loop3A_1198 = vector.shape_cast %parallel_loop3A_1197 : vector<16x1xi32> to vector<16xi32>
        %parallel_loop3A_1199 = tpu.dynamic_gather %parallel_loop3A_1192[%parallel_loop3A_1198] in [0] : vector<16xf32>, vector<16xi32> -> vector<16xf32>
        %parallel_loop3A_1200 = arith.constant 32 : i32
        %parallel_loop3A_1201 = arith.muli %parallel_loop3A_1200, %parallel_loop3A_1143 : i32
        %parallel_loop3A_1202 = arith.constant 16 : i32
        %parallel_loop3A_1203 = arith.addi %parallel_loop3A_1201, %parallel_loop3A_1202 : i32
        %parallel_loop3A_1204 = arith.index_cast %parallel_loop3A_1203 : i32 to index
        %parallel_loop3A_1205 = tpu.vector_load %arg16[%parallel_loop3A_1204] {strides = array<i32>} : memref<16384xf32, #tpu.memory_space<vmem>>, vector<16xf32>,
        %parallel_loop3A_1206 = vector.shape_cast %parallel_loop3A_1205 : vector<16xf32> to vector<16xf32>
        %parallel_loop3A_1207 = vector.shape_cast %parallel_loop3A_1199 : vector<16xf32> to vector<16xf32>
        tpu.vector_store %arg16[%parallel_loop3A_1204], %parallel_loop3A_1207 {strides = array<i32>} : memref<16384xf32, #tpu.memory_space<vmem>>, vector<16xf32>,
        %parallel_loop3A_1208 = arith.constant 16 : i32
        %parallel_loop3A_1209 = arith.muli %parallel_loop3A_585, %parallel_loop3A_1208 : i32
        %parallel_loop3A_1210 = arith.constant 9 : i32
        %parallel_loop3A_1211 = arith.addi %parallel_loop3A_1209, %parallel_loop3A_1210 : i32
        %parallel_loop3A_1212 = vector.extract_strided_slice %parallel_loop3A_590 {offsets = [9], sizes = [1], strides = [1]} : vector<16xi32> to vector<1xi32>
        %parallel_loop3A_1213 = vector.extract %parallel_loop3A_1212[0] : i32 from vector<1xi32>
        %parallel_loop3A_1214 = vector.broadcast %parallel_loop3A_1213 : i32 to vector<16xi32>
        %parallel_loop3A_1215 = arith.constant 0 : i32
        %parallel_loop3A_1216 = arith.addi %parallel_loop3A_1215, %parallel_loop3A_1211 : i32
        %parallel_loop3A_1217 = arith.index_cast %parallel_loop3A_1216 : i32 to index
        %parallel_loop3A_1218 = arith.constant 0 : index
        %parallel_loop3A_1219 = tpu.vector_load %arg10[%parallel_loop3A_1217, %parallel_loop3A_1218] {strides = array<i32>} : memref<2048x16xf32, #tpu.memory_space<vmem>>, vector<1x16xf32>,
        %parallel_loop3A_1220 = vector.shape_cast %parallel_loop3A_1219 : vector<1x16xf32> to vector<16xf32>
        %parallel_loop3A_1221 = arith.constant 512 : i32
        %parallel_loop3A_1222 = arith.addi %parallel_loop3A_1221, %parallel_loop3A_1211 : i32
        %parallel_loop3A_1223 = arith.index_cast %parallel_loop3A_1222 : i32 to index
        %parallel_loop3A_1224 = arith.constant 0 : index
        %parallel_loop3A_1225 = tpu.vector_load %arg10[%parallel_loop3A_1223, %parallel_loop3A_1224] {strides = array<i32>} : memref<2048x16xf32, #tpu.memory_space<vmem>>, vector<1x16xf32>,
        %parallel_loop3A_1226 = vector.shape_cast %parallel_loop3A_1225 : vector<1x16xf32> to vector<16xf32>
        %parallel_loop3A_1227 = arith.cmpi sge, %iota3A, %parallel_loop3A_1214 : vector<16xi32>
        %parallel_loop3A_1228 = arith.select %parallel_loop3A_1227, %parallel_loop3A_1220, %parallel_loop3A_1226 : vector<16xi1>, vector<16xf32>
        %parallel_loop3A_1229 = arith.addi %parallel_loop3A_1214, %iota3A : vector<16xi32>
        %parallel_loop3A_1230 = arith.constant 15 : i32
        %parallel_loop3A_1231 = vector.broadcast %parallel_loop3A_1230 : i32 to vector<16xi32>
        %parallel_loop3A_1232 = arith.andi %parallel_loop3A_1229, %parallel_loop3A_1231 : vector<16xi32>
        %parallel_loop3A_1233 = vector.shape_cast %parallel_loop3A_1232 : vector<16xi32> to vector<16x1xi32>
        %parallel_loop3A_1234 = vector.shape_cast %parallel_loop3A_1233 : vector<16x1xi32> to vector<16xi32>
        %parallel_loop3A_1235 = tpu.dynamic_gather %parallel_loop3A_1228[%parallel_loop3A_1234] in [0] : vector<16xf32>, vector<16xi32> -> vector<16xf32>
        %parallel_loop3A_1236 = arith.constant 32 : i32
        %parallel_loop3A_1237 = arith.muli %parallel_loop3A_1236, %parallel_loop3A_1211 : i32
        %parallel_loop3A_1238 = arith.constant 0 : i32
        %parallel_loop3A_1239 = arith.addi %parallel_loop3A_1237, %parallel_loop3A_1238 : i32
        %parallel_loop3A_1240 = arith.index_cast %parallel_loop3A_1239 : i32 to index
        %parallel_loop3A_1241 = tpu.vector_load %arg16[%parallel_loop3A_1240] {strides = array<i32>} : memref<16384xf32, #tpu.memory_space<vmem>>, vector<16xf32>,
        %parallel_loop3A_1242 = vector.shape_cast %parallel_loop3A_1241 : vector<16xf32> to vector<16xf32>
        %parallel_loop3A_1243 = vector.shape_cast %parallel_loop3A_1235 : vector<16xf32> to vector<16xf32>
        tpu.vector_store %arg16[%parallel_loop3A_1240], %parallel_loop3A_1243 {strides = array<i32>} : memref<16384xf32, #tpu.memory_space<vmem>>, vector<16xf32>,
        %parallel_loop3A_1244 = vector.extract_strided_slice %parallel_loop3A_595 {offsets = [9], sizes = [1], strides = [1]} : vector<16xi32> to vector<1xi32>
        %parallel_loop3A_1245 = vector.extract %parallel_loop3A_1244[0] : i32 from vector<1xi32>
        %parallel_loop3A_1246 = vector.broadcast %parallel_loop3A_1245 : i32 to vector<16xi32>
        %parallel_loop3A_1247 = arith.constant 1024 : i32
        %parallel_loop3A_1248 = arith.addi %parallel_loop3A_1247, %parallel_loop3A_1211 : i32
        %parallel_loop3A_1249 = arith.index_cast %parallel_loop3A_1248 : i32 to index
        %parallel_loop3A_1250 = arith.constant 0 : index
        %parallel_loop3A_1251 = tpu.vector_load %arg10[%parallel_loop3A_1249, %parallel_loop3A_1250] {strides = array<i32>} : memref<2048x16xf32, #tpu.memory_space<vmem>>, vector<1x16xf32>,
        %parallel_loop3A_1252 = vector.shape_cast %parallel_loop3A_1251 : vector<1x16xf32> to vector<16xf32>
        %parallel_loop3A_1253 = arith.constant 1536 : i32
        %parallel_loop3A_1254 = arith.addi %parallel_loop3A_1253, %parallel_loop3A_1211 : i32
        %parallel_loop3A_1255 = arith.index_cast %parallel_loop3A_1254 : i32 to index
        %parallel_loop3A_1256 = arith.constant 0 : index
        %parallel_loop3A_1257 = tpu.vector_load %arg10[%parallel_loop3A_1255, %parallel_loop3A_1256] {strides = array<i32>} : memref<2048x16xf32, #tpu.memory_space<vmem>>, vector<1x16xf32>,
        %parallel_loop3A_1258 = vector.shape_cast %parallel_loop3A_1257 : vector<1x16xf32> to vector<16xf32>
        %parallel_loop3A_1259 = arith.cmpi sge, %iota3A, %parallel_loop3A_1246 : vector<16xi32>
        %parallel_loop3A_1260 = arith.select %parallel_loop3A_1259, %parallel_loop3A_1252, %parallel_loop3A_1258 : vector<16xi1>, vector<16xf32>
        %parallel_loop3A_1261 = arith.addi %parallel_loop3A_1246, %iota3A : vector<16xi32>
        %parallel_loop3A_1262 = arith.constant 15 : i32
        %parallel_loop3A_1263 = vector.broadcast %parallel_loop3A_1262 : i32 to vector<16xi32>
        %parallel_loop3A_1264 = arith.andi %parallel_loop3A_1261, %parallel_loop3A_1263 : vector<16xi32>
        %parallel_loop3A_1265 = vector.shape_cast %parallel_loop3A_1264 : vector<16xi32> to vector<16x1xi32>
        %parallel_loop3A_1266 = vector.shape_cast %parallel_loop3A_1265 : vector<16x1xi32> to vector<16xi32>
        %parallel_loop3A_1267 = tpu.dynamic_gather %parallel_loop3A_1260[%parallel_loop3A_1266] in [0] : vector<16xf32>, vector<16xi32> -> vector<16xf32>
        %parallel_loop3A_1268 = arith.constant 32 : i32
        %parallel_loop3A_1269 = arith.muli %parallel_loop3A_1268, %parallel_loop3A_1211 : i32
        %parallel_loop3A_1270 = arith.constant 16 : i32
        %parallel_loop3A_1271 = arith.addi %parallel_loop3A_1269, %parallel_loop3A_1270 : i32
        %parallel_loop3A_1272 = arith.index_cast %parallel_loop3A_1271 : i32 to index
        %parallel_loop3A_1273 = tpu.vector_load %arg16[%parallel_loop3A_1272] {strides = array<i32>} : memref<16384xf32, #tpu.memory_space<vmem>>, vector<16xf32>,
        %parallel_loop3A_1274 = vector.shape_cast %parallel_loop3A_1273 : vector<16xf32> to vector<16xf32>
        %parallel_loop3A_1275 = vector.shape_cast %parallel_loop3A_1267 : vector<16xf32> to vector<16xf32>
        tpu.vector_store %arg16[%parallel_loop3A_1272], %parallel_loop3A_1275 {strides = array<i32>} : memref<16384xf32, #tpu.memory_space<vmem>>, vector<16xf32>,
        %parallel_loop3A_1276 = arith.constant 16 : i32
        %parallel_loop3A_1277 = arith.muli %parallel_loop3A_585, %parallel_loop3A_1276 : i32
        %parallel_loop3A_1278 = arith.constant 10 : i32
        %parallel_loop3A_1279 = arith.addi %parallel_loop3A_1277, %parallel_loop3A_1278 : i32
        %parallel_loop3A_1280 = vector.extract_strided_slice %parallel_loop3A_590 {offsets = [10], sizes = [1], strides = [1]} : vector<16xi32> to vector<1xi32>
        %parallel_loop3A_1281 = vector.extract %parallel_loop3A_1280[0] : i32 from vector<1xi32>
        %parallel_loop3A_1282 = vector.broadcast %parallel_loop3A_1281 : i32 to vector<16xi32>
        %parallel_loop3A_1283 = arith.constant 0 : i32
        %parallel_loop3A_1284 = arith.addi %parallel_loop3A_1283, %parallel_loop3A_1279 : i32
        %parallel_loop3A_1285 = arith.index_cast %parallel_loop3A_1284 : i32 to index
        %parallel_loop3A_1286 = arith.constant 0 : index
        %parallel_loop3A_1287 = tpu.vector_load %arg10[%parallel_loop3A_1285, %parallel_loop3A_1286] {strides = array<i32>} : memref<2048x16xf32, #tpu.memory_space<vmem>>, vector<1x16xf32>,
        %parallel_loop3A_1288 = vector.shape_cast %parallel_loop3A_1287 : vector<1x16xf32> to vector<16xf32>
        %parallel_loop3A_1289 = arith.constant 512 : i32
        %parallel_loop3A_1290 = arith.addi %parallel_loop3A_1289, %parallel_loop3A_1279 : i32
        %parallel_loop3A_1291 = arith.index_cast %parallel_loop3A_1290 : i32 to index
        %parallel_loop3A_1292 = arith.constant 0 : index
        %parallel_loop3A_1293 = tpu.vector_load %arg10[%parallel_loop3A_1291, %parallel_loop3A_1292] {strides = array<i32>} : memref<2048x16xf32, #tpu.memory_space<vmem>>, vector<1x16xf32>,
        %parallel_loop3A_1294 = vector.shape_cast %parallel_loop3A_1293 : vector<1x16xf32> to vector<16xf32>
        %parallel_loop3A_1295 = arith.cmpi sge, %iota3A, %parallel_loop3A_1282 : vector<16xi32>
        %parallel_loop3A_1296 = arith.select %parallel_loop3A_1295, %parallel_loop3A_1288, %parallel_loop3A_1294 : vector<16xi1>, vector<16xf32>
        %parallel_loop3A_1297 = arith.addi %parallel_loop3A_1282, %iota3A : vector<16xi32>
        %parallel_loop3A_1298 = arith.constant 15 : i32
        %parallel_loop3A_1299 = vector.broadcast %parallel_loop3A_1298 : i32 to vector<16xi32>
        %parallel_loop3A_1300 = arith.andi %parallel_loop3A_1297, %parallel_loop3A_1299 : vector<16xi32>
        %parallel_loop3A_1301 = vector.shape_cast %parallel_loop3A_1300 : vector<16xi32> to vector<16x1xi32>
        %parallel_loop3A_1302 = vector.shape_cast %parallel_loop3A_1301 : vector<16x1xi32> to vector<16xi32>
        %parallel_loop3A_1303 = tpu.dynamic_gather %parallel_loop3A_1296[%parallel_loop3A_1302] in [0] : vector<16xf32>, vector<16xi32> -> vector<16xf32>
        %parallel_loop3A_1304 = arith.constant 32 : i32
        %parallel_loop3A_1305 = arith.muli %parallel_loop3A_1304, %parallel_loop3A_1279 : i32
        %parallel_loop3A_1306 = arith.constant 0 : i32
        %parallel_loop3A_1307 = arith.addi %parallel_loop3A_1305, %parallel_loop3A_1306 : i32
        %parallel_loop3A_1308 = arith.index_cast %parallel_loop3A_1307 : i32 to index
        %parallel_loop3A_1309 = tpu.vector_load %arg16[%parallel_loop3A_1308] {strides = array<i32>} : memref<16384xf32, #tpu.memory_space<vmem>>, vector<16xf32>,
        %parallel_loop3A_1310 = vector.shape_cast %parallel_loop3A_1309 : vector<16xf32> to vector<16xf32>
        %parallel_loop3A_1311 = vector.shape_cast %parallel_loop3A_1303 : vector<16xf32> to vector<16xf32>
        tpu.vector_store %arg16[%parallel_loop3A_1308], %parallel_loop3A_1311 {strides = array<i32>} : memref<16384xf32, #tpu.memory_space<vmem>>, vector<16xf32>,
        %parallel_loop3A_1312 = vector.extract_strided_slice %parallel_loop3A_595 {offsets = [10], sizes = [1], strides = [1]} : vector<16xi32> to vector<1xi32>
        %parallel_loop3A_1313 = vector.extract %parallel_loop3A_1312[0] : i32 from vector<1xi32>
        %parallel_loop3A_1314 = vector.broadcast %parallel_loop3A_1313 : i32 to vector<16xi32>
        %parallel_loop3A_1315 = arith.constant 1024 : i32
        %parallel_loop3A_1316 = arith.addi %parallel_loop3A_1315, %parallel_loop3A_1279 : i32
        %parallel_loop3A_1317 = arith.index_cast %parallel_loop3A_1316 : i32 to index
        %parallel_loop3A_1318 = arith.constant 0 : index
        %parallel_loop3A_1319 = tpu.vector_load %arg10[%parallel_loop3A_1317, %parallel_loop3A_1318] {strides = array<i32>} : memref<2048x16xf32, #tpu.memory_space<vmem>>, vector<1x16xf32>,
        %parallel_loop3A_1320 = vector.shape_cast %parallel_loop3A_1319 : vector<1x16xf32> to vector<16xf32>
        %parallel_loop3A_1321 = arith.constant 1536 : i32
        %parallel_loop3A_1322 = arith.addi %parallel_loop3A_1321, %parallel_loop3A_1279 : i32
        %parallel_loop3A_1323 = arith.index_cast %parallel_loop3A_1322 : i32 to index
        %parallel_loop3A_1324 = arith.constant 0 : index
        %parallel_loop3A_1325 = tpu.vector_load %arg10[%parallel_loop3A_1323, %parallel_loop3A_1324] {strides = array<i32>} : memref<2048x16xf32, #tpu.memory_space<vmem>>, vector<1x16xf32>,
        %parallel_loop3A_1326 = vector.shape_cast %parallel_loop3A_1325 : vector<1x16xf32> to vector<16xf32>
        %parallel_loop3A_1327 = arith.cmpi sge, %iota3A, %parallel_loop3A_1314 : vector<16xi32>
        %parallel_loop3A_1328 = arith.select %parallel_loop3A_1327, %parallel_loop3A_1320, %parallel_loop3A_1326 : vector<16xi1>, vector<16xf32>
        %parallel_loop3A_1329 = arith.addi %parallel_loop3A_1314, %iota3A : vector<16xi32>
        %parallel_loop3A_1330 = arith.constant 15 : i32
        %parallel_loop3A_1331 = vector.broadcast %parallel_loop3A_1330 : i32 to vector<16xi32>
        %parallel_loop3A_1332 = arith.andi %parallel_loop3A_1329, %parallel_loop3A_1331 : vector<16xi32>
        %parallel_loop3A_1333 = vector.shape_cast %parallel_loop3A_1332 : vector<16xi32> to vector<16x1xi32>
        %parallel_loop3A_1334 = vector.shape_cast %parallel_loop3A_1333 : vector<16x1xi32> to vector<16xi32>
        %parallel_loop3A_1335 = tpu.dynamic_gather %parallel_loop3A_1328[%parallel_loop3A_1334] in [0] : vector<16xf32>, vector<16xi32> -> vector<16xf32>
        %parallel_loop3A_1336 = arith.constant 32 : i32
        %parallel_loop3A_1337 = arith.muli %parallel_loop3A_1336, %parallel_loop3A_1279 : i32
        %parallel_loop3A_1338 = arith.constant 16 : i32
        %parallel_loop3A_1339 = arith.addi %parallel_loop3A_1337, %parallel_loop3A_1338 : i32
        %parallel_loop3A_1340 = arith.index_cast %parallel_loop3A_1339 : i32 to index
        %parallel_loop3A_1341 = tpu.vector_load %arg16[%parallel_loop3A_1340] {strides = array<i32>} : memref<16384xf32, #tpu.memory_space<vmem>>, vector<16xf32>,
        %parallel_loop3A_1342 = vector.shape_cast %parallel_loop3A_1341 : vector<16xf32> to vector<16xf32>
        %parallel_loop3A_1343 = vector.shape_cast %parallel_loop3A_1335 : vector<16xf32> to vector<16xf32>
        tpu.vector_store %arg16[%parallel_loop3A_1340], %parallel_loop3A_1343 {strides = array<i32>} : memref<16384xf32, #tpu.memory_space<vmem>>, vector<16xf32>,
        %parallel_loop3A_1344 = arith.constant 16 : i32
        %parallel_loop3A_1345 = arith.muli %parallel_loop3A_585, %parallel_loop3A_1344 : i32
        %parallel_loop3A_1346 = arith.constant 11 : i32
        %parallel_loop3A_1347 = arith.addi %parallel_loop3A_1345, %parallel_loop3A_1346 : i32
        %parallel_loop3A_1348 = vector.extract_strided_slice %parallel_loop3A_590 {offsets = [11], sizes = [1], strides = [1]} : vector<16xi32> to vector<1xi32>
        %parallel_loop3A_1349 = vector.extract %parallel_loop3A_1348[0] : i32 from vector<1xi32>
        %parallel_loop3A_1350 = vector.broadcast %parallel_loop3A_1349 : i32 to vector<16xi32>
        %parallel_loop3A_1351 = arith.constant 0 : i32
        %parallel_loop3A_1352 = arith.addi %parallel_loop3A_1351, %parallel_loop3A_1347 : i32
        %parallel_loop3A_1353 = arith.index_cast %parallel_loop3A_1352 : i32 to index
        %parallel_loop3A_1354 = arith.constant 0 : index
        %parallel_loop3A_1355 = tpu.vector_load %arg10[%parallel_loop3A_1353, %parallel_loop3A_1354] {strides = array<i32>} : memref<2048x16xf32, #tpu.memory_space<vmem>>, vector<1x16xf32>,
        %parallel_loop3A_1356 = vector.shape_cast %parallel_loop3A_1355 : vector<1x16xf32> to vector<16xf32>
        %parallel_loop3A_1357 = arith.constant 512 : i32
        %parallel_loop3A_1358 = arith.addi %parallel_loop3A_1357, %parallel_loop3A_1347 : i32
        %parallel_loop3A_1359 = arith.index_cast %parallel_loop3A_1358 : i32 to index
        %parallel_loop3A_1360 = arith.constant 0 : index
        %parallel_loop3A_1361 = tpu.vector_load %arg10[%parallel_loop3A_1359, %parallel_loop3A_1360] {strides = array<i32>} : memref<2048x16xf32, #tpu.memory_space<vmem>>, vector<1x16xf32>,
        %parallel_loop3A_1362 = vector.shape_cast %parallel_loop3A_1361 : vector<1x16xf32> to vector<16xf32>
        %parallel_loop3A_1363 = arith.cmpi sge, %iota3A, %parallel_loop3A_1350 : vector<16xi32>
        %parallel_loop3A_1364 = arith.select %parallel_loop3A_1363, %parallel_loop3A_1356, %parallel_loop3A_1362 : vector<16xi1>, vector<16xf32>
        %parallel_loop3A_1365 = arith.addi %parallel_loop3A_1350, %iota3A : vector<16xi32>
        %parallel_loop3A_1366 = arith.constant 15 : i32
        %parallel_loop3A_1367 = vector.broadcast %parallel_loop3A_1366 : i32 to vector<16xi32>
        %parallel_loop3A_1368 = arith.andi %parallel_loop3A_1365, %parallel_loop3A_1367 : vector<16xi32>
        %parallel_loop3A_1369 = vector.shape_cast %parallel_loop3A_1368 : vector<16xi32> to vector<16x1xi32>
        %parallel_loop3A_1370 = vector.shape_cast %parallel_loop3A_1369 : vector<16x1xi32> to vector<16xi32>
        %parallel_loop3A_1371 = tpu.dynamic_gather %parallel_loop3A_1364[%parallel_loop3A_1370] in [0] : vector<16xf32>, vector<16xi32> -> vector<16xf32>
        %parallel_loop3A_1372 = arith.constant 32 : i32
        %parallel_loop3A_1373 = arith.muli %parallel_loop3A_1372, %parallel_loop3A_1347 : i32
        %parallel_loop3A_1374 = arith.constant 0 : i32
        %parallel_loop3A_1375 = arith.addi %parallel_loop3A_1373, %parallel_loop3A_1374 : i32
        %parallel_loop3A_1376 = arith.index_cast %parallel_loop3A_1375 : i32 to index
        %parallel_loop3A_1377 = tpu.vector_load %arg16[%parallel_loop3A_1376] {strides = array<i32>} : memref<16384xf32, #tpu.memory_space<vmem>>, vector<16xf32>,
        %parallel_loop3A_1378 = vector.shape_cast %parallel_loop3A_1377 : vector<16xf32> to vector<16xf32>
        %parallel_loop3A_1379 = vector.shape_cast %parallel_loop3A_1371 : vector<16xf32> to vector<16xf32>
        tpu.vector_store %arg16[%parallel_loop3A_1376], %parallel_loop3A_1379 {strides = array<i32>} : memref<16384xf32, #tpu.memory_space<vmem>>, vector<16xf32>,
        %parallel_loop3A_1380 = vector.extract_strided_slice %parallel_loop3A_595 {offsets = [11], sizes = [1], strides = [1]} : vector<16xi32> to vector<1xi32>
        %parallel_loop3A_1381 = vector.extract %parallel_loop3A_1380[0] : i32 from vector<1xi32>
        %parallel_loop3A_1382 = vector.broadcast %parallel_loop3A_1381 : i32 to vector<16xi32>
        %parallel_loop3A_1383 = arith.constant 1024 : i32
        %parallel_loop3A_1384 = arith.addi %parallel_loop3A_1383, %parallel_loop3A_1347 : i32
        %parallel_loop3A_1385 = arith.index_cast %parallel_loop3A_1384 : i32 to index
        %parallel_loop3A_1386 = arith.constant 0 : index
        %parallel_loop3A_1387 = tpu.vector_load %arg10[%parallel_loop3A_1385, %parallel_loop3A_1386] {strides = array<i32>} : memref<2048x16xf32, #tpu.memory_space<vmem>>, vector<1x16xf32>,
        %parallel_loop3A_1388 = vector.shape_cast %parallel_loop3A_1387 : vector<1x16xf32> to vector<16xf32>
        %parallel_loop3A_1389 = arith.constant 1536 : i32
        %parallel_loop3A_1390 = arith.addi %parallel_loop3A_1389, %parallel_loop3A_1347 : i32
        %parallel_loop3A_1391 = arith.index_cast %parallel_loop3A_1390 : i32 to index
        %parallel_loop3A_1392 = arith.constant 0 : index
        %parallel_loop3A_1393 = tpu.vector_load %arg10[%parallel_loop3A_1391, %parallel_loop3A_1392] {strides = array<i32>} : memref<2048x16xf32, #tpu.memory_space<vmem>>, vector<1x16xf32>,
        %parallel_loop3A_1394 = vector.shape_cast %parallel_loop3A_1393 : vector<1x16xf32> to vector<16xf32>
        %parallel_loop3A_1395 = arith.cmpi sge, %iota3A, %parallel_loop3A_1382 : vector<16xi32>
        %parallel_loop3A_1396 = arith.select %parallel_loop3A_1395, %parallel_loop3A_1388, %parallel_loop3A_1394 : vector<16xi1>, vector<16xf32>
        %parallel_loop3A_1397 = arith.addi %parallel_loop3A_1382, %iota3A : vector<16xi32>
        %parallel_loop3A_1398 = arith.constant 15 : i32
        %parallel_loop3A_1399 = vector.broadcast %parallel_loop3A_1398 : i32 to vector<16xi32>
        %parallel_loop3A_1400 = arith.andi %parallel_loop3A_1397, %parallel_loop3A_1399 : vector<16xi32>
        %parallel_loop3A_1401 = vector.shape_cast %parallel_loop3A_1400 : vector<16xi32> to vector<16x1xi32>
        %parallel_loop3A_1402 = vector.shape_cast %parallel_loop3A_1401 : vector<16x1xi32> to vector<16xi32>
        %parallel_loop3A_1403 = tpu.dynamic_gather %parallel_loop3A_1396[%parallel_loop3A_1402] in [0] : vector<16xf32>, vector<16xi32> -> vector<16xf32>
        %parallel_loop3A_1404 = arith.constant 32 : i32
        %parallel_loop3A_1405 = arith.muli %parallel_loop3A_1404, %parallel_loop3A_1347 : i32
        %parallel_loop3A_1406 = arith.constant 16 : i32
        %parallel_loop3A_1407 = arith.addi %parallel_loop3A_1405, %parallel_loop3A_1406 : i32
        %parallel_loop3A_1408 = arith.index_cast %parallel_loop3A_1407 : i32 to index
        %parallel_loop3A_1409 = tpu.vector_load %arg16[%parallel_loop3A_1408] {strides = array<i32>} : memref<16384xf32, #tpu.memory_space<vmem>>, vector<16xf32>,
        %parallel_loop3A_1410 = vector.shape_cast %parallel_loop3A_1409 : vector<16xf32> to vector<16xf32>
        %parallel_loop3A_1411 = vector.shape_cast %parallel_loop3A_1403 : vector<16xf32> to vector<16xf32>
        tpu.vector_store %arg16[%parallel_loop3A_1408], %parallel_loop3A_1411 {strides = array<i32>} : memref<16384xf32, #tpu.memory_space<vmem>>, vector<16xf32>,
        %parallel_loop3A_1412 = arith.constant 16 : i32
        %parallel_loop3A_1413 = arith.muli %parallel_loop3A_585, %parallel_loop3A_1412 : i32
        %parallel_loop3A_1414 = arith.constant 12 : i32
        %parallel_loop3A_1415 = arith.addi %parallel_loop3A_1413, %parallel_loop3A_1414 : i32
        %parallel_loop3A_1416 = vector.extract_strided_slice %parallel_loop3A_590 {offsets = [12], sizes = [1], strides = [1]} : vector<16xi32> to vector<1xi32>
        %parallel_loop3A_1417 = vector.extract %parallel_loop3A_1416[0] : i32 from vector<1xi32>
        %parallel_loop3A_1418 = vector.broadcast %parallel_loop3A_1417 : i32 to vector<16xi32>
        %parallel_loop3A_1419 = arith.constant 0 : i32
        %parallel_loop3A_1420 = arith.addi %parallel_loop3A_1419, %parallel_loop3A_1415 : i32
        %parallel_loop3A_1421 = arith.index_cast %parallel_loop3A_1420 : i32 to index
        %parallel_loop3A_1422 = arith.constant 0 : index
        %parallel_loop3A_1423 = tpu.vector_load %arg10[%parallel_loop3A_1421, %parallel_loop3A_1422] {strides = array<i32>} : memref<2048x16xf32, #tpu.memory_space<vmem>>, vector<1x16xf32>,
        %parallel_loop3A_1424 = vector.shape_cast %parallel_loop3A_1423 : vector<1x16xf32> to vector<16xf32>
        %parallel_loop3A_1425 = arith.constant 512 : i32
        %parallel_loop3A_1426 = arith.addi %parallel_loop3A_1425, %parallel_loop3A_1415 : i32
        %parallel_loop3A_1427 = arith.index_cast %parallel_loop3A_1426 : i32 to index
        %parallel_loop3A_1428 = arith.constant 0 : index
        %parallel_loop3A_1429 = tpu.vector_load %arg10[%parallel_loop3A_1427, %parallel_loop3A_1428] {strides = array<i32>} : memref<2048x16xf32, #tpu.memory_space<vmem>>, vector<1x16xf32>,
        %parallel_loop3A_1430 = vector.shape_cast %parallel_loop3A_1429 : vector<1x16xf32> to vector<16xf32>
        %parallel_loop3A_1431 = arith.cmpi sge, %iota3A, %parallel_loop3A_1418 : vector<16xi32>
        %parallel_loop3A_1432 = arith.select %parallel_loop3A_1431, %parallel_loop3A_1424, %parallel_loop3A_1430 : vector<16xi1>, vector<16xf32>
        %parallel_loop3A_1433 = arith.addi %parallel_loop3A_1418, %iota3A : vector<16xi32>
        %parallel_loop3A_1434 = arith.constant 15 : i32
        %parallel_loop3A_1435 = vector.broadcast %parallel_loop3A_1434 : i32 to vector<16xi32>
        %parallel_loop3A_1436 = arith.andi %parallel_loop3A_1433, %parallel_loop3A_1435 : vector<16xi32>
        %parallel_loop3A_1437 = vector.shape_cast %parallel_loop3A_1436 : vector<16xi32> to vector<16x1xi32>
        %parallel_loop3A_1438 = vector.shape_cast %parallel_loop3A_1437 : vector<16x1xi32> to vector<16xi32>
        %parallel_loop3A_1439 = tpu.dynamic_gather %parallel_loop3A_1432[%parallel_loop3A_1438] in [0] : vector<16xf32>, vector<16xi32> -> vector<16xf32>
        %parallel_loop3A_1440 = arith.constant 32 : i32
        %parallel_loop3A_1441 = arith.muli %parallel_loop3A_1440, %parallel_loop3A_1415 : i32
        %parallel_loop3A_1442 = arith.constant 0 : i32
        %parallel_loop3A_1443 = arith.addi %parallel_loop3A_1441, %parallel_loop3A_1442 : i32
        %parallel_loop3A_1444 = arith.index_cast %parallel_loop3A_1443 : i32 to index
        %parallel_loop3A_1445 = tpu.vector_load %arg16[%parallel_loop3A_1444] {strides = array<i32>} : memref<16384xf32, #tpu.memory_space<vmem>>, vector<16xf32>,
        %parallel_loop3A_1446 = vector.shape_cast %parallel_loop3A_1445 : vector<16xf32> to vector<16xf32>
        %parallel_loop3A_1447 = vector.shape_cast %parallel_loop3A_1439 : vector<16xf32> to vector<16xf32>
        tpu.vector_store %arg16[%parallel_loop3A_1444], %parallel_loop3A_1447 {strides = array<i32>} : memref<16384xf32, #tpu.memory_space<vmem>>, vector<16xf32>,
        %parallel_loop3A_1448 = vector.extract_strided_slice %parallel_loop3A_595 {offsets = [12], sizes = [1], strides = [1]} : vector<16xi32> to vector<1xi32>
        %parallel_loop3A_1449 = vector.extract %parallel_loop3A_1448[0] : i32 from vector<1xi32>
        %parallel_loop3A_1450 = vector.broadcast %parallel_loop3A_1449 : i32 to vector<16xi32>
        %parallel_loop3A_1451 = arith.constant 1024 : i32
        %parallel_loop3A_1452 = arith.addi %parallel_loop3A_1451, %parallel_loop3A_1415 : i32
        %parallel_loop3A_1453 = arith.index_cast %parallel_loop3A_1452 : i32 to index
        %parallel_loop3A_1454 = arith.constant 0 : index
        %parallel_loop3A_1455 = tpu.vector_load %arg10[%parallel_loop3A_1453, %parallel_loop3A_1454] {strides = array<i32>} : memref<2048x16xf32, #tpu.memory_space<vmem>>, vector<1x16xf32>,
        %parallel_loop3A_1456 = vector.shape_cast %parallel_loop3A_1455 : vector<1x16xf32> to vector<16xf32>
        %parallel_loop3A_1457 = arith.constant 1536 : i32
        %parallel_loop3A_1458 = arith.addi %parallel_loop3A_1457, %parallel_loop3A_1415 : i32
        %parallel_loop3A_1459 = arith.index_cast %parallel_loop3A_1458 : i32 to index
        %parallel_loop3A_1460 = arith.constant 0 : index
        %parallel_loop3A_1461 = tpu.vector_load %arg10[%parallel_loop3A_1459, %parallel_loop3A_1460] {strides = array<i32>} : memref<2048x16xf32, #tpu.memory_space<vmem>>, vector<1x16xf32>,
        %parallel_loop3A_1462 = vector.shape_cast %parallel_loop3A_1461 : vector<1x16xf32> to vector<16xf32>
        %parallel_loop3A_1463 = arith.cmpi sge, %iota3A, %parallel_loop3A_1450 : vector<16xi32>
        %parallel_loop3A_1464 = arith.select %parallel_loop3A_1463, %parallel_loop3A_1456, %parallel_loop3A_1462 : vector<16xi1>, vector<16xf32>
        %parallel_loop3A_1465 = arith.addi %parallel_loop3A_1450, %iota3A : vector<16xi32>
        %parallel_loop3A_1466 = arith.constant 15 : i32
        %parallel_loop3A_1467 = vector.broadcast %parallel_loop3A_1466 : i32 to vector<16xi32>
        %parallel_loop3A_1468 = arith.andi %parallel_loop3A_1465, %parallel_loop3A_1467 : vector<16xi32>
        %parallel_loop3A_1469 = vector.shape_cast %parallel_loop3A_1468 : vector<16xi32> to vector<16x1xi32>
        %parallel_loop3A_1470 = vector.shape_cast %parallel_loop3A_1469 : vector<16x1xi32> to vector<16xi32>
        %parallel_loop3A_1471 = tpu.dynamic_gather %parallel_loop3A_1464[%parallel_loop3A_1470] in [0] : vector<16xf32>, vector<16xi32> -> vector<16xf32>
        %parallel_loop3A_1472 = arith.constant 32 : i32
        %parallel_loop3A_1473 = arith.muli %parallel_loop3A_1472, %parallel_loop3A_1415 : i32
        %parallel_loop3A_1474 = arith.constant 16 : i32
        %parallel_loop3A_1475 = arith.addi %parallel_loop3A_1473, %parallel_loop3A_1474 : i32
        %parallel_loop3A_1476 = arith.index_cast %parallel_loop3A_1475 : i32 to index
        %parallel_loop3A_1477 = tpu.vector_load %arg16[%parallel_loop3A_1476] {strides = array<i32>} : memref<16384xf32, #tpu.memory_space<vmem>>, vector<16xf32>,
        %parallel_loop3A_1478 = vector.shape_cast %parallel_loop3A_1477 : vector<16xf32> to vector<16xf32>
        %parallel_loop3A_1479 = vector.shape_cast %parallel_loop3A_1471 : vector<16xf32> to vector<16xf32>
        tpu.vector_store %arg16[%parallel_loop3A_1476], %parallel_loop3A_1479 {strides = array<i32>} : memref<16384xf32, #tpu.memory_space<vmem>>, vector<16xf32>,
        %parallel_loop3A_1480 = arith.constant 16 : i32
        %parallel_loop3A_1481 = arith.muli %parallel_loop3A_585, %parallel_loop3A_1480 : i32
        %parallel_loop3A_1482 = arith.constant 13 : i32
        %parallel_loop3A_1483 = arith.addi %parallel_loop3A_1481, %parallel_loop3A_1482 : i32
        %parallel_loop3A_1484 = vector.extract_strided_slice %parallel_loop3A_590 {offsets = [13], sizes = [1], strides = [1]} : vector<16xi32> to vector<1xi32>
        %parallel_loop3A_1485 = vector.extract %parallel_loop3A_1484[0] : i32 from vector<1xi32>
        %parallel_loop3A_1486 = vector.broadcast %parallel_loop3A_1485 : i32 to vector<16xi32>
        %parallel_loop3A_1487 = arith.constant 0 : i32
        %parallel_loop3A_1488 = arith.addi %parallel_loop3A_1487, %parallel_loop3A_1483 : i32
        %parallel_loop3A_1489 = arith.index_cast %parallel_loop3A_1488 : i32 to index
        %parallel_loop3A_1490 = arith.constant 0 : index
        %parallel_loop3A_1491 = tpu.vector_load %arg10[%parallel_loop3A_1489, %parallel_loop3A_1490] {strides = array<i32>} : memref<2048x16xf32, #tpu.memory_space<vmem>>, vector<1x16xf32>,
        %parallel_loop3A_1492 = vector.shape_cast %parallel_loop3A_1491 : vector<1x16xf32> to vector<16xf32>
        %parallel_loop3A_1493 = arith.constant 512 : i32
        %parallel_loop3A_1494 = arith.addi %parallel_loop3A_1493, %parallel_loop3A_1483 : i32
        %parallel_loop3A_1495 = arith.index_cast %parallel_loop3A_1494 : i32 to index
        %parallel_loop3A_1496 = arith.constant 0 : index
        %parallel_loop3A_1497 = tpu.vector_load %arg10[%parallel_loop3A_1495, %parallel_loop3A_1496] {strides = array<i32>} : memref<2048x16xf32, #tpu.memory_space<vmem>>, vector<1x16xf32>,
        %parallel_loop3A_1498 = vector.shape_cast %parallel_loop3A_1497 : vector<1x16xf32> to vector<16xf32>
        %parallel_loop3A_1499 = arith.cmpi sge, %iota3A, %parallel_loop3A_1486 : vector<16xi32>
        %parallel_loop3A_1500 = arith.select %parallel_loop3A_1499, %parallel_loop3A_1492, %parallel_loop3A_1498 : vector<16xi1>, vector<16xf32>
        %parallel_loop3A_1501 = arith.addi %parallel_loop3A_1486, %iota3A : vector<16xi32>
        %parallel_loop3A_1502 = arith.constant 15 : i32
        %parallel_loop3A_1503 = vector.broadcast %parallel_loop3A_1502 : i32 to vector<16xi32>
        %parallel_loop3A_1504 = arith.andi %parallel_loop3A_1501, %parallel_loop3A_1503 : vector<16xi32>
        %parallel_loop3A_1505 = vector.shape_cast %parallel_loop3A_1504 : vector<16xi32> to vector<16x1xi32>
        %parallel_loop3A_1506 = vector.shape_cast %parallel_loop3A_1505 : vector<16x1xi32> to vector<16xi32>
        %parallel_loop3A_1507 = tpu.dynamic_gather %parallel_loop3A_1500[%parallel_loop3A_1506] in [0] : vector<16xf32>, vector<16xi32> -> vector<16xf32>
        %parallel_loop3A_1508 = arith.constant 32 : i32
        %parallel_loop3A_1509 = arith.muli %parallel_loop3A_1508, %parallel_loop3A_1483 : i32
        %parallel_loop3A_1510 = arith.constant 0 : i32
        %parallel_loop3A_1511 = arith.addi %parallel_loop3A_1509, %parallel_loop3A_1510 : i32
        %parallel_loop3A_1512 = arith.index_cast %parallel_loop3A_1511 : i32 to index
        %parallel_loop3A_1513 = tpu.vector_load %arg16[%parallel_loop3A_1512] {strides = array<i32>} : memref<16384xf32, #tpu.memory_space<vmem>>, vector<16xf32>,
        %parallel_loop3A_1514 = vector.shape_cast %parallel_loop3A_1513 : vector<16xf32> to vector<16xf32>
        %parallel_loop3A_1515 = vector.shape_cast %parallel_loop3A_1507 : vector<16xf32> to vector<16xf32>
        tpu.vector_store %arg16[%parallel_loop3A_1512], %parallel_loop3A_1515 {strides = array<i32>} : memref<16384xf32, #tpu.memory_space<vmem>>, vector<16xf32>,
        %parallel_loop3A_1516 = vector.extract_strided_slice %parallel_loop3A_595 {offsets = [13], sizes = [1], strides = [1]} : vector<16xi32> to vector<1xi32>
        %parallel_loop3A_1517 = vector.extract %parallel_loop3A_1516[0] : i32 from vector<1xi32>
        %parallel_loop3A_1518 = vector.broadcast %parallel_loop3A_1517 : i32 to vector<16xi32>
        %parallel_loop3A_1519 = arith.constant 1024 : i32
        %parallel_loop3A_1520 = arith.addi %parallel_loop3A_1519, %parallel_loop3A_1483 : i32
        %parallel_loop3A_1521 = arith.index_cast %parallel_loop3A_1520 : i32 to index
        %parallel_loop3A_1522 = arith.constant 0 : index
        %parallel_loop3A_1523 = tpu.vector_load %arg10[%parallel_loop3A_1521, %parallel_loop3A_1522] {strides = array<i32>} : memref<2048x16xf32, #tpu.memory_space<vmem>>, vector<1x16xf32>,
        %parallel_loop3A_1524 = vector.shape_cast %parallel_loop3A_1523 : vector<1x16xf32> to vector<16xf32>
        %parallel_loop3A_1525 = arith.constant 1536 : i32
        %parallel_loop3A_1526 = arith.addi %parallel_loop3A_1525, %parallel_loop3A_1483 : i32
        %parallel_loop3A_1527 = arith.index_cast %parallel_loop3A_1526 : i32 to index
        %parallel_loop3A_1528 = arith.constant 0 : index
        %parallel_loop3A_1529 = tpu.vector_load %arg10[%parallel_loop3A_1527, %parallel_loop3A_1528] {strides = array<i32>} : memref<2048x16xf32, #tpu.memory_space<vmem>>, vector<1x16xf32>,
        %parallel_loop3A_1530 = vector.shape_cast %parallel_loop3A_1529 : vector<1x16xf32> to vector<16xf32>
        %parallel_loop3A_1531 = arith.cmpi sge, %iota3A, %parallel_loop3A_1518 : vector<16xi32>
        %parallel_loop3A_1532 = arith.select %parallel_loop3A_1531, %parallel_loop3A_1524, %parallel_loop3A_1530 : vector<16xi1>, vector<16xf32>
        %parallel_loop3A_1533 = arith.addi %parallel_loop3A_1518, %iota3A : vector<16xi32>
        %parallel_loop3A_1534 = arith.constant 15 : i32
        %parallel_loop3A_1535 = vector.broadcast %parallel_loop3A_1534 : i32 to vector<16xi32>
        %parallel_loop3A_1536 = arith.andi %parallel_loop3A_1533, %parallel_loop3A_1535 : vector<16xi32>
        %parallel_loop3A_1537 = vector.shape_cast %parallel_loop3A_1536 : vector<16xi32> to vector<16x1xi32>
        %parallel_loop3A_1538 = vector.shape_cast %parallel_loop3A_1537 : vector<16x1xi32> to vector<16xi32>
        %parallel_loop3A_1539 = tpu.dynamic_gather %parallel_loop3A_1532[%parallel_loop3A_1538] in [0] : vector<16xf32>, vector<16xi32> -> vector<16xf32>
        %parallel_loop3A_1540 = arith.constant 32 : i32
        %parallel_loop3A_1541 = arith.muli %parallel_loop3A_1540, %parallel_loop3A_1483 : i32
        %parallel_loop3A_1542 = arith.constant 16 : i32
        %parallel_loop3A_1543 = arith.addi %parallel_loop3A_1541, %parallel_loop3A_1542 : i32
        %parallel_loop3A_1544 = arith.index_cast %parallel_loop3A_1543 : i32 to index
        %parallel_loop3A_1545 = tpu.vector_load %arg16[%parallel_loop3A_1544] {strides = array<i32>} : memref<16384xf32, #tpu.memory_space<vmem>>, vector<16xf32>,
        %parallel_loop3A_1546 = vector.shape_cast %parallel_loop3A_1545 : vector<16xf32> to vector<16xf32>
        %parallel_loop3A_1547 = vector.shape_cast %parallel_loop3A_1539 : vector<16xf32> to vector<16xf32>
        tpu.vector_store %arg16[%parallel_loop3A_1544], %parallel_loop3A_1547 {strides = array<i32>} : memref<16384xf32, #tpu.memory_space<vmem>>, vector<16xf32>,
        %parallel_loop3A_1548 = arith.constant 16 : i32
        %parallel_loop3A_1549 = arith.muli %parallel_loop3A_585, %parallel_loop3A_1548 : i32
        %parallel_loop3A_1550 = arith.constant 14 : i32
        %parallel_loop3A_1551 = arith.addi %parallel_loop3A_1549, %parallel_loop3A_1550 : i32
        %parallel_loop3A_1552 = vector.extract_strided_slice %parallel_loop3A_590 {offsets = [14], sizes = [1], strides = [1]} : vector<16xi32> to vector<1xi32>
        %parallel_loop3A_1553 = vector.extract %parallel_loop3A_1552[0] : i32 from vector<1xi32>
        %parallel_loop3A_1554 = vector.broadcast %parallel_loop3A_1553 : i32 to vector<16xi32>
        %parallel_loop3A_1555 = arith.constant 0 : i32
        %parallel_loop3A_1556 = arith.addi %parallel_loop3A_1555, %parallel_loop3A_1551 : i32
        %parallel_loop3A_1557 = arith.index_cast %parallel_loop3A_1556 : i32 to index
        %parallel_loop3A_1558 = arith.constant 0 : index
        %parallel_loop3A_1559 = tpu.vector_load %arg10[%parallel_loop3A_1557, %parallel_loop3A_1558] {strides = array<i32>} : memref<2048x16xf32, #tpu.memory_space<vmem>>, vector<1x16xf32>,
        %parallel_loop3A_1560 = vector.shape_cast %parallel_loop3A_1559 : vector<1x16xf32> to vector<16xf32>
        %parallel_loop3A_1561 = arith.constant 512 : i32
        %parallel_loop3A_1562 = arith.addi %parallel_loop3A_1561, %parallel_loop3A_1551 : i32
        %parallel_loop3A_1563 = arith.index_cast %parallel_loop3A_1562 : i32 to index
        %parallel_loop3A_1564 = arith.constant 0 : index
        %parallel_loop3A_1565 = tpu.vector_load %arg10[%parallel_loop3A_1563, %parallel_loop3A_1564] {strides = array<i32>} : memref<2048x16xf32, #tpu.memory_space<vmem>>, vector<1x16xf32>,
        %parallel_loop3A_1566 = vector.shape_cast %parallel_loop3A_1565 : vector<1x16xf32> to vector<16xf32>
        %parallel_loop3A_1567 = arith.cmpi sge, %iota3A, %parallel_loop3A_1554 : vector<16xi32>
        %parallel_loop3A_1568 = arith.select %parallel_loop3A_1567, %parallel_loop3A_1560, %parallel_loop3A_1566 : vector<16xi1>, vector<16xf32>
        %parallel_loop3A_1569 = arith.addi %parallel_loop3A_1554, %iota3A : vector<16xi32>
        %parallel_loop3A_1570 = arith.constant 15 : i32
        %parallel_loop3A_1571 = vector.broadcast %parallel_loop3A_1570 : i32 to vector<16xi32>
        %parallel_loop3A_1572 = arith.andi %parallel_loop3A_1569, %parallel_loop3A_1571 : vector<16xi32>
        %parallel_loop3A_1573 = vector.shape_cast %parallel_loop3A_1572 : vector<16xi32> to vector<16x1xi32>
        %parallel_loop3A_1574 = vector.shape_cast %parallel_loop3A_1573 : vector<16x1xi32> to vector<16xi32>
        %parallel_loop3A_1575 = tpu.dynamic_gather %parallel_loop3A_1568[%parallel_loop3A_1574] in [0] : vector<16xf32>, vector<16xi32> -> vector<16xf32>
        %parallel_loop3A_1576 = arith.constant 32 : i32
        %parallel_loop3A_1577 = arith.muli %parallel_loop3A_1576, %parallel_loop3A_1551 : i32
        %parallel_loop3A_1578 = arith.constant 0 : i32
        %parallel_loop3A_1579 = arith.addi %parallel_loop3A_1577, %parallel_loop3A_1578 : i32
        %parallel_loop3A_1580 = arith.index_cast %parallel_loop3A_1579 : i32 to index
        %parallel_loop3A_1581 = tpu.vector_load %arg16[%parallel_loop3A_1580] {strides = array<i32>} : memref<16384xf32, #tpu.memory_space<vmem>>, vector<16xf32>,
        %parallel_loop3A_1582 = vector.shape_cast %parallel_loop3A_1581 : vector<16xf32> to vector<16xf32>
        %parallel_loop3A_1583 = vector.shape_cast %parallel_loop3A_1575 : vector<16xf32> to vector<16xf32>
        tpu.vector_store %arg16[%parallel_loop3A_1580], %parallel_loop3A_1583 {strides = array<i32>} : memref<16384xf32, #tpu.memory_space<vmem>>, vector<16xf32>,
        %parallel_loop3A_1584 = vector.extract_strided_slice %parallel_loop3A_595 {offsets = [14], sizes = [1], strides = [1]} : vector<16xi32> to vector<1xi32>
        %parallel_loop3A_1585 = vector.extract %parallel_loop3A_1584[0] : i32 from vector<1xi32>
        %parallel_loop3A_1586 = vector.broadcast %parallel_loop3A_1585 : i32 to vector<16xi32>
        %parallel_loop3A_1587 = arith.constant 1024 : i32
        %parallel_loop3A_1588 = arith.addi %parallel_loop3A_1587, %parallel_loop3A_1551 : i32
        %parallel_loop3A_1589 = arith.index_cast %parallel_loop3A_1588 : i32 to index
        %parallel_loop3A_1590 = arith.constant 0 : index
        %parallel_loop3A_1591 = tpu.vector_load %arg10[%parallel_loop3A_1589, %parallel_loop3A_1590] {strides = array<i32>} : memref<2048x16xf32, #tpu.memory_space<vmem>>, vector<1x16xf32>,
        %parallel_loop3A_1592 = vector.shape_cast %parallel_loop3A_1591 : vector<1x16xf32> to vector<16xf32>
        %parallel_loop3A_1593 = arith.constant 1536 : i32
        %parallel_loop3A_1594 = arith.addi %parallel_loop3A_1593, %parallel_loop3A_1551 : i32
        %parallel_loop3A_1595 = arith.index_cast %parallel_loop3A_1594 : i32 to index
        %parallel_loop3A_1596 = arith.constant 0 : index
        %parallel_loop3A_1597 = tpu.vector_load %arg10[%parallel_loop3A_1595, %parallel_loop3A_1596] {strides = array<i32>} : memref<2048x16xf32, #tpu.memory_space<vmem>>, vector<1x16xf32>,
        %parallel_loop3A_1598 = vector.shape_cast %parallel_loop3A_1597 : vector<1x16xf32> to vector<16xf32>
        %parallel_loop3A_1599 = arith.cmpi sge, %iota3A, %parallel_loop3A_1586 : vector<16xi32>
        %parallel_loop3A_1600 = arith.select %parallel_loop3A_1599, %parallel_loop3A_1592, %parallel_loop3A_1598 : vector<16xi1>, vector<16xf32>
        %parallel_loop3A_1601 = arith.addi %parallel_loop3A_1586, %iota3A : vector<16xi32>
        %parallel_loop3A_1602 = arith.constant 15 : i32
        %parallel_loop3A_1603 = vector.broadcast %parallel_loop3A_1602 : i32 to vector<16xi32>
        %parallel_loop3A_1604 = arith.andi %parallel_loop3A_1601, %parallel_loop3A_1603 : vector<16xi32>
        %parallel_loop3A_1605 = vector.shape_cast %parallel_loop3A_1604 : vector<16xi32> to vector<16x1xi32>
        %parallel_loop3A_1606 = vector.shape_cast %parallel_loop3A_1605 : vector<16x1xi32> to vector<16xi32>
        %parallel_loop3A_1607 = tpu.dynamic_gather %parallel_loop3A_1600[%parallel_loop3A_1606] in [0] : vector<16xf32>, vector<16xi32> -> vector<16xf32>
        %parallel_loop3A_1608 = arith.constant 32 : i32
        %parallel_loop3A_1609 = arith.muli %parallel_loop3A_1608, %parallel_loop3A_1551 : i32
        %parallel_loop3A_1610 = arith.constant 16 : i32
        %parallel_loop3A_1611 = arith.addi %parallel_loop3A_1609, %parallel_loop3A_1610 : i32
        %parallel_loop3A_1612 = arith.index_cast %parallel_loop3A_1611 : i32 to index
        %parallel_loop3A_1613 = tpu.vector_load %arg16[%parallel_loop3A_1612] {strides = array<i32>} : memref<16384xf32, #tpu.memory_space<vmem>>, vector<16xf32>,
        %parallel_loop3A_1614 = vector.shape_cast %parallel_loop3A_1613 : vector<16xf32> to vector<16xf32>
        %parallel_loop3A_1615 = vector.shape_cast %parallel_loop3A_1607 : vector<16xf32> to vector<16xf32>
        tpu.vector_store %arg16[%parallel_loop3A_1612], %parallel_loop3A_1615 {strides = array<i32>} : memref<16384xf32, #tpu.memory_space<vmem>>, vector<16xf32>,
        %parallel_loop3A_1616 = arith.constant 16 : i32
        %parallel_loop3A_1617 = arith.muli %parallel_loop3A_585, %parallel_loop3A_1616 : i32
        %parallel_loop3A_1618 = arith.constant 15 : i32
        %parallel_loop3A_1619 = arith.addi %parallel_loop3A_1617, %parallel_loop3A_1618 : i32
        %parallel_loop3A_1620 = vector.extract_strided_slice %parallel_loop3A_590 {offsets = [15], sizes = [1], strides = [1]} : vector<16xi32> to vector<1xi32>
        %parallel_loop3A_1621 = vector.extract %parallel_loop3A_1620[0] : i32 from vector<1xi32>
        %parallel_loop3A_1622 = vector.broadcast %parallel_loop3A_1621 : i32 to vector<16xi32>
        %parallel_loop3A_1623 = arith.constant 0 : i32
        %parallel_loop3A_1624 = arith.addi %parallel_loop3A_1623, %parallel_loop3A_1619 : i32
        %parallel_loop3A_1625 = arith.index_cast %parallel_loop3A_1624 : i32 to index
        %parallel_loop3A_1626 = arith.constant 0 : index
        %parallel_loop3A_1627 = tpu.vector_load %arg10[%parallel_loop3A_1625, %parallel_loop3A_1626] {strides = array<i32>} : memref<2048x16xf32, #tpu.memory_space<vmem>>, vector<1x16xf32>,
        %parallel_loop3A_1628 = vector.shape_cast %parallel_loop3A_1627 : vector<1x16xf32> to vector<16xf32>
        %parallel_loop3A_1629 = arith.constant 512 : i32
        %parallel_loop3A_1630 = arith.addi %parallel_loop3A_1629, %parallel_loop3A_1619 : i32
        %parallel_loop3A_1631 = arith.index_cast %parallel_loop3A_1630 : i32 to index
        %parallel_loop3A_1632 = arith.constant 0 : index
        %parallel_loop3A_1633 = tpu.vector_load %arg10[%parallel_loop3A_1631, %parallel_loop3A_1632] {strides = array<i32>} : memref<2048x16xf32, #tpu.memory_space<vmem>>, vector<1x16xf32>,
        %parallel_loop3A_1634 = vector.shape_cast %parallel_loop3A_1633 : vector<1x16xf32> to vector<16xf32>
        %parallel_loop3A_1635 = arith.cmpi sge, %iota3A, %parallel_loop3A_1622 : vector<16xi32>
        %parallel_loop3A_1636 = arith.select %parallel_loop3A_1635, %parallel_loop3A_1628, %parallel_loop3A_1634 : vector<16xi1>, vector<16xf32>
        %parallel_loop3A_1637 = arith.addi %parallel_loop3A_1622, %iota3A : vector<16xi32>
        %parallel_loop3A_1638 = arith.constant 15 : i32
        %parallel_loop3A_1639 = vector.broadcast %parallel_loop3A_1638 : i32 to vector<16xi32>
        %parallel_loop3A_1640 = arith.andi %parallel_loop3A_1637, %parallel_loop3A_1639 : vector<16xi32>
        %parallel_loop3A_1641 = vector.shape_cast %parallel_loop3A_1640 : vector<16xi32> to vector<16x1xi32>
        %parallel_loop3A_1642 = vector.shape_cast %parallel_loop3A_1641 : vector<16x1xi32> to vector<16xi32>
        %parallel_loop3A_1643 = tpu.dynamic_gather %parallel_loop3A_1636[%parallel_loop3A_1642] in [0] : vector<16xf32>, vector<16xi32> -> vector<16xf32>
        %parallel_loop3A_1644 = arith.constant 32 : i32
        %parallel_loop3A_1645 = arith.muli %parallel_loop3A_1644, %parallel_loop3A_1619 : i32
        %parallel_loop3A_1646 = arith.constant 0 : i32
        %parallel_loop3A_1647 = arith.addi %parallel_loop3A_1645, %parallel_loop3A_1646 : i32
        %parallel_loop3A_1648 = arith.index_cast %parallel_loop3A_1647 : i32 to index
        %parallel_loop3A_1649 = tpu.vector_load %arg16[%parallel_loop3A_1648] {strides = array<i32>} : memref<16384xf32, #tpu.memory_space<vmem>>, vector<16xf32>,
        %parallel_loop3A_1650 = vector.shape_cast %parallel_loop3A_1649 : vector<16xf32> to vector<16xf32>
        %parallel_loop3A_1651 = vector.shape_cast %parallel_loop3A_1643 : vector<16xf32> to vector<16xf32>
        tpu.vector_store %arg16[%parallel_loop3A_1648], %parallel_loop3A_1651 {strides = array<i32>} : memref<16384xf32, #tpu.memory_space<vmem>>, vector<16xf32>,
        %parallel_loop3A_1652 = vector.extract_strided_slice %parallel_loop3A_595 {offsets = [15], sizes = [1], strides = [1]} : vector<16xi32> to vector<1xi32>
        %parallel_loop3A_1653 = vector.extract %parallel_loop3A_1652[0] : i32 from vector<1xi32>
        %parallel_loop3A_1654 = vector.broadcast %parallel_loop3A_1653 : i32 to vector<16xi32>
        %parallel_loop3A_1655 = arith.constant 1024 : i32
        %parallel_loop3A_1656 = arith.addi %parallel_loop3A_1655, %parallel_loop3A_1619 : i32
        %parallel_loop3A_1657 = arith.index_cast %parallel_loop3A_1656 : i32 to index
        %parallel_loop3A_1658 = arith.constant 0 : index
        %parallel_loop3A_1659 = tpu.vector_load %arg10[%parallel_loop3A_1657, %parallel_loop3A_1658] {strides = array<i32>} : memref<2048x16xf32, #tpu.memory_space<vmem>>, vector<1x16xf32>,
        %parallel_loop3A_1660 = vector.shape_cast %parallel_loop3A_1659 : vector<1x16xf32> to vector<16xf32>
        %parallel_loop3A_1661 = arith.constant 1536 : i32
        %parallel_loop3A_1662 = arith.addi %parallel_loop3A_1661, %parallel_loop3A_1619 : i32
        %parallel_loop3A_1663 = arith.index_cast %parallel_loop3A_1662 : i32 to index
        %parallel_loop3A_1664 = arith.constant 0 : index
        %parallel_loop3A_1665 = tpu.vector_load %arg10[%parallel_loop3A_1663, %parallel_loop3A_1664] {strides = array<i32>} : memref<2048x16xf32, #tpu.memory_space<vmem>>, vector<1x16xf32>,
        %parallel_loop3A_1666 = vector.shape_cast %parallel_loop3A_1665 : vector<1x16xf32> to vector<16xf32>
        %parallel_loop3A_1667 = arith.cmpi sge, %iota3A, %parallel_loop3A_1654 : vector<16xi32>
        %parallel_loop3A_1668 = arith.select %parallel_loop3A_1667, %parallel_loop3A_1660, %parallel_loop3A_1666 : vector<16xi1>, vector<16xf32>
        %parallel_loop3A_1669 = arith.addi %parallel_loop3A_1654, %iota3A : vector<16xi32>
        %parallel_loop3A_1670 = arith.constant 15 : i32
        %parallel_loop3A_1671 = vector.broadcast %parallel_loop3A_1670 : i32 to vector<16xi32>
        %parallel_loop3A_1672 = arith.andi %parallel_loop3A_1669, %parallel_loop3A_1671 : vector<16xi32>
        %parallel_loop3A_1673 = vector.shape_cast %parallel_loop3A_1672 : vector<16xi32> to vector<16x1xi32>
        %parallel_loop3A_1674 = vector.shape_cast %parallel_loop3A_1673 : vector<16x1xi32> to vector<16xi32>
        %parallel_loop3A_1675 = tpu.dynamic_gather %parallel_loop3A_1668[%parallel_loop3A_1674] in [0] : vector<16xf32>, vector<16xi32> -> vector<16xf32>
        %parallel_loop3A_1676 = arith.constant 32 : i32
        %parallel_loop3A_1677 = arith.muli %parallel_loop3A_1676, %parallel_loop3A_1619 : i32
        %parallel_loop3A_1678 = arith.constant 16 : i32
        %parallel_loop3A_1679 = arith.addi %parallel_loop3A_1677, %parallel_loop3A_1678 : i32
        %parallel_loop3A_1680 = arith.index_cast %parallel_loop3A_1679 : i32 to index
        %parallel_loop3A_1681 = tpu.vector_load %arg16[%parallel_loop3A_1680] {strides = array<i32>} : memref<16384xf32, #tpu.memory_space<vmem>>, vector<16xf32>,
        %parallel_loop3A_1682 = vector.shape_cast %parallel_loop3A_1681 : vector<16xf32> to vector<16xf32>
        %parallel_loop3A_1683 = vector.shape_cast %parallel_loop3A_1675 : vector<16xf32> to vector<16xf32>
        tpu.vector_store %arg16[%parallel_loop3A_1680], %parallel_loop3A_1683 {strides = array<i32>} : memref<16384xf32, #tpu.memory_space<vmem>>, vector<16xf32>,
      } {sc.loop_unroll_factor = 1 : i64, sc.parallel_access}
      %mul3A_429 = arith.constant 512 : i32
      %mul3A_430 = arith.muli %mul3A_159, %mul3A_429 : i32
      %add3A_431 = arith.addi %mul3A_2, %mul3A_430 : i32
      %mul3A_432 = arith.constant 32 : i32
      %mul3A_433 = arith.muli %add3A_431, %mul3A_432 : i32
      %dma_start3A_434 = tpu.memref_slice %arg5[%mul3A_433] : memref<13631488xf32, #tpu.memory_space<hbm>> -> memref<16384xf32, #tpu.memory_space<hbm>>
      %dma_start3A_435 = tpu.memref_slice %arg5[%mul3A_433] : memref<13631488xf32, #tpu.memory_space<hbm>> -> memref<16384xf32, #tpu.memory_space<hbm>>
      tpu.enqueue_dma source(%arg16 : memref<16384xf32, #tpu.memory_space<vmem>>) target(%dma_start3A_435 : memref<16384xf32, #tpu.memory_space<hbm>>) target_semaphore(%arg20 : memref<!tpu.dma_semaphore, #tpu.memory_space<semaphore_mem>>)
      %lt3A = arith.constant 12 : i32
      %lt3A_436 = arith.cmpi slt, %scan3A_157, %lt3A : i32
      %convert_element_type3A_437 = arith.extui %lt3A_436 : i1 to i32
      %cond3A_438 = arith.constant 0 : i32
      %cond3A_439 = arith.cmpi ne, %convert_element_type3A_437, %cond3A_438 : i32
      scf.if %cond3A_439 {
        %add3A_585 = arith.constant 2 : i32
        %add3A_586 = arith.addi %mul3A_159, %add3A_585 : i32
        %scan3A_587 = arith.constant 0 : i32
        %scan3A_588 = arith.constant 32 : i32
        %scan3A_589 = arith.addi %scan3A_587, %scan3A_588 : i32
        %scan3A_590 = arith.constant 1 : i32
        scf.for %scan3A_722 = %scan3A_587 to %scan3A_589 step %scan3A_590  : i32 {
          %mul3A_723 = arith.constant 16 : i32
          %mul3A_724 = arith.muli %scan3A_722, %mul3A_723 : i32
          %mul3A_725 = arith.constant 512 : i32
          %mul3A_726 = arith.muli %add3A_586, %mul3A_725 : i32
          %mul3A_727 = arith.constant 16 : i32
          %mul3A_728 = arith.muli %scan3A_722, %mul3A_727 : i32
          %add3A_729 = arith.addi %mul3A_726, %mul3A_728 : i32
          %get3A_730 = arith.index_cast %add3A_729 : i32 to index
          %get3A_731 = tpu.vector_load %arg6[%get3A_730] {strides = array<i32>} : memref<13312xi32, #tpu.memory_space<vmem>>, vector<16xi32>,
          %get3A_732 = vector.shape_cast %get3A_731 : vector<16xi32> to vector<16xi32>
          %mul3A_733 = arith.muli %get3A_732, %get3A_6 : vector<16xi32>
          %eq3A = arith.constant 0 : i32
          %eq3A_734 = arith.cmpi eq, %scan3A_144, %eq3A : i32
          %jit3A = arith.constant 1 : i32
          %select_n3A = arith.select %eq3A_734, %jit3A, %scan3A_144 : i32
          %rem3A = vector.broadcast %select_n3A : i32 to vector<16xi32>
          %rem3A_735 = arith.remui %mul3A_733, %rem3A : vector<16xi32>
          %ne3A = arith.constant 0 : i32
          %ne3A_736 = vector.broadcast %ne3A : i32 to vector<16xi32>
          %ne3A_737 = arith.cmpi ne, %rem3A_735, %ne3A_736 : vector<16xi32>
          %lt3A_738 = arith.constant 0 : i32
          %lt3A_739 = vector.broadcast %lt3A_738 : i32 to vector<16xi32>
          %lt3A_740 = arith.cmpi ult, %rem3A_735, %lt3A_739 : vector<16xi32>
          %lt3A_741 = arith.constant 0 : i32
          %lt3A_742 = arith.cmpi ult, %select_n3A, %lt3A_741 : i32
          %ne3A_743 = vector.broadcast %lt3A_742 : i1 to vector<16xi1>
          %ne3A_744 = vector.broadcast %ne3A_743 : vector<16xi1> to vector<16xi1>
          %ne3A_745 = arith.xori %lt3A_740, %ne3A_744 : vector<16xi1>
          %and3A = arith.andi %ne3A_745, %ne3A_737 : vector<16xi1>
          %add3A_746 = vector.broadcast %select_n3A : i32 to vector<16xi32>
          %add3A_747 = arith.addi %rem3A_735, %add3A_746 : vector<16xi32>
          %select_n3A_748 = arith.select %and3A, %add3A_747, %rem3A_735 : vector<16xi1>, vector<16xi32>
          %mul3A_749 = arith.muli %get3A_732, %get3A_11 : vector<16xi32>
          %eq3A_750 = arith.constant 0 : i32
          %eq3A_751 = arith.cmpi eq, %scan3A_144, %eq3A_750 : i32
          %jit3A_752 = arith.constant 1 : i32
          %select_n3A_753 = arith.select %eq3A_751, %jit3A_752, %scan3A_144 : i32
          %rem3A_754 = vector.broadcast %select_n3A_753 : i32 to vector<16xi32>
          %rem3A_755 = arith.remui %mul3A_749, %rem3A_754 : vector<16xi32>
          %ne3A_756 = arith.constant 0 : i32
          %ne3A_757 = vector.broadcast %ne3A_756 : i32 to vector<16xi32>
          %ne3A_758 = arith.cmpi ne, %rem3A_755, %ne3A_757 : vector<16xi32>
          %lt3A_759 = arith.constant 0 : i32
          %lt3A_760 = vector.broadcast %lt3A_759 : i32 to vector<16xi32>
          %lt3A_761 = arith.cmpi ult, %rem3A_755, %lt3A_760 : vector<16xi32>
          %lt3A_762 = arith.constant 0 : i32
          %lt3A_763 = arith.cmpi ult, %select_n3A_753, %lt3A_762 : i32
          %ne3A_764 = vector.broadcast %lt3A_763 : i1 to vector<16xi1>
          %ne3A_765 = vector.broadcast %ne3A_764 : vector<16xi1> to vector<16xi1>
          %ne3A_766 = arith.xori %lt3A_761, %ne3A_765 : vector<16xi1>
          %and3A_767 = arith.andi %ne3A_766, %ne3A_758 : vector<16xi1>
          %add3A_768 = vector.broadcast %select_n3A_753 : i32 to vector<16xi32>
          %add3A_769 = arith.addi %rem3A_755, %add3A_768 : vector<16xi32>
          %select_n3A_770 = arith.select %and3A_767, %add3A_769, %rem3A_755 : vector<16xi1>, vector<16xi32>
          %shift_right_arithmetic3A = arith.constant 4 : i32
          %shift_right_arithmetic3A_771 = vector.broadcast %shift_right_arithmetic3A : i32 to vector<16xi32>
          %shift_right_arithmetic3A_772 = arith.shrsi %select_n3A_748, %shift_right_arithmetic3A_771 : vector<16xi32>
          %shift_right_arithmetic3A_773 = arith.constant 4 : i32
          %shift_right_arithmetic3A_774 = vector.broadcast %shift_right_arithmetic3A_773 : i32 to vector<16xi32>
          %shift_right_arithmetic3A_775 = arith.shrsi %select_n3A_770, %shift_right_arithmetic3A_774 : vector<16xi32>
          %swap3A = arith.index_cast %mul3A_724 : i32 to index
          %swap3A_776 = tpu.vector_load %arg8[%swap3A] {strides = array<i32>} : memref<2048xi32, #tpu.memory_space<vmem>>, vector<16xi32>,
          %swap3A_777 = vector.shape_cast %swap3A_776 : vector<16xi32> to vector<16xi32>
          %swap3A_778 = vector.shape_cast %shift_right_arithmetic3A_772 : vector<16xi32> to vector<16xi32>
          tpu.vector_store %arg8[%swap3A], %swap3A_778 {strides = array<i32>} : memref<2048xi32, #tpu.memory_space<vmem>>, vector<16xi32>,
          %add3A_779 = arith.constant 1 : i32
          %add3A_780 = vector.broadcast %add3A_779 : i32 to vector<16xi32>
          %add3A_781 = arith.addi %shift_right_arithmetic3A_772, %add3A_780 : vector<16xi32>
          %mul3A_782 = arith.constant 16 : i32
          %mul3A_783 = arith.muli %scan3A_722, %mul3A_782 : i32
          %add3A_784 = arith.constant 512 : i32
          %add3A_785 = arith.addi %add3A_784, %mul3A_783 : i32
          %swap3A_786 = arith.index_cast %add3A_785 : i32 to index
          %swap3A_787 = tpu.vector_load %arg8[%swap3A_786] {strides = array<i32>} : memref<2048xi32, #tpu.memory_space<vmem>>, vector<16xi32>,
          %swap3A_788 = vector.shape_cast %swap3A_787 : vector<16xi32> to vector<16xi32>
          %swap3A_789 = vector.shape_cast %add3A_781 : vector<16xi32> to vector<16xi32>
          tpu.vector_store %arg8[%swap3A_786], %swap3A_789 {strides = array<i32>} : memref<2048xi32, #tpu.memory_space<vmem>>, vector<16xi32>,
          %mul3A_790 = arith.constant 16 : i32
          %mul3A_791 = arith.muli %scan3A_722, %mul3A_790 : i32
          %add3A_792 = arith.constant 1024 : i32
          %add3A_793 = arith.addi %add3A_792, %mul3A_791 : i32
          %swap3A_794 = arith.index_cast %add3A_793 : i32 to index
          %swap3A_795 = tpu.vector_load %arg8[%swap3A_794] {strides = array<i32>} : memref<2048xi32, #tpu.memory_space<vmem>>, vector<16xi32>,
          %swap3A_796 = vector.shape_cast %swap3A_795 : vector<16xi32> to vector<16xi32>
          %swap3A_797 = vector.shape_cast %shift_right_arithmetic3A_775 : vector<16xi32> to vector<16xi32>
          tpu.vector_store %arg8[%swap3A_794], %swap3A_797 {strides = array<i32>} : memref<2048xi32, #tpu.memory_space<vmem>>, vector<16xi32>,
          %add3A_798 = arith.constant 1 : i32
          %add3A_799 = vector.broadcast %add3A_798 : i32 to vector<16xi32>
          %add3A_800 = arith.addi %shift_right_arithmetic3A_775, %add3A_799 : vector<16xi32>
          %mul3A_801 = arith.constant 16 : i32
          %mul3A_802 = arith.muli %scan3A_722, %mul3A_801 : i32
          %add3A_803 = arith.constant 1536 : i32
          %add3A_804 = arith.addi %add3A_803, %mul3A_802 : i32
          %swap3A_805 = arith.index_cast %add3A_804 : i32 to index
          %swap3A_806 = tpu.vector_load %arg8[%swap3A_805] {strides = array<i32>} : memref<2048xi32, #tpu.memory_space<vmem>>, vector<16xi32>,
          %swap3A_807 = vector.shape_cast %swap3A_806 : vector<16xi32> to vector<16xi32>
          %swap3A_808 = vector.shape_cast %add3A_800 : vector<16xi32> to vector<16xi32>
          tpu.vector_store %arg8[%swap3A_805], %swap3A_808 {strides = array<i32>} : memref<2048xi32, #tpu.memory_space<vmem>>, vector<16xi32>,
          %and3A_809 = arith.constant 15 : i32
          %and3A_810 = vector.broadcast %and3A_809 : i32 to vector<16xi32>
          %and3A_811 = arith.andi %select_n3A_748, %and3A_810 : vector<16xi32>
          %swap3A_812 = arith.index_cast %mul3A_724 : i32 to index
          %swap3A_813 = tpu.vector_load %arg12[%swap3A_812] {strides = array<i32>} : memref<512xi32, #tpu.memory_space<vmem>>, vector<16xi32>,
          %swap3A_814 = vector.shape_cast %swap3A_813 : vector<16xi32> to vector<16xi32>
          %swap3A_815 = vector.shape_cast %and3A_811 : vector<16xi32> to vector<16xi32>
          tpu.vector_store %arg12[%swap3A_812], %swap3A_815 {strides = array<i32>} : memref<512xi32, #tpu.memory_space<vmem>>, vector<16xi32>,
          %and3A_816 = arith.constant 15 : i32
          %and3A_817 = vector.broadcast %and3A_816 : i32 to vector<16xi32>
          %and3A_818 = arith.andi %select_n3A_770, %and3A_817 : vector<16xi32>
          %swap3A_819 = arith.index_cast %mul3A_724 : i32 to index
          %swap3A_820 = tpu.vector_load %arg14[%swap3A_819] {strides = array<i32>} : memref<512xi32, #tpu.memory_space<vmem>>, vector<16xi32>,
          %swap3A_821 = vector.shape_cast %swap3A_820 : vector<16xi32> to vector<16xi32>
          %swap3A_822 = vector.shape_cast %and3A_818 : vector<16xi32> to vector<16xi32>
          tpu.vector_store %arg14[%swap3A_819], %swap3A_822 {strides = array<i32>} : memref<512xi32, #tpu.memory_space<vmem>>, vector<16xi32>,
        }
        %scan3A_591 = arith.constant 32 : i32
        %add3A_592 = arith.constant 2 : i32
        %add3A_593 = arith.addi %mul3A_159, %add3A_592 : i32
        %dma_start3A_594 = arith.constant 0 : i32
        %dma_start3A_595 = arith.constant 0 : i32
        %dma_start3A_596 = tpu.memref_slice %arg10[%dma_start3A_594, %dma_start3A_595] : memref<2048x16xf32, #tpu.memory_space<vmem>> -> memref<128x16xf32, #tpu.memory_space<vmem>>
        %dma_start3A_597 = arith.constant 0 : i32
        %dma_start3A_598 = tpu.memref_slice %arg8[%dma_start3A_597] : memref<2048xi32, #tpu.memory_space<vmem>> -> memref<128xi32, #tpu.memory_space<vmem>>
        %dma_start3A_599 = arith.constant 0 : i32
        %dma_start3A_600 = arith.constant 0 : i32
        %dma_start3A_601 = tpu.memref_slice %arg3[%dma_start3A_599, %dma_start3A_600] : memref<62500x16xf32, #tpu.memory_space<hbm>> -> memref<62500x16xf32, #tpu.memory_space<hbm>>
        tpu.enqueue_indirect_dma source(%dma_start3A_601 : memref<62500x16xf32, #tpu.memory_space<hbm>>) target(%dma_start3A_596 : memref<128x16xf32, #tpu.memory_space<vmem>>) offsets(%dma_start3A_598 : memref<128xi32, #tpu.memory_space<vmem>>) semaphore(%arg18 : memref<!tpu.dma_semaphore, #tpu.memory_space<semaphore_mem>>)
        %dma_start3A_602 = arith.constant 128 : i32
        %dma_start3A_603 = arith.constant 0 : i32
        %dma_start3A_604 = tpu.memref_slice %arg10[%dma_start3A_602, %dma_start3A_603] : memref<2048x16xf32, #tpu.memory_space<vmem>> -> memref<128x16xf32, #tpu.memory_space<vmem>>
        %dma_start3A_605 = arith.constant 128 : i32
        %dma_start3A_606 = tpu.memref_slice %arg8[%dma_start3A_605] : memref<2048xi32, #tpu.memory_space<vmem>> -> memref<128xi32, #tpu.memory_space<vmem>>
        %dma_start3A_607 = arith.constant 0 : i32
        %dma_start3A_608 = arith.constant 0 : i32
        %dma_start3A_609 = tpu.memref_slice %arg3[%dma_start3A_607, %dma_start3A_608] : memref<62500x16xf32, #tpu.memory_space<hbm>> -> memref<62500x16xf32, #tpu.memory_space<hbm>>
        tpu.enqueue_indirect_dma source(%dma_start3A_609 : memref<62500x16xf32, #tpu.memory_space<hbm>>) target(%dma_start3A_604 : memref<128x16xf32, #tpu.memory_space<vmem>>) offsets(%dma_start3A_606 : memref<128xi32, #tpu.memory_space<vmem>>) semaphore(%arg18 : memref<!tpu.dma_semaphore, #tpu.memory_space<semaphore_mem>>)
        %dma_start3A_610 = arith.constant 256 : i32
        %dma_start3A_611 = arith.constant 0 : i32
        %dma_start3A_612 = tpu.memref_slice %arg10[%dma_start3A_610, %dma_start3A_611] : memref<2048x16xf32, #tpu.memory_space<vmem>> -> memref<128x16xf32, #tpu.memory_space<vmem>>
        %dma_start3A_613 = arith.constant 256 : i32
        %dma_start3A_614 = tpu.memref_slice %arg8[%dma_start3A_613] : memref<2048xi32, #tpu.memory_space<vmem>> -> memref<128xi32, #tpu.memory_space<vmem>>
        %dma_start3A_615 = arith.constant 0 : i32
        %dma_start3A_616 = arith.constant 0 : i32
        %dma_start3A_617 = tpu.memref_slice %arg3[%dma_start3A_615, %dma_start3A_616] : memref<62500x16xf32, #tpu.memory_space<hbm>> -> memref<62500x16xf32, #tpu.memory_space<hbm>>
        tpu.enqueue_indirect_dma source(%dma_start3A_617 : memref<62500x16xf32, #tpu.memory_space<hbm>>) target(%dma_start3A_612 : memref<128x16xf32, #tpu.memory_space<vmem>>) offsets(%dma_start3A_614 : memref<128xi32, #tpu.memory_space<vmem>>) semaphore(%arg18 : memref<!tpu.dma_semaphore, #tpu.memory_space<semaphore_mem>>)
        %dma_start3A_618 = arith.constant 384 : i32
        %dma_start3A_619 = arith.constant 0 : i32
        %dma_start3A_620 = tpu.memref_slice %arg10[%dma_start3A_618, %dma_start3A_619] : memref<2048x16xf32, #tpu.memory_space<vmem>> -> memref<128x16xf32, #tpu.memory_space<vmem>>
        %dma_start3A_621 = arith.constant 384 : i32
        %dma_start3A_622 = tpu.memref_slice %arg8[%dma_start3A_621] : memref<2048xi32, #tpu.memory_space<vmem>> -> memref<128xi32, #tpu.memory_space<vmem>>
        %dma_start3A_623 = arith.constant 0 : i32
        %dma_start3A_624 = arith.constant 0 : i32
        %dma_start3A_625 = tpu.memref_slice %arg3[%dma_start3A_623, %dma_start3A_624] : memref<62500x16xf32, #tpu.memory_space<hbm>> -> memref<62500x16xf32, #tpu.memory_space<hbm>>
        tpu.enqueue_indirect_dma source(%dma_start3A_625 : memref<62500x16xf32, #tpu.memory_space<hbm>>) target(%dma_start3A_620 : memref<128x16xf32, #tpu.memory_space<vmem>>) offsets(%dma_start3A_622 : memref<128xi32, #tpu.memory_space<vmem>>) semaphore(%arg18 : memref<!tpu.dma_semaphore, #tpu.memory_space<semaphore_mem>>)
        %dma_start3A_626 = arith.constant 512 : i32
        %dma_start3A_627 = arith.constant 0 : i32
        %dma_start3A_628 = tpu.memref_slice %arg10[%dma_start3A_626, %dma_start3A_627] : memref<2048x16xf32, #tpu.memory_space<vmem>> -> memref<128x16xf32, #tpu.memory_space<vmem>>
        %dma_start3A_629 = arith.constant 512 : i32
        %dma_start3A_630 = tpu.memref_slice %arg8[%dma_start3A_629] : memref<2048xi32, #tpu.memory_space<vmem>> -> memref<128xi32, #tpu.memory_space<vmem>>
        %dma_start3A_631 = arith.constant 0 : i32
        %dma_start3A_632 = arith.constant 0 : i32
        %dma_start3A_633 = tpu.memref_slice %arg3[%dma_start3A_631, %dma_start3A_632] : memref<62500x16xf32, #tpu.memory_space<hbm>> -> memref<62500x16xf32, #tpu.memory_space<hbm>>
        tpu.enqueue_indirect_dma source(%dma_start3A_633 : memref<62500x16xf32, #tpu.memory_space<hbm>>) target(%dma_start3A_628 : memref<128x16xf32, #tpu.memory_space<vmem>>) offsets(%dma_start3A_630 : memref<128xi32, #tpu.memory_space<vmem>>) semaphore(%arg18 : memref<!tpu.dma_semaphore, #tpu.memory_space<semaphore_mem>>)
        %dma_start3A_634 = arith.constant 640 : i32
        %dma_start3A_635 = arith.constant 0 : i32
        %dma_start3A_636 = tpu.memref_slice %arg10[%dma_start3A_634, %dma_start3A_635] : memref<2048x16xf32, #tpu.memory_space<vmem>> -> memref<128x16xf32, #tpu.memory_space<vmem>>
        %dma_start3A_637 = arith.constant 640 : i32
        %dma_start3A_638 = tpu.memref_slice %arg8[%dma_start3A_637] : memref<2048xi32, #tpu.memory_space<vmem>> -> memref<128xi32, #tpu.memory_space<vmem>>
        %dma_start3A_639 = arith.constant 0 : i32
        %dma_start3A_640 = arith.constant 0 : i32
        %dma_start3A_641 = tpu.memref_slice %arg3[%dma_start3A_639, %dma_start3A_640] : memref<62500x16xf32, #tpu.memory_space<hbm>> -> memref<62500x16xf32, #tpu.memory_space<hbm>>
        tpu.enqueue_indirect_dma source(%dma_start3A_641 : memref<62500x16xf32, #tpu.memory_space<hbm>>) target(%dma_start3A_636 : memref<128x16xf32, #tpu.memory_space<vmem>>) offsets(%dma_start3A_638 : memref<128xi32, #tpu.memory_space<vmem>>) semaphore(%arg18 : memref<!tpu.dma_semaphore, #tpu.memory_space<semaphore_mem>>)
        %dma_start3A_642 = arith.constant 768 : i32
        %dma_start3A_643 = arith.constant 0 : i32
        %dma_start3A_644 = tpu.memref_slice %arg10[%dma_start3A_642, %dma_start3A_643] : memref<2048x16xf32, #tpu.memory_space<vmem>> -> memref<128x16xf32, #tpu.memory_space<vmem>>
        %dma_start3A_645 = arith.constant 768 : i32
        %dma_start3A_646 = tpu.memref_slice %arg8[%dma_start3A_645] : memref<2048xi32, #tpu.memory_space<vmem>> -> memref<128xi32, #tpu.memory_space<vmem>>
        %dma_start3A_647 = arith.constant 0 : i32
        %dma_start3A_648 = arith.constant 0 : i32
        %dma_start3A_649 = tpu.memref_slice %arg3[%dma_start3A_647, %dma_start3A_648] : memref<62500x16xf32, #tpu.memory_space<hbm>> -> memref<62500x16xf32, #tpu.memory_space<hbm>>
        tpu.enqueue_indirect_dma source(%dma_start3A_649 : memref<62500x16xf32, #tpu.memory_space<hbm>>) target(%dma_start3A_644 : memref<128x16xf32, #tpu.memory_space<vmem>>) offsets(%dma_start3A_646 : memref<128xi32, #tpu.memory_space<vmem>>) semaphore(%arg18 : memref<!tpu.dma_semaphore, #tpu.memory_space<semaphore_mem>>)
        %dma_start3A_650 = arith.constant 896 : i32
        %dma_start3A_651 = arith.constant 0 : i32
        %dma_start3A_652 = tpu.memref_slice %arg10[%dma_start3A_650, %dma_start3A_651] : memref<2048x16xf32, #tpu.memory_space<vmem>> -> memref<128x16xf32, #tpu.memory_space<vmem>>
        %dma_start3A_653 = arith.constant 896 : i32
        %dma_start3A_654 = tpu.memref_slice %arg8[%dma_start3A_653] : memref<2048xi32, #tpu.memory_space<vmem>> -> memref<128xi32, #tpu.memory_space<vmem>>
        %dma_start3A_655 = arith.constant 0 : i32
        %dma_start3A_656 = arith.constant 0 : i32
        %dma_start3A_657 = tpu.memref_slice %arg3[%dma_start3A_655, %dma_start3A_656] : memref<62500x16xf32, #tpu.memory_space<hbm>> -> memref<62500x16xf32, #tpu.memory_space<hbm>>
        tpu.enqueue_indirect_dma source(%dma_start3A_657 : memref<62500x16xf32, #tpu.memory_space<hbm>>) target(%dma_start3A_652 : memref<128x16xf32, #tpu.memory_space<vmem>>) offsets(%dma_start3A_654 : memref<128xi32, #tpu.memory_space<vmem>>) semaphore(%arg18 : memref<!tpu.dma_semaphore, #tpu.memory_space<semaphore_mem>>)
        %dma_start3A_658 = arith.constant 1024 : i32
        %dma_start3A_659 = arith.constant 0 : i32
        %dma_start3A_660 = tpu.memref_slice %arg10[%dma_start3A_658, %dma_start3A_659] : memref<2048x16xf32, #tpu.memory_space<vmem>> -> memref<128x16xf32, #tpu.memory_space<vmem>>
        %dma_start3A_661 = arith.constant 1024 : i32
        %dma_start3A_662 = tpu.memref_slice %arg8[%dma_start3A_661] : memref<2048xi32, #tpu.memory_space<vmem>> -> memref<128xi32, #tpu.memory_space<vmem>>
        %dma_start3A_663 = arith.constant 0 : i32
        %dma_start3A_664 = arith.constant 0 : i32
        %dma_start3A_665 = tpu.memref_slice %arg3[%dma_start3A_663, %dma_start3A_664] : memref<62500x16xf32, #tpu.memory_space<hbm>> -> memref<62500x16xf32, #tpu.memory_space<hbm>>
        tpu.enqueue_indirect_dma source(%dma_start3A_665 : memref<62500x16xf32, #tpu.memory_space<hbm>>) target(%dma_start3A_660 : memref<128x16xf32, #tpu.memory_space<vmem>>) offsets(%dma_start3A_662 : memref<128xi32, #tpu.memory_space<vmem>>) semaphore(%arg18 : memref<!tpu.dma_semaphore, #tpu.memory_space<semaphore_mem>>)
        %dma_start3A_666 = arith.constant 1152 : i32
        %dma_start3A_667 = arith.constant 0 : i32
        %dma_start3A_668 = tpu.memref_slice %arg10[%dma_start3A_666, %dma_start3A_667] : memref<2048x16xf32, #tpu.memory_space<vmem>> -> memref<128x16xf32, #tpu.memory_space<vmem>>
        %dma_start3A_669 = arith.constant 1152 : i32
        %dma_start3A_670 = tpu.memref_slice %arg8[%dma_start3A_669] : memref<2048xi32, #tpu.memory_space<vmem>> -> memref<128xi32, #tpu.memory_space<vmem>>
        %dma_start3A_671 = arith.constant 0 : i32
        %dma_start3A_672 = arith.constant 0 : i32
        %dma_start3A_673 = tpu.memref_slice %arg3[%dma_start3A_671, %dma_start3A_672] : memref<62500x16xf32, #tpu.memory_space<hbm>> -> memref<62500x16xf32, #tpu.memory_space<hbm>>
        tpu.enqueue_indirect_dma source(%dma_start3A_673 : memref<62500x16xf32, #tpu.memory_space<hbm>>) target(%dma_start3A_668 : memref<128x16xf32, #tpu.memory_space<vmem>>) offsets(%dma_start3A_670 : memref<128xi32, #tpu.memory_space<vmem>>) semaphore(%arg18 : memref<!tpu.dma_semaphore, #tpu.memory_space<semaphore_mem>>)
        %dma_start3A_674 = arith.constant 1280 : i32
        %dma_start3A_675 = arith.constant 0 : i32
        %dma_start3A_676 = tpu.memref_slice %arg10[%dma_start3A_674, %dma_start3A_675] : memref<2048x16xf32, #tpu.memory_space<vmem>> -> memref<128x16xf32, #tpu.memory_space<vmem>>
        %dma_start3A_677 = arith.constant 1280 : i32
        %dma_start3A_678 = tpu.memref_slice %arg8[%dma_start3A_677] : memref<2048xi32, #tpu.memory_space<vmem>> -> memref<128xi32, #tpu.memory_space<vmem>>
        %dma_start3A_679 = arith.constant 0 : i32
        %dma_start3A_680 = arith.constant 0 : i32
        %dma_start3A_681 = tpu.memref_slice %arg3[%dma_start3A_679, %dma_start3A_680] : memref<62500x16xf32, #tpu.memory_space<hbm>> -> memref<62500x16xf32, #tpu.memory_space<hbm>>
        tpu.enqueue_indirect_dma source(%dma_start3A_681 : memref<62500x16xf32, #tpu.memory_space<hbm>>) target(%dma_start3A_676 : memref<128x16xf32, #tpu.memory_space<vmem>>) offsets(%dma_start3A_678 : memref<128xi32, #tpu.memory_space<vmem>>) semaphore(%arg18 : memref<!tpu.dma_semaphore, #tpu.memory_space<semaphore_mem>>)
        %dma_start3A_682 = arith.constant 1408 : i32
        %dma_start3A_683 = arith.constant 0 : i32
        %dma_start3A_684 = tpu.memref_slice %arg10[%dma_start3A_682, %dma_start3A_683] : memref<2048x16xf32, #tpu.memory_space<vmem>> -> memref<128x16xf32, #tpu.memory_space<vmem>>
        %dma_start3A_685 = arith.constant 1408 : i32
        %dma_start3A_686 = tpu.memref_slice %arg8[%dma_start3A_685] : memref<2048xi32, #tpu.memory_space<vmem>> -> memref<128xi32, #tpu.memory_space<vmem>>
        %dma_start3A_687 = arith.constant 0 : i32
        %dma_start3A_688 = arith.constant 0 : i32
        %dma_start3A_689 = tpu.memref_slice %arg3[%dma_start3A_687, %dma_start3A_688] : memref<62500x16xf32, #tpu.memory_space<hbm>> -> memref<62500x16xf32, #tpu.memory_space<hbm>>
        tpu.enqueue_indirect_dma source(%dma_start3A_689 : memref<62500x16xf32, #tpu.memory_space<hbm>>) target(%dma_start3A_684 : memref<128x16xf32, #tpu.memory_space<vmem>>) offsets(%dma_start3A_686 : memref<128xi32, #tpu.memory_space<vmem>>) semaphore(%arg18 : memref<!tpu.dma_semaphore, #tpu.memory_space<semaphore_mem>>)
        %dma_start3A_690 = arith.constant 1536 : i32
        %dma_start3A_691 = arith.constant 0 : i32
        %dma_start3A_692 = tpu.memref_slice %arg10[%dma_start3A_690, %dma_start3A_691] : memref<2048x16xf32, #tpu.memory_space<vmem>> -> memref<128x16xf32, #tpu.memory_space<vmem>>
        %dma_start3A_693 = arith.constant 1536 : i32
        %dma_start3A_694 = tpu.memref_slice %arg8[%dma_start3A_693] : memref<2048xi32, #tpu.memory_space<vmem>> -> memref<128xi32, #tpu.memory_space<vmem>>
        %dma_start3A_695 = arith.constant 0 : i32
        %dma_start3A_696 = arith.constant 0 : i32
        %dma_start3A_697 = tpu.memref_slice %arg3[%dma_start3A_695, %dma_start3A_696] : memref<62500x16xf32, #tpu.memory_space<hbm>> -> memref<62500x16xf32, #tpu.memory_space<hbm>>
        tpu.enqueue_indirect_dma source(%dma_start3A_697 : memref<62500x16xf32, #tpu.memory_space<hbm>>) target(%dma_start3A_692 : memref<128x16xf32, #tpu.memory_space<vmem>>) offsets(%dma_start3A_694 : memref<128xi32, #tpu.memory_space<vmem>>) semaphore(%arg18 : memref<!tpu.dma_semaphore, #tpu.memory_space<semaphore_mem>>)
        %dma_start3A_698 = arith.constant 1664 : i32
        %dma_start3A_699 = arith.constant 0 : i32
        %dma_start3A_700 = tpu.memref_slice %arg10[%dma_start3A_698, %dma_start3A_699] : memref<2048x16xf32, #tpu.memory_space<vmem>> -> memref<128x16xf32, #tpu.memory_space<vmem>>
        %dma_start3A_701 = arith.constant 1664 : i32
        %dma_start3A_702 = tpu.memref_slice %arg8[%dma_start3A_701] : memref<2048xi32, #tpu.memory_space<vmem>> -> memref<128xi32, #tpu.memory_space<vmem>>
        %dma_start3A_703 = arith.constant 0 : i32
        %dma_start3A_704 = arith.constant 0 : i32
        %dma_start3A_705 = tpu.memref_slice %arg3[%dma_start3A_703, %dma_start3A_704] : memref<62500x16xf32, #tpu.memory_space<hbm>> -> memref<62500x16xf32, #tpu.memory_space<hbm>>
        tpu.enqueue_indirect_dma source(%dma_start3A_705 : memref<62500x16xf32, #tpu.memory_space<hbm>>) target(%dma_start3A_700 : memref<128x16xf32, #tpu.memory_space<vmem>>) offsets(%dma_start3A_702 : memref<128xi32, #tpu.memory_space<vmem>>) semaphore(%arg18 : memref<!tpu.dma_semaphore, #tpu.memory_space<semaphore_mem>>)
        %dma_start3A_706 = arith.constant 1792 : i32
        %dma_start3A_707 = arith.constant 0 : i32
        %dma_start3A_708 = tpu.memref_slice %arg10[%dma_start3A_706, %dma_start3A_707] : memref<2048x16xf32, #tpu.memory_space<vmem>> -> memref<128x16xf32, #tpu.memory_space<vmem>>
        %dma_start3A_709 = arith.constant 1792 : i32
        %dma_start3A_710 = tpu.memref_slice %arg8[%dma_start3A_709] : memref<2048xi32, #tpu.memory_space<vmem>> -> memref<128xi32, #tpu.memory_space<vmem>>
        %dma_start3A_711 = arith.constant 0 : i32
        %dma_start3A_712 = arith.constant 0 : i32
        %dma_start3A_713 = tpu.memref_slice %arg3[%dma_start3A_711, %dma_start3A_712] : memref<62500x16xf32, #tpu.memory_space<hbm>> -> memref<62500x16xf32, #tpu.memory_space<hbm>>
        tpu.enqueue_indirect_dma source(%dma_start3A_713 : memref<62500x16xf32, #tpu.memory_space<hbm>>) target(%dma_start3A_708 : memref<128x16xf32, #tpu.memory_space<vmem>>) offsets(%dma_start3A_710 : memref<128xi32, #tpu.memory_space<vmem>>) semaphore(%arg18 : memref<!tpu.dma_semaphore, #tpu.memory_space<semaphore_mem>>)
        %dma_start3A_714 = arith.constant 1920 : i32
        %dma_start3A_715 = arith.constant 0 : i32
        %dma_start3A_716 = tpu.memref_slice %arg10[%dma_start3A_714, %dma_start3A_715] : memref<2048x16xf32, #tpu.memory_space<vmem>> -> memref<128x16xf32, #tpu.memory_space<vmem>>
        %dma_start3A_717 = arith.constant 1920 : i32
        %dma_start3A_718 = tpu.memref_slice %arg8[%dma_start3A_717] : memref<2048xi32, #tpu.memory_space<vmem>> -> memref<128xi32, #tpu.memory_space<vmem>>
        %dma_start3A_719 = arith.constant 0 : i32
        %dma_start3A_720 = arith.constant 0 : i32
        %dma_start3A_721 = tpu.memref_slice %arg3[%dma_start3A_719, %dma_start3A_720] : memref<62500x16xf32, #tpu.memory_space<hbm>> -> memref<62500x16xf32, #tpu.memory_space<hbm>>
        tpu.enqueue_indirect_dma source(%dma_start3A_721 : memref<62500x16xf32, #tpu.memory_space<hbm>>) target(%dma_start3A_716 : memref<128x16xf32, #tpu.memory_space<vmem>>) offsets(%dma_start3A_718 : memref<128xi32, #tpu.memory_space<vmem>>) semaphore(%arg18 : memref<!tpu.dma_semaphore, #tpu.memory_space<semaphore_mem>>)
      } else {
      }
      %dma_wait3A_440 = arith.constant 0 : i32
      %dma_wait3A_441 = arith.constant 0 : i32
      %dma_wait3A_442 = tpu.memref_slice %arg11[%dma_wait3A_440, %dma_wait3A_441] : memref<2048x16xf32, #tpu.memory_space<vmem>> -> memref<128x16xf32, #tpu.memory_space<vmem>>
      %dma_wait3A_443 = arith.constant 0 : i32
      %dma_wait3A_444 = tpu.memref_slice %arg9[%dma_wait3A_443] : memref<2048xi32, #tpu.memory_space<vmem>> -> memref<128xi32, #tpu.memory_space<vmem>>
      %dma_wait3A_445 = arith.constant 0 : i32
      %dma_wait3A_446 = arith.constant 0 : i32
      %dma_wait3A_447 = tpu.memref_slice %arg3[%dma_wait3A_445, %dma_wait3A_446] : memref<62500x16xf32, #tpu.memory_space<hbm>> -> memref<62500x16xf32, #tpu.memory_space<hbm>>
      tpu.wait_indirect_dma semaphore(%arg19 : memref<!tpu.dma_semaphore, #tpu.memory_space<semaphore_mem>>) src(%dma_wait3A_447 : memref<62500x16xf32, #tpu.memory_space<hbm>>) dst(%dma_wait3A_442 : memref<128x16xf32, #tpu.memory_space<vmem>>)
      %dma_wait3A_448 = arith.constant 128 : i32
      %dma_wait3A_449 = arith.constant 0 : i32
      %dma_wait3A_450 = tpu.memref_slice %arg11[%dma_wait3A_448, %dma_wait3A_449] : memref<2048x16xf32, #tpu.memory_space<vmem>> -> memref<128x16xf32, #tpu.memory_space<vmem>>
      %dma_wait3A_451 = arith.constant 128 : i32
      %dma_wait3A_452 = tpu.memref_slice %arg9[%dma_wait3A_451] : memref<2048xi32, #tpu.memory_space<vmem>> -> memref<128xi32, #tpu.memory_space<vmem>>
      %dma_wait3A_453 = arith.constant 0 : i32
      %dma_wait3A_454 = arith.constant 0 : i32
      %dma_wait3A_455 = tpu.memref_slice %arg3[%dma_wait3A_453, %dma_wait3A_454] : memref<62500x16xf32, #tpu.memory_space<hbm>> -> memref<62500x16xf32, #tpu.memory_space<hbm>>
      tpu.wait_indirect_dma semaphore(%arg19 : memref<!tpu.dma_semaphore, #tpu.memory_space<semaphore_mem>>) src(%dma_wait3A_455 : memref<62500x16xf32, #tpu.memory_space<hbm>>) dst(%dma_wait3A_450 : memref<128x16xf32, #tpu.memory_space<vmem>>)
      %dma_wait3A_456 = arith.constant 256 : i32
      %dma_wait3A_457 = arith.constant 0 : i32
      %dma_wait3A_458 = tpu.memref_slice %arg11[%dma_wait3A_456, %dma_wait3A_457] : memref<2048x16xf32, #tpu.memory_space<vmem>> -> memref<128x16xf32, #tpu.memory_space<vmem>>
      %dma_wait3A_459 = arith.constant 256 : i32
      %dma_wait3A_460 = tpu.memref_slice %arg9[%dma_wait3A_459] : memref<2048xi32, #tpu.memory_space<vmem>> -> memref<128xi32, #tpu.memory_space<vmem>>
      %dma_wait3A_461 = arith.constant 0 : i32
      %dma_wait3A_462 = arith.constant 0 : i32
      %dma_wait3A_463 = tpu.memref_slice %arg3[%dma_wait3A_461, %dma_wait3A_462] : memref<62500x16xf32, #tpu.memory_space<hbm>> -> memref<62500x16xf32, #tpu.memory_space<hbm>>
      tpu.wait_indirect_dma semaphore(%arg19 : memref<!tpu.dma_semaphore, #tpu.memory_space<semaphore_mem>>) src(%dma_wait3A_463 : memref<62500x16xf32, #tpu.memory_space<hbm>>) dst(%dma_wait3A_458 : memref<128x16xf32, #tpu.memory_space<vmem>>)
      %dma_wait3A_464 = arith.constant 384 : i32
      %dma_wait3A_465 = arith.constant 0 : i32
      %dma_wait3A_466 = tpu.memref_slice %arg11[%dma_wait3A_464, %dma_wait3A_465] : memref<2048x16xf32, #tpu.memory_space<vmem>> -> memref<128x16xf32, #tpu.memory_space<vmem>>
      %dma_wait3A_467 = arith.constant 384 : i32
      %dma_wait3A_468 = tpu.memref_slice %arg9[%dma_wait3A_467] : memref<2048xi32, #tpu.memory_space<vmem>> -> memref<128xi32, #tpu.memory_space<vmem>>
      %dma_wait3A_469 = arith.constant 0 : i32
      %dma_wait3A_470 = arith.constant 0 : i32
      %dma_wait3A_471 = tpu.memref_slice %arg3[%dma_wait3A_469, %dma_wait3A_470] : memref<62500x16xf32, #tpu.memory_space<hbm>> -> memref<62500x16xf32, #tpu.memory_space<hbm>>
      tpu.wait_indirect_dma semaphore(%arg19 : memref<!tpu.dma_semaphore, #tpu.memory_space<semaphore_mem>>) src(%dma_wait3A_471 : memref<62500x16xf32, #tpu.memory_space<hbm>>) dst(%dma_wait3A_466 : memref<128x16xf32, #tpu.memory_space<vmem>>)
      %dma_wait3A_472 = arith.constant 512 : i32
      %dma_wait3A_473 = arith.constant 0 : i32
      %dma_wait3A_474 = tpu.memref_slice %arg11[%dma_wait3A_472, %dma_wait3A_473] : memref<2048x16xf32, #tpu.memory_space<vmem>> -> memref<128x16xf32, #tpu.memory_space<vmem>>
      %dma_wait3A_475 = arith.constant 512 : i32
      %dma_wait3A_476 = tpu.memref_slice %arg9[%dma_wait3A_475] : memref<2048xi32, #tpu.memory_space<vmem>> -> memref<128xi32, #tpu.memory_space<vmem>>
      %dma_wait3A_477 = arith.constant 0 : i32
      %dma_wait3A_478 = arith.constant 0 : i32
      %dma_wait3A_479 = tpu.memref_slice %arg3[%dma_wait3A_477, %dma_wait3A_478] : memref<62500x16xf32, #tpu.memory_space<hbm>> -> memref<62500x16xf32, #tpu.memory_space<hbm>>
      tpu.wait_indirect_dma semaphore(%arg19 : memref<!tpu.dma_semaphore, #tpu.memory_space<semaphore_mem>>) src(%dma_wait3A_479 : memref<62500x16xf32, #tpu.memory_space<hbm>>) dst(%dma_wait3A_474 : memref<128x16xf32, #tpu.memory_space<vmem>>)
      %dma_wait3A_480 = arith.constant 640 : i32
      %dma_wait3A_481 = arith.constant 0 : i32
      %dma_wait3A_482 = tpu.memref_slice %arg11[%dma_wait3A_480, %dma_wait3A_481] : memref<2048x16xf32, #tpu.memory_space<vmem>> -> memref<128x16xf32, #tpu.memory_space<vmem>>
      %dma_wait3A_483 = arith.constant 640 : i32
      %dma_wait3A_484 = tpu.memref_slice %arg9[%dma_wait3A_483] : memref<2048xi32, #tpu.memory_space<vmem>> -> memref<128xi32, #tpu.memory_space<vmem>>
      %dma_wait3A_485 = arith.constant 0 : i32
      %dma_wait3A_486 = arith.constant 0 : i32
      %dma_wait3A_487 = tpu.memref_slice %arg3[%dma_wait3A_485, %dma_wait3A_486] : memref<62500x16xf32, #tpu.memory_space<hbm>> -> memref<62500x16xf32, #tpu.memory_space<hbm>>
      tpu.wait_indirect_dma semaphore(%arg19 : memref<!tpu.dma_semaphore, #tpu.memory_space<semaphore_mem>>) src(%dma_wait3A_487 : memref<62500x16xf32, #tpu.memory_space<hbm>>) dst(%dma_wait3A_482 : memref<128x16xf32, #tpu.memory_space<vmem>>)
      %dma_wait3A_488 = arith.constant 768 : i32
      %dma_wait3A_489 = arith.constant 0 : i32
      %dma_wait3A_490 = tpu.memref_slice %arg11[%dma_wait3A_488, %dma_wait3A_489] : memref<2048x16xf32, #tpu.memory_space<vmem>> -> memref<128x16xf32, #tpu.memory_space<vmem>>
      %dma_wait3A_491 = arith.constant 768 : i32
      %dma_wait3A_492 = tpu.memref_slice %arg9[%dma_wait3A_491] : memref<2048xi32, #tpu.memory_space<vmem>> -> memref<128xi32, #tpu.memory_space<vmem>>
      %dma_wait3A_493 = arith.constant 0 : i32
      %dma_wait3A_494 = arith.constant 0 : i32
      %dma_wait3A_495 = tpu.memref_slice %arg3[%dma_wait3A_493, %dma_wait3A_494] : memref<62500x16xf32, #tpu.memory_space<hbm>> -> memref<62500x16xf32, #tpu.memory_space<hbm>>
      tpu.wait_indirect_dma semaphore(%arg19 : memref<!tpu.dma_semaphore, #tpu.memory_space<semaphore_mem>>) src(%dma_wait3A_495 : memref<62500x16xf32, #tpu.memory_space<hbm>>) dst(%dma_wait3A_490 : memref<128x16xf32, #tpu.memory_space<vmem>>)
      %dma_wait3A_496 = arith.constant 896 : i32
      %dma_wait3A_497 = arith.constant 0 : i32
      %dma_wait3A_498 = tpu.memref_slice %arg11[%dma_wait3A_496, %dma_wait3A_497] : memref<2048x16xf32, #tpu.memory_space<vmem>> -> memref<128x16xf32, #tpu.memory_space<vmem>>
      %dma_wait3A_499 = arith.constant 896 : i32
      %dma_wait3A_500 = tpu.memref_slice %arg9[%dma_wait3A_499] : memref<2048xi32, #tpu.memory_space<vmem>> -> memref<128xi32, #tpu.memory_space<vmem>>
      %dma_wait3A_501 = arith.constant 0 : i32
      %dma_wait3A_502 = arith.constant 0 : i32
      %dma_wait3A_503 = tpu.memref_slice %arg3[%dma_wait3A_501, %dma_wait3A_502] : memref<62500x16xf32, #tpu.memory_space<hbm>> -> memref<62500x16xf32, #tpu.memory_space<hbm>>
      tpu.wait_indirect_dma semaphore(%arg19 : memref<!tpu.dma_semaphore, #tpu.memory_space<semaphore_mem>>) src(%dma_wait3A_503 : memref<62500x16xf32, #tpu.memory_space<hbm>>) dst(%dma_wait3A_498 : memref<128x16xf32, #tpu.memory_space<vmem>>)
      %dma_wait3A_504 = arith.constant 1024 : i32
      %dma_wait3A_505 = arith.constant 0 : i32
      %dma_wait3A_506 = tpu.memref_slice %arg11[%dma_wait3A_504, %dma_wait3A_505] : memref<2048x16xf32, #tpu.memory_space<vmem>> -> memref<128x16xf32, #tpu.memory_space<vmem>>
      %dma_wait3A_507 = arith.constant 1024 : i32
      %dma_wait3A_508 = tpu.memref_slice %arg9[%dma_wait3A_507] : memref<2048xi32, #tpu.memory_space<vmem>> -> memref<128xi32, #tpu.memory_space<vmem>>
      %dma_wait3A_509 = arith.constant 0 : i32
      %dma_wait3A_510 = arith.constant 0 : i32
      %dma_wait3A_511 = tpu.memref_slice %arg3[%dma_wait3A_509, %dma_wait3A_510] : memref<62500x16xf32, #tpu.memory_space<hbm>> -> memref<62500x16xf32, #tpu.memory_space<hbm>>
      tpu.wait_indirect_dma semaphore(%arg19 : memref<!tpu.dma_semaphore, #tpu.memory_space<semaphore_mem>>) src(%dma_wait3A_511 : memref<62500x16xf32, #tpu.memory_space<hbm>>) dst(%dma_wait3A_506 : memref<128x16xf32, #tpu.memory_space<vmem>>)
      %dma_wait3A_512 = arith.constant 1152 : i32
      %dma_wait3A_513 = arith.constant 0 : i32
      %dma_wait3A_514 = tpu.memref_slice %arg11[%dma_wait3A_512, %dma_wait3A_513] : memref<2048x16xf32, #tpu.memory_space<vmem>> -> memref<128x16xf32, #tpu.memory_space<vmem>>
      %dma_wait3A_515 = arith.constant 1152 : i32
      %dma_wait3A_516 = tpu.memref_slice %arg9[%dma_wait3A_515] : memref<2048xi32, #tpu.memory_space<vmem>> -> memref<128xi32, #tpu.memory_space<vmem>>
      %dma_wait3A_517 = arith.constant 0 : i32
      %dma_wait3A_518 = arith.constant 0 : i32
      %dma_wait3A_519 = tpu.memref_slice %arg3[%dma_wait3A_517, %dma_wait3A_518] : memref<62500x16xf32, #tpu.memory_space<hbm>> -> memref<62500x16xf32, #tpu.memory_space<hbm>>
      tpu.wait_indirect_dma semaphore(%arg19 : memref<!tpu.dma_semaphore, #tpu.memory_space<semaphore_mem>>) src(%dma_wait3A_519 : memref<62500x16xf32, #tpu.memory_space<hbm>>) dst(%dma_wait3A_514 : memref<128x16xf32, #tpu.memory_space<vmem>>)
      %dma_wait3A_520 = arith.constant 1280 : i32
      %dma_wait3A_521 = arith.constant 0 : i32
      %dma_wait3A_522 = tpu.memref_slice %arg11[%dma_wait3A_520, %dma_wait3A_521] : memref<2048x16xf32, #tpu.memory_space<vmem>> -> memref<128x16xf32, #tpu.memory_space<vmem>>
      %dma_wait3A_523 = arith.constant 1280 : i32
      %dma_wait3A_524 = tpu.memref_slice %arg9[%dma_wait3A_523] : memref<2048xi32, #tpu.memory_space<vmem>> -> memref<128xi32, #tpu.memory_space<vmem>>
      %dma_wait3A_525 = arith.constant 0 : i32
      %dma_wait3A_526 = arith.constant 0 : i32
      %dma_wait3A_527 = tpu.memref_slice %arg3[%dma_wait3A_525, %dma_wait3A_526] : memref<62500x16xf32, #tpu.memory_space<hbm>> -> memref<62500x16xf32, #tpu.memory_space<hbm>>
      tpu.wait_indirect_dma semaphore(%arg19 : memref<!tpu.dma_semaphore, #tpu.memory_space<semaphore_mem>>) src(%dma_wait3A_527 : memref<62500x16xf32, #tpu.memory_space<hbm>>) dst(%dma_wait3A_522 : memref<128x16xf32, #tpu.memory_space<vmem>>)
      %dma_wait3A_528 = arith.constant 1408 : i32
      %dma_wait3A_529 = arith.constant 0 : i32
      %dma_wait3A_530 = tpu.memref_slice %arg11[%dma_wait3A_528, %dma_wait3A_529] : memref<2048x16xf32, #tpu.memory_space<vmem>> -> memref<128x16xf32, #tpu.memory_space<vmem>>
      %dma_wait3A_531 = arith.constant 1408 : i32
      %dma_wait3A_532 = tpu.memref_slice %arg9[%dma_wait3A_531] : memref<2048xi32, #tpu.memory_space<vmem>> -> memref<128xi32, #tpu.memory_space<vmem>>
      %dma_wait3A_533 = arith.constant 0 : i32
      %dma_wait3A_534 = arith.constant 0 : i32
      %dma_wait3A_535 = tpu.memref_slice %arg3[%dma_wait3A_533, %dma_wait3A_534] : memref<62500x16xf32, #tpu.memory_space<hbm>> -> memref<62500x16xf32, #tpu.memory_space<hbm>>
      tpu.wait_indirect_dma semaphore(%arg19 : memref<!tpu.dma_semaphore, #tpu.memory_space<semaphore_mem>>) src(%dma_wait3A_535 : memref<62500x16xf32, #tpu.memory_space<hbm>>) dst(%dma_wait3A_530 : memref<128x16xf32, #tpu.memory_space<vmem>>)
      %dma_wait3A_536 = arith.constant 1536 : i32
      %dma_wait3A_537 = arith.constant 0 : i32
      %dma_wait3A_538 = tpu.memref_slice %arg11[%dma_wait3A_536, %dma_wait3A_537] : memref<2048x16xf32, #tpu.memory_space<vmem>> -> memref<128x16xf32, #tpu.memory_space<vmem>>
      %dma_wait3A_539 = arith.constant 1536 : i32
      %dma_wait3A_540 = tpu.memref_slice %arg9[%dma_wait3A_539] : memref<2048xi32, #tpu.memory_space<vmem>> -> memref<128xi32, #tpu.memory_space<vmem>>
      %dma_wait3A_541 = arith.constant 0 : i32
      %dma_wait3A_542 = arith.constant 0 : i32
      %dma_wait3A_543 = tpu.memref_slice %arg3[%dma_wait3A_541, %dma_wait3A_542] : memref<62500x16xf32, #tpu.memory_space<hbm>> -> memref<62500x16xf32, #tpu.memory_space<hbm>>
      tpu.wait_indirect_dma semaphore(%arg19 : memref<!tpu.dma_semaphore, #tpu.memory_space<semaphore_mem>>) src(%dma_wait3A_543 : memref<62500x16xf32, #tpu.memory_space<hbm>>) dst(%dma_wait3A_538 : memref<128x16xf32, #tpu.memory_space<vmem>>)
      %dma_wait3A_544 = arith.constant 1664 : i32
      %dma_wait3A_545 = arith.constant 0 : i32
      %dma_wait3A_546 = tpu.memref_slice %arg11[%dma_wait3A_544, %dma_wait3A_545] : memref<2048x16xf32, #tpu.memory_space<vmem>> -> memref<128x16xf32, #tpu.memory_space<vmem>>
      %dma_wait3A_547 = arith.constant 1664 : i32
      %dma_wait3A_548 = tpu.memref_slice %arg9[%dma_wait3A_547] : memref<2048xi32, #tpu.memory_space<vmem>> -> memref<128xi32, #tpu.memory_space<vmem>>
      %dma_wait3A_549 = arith.constant 0 : i32
      %dma_wait3A_550 = arith.constant 0 : i32
      %dma_wait3A_551 = tpu.memref_slice %arg3[%dma_wait3A_549, %dma_wait3A_550] : memref<62500x16xf32, #tpu.memory_space<hbm>> -> memref<62500x16xf32, #tpu.memory_space<hbm>>
      tpu.wait_indirect_dma semaphore(%arg19 : memref<!tpu.dma_semaphore, #tpu.memory_space<semaphore_mem>>) src(%dma_wait3A_551 : memref<62500x16xf32, #tpu.memory_space<hbm>>) dst(%dma_wait3A_546 : memref<128x16xf32, #tpu.memory_space<vmem>>)
      %dma_wait3A_552 = arith.constant 1792 : i32
      %dma_wait3A_553 = arith.constant 0 : i32
      %dma_wait3A_554 = tpu.memref_slice %arg11[%dma_wait3A_552, %dma_wait3A_553] : memref<2048x16xf32, #tpu.memory_space<vmem>> -> memref<128x16xf32, #tpu.memory_space<vmem>>
      %dma_wait3A_555 = arith.constant 1792 : i32
      %dma_wait3A_556 = tpu.memref_slice %arg9[%dma_wait3A_555] : memref<2048xi32, #tpu.memory_space<vmem>> -> memref<128xi32, #tpu.memory_space<vmem>>
      %dma_wait3A_557 = arith.constant 0 : i32
      %dma_wait3A_558 = arith.constant 0 : i32
      %dma_wait3A_559 = tpu.memref_slice %arg3[%dma_wait3A_557, %dma_wait3A_558] : memref<62500x16xf32, #tpu.memory_space<hbm>> -> memref<62500x16xf32, #tpu.memory_space<hbm>>
      tpu.wait_indirect_dma semaphore(%arg19 : memref<!tpu.dma_semaphore, #tpu.memory_space<semaphore_mem>>) src(%dma_wait3A_559 : memref<62500x16xf32, #tpu.memory_space<hbm>>) dst(%dma_wait3A_554 : memref<128x16xf32, #tpu.memory_space<vmem>>)
      %dma_wait3A_560 = arith.constant 1920 : i32
      %dma_wait3A_561 = arith.constant 0 : i32
      %dma_wait3A_562 = tpu.memref_slice %arg11[%dma_wait3A_560, %dma_wait3A_561] : memref<2048x16xf32, #tpu.memory_space<vmem>> -> memref<128x16xf32, #tpu.memory_space<vmem>>
      %dma_wait3A_563 = arith.constant 1920 : i32
      %dma_wait3A_564 = tpu.memref_slice %arg9[%dma_wait3A_563] : memref<2048xi32, #tpu.memory_space<vmem>> -> memref<128xi32, #tpu.memory_space<vmem>>
      %dma_wait3A_565 = arith.constant 0 : i32
      %dma_wait3A_566 = arith.constant 0 : i32
      %dma_wait3A_567 = tpu.memref_slice %arg3[%dma_wait3A_565, %dma_wait3A_566] : memref<62500x16xf32, #tpu.memory_space<hbm>> -> memref<62500x16xf32, #tpu.memory_space<hbm>>
      tpu.wait_indirect_dma semaphore(%arg19 : memref<!tpu.dma_semaphore, #tpu.memory_space<semaphore_mem>>) src(%dma_wait3A_567 : memref<62500x16xf32, #tpu.memory_space<hbm>>) dst(%dma_wait3A_562 : memref<128x16xf32, #tpu.memory_space<vmem>>)
      %gt3A_568 = arith.constant 0 : i32
      %gt3A_569 = arith.cmpi sgt, %scan3A_157, %gt3A_568 : i32
      %convert_element_type3A_570 = arith.extui %gt3A_569 : i1 to i32
      %cond3A_571 = arith.constant 0 : i32
      %cond3A_572 = arith.cmpi ne, %convert_element_type3A_570, %cond3A_571 : i32
      scf.if %cond3A_572 {
        %dma_wait3A_585 = arith.constant 0 : i32
        %dma_wait3A_586 = tpu.memref_slice %arg5[%dma_wait3A_585] : memref<13631488xf32, #tpu.memory_space<hbm>> -> memref<16384xf32, #tpu.memory_space<hbm>>
        %dma_wait3A_587 = arith.constant 0 : i32
        %dma_wait3A_588 = tpu.memref_slice %arg5[%dma_wait3A_587] : memref<13631488xf32, #tpu.memory_space<hbm>> -> memref<16384xf32, #tpu.memory_space<hbm>>
        tpu.wait_dma2 semaphore(%arg21 : memref<!tpu.dma_semaphore, #tpu.memory_space<semaphore_mem>>) src(%arg17 : memref<16384xf32, #tpu.memory_space<vmem>>) dst(%dma_wait3A_588 : memref<16384xf32, #tpu.memory_space<hbm>>)
      } else {
      }
      %parallel_loop3A_573 = arith.constant 0 : i32
      %parallel_loop3A_574 = arith.constant 32 : i32
      %parallel_loop3A_575 = arith.constant 1 : i32
      scf.for %parallel_loop3A_585 = %parallel_loop3A_573 to %parallel_loop3A_574 step %parallel_loop3A_575  : i32 {
        %parallel_loop3A_586 = arith.constant 16 : i32
        %parallel_loop3A_587 = arith.muli %parallel_loop3A_585, %parallel_loop3A_586 : i32
        %parallel_loop3A_588 = arith.index_cast %parallel_loop3A_587 : i32 to index
        %parallel_loop3A_589 = tpu.vector_load %arg13[%parallel_loop3A_588] {strides = array<i32>} : memref<512xi32, #tpu.memory_space<vmem>>, vector<16xi32>,
        %parallel_loop3A_590 = vector.shape_cast %parallel_loop3A_589 : vector<16xi32> to vector<16xi32>
        %parallel_loop3A_591 = arith.constant 16 : i32
        %parallel_loop3A_592 = arith.muli %parallel_loop3A_585, %parallel_loop3A_591 : i32
        %parallel_loop3A_593 = arith.index_cast %parallel_loop3A_592 : i32 to index
        %parallel_loop3A_594 = tpu.vector_load %arg15[%parallel_loop3A_593] {strides = array<i32>} : memref<512xi32, #tpu.memory_space<vmem>>, vector<16xi32>,
        %parallel_loop3A_595 = vector.shape_cast %parallel_loop3A_594 : vector<16xi32> to vector<16xi32>
        %parallel_loop3A_596 = arith.constant 16 : i32
        %parallel_loop3A_597 = arith.muli %parallel_loop3A_585, %parallel_loop3A_596 : i32
        %parallel_loop3A_598 = arith.constant 0 : i32
        %parallel_loop3A_599 = arith.addi %parallel_loop3A_597, %parallel_loop3A_598 : i32
        %parallel_loop3A_600 = vector.extract_strided_slice %parallel_loop3A_590 {offsets = [0], sizes = [1], strides = [1]} : vector<16xi32> to vector<1xi32>
        %parallel_loop3A_601 = vector.extract %parallel_loop3A_600[0] : i32 from vector<1xi32>
        %parallel_loop3A_602 = vector.broadcast %parallel_loop3A_601 : i32 to vector<16xi32>
        %parallel_loop3A_603 = arith.constant 0 : i32
        %parallel_loop3A_604 = arith.addi %parallel_loop3A_603, %parallel_loop3A_599 : i32
        %parallel_loop3A_605 = arith.index_cast %parallel_loop3A_604 : i32 to index
        %parallel_loop3A_606 = arith.constant 0 : index
        %parallel_loop3A_607 = tpu.vector_load %arg11[%parallel_loop3A_605, %parallel_loop3A_606] {strides = array<i32>} : memref<2048x16xf32, #tpu.memory_space<vmem>>, vector<1x16xf32>,
        %parallel_loop3A_608 = vector.shape_cast %parallel_loop3A_607 : vector<1x16xf32> to vector<16xf32>
        %parallel_loop3A_609 = arith.constant 512 : i32
        %parallel_loop3A_610 = arith.addi %parallel_loop3A_609, %parallel_loop3A_599 : i32
        %parallel_loop3A_611 = arith.index_cast %parallel_loop3A_610 : i32 to index
        %parallel_loop3A_612 = arith.constant 0 : index
        %parallel_loop3A_613 = tpu.vector_load %arg11[%parallel_loop3A_611, %parallel_loop3A_612] {strides = array<i32>} : memref<2048x16xf32, #tpu.memory_space<vmem>>, vector<1x16xf32>,
        %parallel_loop3A_614 = vector.shape_cast %parallel_loop3A_613 : vector<1x16xf32> to vector<16xf32>
        %parallel_loop3A_615 = arith.cmpi sge, %iota3A, %parallel_loop3A_602 : vector<16xi32>
        %parallel_loop3A_616 = arith.select %parallel_loop3A_615, %parallel_loop3A_608, %parallel_loop3A_614 : vector<16xi1>, vector<16xf32>
        %parallel_loop3A_617 = arith.addi %parallel_loop3A_602, %iota3A : vector<16xi32>
        %parallel_loop3A_618 = arith.constant 15 : i32
        %parallel_loop3A_619 = vector.broadcast %parallel_loop3A_618 : i32 to vector<16xi32>
        %parallel_loop3A_620 = arith.andi %parallel_loop3A_617, %parallel_loop3A_619 : vector<16xi32>
        %parallel_loop3A_621 = vector.shape_cast %parallel_loop3A_620 : vector<16xi32> to vector<16x1xi32>
        %parallel_loop3A_622 = vector.shape_cast %parallel_loop3A_621 : vector<16x1xi32> to vector<16xi32>
        %parallel_loop3A_623 = tpu.dynamic_gather %parallel_loop3A_616[%parallel_loop3A_622] in [0] : vector<16xf32>, vector<16xi32> -> vector<16xf32>
        %parallel_loop3A_624 = arith.constant 32 : i32
        %parallel_loop3A_625 = arith.muli %parallel_loop3A_624, %parallel_loop3A_599 : i32
        %parallel_loop3A_626 = arith.constant 0 : i32
        %parallel_loop3A_627 = arith.addi %parallel_loop3A_625, %parallel_loop3A_626 : i32
        %parallel_loop3A_628 = arith.index_cast %parallel_loop3A_627 : i32 to index
        %parallel_loop3A_629 = tpu.vector_load %arg17[%parallel_loop3A_628] {strides = array<i32>} : memref<16384xf32, #tpu.memory_space<vmem>>, vector<16xf32>,
        %parallel_loop3A_630 = vector.shape_cast %parallel_loop3A_629 : vector<16xf32> to vector<16xf32>
        %parallel_loop3A_631 = vector.shape_cast %parallel_loop3A_623 : vector<16xf32> to vector<16xf32>
        tpu.vector_store %arg17[%parallel_loop3A_628], %parallel_loop3A_631 {strides = array<i32>} : memref<16384xf32, #tpu.memory_space<vmem>>, vector<16xf32>,
        %parallel_loop3A_632 = vector.extract_strided_slice %parallel_loop3A_595 {offsets = [0], sizes = [1], strides = [1]} : vector<16xi32> to vector<1xi32>
        %parallel_loop3A_633 = vector.extract %parallel_loop3A_632[0] : i32 from vector<1xi32>
        %parallel_loop3A_634 = vector.broadcast %parallel_loop3A_633 : i32 to vector<16xi32>
        %parallel_loop3A_635 = arith.constant 1024 : i32
        %parallel_loop3A_636 = arith.addi %parallel_loop3A_635, %parallel_loop3A_599 : i32
        %parallel_loop3A_637 = arith.index_cast %parallel_loop3A_636 : i32 to index
        %parallel_loop3A_638 = arith.constant 0 : index
        %parallel_loop3A_639 = tpu.vector_load %arg11[%parallel_loop3A_637, %parallel_loop3A_638] {strides = array<i32>} : memref<2048x16xf32, #tpu.memory_space<vmem>>, vector<1x16xf32>,
        %parallel_loop3A_640 = vector.shape_cast %parallel_loop3A_639 : vector<1x16xf32> to vector<16xf32>
        %parallel_loop3A_641 = arith.constant 1536 : i32
        %parallel_loop3A_642 = arith.addi %parallel_loop3A_641, %parallel_loop3A_599 : i32
        %parallel_loop3A_643 = arith.index_cast %parallel_loop3A_642 : i32 to index
        %parallel_loop3A_644 = arith.constant 0 : index
        %parallel_loop3A_645 = tpu.vector_load %arg11[%parallel_loop3A_643, %parallel_loop3A_644] {strides = array<i32>} : memref<2048x16xf32, #tpu.memory_space<vmem>>, vector<1x16xf32>,
        %parallel_loop3A_646 = vector.shape_cast %parallel_loop3A_645 : vector<1x16xf32> to vector<16xf32>
        %parallel_loop3A_647 = arith.cmpi sge, %iota3A, %parallel_loop3A_634 : vector<16xi32>
        %parallel_loop3A_648 = arith.select %parallel_loop3A_647, %parallel_loop3A_640, %parallel_loop3A_646 : vector<16xi1>, vector<16xf32>
        %parallel_loop3A_649 = arith.addi %parallel_loop3A_634, %iota3A : vector<16xi32>
        %parallel_loop3A_650 = arith.constant 15 : i32
        %parallel_loop3A_651 = vector.broadcast %parallel_loop3A_650 : i32 to vector<16xi32>
        %parallel_loop3A_652 = arith.andi %parallel_loop3A_649, %parallel_loop3A_651 : vector<16xi32>
        %parallel_loop3A_653 = vector.shape_cast %parallel_loop3A_652 : vector<16xi32> to vector<16x1xi32>
        %parallel_loop3A_654 = vector.shape_cast %parallel_loop3A_653 : vector<16x1xi32> to vector<16xi32>
        %parallel_loop3A_655 = tpu.dynamic_gather %parallel_loop3A_648[%parallel_loop3A_654] in [0] : vector<16xf32>, vector<16xi32> -> vector<16xf32>
        %parallel_loop3A_656 = arith.constant 32 : i32
        %parallel_loop3A_657 = arith.muli %parallel_loop3A_656, %parallel_loop3A_599 : i32
        %parallel_loop3A_658 = arith.constant 16 : i32
        %parallel_loop3A_659 = arith.addi %parallel_loop3A_657, %parallel_loop3A_658 : i32
        %parallel_loop3A_660 = arith.index_cast %parallel_loop3A_659 : i32 to index
        %parallel_loop3A_661 = tpu.vector_load %arg17[%parallel_loop3A_660] {strides = array<i32>} : memref<16384xf32, #tpu.memory_space<vmem>>, vector<16xf32>,
        %parallel_loop3A_662 = vector.shape_cast %parallel_loop3A_661 : vector<16xf32> to vector<16xf32>
        %parallel_loop3A_663 = vector.shape_cast %parallel_loop3A_655 : vector<16xf32> to vector<16xf32>
        tpu.vector_store %arg17[%parallel_loop3A_660], %parallel_loop3A_663 {strides = array<i32>} : memref<16384xf32, #tpu.memory_space<vmem>>, vector<16xf32>,
        %parallel_loop3A_664 = arith.constant 16 : i32
        %parallel_loop3A_665 = arith.muli %parallel_loop3A_585, %parallel_loop3A_664 : i32
        %parallel_loop3A_666 = arith.constant 1 : i32
        %parallel_loop3A_667 = arith.addi %parallel_loop3A_665, %parallel_loop3A_666 : i32
        %parallel_loop3A_668 = vector.extract_strided_slice %parallel_loop3A_590 {offsets = [1], sizes = [1], strides = [1]} : vector<16xi32> to vector<1xi32>
        %parallel_loop3A_669 = vector.extract %parallel_loop3A_668[0] : i32 from vector<1xi32>
        %parallel_loop3A_670 = vector.broadcast %parallel_loop3A_669 : i32 to vector<16xi32>
        %parallel_loop3A_671 = arith.constant 0 : i32
        %parallel_loop3A_672 = arith.addi %parallel_loop3A_671, %parallel_loop3A_667 : i32
        %parallel_loop3A_673 = arith.index_cast %parallel_loop3A_672 : i32 to index
        %parallel_loop3A_674 = arith.constant 0 : index
        %parallel_loop3A_675 = tpu.vector_load %arg11[%parallel_loop3A_673, %parallel_loop3A_674] {strides = array<i32>} : memref<2048x16xf32, #tpu.memory_space<vmem>>, vector<1x16xf32>,
        %parallel_loop3A_676 = vector.shape_cast %parallel_loop3A_675 : vector<1x16xf32> to vector<16xf32>
        %parallel_loop3A_677 = arith.constant 512 : i32
        %parallel_loop3A_678 = arith.addi %parallel_loop3A_677, %parallel_loop3A_667 : i32
        %parallel_loop3A_679 = arith.index_cast %parallel_loop3A_678 : i32 to index
        %parallel_loop3A_680 = arith.constant 0 : index
        %parallel_loop3A_681 = tpu.vector_load %arg11[%parallel_loop3A_679, %parallel_loop3A_680] {strides = array<i32>} : memref<2048x16xf32, #tpu.memory_space<vmem>>, vector<1x16xf32>,
        %parallel_loop3A_682 = vector.shape_cast %parallel_loop3A_681 : vector<1x16xf32> to vector<16xf32>
        %parallel_loop3A_683 = arith.cmpi sge, %iota3A, %parallel_loop3A_670 : vector<16xi32>
        %parallel_loop3A_684 = arith.select %parallel_loop3A_683, %parallel_loop3A_676, %parallel_loop3A_682 : vector<16xi1>, vector<16xf32>
        %parallel_loop3A_685 = arith.addi %parallel_loop3A_670, %iota3A : vector<16xi32>
        %parallel_loop3A_686 = arith.constant 15 : i32
        %parallel_loop3A_687 = vector.broadcast %parallel_loop3A_686 : i32 to vector<16xi32>
        %parallel_loop3A_688 = arith.andi %parallel_loop3A_685, %parallel_loop3A_687 : vector<16xi32>
        %parallel_loop3A_689 = vector.shape_cast %parallel_loop3A_688 : vector<16xi32> to vector<16x1xi32>
        %parallel_loop3A_690 = vector.shape_cast %parallel_loop3A_689 : vector<16x1xi32> to vector<16xi32>
        %parallel_loop3A_691 = tpu.dynamic_gather %parallel_loop3A_684[%parallel_loop3A_690] in [0] : vector<16xf32>, vector<16xi32> -> vector<16xf32>
        %parallel_loop3A_692 = arith.constant 32 : i32
        %parallel_loop3A_693 = arith.muli %parallel_loop3A_692, %parallel_loop3A_667 : i32
        %parallel_loop3A_694 = arith.constant 0 : i32
        %parallel_loop3A_695 = arith.addi %parallel_loop3A_693, %parallel_loop3A_694 : i32
        %parallel_loop3A_696 = arith.index_cast %parallel_loop3A_695 : i32 to index
        %parallel_loop3A_697 = tpu.vector_load %arg17[%parallel_loop3A_696] {strides = array<i32>} : memref<16384xf32, #tpu.memory_space<vmem>>, vector<16xf32>,
        %parallel_loop3A_698 = vector.shape_cast %parallel_loop3A_697 : vector<16xf32> to vector<16xf32>
        %parallel_loop3A_699 = vector.shape_cast %parallel_loop3A_691 : vector<16xf32> to vector<16xf32>
        tpu.vector_store %arg17[%parallel_loop3A_696], %parallel_loop3A_699 {strides = array<i32>} : memref<16384xf32, #tpu.memory_space<vmem>>, vector<16xf32>,
        %parallel_loop3A_700 = vector.extract_strided_slice %parallel_loop3A_595 {offsets = [1], sizes = [1], strides = [1]} : vector<16xi32> to vector<1xi32>
        %parallel_loop3A_701 = vector.extract %parallel_loop3A_700[0] : i32 from vector<1xi32>
        %parallel_loop3A_702 = vector.broadcast %parallel_loop3A_701 : i32 to vector<16xi32>
        %parallel_loop3A_703 = arith.constant 1024 : i32
        %parallel_loop3A_704 = arith.addi %parallel_loop3A_703, %parallel_loop3A_667 : i32
        %parallel_loop3A_705 = arith.index_cast %parallel_loop3A_704 : i32 to index
        %parallel_loop3A_706 = arith.constant 0 : index
        %parallel_loop3A_707 = tpu.vector_load %arg11[%parallel_loop3A_705, %parallel_loop3A_706] {strides = array<i32>} : memref<2048x16xf32, #tpu.memory_space<vmem>>, vector<1x16xf32>,
        %parallel_loop3A_708 = vector.shape_cast %parallel_loop3A_707 : vector<1x16xf32> to vector<16xf32>
        %parallel_loop3A_709 = arith.constant 1536 : i32
        %parallel_loop3A_710 = arith.addi %parallel_loop3A_709, %parallel_loop3A_667 : i32
        %parallel_loop3A_711 = arith.index_cast %parallel_loop3A_710 : i32 to index
        %parallel_loop3A_712 = arith.constant 0 : index
        %parallel_loop3A_713 = tpu.vector_load %arg11[%parallel_loop3A_711, %parallel_loop3A_712] {strides = array<i32>} : memref<2048x16xf32, #tpu.memory_space<vmem>>, vector<1x16xf32>,
        %parallel_loop3A_714 = vector.shape_cast %parallel_loop3A_713 : vector<1x16xf32> to vector<16xf32>
        %parallel_loop3A_715 = arith.cmpi sge, %iota3A, %parallel_loop3A_702 : vector<16xi32>
        %parallel_loop3A_716 = arith.select %parallel_loop3A_715, %parallel_loop3A_708, %parallel_loop3A_714 : vector<16xi1>, vector<16xf32>
        %parallel_loop3A_717 = arith.addi %parallel_loop3A_702, %iota3A : vector<16xi32>
        %parallel_loop3A_718 = arith.constant 15 : i32
        %parallel_loop3A_719 = vector.broadcast %parallel_loop3A_718 : i32 to vector<16xi32>
        %parallel_loop3A_720 = arith.andi %parallel_loop3A_717, %parallel_loop3A_719 : vector<16xi32>
        %parallel_loop3A_721 = vector.shape_cast %parallel_loop3A_720 : vector<16xi32> to vector<16x1xi32>
        %parallel_loop3A_722 = vector.shape_cast %parallel_loop3A_721 : vector<16x1xi32> to vector<16xi32>
        %parallel_loop3A_723 = tpu.dynamic_gather %parallel_loop3A_716[%parallel_loop3A_722] in [0] : vector<16xf32>, vector<16xi32> -> vector<16xf32>
        %parallel_loop3A_724 = arith.constant 32 : i32
        %parallel_loop3A_725 = arith.muli %parallel_loop3A_724, %parallel_loop3A_667 : i32
        %parallel_loop3A_726 = arith.constant 16 : i32
        %parallel_loop3A_727 = arith.addi %parallel_loop3A_725, %parallel_loop3A_726 : i32
        %parallel_loop3A_728 = arith.index_cast %parallel_loop3A_727 : i32 to index
        %parallel_loop3A_729 = tpu.vector_load %arg17[%parallel_loop3A_728] {strides = array<i32>} : memref<16384xf32, #tpu.memory_space<vmem>>, vector<16xf32>,
        %parallel_loop3A_730 = vector.shape_cast %parallel_loop3A_729 : vector<16xf32> to vector<16xf32>
        %parallel_loop3A_731 = vector.shape_cast %parallel_loop3A_723 : vector<16xf32> to vector<16xf32>
        tpu.vector_store %arg17[%parallel_loop3A_728], %parallel_loop3A_731 {strides = array<i32>} : memref<16384xf32, #tpu.memory_space<vmem>>, vector<16xf32>,
        %parallel_loop3A_732 = arith.constant 16 : i32
        %parallel_loop3A_733 = arith.muli %parallel_loop3A_585, %parallel_loop3A_732 : i32
        %parallel_loop3A_734 = arith.constant 2 : i32
        %parallel_loop3A_735 = arith.addi %parallel_loop3A_733, %parallel_loop3A_734 : i32
        %parallel_loop3A_736 = vector.extract_strided_slice %parallel_loop3A_590 {offsets = [2], sizes = [1], strides = [1]} : vector<16xi32> to vector<1xi32>
        %parallel_loop3A_737 = vector.extract %parallel_loop3A_736[0] : i32 from vector<1xi32>
        %parallel_loop3A_738 = vector.broadcast %parallel_loop3A_737 : i32 to vector<16xi32>
        %parallel_loop3A_739 = arith.constant 0 : i32
        %parallel_loop3A_740 = arith.addi %parallel_loop3A_739, %parallel_loop3A_735 : i32
        %parallel_loop3A_741 = arith.index_cast %parallel_loop3A_740 : i32 to index
        %parallel_loop3A_742 = arith.constant 0 : index
        %parallel_loop3A_743 = tpu.vector_load %arg11[%parallel_loop3A_741, %parallel_loop3A_742] {strides = array<i32>} : memref<2048x16xf32, #tpu.memory_space<vmem>>, vector<1x16xf32>,
        %parallel_loop3A_744 = vector.shape_cast %parallel_loop3A_743 : vector<1x16xf32> to vector<16xf32>
        %parallel_loop3A_745 = arith.constant 512 : i32
        %parallel_loop3A_746 = arith.addi %parallel_loop3A_745, %parallel_loop3A_735 : i32
        %parallel_loop3A_747 = arith.index_cast %parallel_loop3A_746 : i32 to index
        %parallel_loop3A_748 = arith.constant 0 : index
        %parallel_loop3A_749 = tpu.vector_load %arg11[%parallel_loop3A_747, %parallel_loop3A_748] {strides = array<i32>} : memref<2048x16xf32, #tpu.memory_space<vmem>>, vector<1x16xf32>,
        %parallel_loop3A_750 = vector.shape_cast %parallel_loop3A_749 : vector<1x16xf32> to vector<16xf32>
        %parallel_loop3A_751 = arith.cmpi sge, %iota3A, %parallel_loop3A_738 : vector<16xi32>
        %parallel_loop3A_752 = arith.select %parallel_loop3A_751, %parallel_loop3A_744, %parallel_loop3A_750 : vector<16xi1>, vector<16xf32>
        %parallel_loop3A_753 = arith.addi %parallel_loop3A_738, %iota3A : vector<16xi32>
        %parallel_loop3A_754 = arith.constant 15 : i32
        %parallel_loop3A_755 = vector.broadcast %parallel_loop3A_754 : i32 to vector<16xi32>
        %parallel_loop3A_756 = arith.andi %parallel_loop3A_753, %parallel_loop3A_755 : vector<16xi32>
        %parallel_loop3A_757 = vector.shape_cast %parallel_loop3A_756 : vector<16xi32> to vector<16x1xi32>
        %parallel_loop3A_758 = vector.shape_cast %parallel_loop3A_757 : vector<16x1xi32> to vector<16xi32>
        %parallel_loop3A_759 = tpu.dynamic_gather %parallel_loop3A_752[%parallel_loop3A_758] in [0] : vector<16xf32>, vector<16xi32> -> vector<16xf32>
        %parallel_loop3A_760 = arith.constant 32 : i32
        %parallel_loop3A_761 = arith.muli %parallel_loop3A_760, %parallel_loop3A_735 : i32
        %parallel_loop3A_762 = arith.constant 0 : i32
        %parallel_loop3A_763 = arith.addi %parallel_loop3A_761, %parallel_loop3A_762 : i32
        %parallel_loop3A_764 = arith.index_cast %parallel_loop3A_763 : i32 to index
        %parallel_loop3A_765 = tpu.vector_load %arg17[%parallel_loop3A_764] {strides = array<i32>} : memref<16384xf32, #tpu.memory_space<vmem>>, vector<16xf32>,
        %parallel_loop3A_766 = vector.shape_cast %parallel_loop3A_765 : vector<16xf32> to vector<16xf32>
        %parallel_loop3A_767 = vector.shape_cast %parallel_loop3A_759 : vector<16xf32> to vector<16xf32>
        tpu.vector_store %arg17[%parallel_loop3A_764], %parallel_loop3A_767 {strides = array<i32>} : memref<16384xf32, #tpu.memory_space<vmem>>, vector<16xf32>,
        %parallel_loop3A_768 = vector.extract_strided_slice %parallel_loop3A_595 {offsets = [2], sizes = [1], strides = [1]} : vector<16xi32> to vector<1xi32>
        %parallel_loop3A_769 = vector.extract %parallel_loop3A_768[0] : i32 from vector<1xi32>
        %parallel_loop3A_770 = vector.broadcast %parallel_loop3A_769 : i32 to vector<16xi32>
        %parallel_loop3A_771 = arith.constant 1024 : i32
        %parallel_loop3A_772 = arith.addi %parallel_loop3A_771, %parallel_loop3A_735 : i32
        %parallel_loop3A_773 = arith.index_cast %parallel_loop3A_772 : i32 to index
        %parallel_loop3A_774 = arith.constant 0 : index
        %parallel_loop3A_775 = tpu.vector_load %arg11[%parallel_loop3A_773, %parallel_loop3A_774] {strides = array<i32>} : memref<2048x16xf32, #tpu.memory_space<vmem>>, vector<1x16xf32>,
        %parallel_loop3A_776 = vector.shape_cast %parallel_loop3A_775 : vector<1x16xf32> to vector<16xf32>
        %parallel_loop3A_777 = arith.constant 1536 : i32
        %parallel_loop3A_778 = arith.addi %parallel_loop3A_777, %parallel_loop3A_735 : i32
        %parallel_loop3A_779 = arith.index_cast %parallel_loop3A_778 : i32 to index
        %parallel_loop3A_780 = arith.constant 0 : index
        %parallel_loop3A_781 = tpu.vector_load %arg11[%parallel_loop3A_779, %parallel_loop3A_780] {strides = array<i32>} : memref<2048x16xf32, #tpu.memory_space<vmem>>, vector<1x16xf32>,
        %parallel_loop3A_782 = vector.shape_cast %parallel_loop3A_781 : vector<1x16xf32> to vector<16xf32>
        %parallel_loop3A_783 = arith.cmpi sge, %iota3A, %parallel_loop3A_770 : vector<16xi32>
        %parallel_loop3A_784 = arith.select %parallel_loop3A_783, %parallel_loop3A_776, %parallel_loop3A_782 : vector<16xi1>, vector<16xf32>
        %parallel_loop3A_785 = arith.addi %parallel_loop3A_770, %iota3A : vector<16xi32>
        %parallel_loop3A_786 = arith.constant 15 : i32
        %parallel_loop3A_787 = vector.broadcast %parallel_loop3A_786 : i32 to vector<16xi32>
        %parallel_loop3A_788 = arith.andi %parallel_loop3A_785, %parallel_loop3A_787 : vector<16xi32>
        %parallel_loop3A_789 = vector.shape_cast %parallel_loop3A_788 : vector<16xi32> to vector<16x1xi32>
        %parallel_loop3A_790 = vector.shape_cast %parallel_loop3A_789 : vector<16x1xi32> to vector<16xi32>
        %parallel_loop3A_791 = tpu.dynamic_gather %parallel_loop3A_784[%parallel_loop3A_790] in [0] : vector<16xf32>, vector<16xi32> -> vector<16xf32>
        %parallel_loop3A_792 = arith.constant 32 : i32
        %parallel_loop3A_793 = arith.muli %parallel_loop3A_792, %parallel_loop3A_735 : i32
        %parallel_loop3A_794 = arith.constant 16 : i32
        %parallel_loop3A_795 = arith.addi %parallel_loop3A_793, %parallel_loop3A_794 : i32
        %parallel_loop3A_796 = arith.index_cast %parallel_loop3A_795 : i32 to index
        %parallel_loop3A_797 = tpu.vector_load %arg17[%parallel_loop3A_796] {strides = array<i32>} : memref<16384xf32, #tpu.memory_space<vmem>>, vector<16xf32>,
        %parallel_loop3A_798 = vector.shape_cast %parallel_loop3A_797 : vector<16xf32> to vector<16xf32>
        %parallel_loop3A_799 = vector.shape_cast %parallel_loop3A_791 : vector<16xf32> to vector<16xf32>
        tpu.vector_store %arg17[%parallel_loop3A_796], %parallel_loop3A_799 {strides = array<i32>} : memref<16384xf32, #tpu.memory_space<vmem>>, vector<16xf32>,
        %parallel_loop3A_800 = arith.constant 16 : i32
        %parallel_loop3A_801 = arith.muli %parallel_loop3A_585, %parallel_loop3A_800 : i32
        %parallel_loop3A_802 = arith.constant 3 : i32
        %parallel_loop3A_803 = arith.addi %parallel_loop3A_801, %parallel_loop3A_802 : i32
        %parallel_loop3A_804 = vector.extract_strided_slice %parallel_loop3A_590 {offsets = [3], sizes = [1], strides = [1]} : vector<16xi32> to vector<1xi32>
        %parallel_loop3A_805 = vector.extract %parallel_loop3A_804[0] : i32 from vector<1xi32>
        %parallel_loop3A_806 = vector.broadcast %parallel_loop3A_805 : i32 to vector<16xi32>
        %parallel_loop3A_807 = arith.constant 0 : i32
        %parallel_loop3A_808 = arith.addi %parallel_loop3A_807, %parallel_loop3A_803 : i32
        %parallel_loop3A_809 = arith.index_cast %parallel_loop3A_808 : i32 to index
        %parallel_loop3A_810 = arith.constant 0 : index
        %parallel_loop3A_811 = tpu.vector_load %arg11[%parallel_loop3A_809, %parallel_loop3A_810] {strides = array<i32>} : memref<2048x16xf32, #tpu.memory_space<vmem>>, vector<1x16xf32>,
        %parallel_loop3A_812 = vector.shape_cast %parallel_loop3A_811 : vector<1x16xf32> to vector<16xf32>
        %parallel_loop3A_813 = arith.constant 512 : i32
        %parallel_loop3A_814 = arith.addi %parallel_loop3A_813, %parallel_loop3A_803 : i32
        %parallel_loop3A_815 = arith.index_cast %parallel_loop3A_814 : i32 to index
        %parallel_loop3A_816 = arith.constant 0 : index
        %parallel_loop3A_817 = tpu.vector_load %arg11[%parallel_loop3A_815, %parallel_loop3A_816] {strides = array<i32>} : memref<2048x16xf32, #tpu.memory_space<vmem>>, vector<1x16xf32>,
        %parallel_loop3A_818 = vector.shape_cast %parallel_loop3A_817 : vector<1x16xf32> to vector<16xf32>
        %parallel_loop3A_819 = arith.cmpi sge, %iota3A, %parallel_loop3A_806 : vector<16xi32>
        %parallel_loop3A_820 = arith.select %parallel_loop3A_819, %parallel_loop3A_812, %parallel_loop3A_818 : vector<16xi1>, vector<16xf32>
        %parallel_loop3A_821 = arith.addi %parallel_loop3A_806, %iota3A : vector<16xi32>
        %parallel_loop3A_822 = arith.constant 15 : i32
        %parallel_loop3A_823 = vector.broadcast %parallel_loop3A_822 : i32 to vector<16xi32>
        %parallel_loop3A_824 = arith.andi %parallel_loop3A_821, %parallel_loop3A_823 : vector<16xi32>
        %parallel_loop3A_825 = vector.shape_cast %parallel_loop3A_824 : vector<16xi32> to vector<16x1xi32>
        %parallel_loop3A_826 = vector.shape_cast %parallel_loop3A_825 : vector<16x1xi32> to vector<16xi32>
        %parallel_loop3A_827 = tpu.dynamic_gather %parallel_loop3A_820[%parallel_loop3A_826] in [0] : vector<16xf32>, vector<16xi32> -> vector<16xf32>
        %parallel_loop3A_828 = arith.constant 32 : i32
        %parallel_loop3A_829 = arith.muli %parallel_loop3A_828, %parallel_loop3A_803 : i32
        %parallel_loop3A_830 = arith.constant 0 : i32
        %parallel_loop3A_831 = arith.addi %parallel_loop3A_829, %parallel_loop3A_830 : i32
        %parallel_loop3A_832 = arith.index_cast %parallel_loop3A_831 : i32 to index
        %parallel_loop3A_833 = tpu.vector_load %arg17[%parallel_loop3A_832] {strides = array<i32>} : memref<16384xf32, #tpu.memory_space<vmem>>, vector<16xf32>,
        %parallel_loop3A_834 = vector.shape_cast %parallel_loop3A_833 : vector<16xf32> to vector<16xf32>
        %parallel_loop3A_835 = vector.shape_cast %parallel_loop3A_827 : vector<16xf32> to vector<16xf32>
        tpu.vector_store %arg17[%parallel_loop3A_832], %parallel_loop3A_835 {strides = array<i32>} : memref<16384xf32, #tpu.memory_space<vmem>>, vector<16xf32>,
        %parallel_loop3A_836 = vector.extract_strided_slice %parallel_loop3A_595 {offsets = [3], sizes = [1], strides = [1]} : vector<16xi32> to vector<1xi32>
        %parallel_loop3A_837 = vector.extract %parallel_loop3A_836[0] : i32 from vector<1xi32>
        %parallel_loop3A_838 = vector.broadcast %parallel_loop3A_837 : i32 to vector<16xi32>
        %parallel_loop3A_839 = arith.constant 1024 : i32
        %parallel_loop3A_840 = arith.addi %parallel_loop3A_839, %parallel_loop3A_803 : i32
        %parallel_loop3A_841 = arith.index_cast %parallel_loop3A_840 : i32 to index
        %parallel_loop3A_842 = arith.constant 0 : index
        %parallel_loop3A_843 = tpu.vector_load %arg11[%parallel_loop3A_841, %parallel_loop3A_842] {strides = array<i32>} : memref<2048x16xf32, #tpu.memory_space<vmem>>, vector<1x16xf32>,
        %parallel_loop3A_844 = vector.shape_cast %parallel_loop3A_843 : vector<1x16xf32> to vector<16xf32>
        %parallel_loop3A_845 = arith.constant 1536 : i32
        %parallel_loop3A_846 = arith.addi %parallel_loop3A_845, %parallel_loop3A_803 : i32
        %parallel_loop3A_847 = arith.index_cast %parallel_loop3A_846 : i32 to index
        %parallel_loop3A_848 = arith.constant 0 : index
        %parallel_loop3A_849 = tpu.vector_load %arg11[%parallel_loop3A_847, %parallel_loop3A_848] {strides = array<i32>} : memref<2048x16xf32, #tpu.memory_space<vmem>>, vector<1x16xf32>,
        %parallel_loop3A_850 = vector.shape_cast %parallel_loop3A_849 : vector<1x16xf32> to vector<16xf32>
        %parallel_loop3A_851 = arith.cmpi sge, %iota3A, %parallel_loop3A_838 : vector<16xi32>
        %parallel_loop3A_852 = arith.select %parallel_loop3A_851, %parallel_loop3A_844, %parallel_loop3A_850 : vector<16xi1>, vector<16xf32>
        %parallel_loop3A_853 = arith.addi %parallel_loop3A_838, %iota3A : vector<16xi32>
        %parallel_loop3A_854 = arith.constant 15 : i32
        %parallel_loop3A_855 = vector.broadcast %parallel_loop3A_854 : i32 to vector<16xi32>
        %parallel_loop3A_856 = arith.andi %parallel_loop3A_853, %parallel_loop3A_855 : vector<16xi32>
        %parallel_loop3A_857 = vector.shape_cast %parallel_loop3A_856 : vector<16xi32> to vector<16x1xi32>
        %parallel_loop3A_858 = vector.shape_cast %parallel_loop3A_857 : vector<16x1xi32> to vector<16xi32>
        %parallel_loop3A_859 = tpu.dynamic_gather %parallel_loop3A_852[%parallel_loop3A_858] in [0] : vector<16xf32>, vector<16xi32> -> vector<16xf32>
        %parallel_loop3A_860 = arith.constant 32 : i32
        %parallel_loop3A_861 = arith.muli %parallel_loop3A_860, %parallel_loop3A_803 : i32
        %parallel_loop3A_862 = arith.constant 16 : i32
        %parallel_loop3A_863 = arith.addi %parallel_loop3A_861, %parallel_loop3A_862 : i32
        %parallel_loop3A_864 = arith.index_cast %parallel_loop3A_863 : i32 to index
        %parallel_loop3A_865 = tpu.vector_load %arg17[%parallel_loop3A_864] {strides = array<i32>} : memref<16384xf32, #tpu.memory_space<vmem>>, vector<16xf32>,
        %parallel_loop3A_866 = vector.shape_cast %parallel_loop3A_865 : vector<16xf32> to vector<16xf32>
        %parallel_loop3A_867 = vector.shape_cast %parallel_loop3A_859 : vector<16xf32> to vector<16xf32>
        tpu.vector_store %arg17[%parallel_loop3A_864], %parallel_loop3A_867 {strides = array<i32>} : memref<16384xf32, #tpu.memory_space<vmem>>, vector<16xf32>,
        %parallel_loop3A_868 = arith.constant 16 : i32
        %parallel_loop3A_869 = arith.muli %parallel_loop3A_585, %parallel_loop3A_868 : i32
        %parallel_loop3A_870 = arith.constant 4 : i32
        %parallel_loop3A_871 = arith.addi %parallel_loop3A_869, %parallel_loop3A_870 : i32
        %parallel_loop3A_872 = vector.extract_strided_slice %parallel_loop3A_590 {offsets = [4], sizes = [1], strides = [1]} : vector<16xi32> to vector<1xi32>
        %parallel_loop3A_873 = vector.extract %parallel_loop3A_872[0] : i32 from vector<1xi32>
        %parallel_loop3A_874 = vector.broadcast %parallel_loop3A_873 : i32 to vector<16xi32>
        %parallel_loop3A_875 = arith.constant 0 : i32
        %parallel_loop3A_876 = arith.addi %parallel_loop3A_875, %parallel_loop3A_871 : i32
        %parallel_loop3A_877 = arith.index_cast %parallel_loop3A_876 : i32 to index
        %parallel_loop3A_878 = arith.constant 0 : index
        %parallel_loop3A_879 = tpu.vector_load %arg11[%parallel_loop3A_877, %parallel_loop3A_878] {strides = array<i32>} : memref<2048x16xf32, #tpu.memory_space<vmem>>, vector<1x16xf32>,
        %parallel_loop3A_880 = vector.shape_cast %parallel_loop3A_879 : vector<1x16xf32> to vector<16xf32>
        %parallel_loop3A_881 = arith.constant 512 : i32
        %parallel_loop3A_882 = arith.addi %parallel_loop3A_881, %parallel_loop3A_871 : i32
        %parallel_loop3A_883 = arith.index_cast %parallel_loop3A_882 : i32 to index
        %parallel_loop3A_884 = arith.constant 0 : index
        %parallel_loop3A_885 = tpu.vector_load %arg11[%parallel_loop3A_883, %parallel_loop3A_884] {strides = array<i32>} : memref<2048x16xf32, #tpu.memory_space<vmem>>, vector<1x16xf32>,
        %parallel_loop3A_886 = vector.shape_cast %parallel_loop3A_885 : vector<1x16xf32> to vector<16xf32>
        %parallel_loop3A_887 = arith.cmpi sge, %iota3A, %parallel_loop3A_874 : vector<16xi32>
        %parallel_loop3A_888 = arith.select %parallel_loop3A_887, %parallel_loop3A_880, %parallel_loop3A_886 : vector<16xi1>, vector<16xf32>
        %parallel_loop3A_889 = arith.addi %parallel_loop3A_874, %iota3A : vector<16xi32>
        %parallel_loop3A_890 = arith.constant 15 : i32
        %parallel_loop3A_891 = vector.broadcast %parallel_loop3A_890 : i32 to vector<16xi32>
        %parallel_loop3A_892 = arith.andi %parallel_loop3A_889, %parallel_loop3A_891 : vector<16xi32>
        %parallel_loop3A_893 = vector.shape_cast %parallel_loop3A_892 : vector<16xi32> to vector<16x1xi32>
        %parallel_loop3A_894 = vector.shape_cast %parallel_loop3A_893 : vector<16x1xi32> to vector<16xi32>
        %parallel_loop3A_895 = tpu.dynamic_gather %parallel_loop3A_888[%parallel_loop3A_894] in [0] : vector<16xf32>, vector<16xi32> -> vector<16xf32>
        %parallel_loop3A_896 = arith.constant 32 : i32
        %parallel_loop3A_897 = arith.muli %parallel_loop3A_896, %parallel_loop3A_871 : i32
        %parallel_loop3A_898 = arith.constant 0 : i32
        %parallel_loop3A_899 = arith.addi %parallel_loop3A_897, %parallel_loop3A_898 : i32
        %parallel_loop3A_900 = arith.index_cast %parallel_loop3A_899 : i32 to index
        %parallel_loop3A_901 = tpu.vector_load %arg17[%parallel_loop3A_900] {strides = array<i32>} : memref<16384xf32, #tpu.memory_space<vmem>>, vector<16xf32>,
        %parallel_loop3A_902 = vector.shape_cast %parallel_loop3A_901 : vector<16xf32> to vector<16xf32>
        %parallel_loop3A_903 = vector.shape_cast %parallel_loop3A_895 : vector<16xf32> to vector<16xf32>
        tpu.vector_store %arg17[%parallel_loop3A_900], %parallel_loop3A_903 {strides = array<i32>} : memref<16384xf32, #tpu.memory_space<vmem>>, vector<16xf32>,
        %parallel_loop3A_904 = vector.extract_strided_slice %parallel_loop3A_595 {offsets = [4], sizes = [1], strides = [1]} : vector<16xi32> to vector<1xi32>
        %parallel_loop3A_905 = vector.extract %parallel_loop3A_904[0] : i32 from vector<1xi32>
        %parallel_loop3A_906 = vector.broadcast %parallel_loop3A_905 : i32 to vector<16xi32>
        %parallel_loop3A_907 = arith.constant 1024 : i32
        %parallel_loop3A_908 = arith.addi %parallel_loop3A_907, %parallel_loop3A_871 : i32
        %parallel_loop3A_909 = arith.index_cast %parallel_loop3A_908 : i32 to index
        %parallel_loop3A_910 = arith.constant 0 : index
        %parallel_loop3A_911 = tpu.vector_load %arg11[%parallel_loop3A_909, %parallel_loop3A_910] {strides = array<i32>} : memref<2048x16xf32, #tpu.memory_space<vmem>>, vector<1x16xf32>,
        %parallel_loop3A_912 = vector.shape_cast %parallel_loop3A_911 : vector<1x16xf32> to vector<16xf32>
        %parallel_loop3A_913 = arith.constant 1536 : i32
        %parallel_loop3A_914 = arith.addi %parallel_loop3A_913, %parallel_loop3A_871 : i32
        %parallel_loop3A_915 = arith.index_cast %parallel_loop3A_914 : i32 to index
        %parallel_loop3A_916 = arith.constant 0 : index
        %parallel_loop3A_917 = tpu.vector_load %arg11[%parallel_loop3A_915, %parallel_loop3A_916] {strides = array<i32>} : memref<2048x16xf32, #tpu.memory_space<vmem>>, vector<1x16xf32>,
        %parallel_loop3A_918 = vector.shape_cast %parallel_loop3A_917 : vector<1x16xf32> to vector<16xf32>
        %parallel_loop3A_919 = arith.cmpi sge, %iota3A, %parallel_loop3A_906 : vector<16xi32>
        %parallel_loop3A_920 = arith.select %parallel_loop3A_919, %parallel_loop3A_912, %parallel_loop3A_918 : vector<16xi1>, vector<16xf32>
        %parallel_loop3A_921 = arith.addi %parallel_loop3A_906, %iota3A : vector<16xi32>
        %parallel_loop3A_922 = arith.constant 15 : i32
        %parallel_loop3A_923 = vector.broadcast %parallel_loop3A_922 : i32 to vector<16xi32>
        %parallel_loop3A_924 = arith.andi %parallel_loop3A_921, %parallel_loop3A_923 : vector<16xi32>
        %parallel_loop3A_925 = vector.shape_cast %parallel_loop3A_924 : vector<16xi32> to vector<16x1xi32>
        %parallel_loop3A_926 = vector.shape_cast %parallel_loop3A_925 : vector<16x1xi32> to vector<16xi32>
        %parallel_loop3A_927 = tpu.dynamic_gather %parallel_loop3A_920[%parallel_loop3A_926] in [0] : vector<16xf32>, vector<16xi32> -> vector<16xf32>
        %parallel_loop3A_928 = arith.constant 32 : i32
        %parallel_loop3A_929 = arith.muli %parallel_loop3A_928, %parallel_loop3A_871 : i32
        %parallel_loop3A_930 = arith.constant 16 : i32
        %parallel_loop3A_931 = arith.addi %parallel_loop3A_929, %parallel_loop3A_930 : i32
        %parallel_loop3A_932 = arith.index_cast %parallel_loop3A_931 : i32 to index
        %parallel_loop3A_933 = tpu.vector_load %arg17[%parallel_loop3A_932] {strides = array<i32>} : memref<16384xf32, #tpu.memory_space<vmem>>, vector<16xf32>,
        %parallel_loop3A_934 = vector.shape_cast %parallel_loop3A_933 : vector<16xf32> to vector<16xf32>
        %parallel_loop3A_935 = vector.shape_cast %parallel_loop3A_927 : vector<16xf32> to vector<16xf32>
        tpu.vector_store %arg17[%parallel_loop3A_932], %parallel_loop3A_935 {strides = array<i32>} : memref<16384xf32, #tpu.memory_space<vmem>>, vector<16xf32>,
        %parallel_loop3A_936 = arith.constant 16 : i32
        %parallel_loop3A_937 = arith.muli %parallel_loop3A_585, %parallel_loop3A_936 : i32
        %parallel_loop3A_938 = arith.constant 5 : i32
        %parallel_loop3A_939 = arith.addi %parallel_loop3A_937, %parallel_loop3A_938 : i32
        %parallel_loop3A_940 = vector.extract_strided_slice %parallel_loop3A_590 {offsets = [5], sizes = [1], strides = [1]} : vector<16xi32> to vector<1xi32>
        %parallel_loop3A_941 = vector.extract %parallel_loop3A_940[0] : i32 from vector<1xi32>
        %parallel_loop3A_942 = vector.broadcast %parallel_loop3A_941 : i32 to vector<16xi32>
        %parallel_loop3A_943 = arith.constant 0 : i32
        %parallel_loop3A_944 = arith.addi %parallel_loop3A_943, %parallel_loop3A_939 : i32
        %parallel_loop3A_945 = arith.index_cast %parallel_loop3A_944 : i32 to index
        %parallel_loop3A_946 = arith.constant 0 : index
        %parallel_loop3A_947 = tpu.vector_load %arg11[%parallel_loop3A_945, %parallel_loop3A_946] {strides = array<i32>} : memref<2048x16xf32, #tpu.memory_space<vmem>>, vector<1x16xf32>,
        %parallel_loop3A_948 = vector.shape_cast %parallel_loop3A_947 : vector<1x16xf32> to vector<16xf32>
        %parallel_loop3A_949 = arith.constant 512 : i32
        %parallel_loop3A_950 = arith.addi %parallel_loop3A_949, %parallel_loop3A_939 : i32
        %parallel_loop3A_951 = arith.index_cast %parallel_loop3A_950 : i32 to index
        %parallel_loop3A_952 = arith.constant 0 : index
        %parallel_loop3A_953 = tpu.vector_load %arg11[%parallel_loop3A_951, %parallel_loop3A_952] {strides = array<i32>} : memref<2048x16xf32, #tpu.memory_space<vmem>>, vector<1x16xf32>,
        %parallel_loop3A_954 = vector.shape_cast %parallel_loop3A_953 : vector<1x16xf32> to vector<16xf32>
        %parallel_loop3A_955 = arith.cmpi sge, %iota3A, %parallel_loop3A_942 : vector<16xi32>
        %parallel_loop3A_956 = arith.select %parallel_loop3A_955, %parallel_loop3A_948, %parallel_loop3A_954 : vector<16xi1>, vector<16xf32>
        %parallel_loop3A_957 = arith.addi %parallel_loop3A_942, %iota3A : vector<16xi32>
        %parallel_loop3A_958 = arith.constant 15 : i32
        %parallel_loop3A_959 = vector.broadcast %parallel_loop3A_958 : i32 to vector<16xi32>
        %parallel_loop3A_960 = arith.andi %parallel_loop3A_957, %parallel_loop3A_959 : vector<16xi32>
        %parallel_loop3A_961 = vector.shape_cast %parallel_loop3A_960 : vector<16xi32> to vector<16x1xi32>
        %parallel_loop3A_962 = vector.shape_cast %parallel_loop3A_961 : vector<16x1xi32> to vector<16xi32>
        %parallel_loop3A_963 = tpu.dynamic_gather %parallel_loop3A_956[%parallel_loop3A_962] in [0] : vector<16xf32>, vector<16xi32> -> vector<16xf32>
        %parallel_loop3A_964 = arith.constant 32 : i32
        %parallel_loop3A_965 = arith.muli %parallel_loop3A_964, %parallel_loop3A_939 : i32
        %parallel_loop3A_966 = arith.constant 0 : i32
        %parallel_loop3A_967 = arith.addi %parallel_loop3A_965, %parallel_loop3A_966 : i32
        %parallel_loop3A_968 = arith.index_cast %parallel_loop3A_967 : i32 to index
        %parallel_loop3A_969 = tpu.vector_load %arg17[%parallel_loop3A_968] {strides = array<i32>} : memref<16384xf32, #tpu.memory_space<vmem>>, vector<16xf32>,
        %parallel_loop3A_970 = vector.shape_cast %parallel_loop3A_969 : vector<16xf32> to vector<16xf32>
        %parallel_loop3A_971 = vector.shape_cast %parallel_loop3A_963 : vector<16xf32> to vector<16xf32>
        tpu.vector_store %arg17[%parallel_loop3A_968], %parallel_loop3A_971 {strides = array<i32>} : memref<16384xf32, #tpu.memory_space<vmem>>, vector<16xf32>,
        %parallel_loop3A_972 = vector.extract_strided_slice %parallel_loop3A_595 {offsets = [5], sizes = [1], strides = [1]} : vector<16xi32> to vector<1xi32>
        %parallel_loop3A_973 = vector.extract %parallel_loop3A_972[0] : i32 from vector<1xi32>
        %parallel_loop3A_974 = vector.broadcast %parallel_loop3A_973 : i32 to vector<16xi32>
        %parallel_loop3A_975 = arith.constant 1024 : i32
        %parallel_loop3A_976 = arith.addi %parallel_loop3A_975, %parallel_loop3A_939 : i32
        %parallel_loop3A_977 = arith.index_cast %parallel_loop3A_976 : i32 to index
        %parallel_loop3A_978 = arith.constant 0 : index
        %parallel_loop3A_979 = tpu.vector_load %arg11[%parallel_loop3A_977, %parallel_loop3A_978] {strides = array<i32>} : memref<2048x16xf32, #tpu.memory_space<vmem>>, vector<1x16xf32>,
        %parallel_loop3A_980 = vector.shape_cast %parallel_loop3A_979 : vector<1x16xf32> to vector<16xf32>
        %parallel_loop3A_981 = arith.constant 1536 : i32
        %parallel_loop3A_982 = arith.addi %parallel_loop3A_981, %parallel_loop3A_939 : i32
        %parallel_loop3A_983 = arith.index_cast %parallel_loop3A_982 : i32 to index
        %parallel_loop3A_984 = arith.constant 0 : index
        %parallel_loop3A_985 = tpu.vector_load %arg11[%parallel_loop3A_983, %parallel_loop3A_984] {strides = array<i32>} : memref<2048x16xf32, #tpu.memory_space<vmem>>, vector<1x16xf32>,
        %parallel_loop3A_986 = vector.shape_cast %parallel_loop3A_985 : vector<1x16xf32> to vector<16xf32>
        %parallel_loop3A_987 = arith.cmpi sge, %iota3A, %parallel_loop3A_974 : vector<16xi32>
        %parallel_loop3A_988 = arith.select %parallel_loop3A_987, %parallel_loop3A_980, %parallel_loop3A_986 : vector<16xi1>, vector<16xf32>
        %parallel_loop3A_989 = arith.addi %parallel_loop3A_974, %iota3A : vector<16xi32>
        %parallel_loop3A_990 = arith.constant 15 : i32
        %parallel_loop3A_991 = vector.broadcast %parallel_loop3A_990 : i32 to vector<16xi32>
        %parallel_loop3A_992 = arith.andi %parallel_loop3A_989, %parallel_loop3A_991 : vector<16xi32>
        %parallel_loop3A_993 = vector.shape_cast %parallel_loop3A_992 : vector<16xi32> to vector<16x1xi32>
        %parallel_loop3A_994 = vector.shape_cast %parallel_loop3A_993 : vector<16x1xi32> to vector<16xi32>
        %parallel_loop3A_995 = tpu.dynamic_gather %parallel_loop3A_988[%parallel_loop3A_994] in [0] : vector<16xf32>, vector<16xi32> -> vector<16xf32>
        %parallel_loop3A_996 = arith.constant 32 : i32
        %parallel_loop3A_997 = arith.muli %parallel_loop3A_996, %parallel_loop3A_939 : i32
        %parallel_loop3A_998 = arith.constant 16 : i32
        %parallel_loop3A_999 = arith.addi %parallel_loop3A_997, %parallel_loop3A_998 : i32
        %parallel_loop3A_1000 = arith.index_cast %parallel_loop3A_999 : i32 to index
        %parallel_loop3A_1001 = tpu.vector_load %arg17[%parallel_loop3A_1000] {strides = array<i32>} : memref<16384xf32, #tpu.memory_space<vmem>>, vector<16xf32>,
        %parallel_loop3A_1002 = vector.shape_cast %parallel_loop3A_1001 : vector<16xf32> to vector<16xf32>
        %parallel_loop3A_1003 = vector.shape_cast %parallel_loop3A_995 : vector<16xf32> to vector<16xf32>
        tpu.vector_store %arg17[%parallel_loop3A_1000], %parallel_loop3A_1003 {strides = array<i32>} : memref<16384xf32, #tpu.memory_space<vmem>>, vector<16xf32>,
        %parallel_loop3A_1004 = arith.constant 16 : i32
        %parallel_loop3A_1005 = arith.muli %parallel_loop3A_585, %parallel_loop3A_1004 : i32
        %parallel_loop3A_1006 = arith.constant 6 : i32
        %parallel_loop3A_1007 = arith.addi %parallel_loop3A_1005, %parallel_loop3A_1006 : i32
        %parallel_loop3A_1008 = vector.extract_strided_slice %parallel_loop3A_590 {offsets = [6], sizes = [1], strides = [1]} : vector<16xi32> to vector<1xi32>
        %parallel_loop3A_1009 = vector.extract %parallel_loop3A_1008[0] : i32 from vector<1xi32>
        %parallel_loop3A_1010 = vector.broadcast %parallel_loop3A_1009 : i32 to vector<16xi32>
        %parallel_loop3A_1011 = arith.constant 0 : i32
        %parallel_loop3A_1012 = arith.addi %parallel_loop3A_1011, %parallel_loop3A_1007 : i32
        %parallel_loop3A_1013 = arith.index_cast %parallel_loop3A_1012 : i32 to index
        %parallel_loop3A_1014 = arith.constant 0 : index
        %parallel_loop3A_1015 = tpu.vector_load %arg11[%parallel_loop3A_1013, %parallel_loop3A_1014] {strides = array<i32>} : memref<2048x16xf32, #tpu.memory_space<vmem>>, vector<1x16xf32>,
        %parallel_loop3A_1016 = vector.shape_cast %parallel_loop3A_1015 : vector<1x16xf32> to vector<16xf32>
        %parallel_loop3A_1017 = arith.constant 512 : i32
        %parallel_loop3A_1018 = arith.addi %parallel_loop3A_1017, %parallel_loop3A_1007 : i32
        %parallel_loop3A_1019 = arith.index_cast %parallel_loop3A_1018 : i32 to index
        %parallel_loop3A_1020 = arith.constant 0 : index
        %parallel_loop3A_1021 = tpu.vector_load %arg11[%parallel_loop3A_1019, %parallel_loop3A_1020] {strides = array<i32>} : memref<2048x16xf32, #tpu.memory_space<vmem>>, vector<1x16xf32>,
        %parallel_loop3A_1022 = vector.shape_cast %parallel_loop3A_1021 : vector<1x16xf32> to vector<16xf32>
        %parallel_loop3A_1023 = arith.cmpi sge, %iota3A, %parallel_loop3A_1010 : vector<16xi32>
        %parallel_loop3A_1024 = arith.select %parallel_loop3A_1023, %parallel_loop3A_1016, %parallel_loop3A_1022 : vector<16xi1>, vector<16xf32>
        %parallel_loop3A_1025 = arith.addi %parallel_loop3A_1010, %iota3A : vector<16xi32>
        %parallel_loop3A_1026 = arith.constant 15 : i32
        %parallel_loop3A_1027 = vector.broadcast %parallel_loop3A_1026 : i32 to vector<16xi32>
        %parallel_loop3A_1028 = arith.andi %parallel_loop3A_1025, %parallel_loop3A_1027 : vector<16xi32>
        %parallel_loop3A_1029 = vector.shape_cast %parallel_loop3A_1028 : vector<16xi32> to vector<16x1xi32>
        %parallel_loop3A_1030 = vector.shape_cast %parallel_loop3A_1029 : vector<16x1xi32> to vector<16xi32>
        %parallel_loop3A_1031 = tpu.dynamic_gather %parallel_loop3A_1024[%parallel_loop3A_1030] in [0] : vector<16xf32>, vector<16xi32> -> vector<16xf32>
        %parallel_loop3A_1032 = arith.constant 32 : i32
        %parallel_loop3A_1033 = arith.muli %parallel_loop3A_1032, %parallel_loop3A_1007 : i32
        %parallel_loop3A_1034 = arith.constant 0 : i32
        %parallel_loop3A_1035 = arith.addi %parallel_loop3A_1033, %parallel_loop3A_1034 : i32
        %parallel_loop3A_1036 = arith.index_cast %parallel_loop3A_1035 : i32 to index
        %parallel_loop3A_1037 = tpu.vector_load %arg17[%parallel_loop3A_1036] {strides = array<i32>} : memref<16384xf32, #tpu.memory_space<vmem>>, vector<16xf32>,
        %parallel_loop3A_1038 = vector.shape_cast %parallel_loop3A_1037 : vector<16xf32> to vector<16xf32>
        %parallel_loop3A_1039 = vector.shape_cast %parallel_loop3A_1031 : vector<16xf32> to vector<16xf32>
        tpu.vector_store %arg17[%parallel_loop3A_1036], %parallel_loop3A_1039 {strides = array<i32>} : memref<16384xf32, #tpu.memory_space<vmem>>, vector<16xf32>,
        %parallel_loop3A_1040 = vector.extract_strided_slice %parallel_loop3A_595 {offsets = [6], sizes = [1], strides = [1]} : vector<16xi32> to vector<1xi32>
        %parallel_loop3A_1041 = vector.extract %parallel_loop3A_1040[0] : i32 from vector<1xi32>
        %parallel_loop3A_1042 = vector.broadcast %parallel_loop3A_1041 : i32 to vector<16xi32>
        %parallel_loop3A_1043 = arith.constant 1024 : i32
        %parallel_loop3A_1044 = arith.addi %parallel_loop3A_1043, %parallel_loop3A_1007 : i32
        %parallel_loop3A_1045 = arith.index_cast %parallel_loop3A_1044 : i32 to index
        %parallel_loop3A_1046 = arith.constant 0 : index
        %parallel_loop3A_1047 = tpu.vector_load %arg11[%parallel_loop3A_1045, %parallel_loop3A_1046] {strides = array<i32>} : memref<2048x16xf32, #tpu.memory_space<vmem>>, vector<1x16xf32>,
        %parallel_loop3A_1048 = vector.shape_cast %parallel_loop3A_1047 : vector<1x16xf32> to vector<16xf32>
        %parallel_loop3A_1049 = arith.constant 1536 : i32
        %parallel_loop3A_1050 = arith.addi %parallel_loop3A_1049, %parallel_loop3A_1007 : i32
        %parallel_loop3A_1051 = arith.index_cast %parallel_loop3A_1050 : i32 to index
        %parallel_loop3A_1052 = arith.constant 0 : index
        %parallel_loop3A_1053 = tpu.vector_load %arg11[%parallel_loop3A_1051, %parallel_loop3A_1052] {strides = array<i32>} : memref<2048x16xf32, #tpu.memory_space<vmem>>, vector<1x16xf32>,
        %parallel_loop3A_1054 = vector.shape_cast %parallel_loop3A_1053 : vector<1x16xf32> to vector<16xf32>
        %parallel_loop3A_1055 = arith.cmpi sge, %iota3A, %parallel_loop3A_1042 : vector<16xi32>
        %parallel_loop3A_1056 = arith.select %parallel_loop3A_1055, %parallel_loop3A_1048, %parallel_loop3A_1054 : vector<16xi1>, vector<16xf32>
        %parallel_loop3A_1057 = arith.addi %parallel_loop3A_1042, %iota3A : vector<16xi32>
        %parallel_loop3A_1058 = arith.constant 15 : i32
        %parallel_loop3A_1059 = vector.broadcast %parallel_loop3A_1058 : i32 to vector<16xi32>
        %parallel_loop3A_1060 = arith.andi %parallel_loop3A_1057, %parallel_loop3A_1059 : vector<16xi32>
        %parallel_loop3A_1061 = vector.shape_cast %parallel_loop3A_1060 : vector<16xi32> to vector<16x1xi32>
        %parallel_loop3A_1062 = vector.shape_cast %parallel_loop3A_1061 : vector<16x1xi32> to vector<16xi32>
        %parallel_loop3A_1063 = tpu.dynamic_gather %parallel_loop3A_1056[%parallel_loop3A_1062] in [0] : vector<16xf32>, vector<16xi32> -> vector<16xf32>
        %parallel_loop3A_1064 = arith.constant 32 : i32
        %parallel_loop3A_1065 = arith.muli %parallel_loop3A_1064, %parallel_loop3A_1007 : i32
        %parallel_loop3A_1066 = arith.constant 16 : i32
        %parallel_loop3A_1067 = arith.addi %parallel_loop3A_1065, %parallel_loop3A_1066 : i32
        %parallel_loop3A_1068 = arith.index_cast %parallel_loop3A_1067 : i32 to index
        %parallel_loop3A_1069 = tpu.vector_load %arg17[%parallel_loop3A_1068] {strides = array<i32>} : memref<16384xf32, #tpu.memory_space<vmem>>, vector<16xf32>,
        %parallel_loop3A_1070 = vector.shape_cast %parallel_loop3A_1069 : vector<16xf32> to vector<16xf32>
        %parallel_loop3A_1071 = vector.shape_cast %parallel_loop3A_1063 : vector<16xf32> to vector<16xf32>
        tpu.vector_store %arg17[%parallel_loop3A_1068], %parallel_loop3A_1071 {strides = array<i32>} : memref<16384xf32, #tpu.memory_space<vmem>>, vector<16xf32>,
        %parallel_loop3A_1072 = arith.constant 16 : i32
        %parallel_loop3A_1073 = arith.muli %parallel_loop3A_585, %parallel_loop3A_1072 : i32
        %parallel_loop3A_1074 = arith.constant 7 : i32
        %parallel_loop3A_1075 = arith.addi %parallel_loop3A_1073, %parallel_loop3A_1074 : i32
        %parallel_loop3A_1076 = vector.extract_strided_slice %parallel_loop3A_590 {offsets = [7], sizes = [1], strides = [1]} : vector<16xi32> to vector<1xi32>
        %parallel_loop3A_1077 = vector.extract %parallel_loop3A_1076[0] : i32 from vector<1xi32>
        %parallel_loop3A_1078 = vector.broadcast %parallel_loop3A_1077 : i32 to vector<16xi32>
        %parallel_loop3A_1079 = arith.constant 0 : i32
        %parallel_loop3A_1080 = arith.addi %parallel_loop3A_1079, %parallel_loop3A_1075 : i32
        %parallel_loop3A_1081 = arith.index_cast %parallel_loop3A_1080 : i32 to index
        %parallel_loop3A_1082 = arith.constant 0 : index
        %parallel_loop3A_1083 = tpu.vector_load %arg11[%parallel_loop3A_1081, %parallel_loop3A_1082] {strides = array<i32>} : memref<2048x16xf32, #tpu.memory_space<vmem>>, vector<1x16xf32>,
        %parallel_loop3A_1084 = vector.shape_cast %parallel_loop3A_1083 : vector<1x16xf32> to vector<16xf32>
        %parallel_loop3A_1085 = arith.constant 512 : i32
        %parallel_loop3A_1086 = arith.addi %parallel_loop3A_1085, %parallel_loop3A_1075 : i32
        %parallel_loop3A_1087 = arith.index_cast %parallel_loop3A_1086 : i32 to index
        %parallel_loop3A_1088 = arith.constant 0 : index
        %parallel_loop3A_1089 = tpu.vector_load %arg11[%parallel_loop3A_1087, %parallel_loop3A_1088] {strides = array<i32>} : memref<2048x16xf32, #tpu.memory_space<vmem>>, vector<1x16xf32>,
        %parallel_loop3A_1090 = vector.shape_cast %parallel_loop3A_1089 : vector<1x16xf32> to vector<16xf32>
        %parallel_loop3A_1091 = arith.cmpi sge, %iota3A, %parallel_loop3A_1078 : vector<16xi32>
        %parallel_loop3A_1092 = arith.select %parallel_loop3A_1091, %parallel_loop3A_1084, %parallel_loop3A_1090 : vector<16xi1>, vector<16xf32>
        %parallel_loop3A_1093 = arith.addi %parallel_loop3A_1078, %iota3A : vector<16xi32>
        %parallel_loop3A_1094 = arith.constant 15 : i32
        %parallel_loop3A_1095 = vector.broadcast %parallel_loop3A_1094 : i32 to vector<16xi32>
        %parallel_loop3A_1096 = arith.andi %parallel_loop3A_1093, %parallel_loop3A_1095 : vector<16xi32>
        %parallel_loop3A_1097 = vector.shape_cast %parallel_loop3A_1096 : vector<16xi32> to vector<16x1xi32>
        %parallel_loop3A_1098 = vector.shape_cast %parallel_loop3A_1097 : vector<16x1xi32> to vector<16xi32>
        %parallel_loop3A_1099 = tpu.dynamic_gather %parallel_loop3A_1092[%parallel_loop3A_1098] in [0] : vector<16xf32>, vector<16xi32> -> vector<16xf32>
        %parallel_loop3A_1100 = arith.constant 32 : i32
        %parallel_loop3A_1101 = arith.muli %parallel_loop3A_1100, %parallel_loop3A_1075 : i32
        %parallel_loop3A_1102 = arith.constant 0 : i32
        %parallel_loop3A_1103 = arith.addi %parallel_loop3A_1101, %parallel_loop3A_1102 : i32
        %parallel_loop3A_1104 = arith.index_cast %parallel_loop3A_1103 : i32 to index
        %parallel_loop3A_1105 = tpu.vector_load %arg17[%parallel_loop3A_1104] {strides = array<i32>} : memref<16384xf32, #tpu.memory_space<vmem>>, vector<16xf32>,
        %parallel_loop3A_1106 = vector.shape_cast %parallel_loop3A_1105 : vector<16xf32> to vector<16xf32>
        %parallel_loop3A_1107 = vector.shape_cast %parallel_loop3A_1099 : vector<16xf32> to vector<16xf32>
        tpu.vector_store %arg17[%parallel_loop3A_1104], %parallel_loop3A_1107 {strides = array<i32>} : memref<16384xf32, #tpu.memory_space<vmem>>, vector<16xf32>,
        %parallel_loop3A_1108 = vector.extract_strided_slice %parallel_loop3A_595 {offsets = [7], sizes = [1], strides = [1]} : vector<16xi32> to vector<1xi32>
        %parallel_loop3A_1109 = vector.extract %parallel_loop3A_1108[0] : i32 from vector<1xi32>
        %parallel_loop3A_1110 = vector.broadcast %parallel_loop3A_1109 : i32 to vector<16xi32>
        %parallel_loop3A_1111 = arith.constant 1024 : i32
        %parallel_loop3A_1112 = arith.addi %parallel_loop3A_1111, %parallel_loop3A_1075 : i32
        %parallel_loop3A_1113 = arith.index_cast %parallel_loop3A_1112 : i32 to index
        %parallel_loop3A_1114 = arith.constant 0 : index
        %parallel_loop3A_1115 = tpu.vector_load %arg11[%parallel_loop3A_1113, %parallel_loop3A_1114] {strides = array<i32>} : memref<2048x16xf32, #tpu.memory_space<vmem>>, vector<1x16xf32>,
        %parallel_loop3A_1116 = vector.shape_cast %parallel_loop3A_1115 : vector<1x16xf32> to vector<16xf32>
        %parallel_loop3A_1117 = arith.constant 1536 : i32
        %parallel_loop3A_1118 = arith.addi %parallel_loop3A_1117, %parallel_loop3A_1075 : i32
        %parallel_loop3A_1119 = arith.index_cast %parallel_loop3A_1118 : i32 to index
        %parallel_loop3A_1120 = arith.constant 0 : index
        %parallel_loop3A_1121 = tpu.vector_load %arg11[%parallel_loop3A_1119, %parallel_loop3A_1120] {strides = array<i32>} : memref<2048x16xf32, #tpu.memory_space<vmem>>, vector<1x16xf32>,
        %parallel_loop3A_1122 = vector.shape_cast %parallel_loop3A_1121 : vector<1x16xf32> to vector<16xf32>
        %parallel_loop3A_1123 = arith.cmpi sge, %iota3A, %parallel_loop3A_1110 : vector<16xi32>
        %parallel_loop3A_1124 = arith.select %parallel_loop3A_1123, %parallel_loop3A_1116, %parallel_loop3A_1122 : vector<16xi1>, vector<16xf32>
        %parallel_loop3A_1125 = arith.addi %parallel_loop3A_1110, %iota3A : vector<16xi32>
        %parallel_loop3A_1126 = arith.constant 15 : i32
        %parallel_loop3A_1127 = vector.broadcast %parallel_loop3A_1126 : i32 to vector<16xi32>
        %parallel_loop3A_1128 = arith.andi %parallel_loop3A_1125, %parallel_loop3A_1127 : vector<16xi32>
        %parallel_loop3A_1129 = vector.shape_cast %parallel_loop3A_1128 : vector<16xi32> to vector<16x1xi32>
        %parallel_loop3A_1130 = vector.shape_cast %parallel_loop3A_1129 : vector<16x1xi32> to vector<16xi32>
        %parallel_loop3A_1131 = tpu.dynamic_gather %parallel_loop3A_1124[%parallel_loop3A_1130] in [0] : vector<16xf32>, vector<16xi32> -> vector<16xf32>
        %parallel_loop3A_1132 = arith.constant 32 : i32
        %parallel_loop3A_1133 = arith.muli %parallel_loop3A_1132, %parallel_loop3A_1075 : i32
        %parallel_loop3A_1134 = arith.constant 16 : i32
        %parallel_loop3A_1135 = arith.addi %parallel_loop3A_1133, %parallel_loop3A_1134 : i32
        %parallel_loop3A_1136 = arith.index_cast %parallel_loop3A_1135 : i32 to index
        %parallel_loop3A_1137 = tpu.vector_load %arg17[%parallel_loop3A_1136] {strides = array<i32>} : memref<16384xf32, #tpu.memory_space<vmem>>, vector<16xf32>,
        %parallel_loop3A_1138 = vector.shape_cast %parallel_loop3A_1137 : vector<16xf32> to vector<16xf32>
        %parallel_loop3A_1139 = vector.shape_cast %parallel_loop3A_1131 : vector<16xf32> to vector<16xf32>
        tpu.vector_store %arg17[%parallel_loop3A_1136], %parallel_loop3A_1139 {strides = array<i32>} : memref<16384xf32, #tpu.memory_space<vmem>>, vector<16xf32>,
        %parallel_loop3A_1140 = arith.constant 16 : i32
        %parallel_loop3A_1141 = arith.muli %parallel_loop3A_585, %parallel_loop3A_1140 : i32
        %parallel_loop3A_1142 = arith.constant 8 : i32
        %parallel_loop3A_1143 = arith.addi %parallel_loop3A_1141, %parallel_loop3A_1142 : i32
        %parallel_loop3A_1144 = vector.extract_strided_slice %parallel_loop3A_590 {offsets = [8], sizes = [1], strides = [1]} : vector<16xi32> to vector<1xi32>
        %parallel_loop3A_1145 = vector.extract %parallel_loop3A_1144[0] : i32 from vector<1xi32>
        %parallel_loop3A_1146 = vector.broadcast %parallel_loop3A_1145 : i32 to vector<16xi32>
        %parallel_loop3A_1147 = arith.constant 0 : i32
        %parallel_loop3A_1148 = arith.addi %parallel_loop3A_1147, %parallel_loop3A_1143 : i32
        %parallel_loop3A_1149 = arith.index_cast %parallel_loop3A_1148 : i32 to index
        %parallel_loop3A_1150 = arith.constant 0 : index
        %parallel_loop3A_1151 = tpu.vector_load %arg11[%parallel_loop3A_1149, %parallel_loop3A_1150] {strides = array<i32>} : memref<2048x16xf32, #tpu.memory_space<vmem>>, vector<1x16xf32>,
        %parallel_loop3A_1152 = vector.shape_cast %parallel_loop3A_1151 : vector<1x16xf32> to vector<16xf32>
        %parallel_loop3A_1153 = arith.constant 512 : i32
        %parallel_loop3A_1154 = arith.addi %parallel_loop3A_1153, %parallel_loop3A_1143 : i32
        %parallel_loop3A_1155 = arith.index_cast %parallel_loop3A_1154 : i32 to index
        %parallel_loop3A_1156 = arith.constant 0 : index
        %parallel_loop3A_1157 = tpu.vector_load %arg11[%parallel_loop3A_1155, %parallel_loop3A_1156] {strides = array<i32>} : memref<2048x16xf32, #tpu.memory_space<vmem>>, vector<1x16xf32>,
        %parallel_loop3A_1158 = vector.shape_cast %parallel_loop3A_1157 : vector<1x16xf32> to vector<16xf32>
        %parallel_loop3A_1159 = arith.cmpi sge, %iota3A, %parallel_loop3A_1146 : vector<16xi32>
        %parallel_loop3A_1160 = arith.select %parallel_loop3A_1159, %parallel_loop3A_1152, %parallel_loop3A_1158 : vector<16xi1>, vector<16xf32>
        %parallel_loop3A_1161 = arith.addi %parallel_loop3A_1146, %iota3A : vector<16xi32>
        %parallel_loop3A_1162 = arith.constant 15 : i32
        %parallel_loop3A_1163 = vector.broadcast %parallel_loop3A_1162 : i32 to vector<16xi32>
        %parallel_loop3A_1164 = arith.andi %parallel_loop3A_1161, %parallel_loop3A_1163 : vector<16xi32>
        %parallel_loop3A_1165 = vector.shape_cast %parallel_loop3A_1164 : vector<16xi32> to vector<16x1xi32>
        %parallel_loop3A_1166 = vector.shape_cast %parallel_loop3A_1165 : vector<16x1xi32> to vector<16xi32>
        %parallel_loop3A_1167 = tpu.dynamic_gather %parallel_loop3A_1160[%parallel_loop3A_1166] in [0] : vector<16xf32>, vector<16xi32> -> vector<16xf32>
        %parallel_loop3A_1168 = arith.constant 32 : i32
        %parallel_loop3A_1169 = arith.muli %parallel_loop3A_1168, %parallel_loop3A_1143 : i32
        %parallel_loop3A_1170 = arith.constant 0 : i32
        %parallel_loop3A_1171 = arith.addi %parallel_loop3A_1169, %parallel_loop3A_1170 : i32
        %parallel_loop3A_1172 = arith.index_cast %parallel_loop3A_1171 : i32 to index
        %parallel_loop3A_1173 = tpu.vector_load %arg17[%parallel_loop3A_1172] {strides = array<i32>} : memref<16384xf32, #tpu.memory_space<vmem>>, vector<16xf32>,
        %parallel_loop3A_1174 = vector.shape_cast %parallel_loop3A_1173 : vector<16xf32> to vector<16xf32>
        %parallel_loop3A_1175 = vector.shape_cast %parallel_loop3A_1167 : vector<16xf32> to vector<16xf32>
        tpu.vector_store %arg17[%parallel_loop3A_1172], %parallel_loop3A_1175 {strides = array<i32>} : memref<16384xf32, #tpu.memory_space<vmem>>, vector<16xf32>,
        %parallel_loop3A_1176 = vector.extract_strided_slice %parallel_loop3A_595 {offsets = [8], sizes = [1], strides = [1]} : vector<16xi32> to vector<1xi32>
        %parallel_loop3A_1177 = vector.extract %parallel_loop3A_1176[0] : i32 from vector<1xi32>
        %parallel_loop3A_1178 = vector.broadcast %parallel_loop3A_1177 : i32 to vector<16xi32>
        %parallel_loop3A_1179 = arith.constant 1024 : i32
        %parallel_loop3A_1180 = arith.addi %parallel_loop3A_1179, %parallel_loop3A_1143 : i32
        %parallel_loop3A_1181 = arith.index_cast %parallel_loop3A_1180 : i32 to index
        %parallel_loop3A_1182 = arith.constant 0 : index
        %parallel_loop3A_1183 = tpu.vector_load %arg11[%parallel_loop3A_1181, %parallel_loop3A_1182] {strides = array<i32>} : memref<2048x16xf32, #tpu.memory_space<vmem>>, vector<1x16xf32>,
        %parallel_loop3A_1184 = vector.shape_cast %parallel_loop3A_1183 : vector<1x16xf32> to vector<16xf32>
        %parallel_loop3A_1185 = arith.constant 1536 : i32
        %parallel_loop3A_1186 = arith.addi %parallel_loop3A_1185, %parallel_loop3A_1143 : i32
        %parallel_loop3A_1187 = arith.index_cast %parallel_loop3A_1186 : i32 to index
        %parallel_loop3A_1188 = arith.constant 0 : index
        %parallel_loop3A_1189 = tpu.vector_load %arg11[%parallel_loop3A_1187, %parallel_loop3A_1188] {strides = array<i32>} : memref<2048x16xf32, #tpu.memory_space<vmem>>, vector<1x16xf32>,
        %parallel_loop3A_1190 = vector.shape_cast %parallel_loop3A_1189 : vector<1x16xf32> to vector<16xf32>
        %parallel_loop3A_1191 = arith.cmpi sge, %iota3A, %parallel_loop3A_1178 : vector<16xi32>
        %parallel_loop3A_1192 = arith.select %parallel_loop3A_1191, %parallel_loop3A_1184, %parallel_loop3A_1190 : vector<16xi1>, vector<16xf32>
        %parallel_loop3A_1193 = arith.addi %parallel_loop3A_1178, %iota3A : vector<16xi32>
        %parallel_loop3A_1194 = arith.constant 15 : i32
        %parallel_loop3A_1195 = vector.broadcast %parallel_loop3A_1194 : i32 to vector<16xi32>
        %parallel_loop3A_1196 = arith.andi %parallel_loop3A_1193, %parallel_loop3A_1195 : vector<16xi32>
        %parallel_loop3A_1197 = vector.shape_cast %parallel_loop3A_1196 : vector<16xi32> to vector<16x1xi32>
        %parallel_loop3A_1198 = vector.shape_cast %parallel_loop3A_1197 : vector<16x1xi32> to vector<16xi32>
        %parallel_loop3A_1199 = tpu.dynamic_gather %parallel_loop3A_1192[%parallel_loop3A_1198] in [0] : vector<16xf32>, vector<16xi32> -> vector<16xf32>
        %parallel_loop3A_1200 = arith.constant 32 : i32
        %parallel_loop3A_1201 = arith.muli %parallel_loop3A_1200, %parallel_loop3A_1143 : i32
        %parallel_loop3A_1202 = arith.constant 16 : i32
        %parallel_loop3A_1203 = arith.addi %parallel_loop3A_1201, %parallel_loop3A_1202 : i32
        %parallel_loop3A_1204 = arith.index_cast %parallel_loop3A_1203 : i32 to index
        %parallel_loop3A_1205 = tpu.vector_load %arg17[%parallel_loop3A_1204] {strides = array<i32>} : memref<16384xf32, #tpu.memory_space<vmem>>, vector<16xf32>,
        %parallel_loop3A_1206 = vector.shape_cast %parallel_loop3A_1205 : vector<16xf32> to vector<16xf32>
        %parallel_loop3A_1207 = vector.shape_cast %parallel_loop3A_1199 : vector<16xf32> to vector<16xf32>
        tpu.vector_store %arg17[%parallel_loop3A_1204], %parallel_loop3A_1207 {strides = array<i32>} : memref<16384xf32, #tpu.memory_space<vmem>>, vector<16xf32>,
        %parallel_loop3A_1208 = arith.constant 16 : i32
        %parallel_loop3A_1209 = arith.muli %parallel_loop3A_585, %parallel_loop3A_1208 : i32
        %parallel_loop3A_1210 = arith.constant 9 : i32
        %parallel_loop3A_1211 = arith.addi %parallel_loop3A_1209, %parallel_loop3A_1210 : i32
        %parallel_loop3A_1212 = vector.extract_strided_slice %parallel_loop3A_590 {offsets = [9], sizes = [1], strides = [1]} : vector<16xi32> to vector<1xi32>
        %parallel_loop3A_1213 = vector.extract %parallel_loop3A_1212[0] : i32 from vector<1xi32>
        %parallel_loop3A_1214 = vector.broadcast %parallel_loop3A_1213 : i32 to vector<16xi32>
        %parallel_loop3A_1215 = arith.constant 0 : i32
        %parallel_loop3A_1216 = arith.addi %parallel_loop3A_1215, %parallel_loop3A_1211 : i32
        %parallel_loop3A_1217 = arith.index_cast %parallel_loop3A_1216 : i32 to index
        %parallel_loop3A_1218 = arith.constant 0 : index
        %parallel_loop3A_1219 = tpu.vector_load %arg11[%parallel_loop3A_1217, %parallel_loop3A_1218] {strides = array<i32>} : memref<2048x16xf32, #tpu.memory_space<vmem>>, vector<1x16xf32>,
        %parallel_loop3A_1220 = vector.shape_cast %parallel_loop3A_1219 : vector<1x16xf32> to vector<16xf32>
        %parallel_loop3A_1221 = arith.constant 512 : i32
        %parallel_loop3A_1222 = arith.addi %parallel_loop3A_1221, %parallel_loop3A_1211 : i32
        %parallel_loop3A_1223 = arith.index_cast %parallel_loop3A_1222 : i32 to index
        %parallel_loop3A_1224 = arith.constant 0 : index
        %parallel_loop3A_1225 = tpu.vector_load %arg11[%parallel_loop3A_1223, %parallel_loop3A_1224] {strides = array<i32>} : memref<2048x16xf32, #tpu.memory_space<vmem>>, vector<1x16xf32>,
        %parallel_loop3A_1226 = vector.shape_cast %parallel_loop3A_1225 : vector<1x16xf32> to vector<16xf32>
        %parallel_loop3A_1227 = arith.cmpi sge, %iota3A, %parallel_loop3A_1214 : vector<16xi32>
        %parallel_loop3A_1228 = arith.select %parallel_loop3A_1227, %parallel_loop3A_1220, %parallel_loop3A_1226 : vector<16xi1>, vector<16xf32>
        %parallel_loop3A_1229 = arith.addi %parallel_loop3A_1214, %iota3A : vector<16xi32>
        %parallel_loop3A_1230 = arith.constant 15 : i32
        %parallel_loop3A_1231 = vector.broadcast %parallel_loop3A_1230 : i32 to vector<16xi32>
        %parallel_loop3A_1232 = arith.andi %parallel_loop3A_1229, %parallel_loop3A_1231 : vector<16xi32>
        %parallel_loop3A_1233 = vector.shape_cast %parallel_loop3A_1232 : vector<16xi32> to vector<16x1xi32>
        %parallel_loop3A_1234 = vector.shape_cast %parallel_loop3A_1233 : vector<16x1xi32> to vector<16xi32>
        %parallel_loop3A_1235 = tpu.dynamic_gather %parallel_loop3A_1228[%parallel_loop3A_1234] in [0] : vector<16xf32>, vector<16xi32> -> vector<16xf32>
        %parallel_loop3A_1236 = arith.constant 32 : i32
        %parallel_loop3A_1237 = arith.muli %parallel_loop3A_1236, %parallel_loop3A_1211 : i32
        %parallel_loop3A_1238 = arith.constant 0 : i32
        %parallel_loop3A_1239 = arith.addi %parallel_loop3A_1237, %parallel_loop3A_1238 : i32
        %parallel_loop3A_1240 = arith.index_cast %parallel_loop3A_1239 : i32 to index
        %parallel_loop3A_1241 = tpu.vector_load %arg17[%parallel_loop3A_1240] {strides = array<i32>} : memref<16384xf32, #tpu.memory_space<vmem>>, vector<16xf32>,
        %parallel_loop3A_1242 = vector.shape_cast %parallel_loop3A_1241 : vector<16xf32> to vector<16xf32>
        %parallel_loop3A_1243 = vector.shape_cast %parallel_loop3A_1235 : vector<16xf32> to vector<16xf32>
        tpu.vector_store %arg17[%parallel_loop3A_1240], %parallel_loop3A_1243 {strides = array<i32>} : memref<16384xf32, #tpu.memory_space<vmem>>, vector<16xf32>,
        %parallel_loop3A_1244 = vector.extract_strided_slice %parallel_loop3A_595 {offsets = [9], sizes = [1], strides = [1]} : vector<16xi32> to vector<1xi32>
        %parallel_loop3A_1245 = vector.extract %parallel_loop3A_1244[0] : i32 from vector<1xi32>
        %parallel_loop3A_1246 = vector.broadcast %parallel_loop3A_1245 : i32 to vector<16xi32>
        %parallel_loop3A_1247 = arith.constant 1024 : i32
        %parallel_loop3A_1248 = arith.addi %parallel_loop3A_1247, %parallel_loop3A_1211 : i32
        %parallel_loop3A_1249 = arith.index_cast %parallel_loop3A_1248 : i32 to index
        %parallel_loop3A_1250 = arith.constant 0 : index
        %parallel_loop3A_1251 = tpu.vector_load %arg11[%parallel_loop3A_1249, %parallel_loop3A_1250] {strides = array<i32>} : memref<2048x16xf32, #tpu.memory_space<vmem>>, vector<1x16xf32>,
        %parallel_loop3A_1252 = vector.shape_cast %parallel_loop3A_1251 : vector<1x16xf32> to vector<16xf32>
        %parallel_loop3A_1253 = arith.constant 1536 : i32
        %parallel_loop3A_1254 = arith.addi %parallel_loop3A_1253, %parallel_loop3A_1211 : i32
        %parallel_loop3A_1255 = arith.index_cast %parallel_loop3A_1254 : i32 to index
        %parallel_loop3A_1256 = arith.constant 0 : index
        %parallel_loop3A_1257 = tpu.vector_load %arg11[%parallel_loop3A_1255, %parallel_loop3A_1256] {strides = array<i32>} : memref<2048x16xf32, #tpu.memory_space<vmem>>, vector<1x16xf32>,
        %parallel_loop3A_1258 = vector.shape_cast %parallel_loop3A_1257 : vector<1x16xf32> to vector<16xf32>
        %parallel_loop3A_1259 = arith.cmpi sge, %iota3A, %parallel_loop3A_1246 : vector<16xi32>
        %parallel_loop3A_1260 = arith.select %parallel_loop3A_1259, %parallel_loop3A_1252, %parallel_loop3A_1258 : vector<16xi1>, vector<16xf32>
        %parallel_loop3A_1261 = arith.addi %parallel_loop3A_1246, %iota3A : vector<16xi32>
        %parallel_loop3A_1262 = arith.constant 15 : i32
        %parallel_loop3A_1263 = vector.broadcast %parallel_loop3A_1262 : i32 to vector<16xi32>
        %parallel_loop3A_1264 = arith.andi %parallel_loop3A_1261, %parallel_loop3A_1263 : vector<16xi32>
        %parallel_loop3A_1265 = vector.shape_cast %parallel_loop3A_1264 : vector<16xi32> to vector<16x1xi32>
        %parallel_loop3A_1266 = vector.shape_cast %parallel_loop3A_1265 : vector<16x1xi32> to vector<16xi32>
        %parallel_loop3A_1267 = tpu.dynamic_gather %parallel_loop3A_1260[%parallel_loop3A_1266] in [0] : vector<16xf32>, vector<16xi32> -> vector<16xf32>
        %parallel_loop3A_1268 = arith.constant 32 : i32
        %parallel_loop3A_1269 = arith.muli %parallel_loop3A_1268, %parallel_loop3A_1211 : i32
        %parallel_loop3A_1270 = arith.constant 16 : i32
        %parallel_loop3A_1271 = arith.addi %parallel_loop3A_1269, %parallel_loop3A_1270 : i32
        %parallel_loop3A_1272 = arith.index_cast %parallel_loop3A_1271 : i32 to index
        %parallel_loop3A_1273 = tpu.vector_load %arg17[%parallel_loop3A_1272] {strides = array<i32>} : memref<16384xf32, #tpu.memory_space<vmem>>, vector<16xf32>,
        %parallel_loop3A_1274 = vector.shape_cast %parallel_loop3A_1273 : vector<16xf32> to vector<16xf32>
        %parallel_loop3A_1275 = vector.shape_cast %parallel_loop3A_1267 : vector<16xf32> to vector<16xf32>
        tpu.vector_store %arg17[%parallel_loop3A_1272], %parallel_loop3A_1275 {strides = array<i32>} : memref<16384xf32, #tpu.memory_space<vmem>>, vector<16xf32>,
        %parallel_loop3A_1276 = arith.constant 16 : i32
        %parallel_loop3A_1277 = arith.muli %parallel_loop3A_585, %parallel_loop3A_1276 : i32
        %parallel_loop3A_1278 = arith.constant 10 : i32
        %parallel_loop3A_1279 = arith.addi %parallel_loop3A_1277, %parallel_loop3A_1278 : i32
        %parallel_loop3A_1280 = vector.extract_strided_slice %parallel_loop3A_590 {offsets = [10], sizes = [1], strides = [1]} : vector<16xi32> to vector<1xi32>
        %parallel_loop3A_1281 = vector.extract %parallel_loop3A_1280[0] : i32 from vector<1xi32>
        %parallel_loop3A_1282 = vector.broadcast %parallel_loop3A_1281 : i32 to vector<16xi32>
        %parallel_loop3A_1283 = arith.constant 0 : i32
        %parallel_loop3A_1284 = arith.addi %parallel_loop3A_1283, %parallel_loop3A_1279 : i32
        %parallel_loop3A_1285 = arith.index_cast %parallel_loop3A_1284 : i32 to index
        %parallel_loop3A_1286 = arith.constant 0 : index
        %parallel_loop3A_1287 = tpu.vector_load %arg11[%parallel_loop3A_1285, %parallel_loop3A_1286] {strides = array<i32>} : memref<2048x16xf32, #tpu.memory_space<vmem>>, vector<1x16xf32>,
        %parallel_loop3A_1288 = vector.shape_cast %parallel_loop3A_1287 : vector<1x16xf32> to vector<16xf32>
        %parallel_loop3A_1289 = arith.constant 512 : i32
        %parallel_loop3A_1290 = arith.addi %parallel_loop3A_1289, %parallel_loop3A_1279 : i32
        %parallel_loop3A_1291 = arith.index_cast %parallel_loop3A_1290 : i32 to index
        %parallel_loop3A_1292 = arith.constant 0 : index
        %parallel_loop3A_1293 = tpu.vector_load %arg11[%parallel_loop3A_1291, %parallel_loop3A_1292] {strides = array<i32>} : memref<2048x16xf32, #tpu.memory_space<vmem>>, vector<1x16xf32>,
        %parallel_loop3A_1294 = vector.shape_cast %parallel_loop3A_1293 : vector<1x16xf32> to vector<16xf32>
        %parallel_loop3A_1295 = arith.cmpi sge, %iota3A, %parallel_loop3A_1282 : vector<16xi32>
        %parallel_loop3A_1296 = arith.select %parallel_loop3A_1295, %parallel_loop3A_1288, %parallel_loop3A_1294 : vector<16xi1>, vector<16xf32>
        %parallel_loop3A_1297 = arith.addi %parallel_loop3A_1282, %iota3A : vector<16xi32>
        %parallel_loop3A_1298 = arith.constant 15 : i32
        %parallel_loop3A_1299 = vector.broadcast %parallel_loop3A_1298 : i32 to vector<16xi32>
        %parallel_loop3A_1300 = arith.andi %parallel_loop3A_1297, %parallel_loop3A_1299 : vector<16xi32>
        %parallel_loop3A_1301 = vector.shape_cast %parallel_loop3A_1300 : vector<16xi32> to vector<16x1xi32>
        %parallel_loop3A_1302 = vector.shape_cast %parallel_loop3A_1301 : vector<16x1xi32> to vector<16xi32>
        %parallel_loop3A_1303 = tpu.dynamic_gather %parallel_loop3A_1296[%parallel_loop3A_1302] in [0] : vector<16xf32>, vector<16xi32> -> vector<16xf32>
        %parallel_loop3A_1304 = arith.constant 32 : i32
        %parallel_loop3A_1305 = arith.muli %parallel_loop3A_1304, %parallel_loop3A_1279 : i32
        %parallel_loop3A_1306 = arith.constant 0 : i32
        %parallel_loop3A_1307 = arith.addi %parallel_loop3A_1305, %parallel_loop3A_1306 : i32
        %parallel_loop3A_1308 = arith.index_cast %parallel_loop3A_1307 : i32 to index
        %parallel_loop3A_1309 = tpu.vector_load %arg17[%parallel_loop3A_1308] {strides = array<i32>} : memref<16384xf32, #tpu.memory_space<vmem>>, vector<16xf32>,
        %parallel_loop3A_1310 = vector.shape_cast %parallel_loop3A_1309 : vector<16xf32> to vector<16xf32>
        %parallel_loop3A_1311 = vector.shape_cast %parallel_loop3A_1303 : vector<16xf32> to vector<16xf32>
        tpu.vector_store %arg17[%parallel_loop3A_1308], %parallel_loop3A_1311 {strides = array<i32>} : memref<16384xf32, #tpu.memory_space<vmem>>, vector<16xf32>,
        %parallel_loop3A_1312 = vector.extract_strided_slice %parallel_loop3A_595 {offsets = [10], sizes = [1], strides = [1]} : vector<16xi32> to vector<1xi32>
        %parallel_loop3A_1313 = vector.extract %parallel_loop3A_1312[0] : i32 from vector<1xi32>
        %parallel_loop3A_1314 = vector.broadcast %parallel_loop3A_1313 : i32 to vector<16xi32>
        %parallel_loop3A_1315 = arith.constant 1024 : i32
        %parallel_loop3A_1316 = arith.addi %parallel_loop3A_1315, %parallel_loop3A_1279 : i32
        %parallel_loop3A_1317 = arith.index_cast %parallel_loop3A_1316 : i32 to index
        %parallel_loop3A_1318 = arith.constant 0 : index
        %parallel_loop3A_1319 = tpu.vector_load %arg11[%parallel_loop3A_1317, %parallel_loop3A_1318] {strides = array<i32>} : memref<2048x16xf32, #tpu.memory_space<vmem>>, vector<1x16xf32>,
        %parallel_loop3A_1320 = vector.shape_cast %parallel_loop3A_1319 : vector<1x16xf32> to vector<16xf32>
        %parallel_loop3A_1321 = arith.constant 1536 : i32
        %parallel_loop3A_1322 = arith.addi %parallel_loop3A_1321, %parallel_loop3A_1279 : i32
        %parallel_loop3A_1323 = arith.index_cast %parallel_loop3A_1322 : i32 to index
        %parallel_loop3A_1324 = arith.constant 0 : index
        %parallel_loop3A_1325 = tpu.vector_load %arg11[%parallel_loop3A_1323, %parallel_loop3A_1324] {strides = array<i32>} : memref<2048x16xf32, #tpu.memory_space<vmem>>, vector<1x16xf32>,
        %parallel_loop3A_1326 = vector.shape_cast %parallel_loop3A_1325 : vector<1x16xf32> to vector<16xf32>
        %parallel_loop3A_1327 = arith.cmpi sge, %iota3A, %parallel_loop3A_1314 : vector<16xi32>
        %parallel_loop3A_1328 = arith.select %parallel_loop3A_1327, %parallel_loop3A_1320, %parallel_loop3A_1326 : vector<16xi1>, vector<16xf32>
        %parallel_loop3A_1329 = arith.addi %parallel_loop3A_1314, %iota3A : vector<16xi32>
        %parallel_loop3A_1330 = arith.constant 15 : i32
        %parallel_loop3A_1331 = vector.broadcast %parallel_loop3A_1330 : i32 to vector<16xi32>
        %parallel_loop3A_1332 = arith.andi %parallel_loop3A_1329, %parallel_loop3A_1331 : vector<16xi32>
        %parallel_loop3A_1333 = vector.shape_cast %parallel_loop3A_1332 : vector<16xi32> to vector<16x1xi32>
        %parallel_loop3A_1334 = vector.shape_cast %parallel_loop3A_1333 : vector<16x1xi32> to vector<16xi32>
        %parallel_loop3A_1335 = tpu.dynamic_gather %parallel_loop3A_1328[%parallel_loop3A_1334] in [0] : vector<16xf32>, vector<16xi32> -> vector<16xf32>
        %parallel_loop3A_1336 = arith.constant 32 : i32
        %parallel_loop3A_1337 = arith.muli %parallel_loop3A_1336, %parallel_loop3A_1279 : i32
        %parallel_loop3A_1338 = arith.constant 16 : i32
        %parallel_loop3A_1339 = arith.addi %parallel_loop3A_1337, %parallel_loop3A_1338 : i32
        %parallel_loop3A_1340 = arith.index_cast %parallel_loop3A_1339 : i32 to index
        %parallel_loop3A_1341 = tpu.vector_load %arg17[%parallel_loop3A_1340] {strides = array<i32>} : memref<16384xf32, #tpu.memory_space<vmem>>, vector<16xf32>,
        %parallel_loop3A_1342 = vector.shape_cast %parallel_loop3A_1341 : vector<16xf32> to vector<16xf32>
        %parallel_loop3A_1343 = vector.shape_cast %parallel_loop3A_1335 : vector<16xf32> to vector<16xf32>
        tpu.vector_store %arg17[%parallel_loop3A_1340], %parallel_loop3A_1343 {strides = array<i32>} : memref<16384xf32, #tpu.memory_space<vmem>>, vector<16xf32>,
        %parallel_loop3A_1344 = arith.constant 16 : i32
        %parallel_loop3A_1345 = arith.muli %parallel_loop3A_585, %parallel_loop3A_1344 : i32
        %parallel_loop3A_1346 = arith.constant 11 : i32
        %parallel_loop3A_1347 = arith.addi %parallel_loop3A_1345, %parallel_loop3A_1346 : i32
        %parallel_loop3A_1348 = vector.extract_strided_slice %parallel_loop3A_590 {offsets = [11], sizes = [1], strides = [1]} : vector<16xi32> to vector<1xi32>
        %parallel_loop3A_1349 = vector.extract %parallel_loop3A_1348[0] : i32 from vector<1xi32>
        %parallel_loop3A_1350 = vector.broadcast %parallel_loop3A_1349 : i32 to vector<16xi32>
        %parallel_loop3A_1351 = arith.constant 0 : i32
        %parallel_loop3A_1352 = arith.addi %parallel_loop3A_1351, %parallel_loop3A_1347 : i32
        %parallel_loop3A_1353 = arith.index_cast %parallel_loop3A_1352 : i32 to index
        %parallel_loop3A_1354 = arith.constant 0 : index
        %parallel_loop3A_1355 = tpu.vector_load %arg11[%parallel_loop3A_1353, %parallel_loop3A_1354] {strides = array<i32>} : memref<2048x16xf32, #tpu.memory_space<vmem>>, vector<1x16xf32>,
        %parallel_loop3A_1356 = vector.shape_cast %parallel_loop3A_1355 : vector<1x16xf32> to vector<16xf32>
        %parallel_loop3A_1357 = arith.constant 512 : i32
        %parallel_loop3A_1358 = arith.addi %parallel_loop3A_1357, %parallel_loop3A_1347 : i32
        %parallel_loop3A_1359 = arith.index_cast %parallel_loop3A_1358 : i32 to index
        %parallel_loop3A_1360 = arith.constant 0 : index
        %parallel_loop3A_1361 = tpu.vector_load %arg11[%parallel_loop3A_1359, %parallel_loop3A_1360] {strides = array<i32>} : memref<2048x16xf32, #tpu.memory_space<vmem>>, vector<1x16xf32>,
        %parallel_loop3A_1362 = vector.shape_cast %parallel_loop3A_1361 : vector<1x16xf32> to vector<16xf32>
        %parallel_loop3A_1363 = arith.cmpi sge, %iota3A, %parallel_loop3A_1350 : vector<16xi32>
        %parallel_loop3A_1364 = arith.select %parallel_loop3A_1363, %parallel_loop3A_1356, %parallel_loop3A_1362 : vector<16xi1>, vector<16xf32>
        %parallel_loop3A_1365 = arith.addi %parallel_loop3A_1350, %iota3A : vector<16xi32>
        %parallel_loop3A_1366 = arith.constant 15 : i32
        %parallel_loop3A_1367 = vector.broadcast %parallel_loop3A_1366 : i32 to vector<16xi32>
        %parallel_loop3A_1368 = arith.andi %parallel_loop3A_1365, %parallel_loop3A_1367 : vector<16xi32>
        %parallel_loop3A_1369 = vector.shape_cast %parallel_loop3A_1368 : vector<16xi32> to vector<16x1xi32>
        %parallel_loop3A_1370 = vector.shape_cast %parallel_loop3A_1369 : vector<16x1xi32> to vector<16xi32>
        %parallel_loop3A_1371 = tpu.dynamic_gather %parallel_loop3A_1364[%parallel_loop3A_1370] in [0] : vector<16xf32>, vector<16xi32> -> vector<16xf32>
        %parallel_loop3A_1372 = arith.constant 32 : i32
        %parallel_loop3A_1373 = arith.muli %parallel_loop3A_1372, %parallel_loop3A_1347 : i32
        %parallel_loop3A_1374 = arith.constant 0 : i32
        %parallel_loop3A_1375 = arith.addi %parallel_loop3A_1373, %parallel_loop3A_1374 : i32
        %parallel_loop3A_1376 = arith.index_cast %parallel_loop3A_1375 : i32 to index
        %parallel_loop3A_1377 = tpu.vector_load %arg17[%parallel_loop3A_1376] {strides = array<i32>} : memref<16384xf32, #tpu.memory_space<vmem>>, vector<16xf32>,
        %parallel_loop3A_1378 = vector.shape_cast %parallel_loop3A_1377 : vector<16xf32> to vector<16xf32>
        %parallel_loop3A_1379 = vector.shape_cast %parallel_loop3A_1371 : vector<16xf32> to vector<16xf32>
        tpu.vector_store %arg17[%parallel_loop3A_1376], %parallel_loop3A_1379 {strides = array<i32>} : memref<16384xf32, #tpu.memory_space<vmem>>, vector<16xf32>,
        %parallel_loop3A_1380 = vector.extract_strided_slice %parallel_loop3A_595 {offsets = [11], sizes = [1], strides = [1]} : vector<16xi32> to vector<1xi32>
        %parallel_loop3A_1381 = vector.extract %parallel_loop3A_1380[0] : i32 from vector<1xi32>
        %parallel_loop3A_1382 = vector.broadcast %parallel_loop3A_1381 : i32 to vector<16xi32>
        %parallel_loop3A_1383 = arith.constant 1024 : i32
        %parallel_loop3A_1384 = arith.addi %parallel_loop3A_1383, %parallel_loop3A_1347 : i32
        %parallel_loop3A_1385 = arith.index_cast %parallel_loop3A_1384 : i32 to index
        %parallel_loop3A_1386 = arith.constant 0 : index
        %parallel_loop3A_1387 = tpu.vector_load %arg11[%parallel_loop3A_1385, %parallel_loop3A_1386] {strides = array<i32>} : memref<2048x16xf32, #tpu.memory_space<vmem>>, vector<1x16xf32>,
        %parallel_loop3A_1388 = vector.shape_cast %parallel_loop3A_1387 : vector<1x16xf32> to vector<16xf32>
        %parallel_loop3A_1389 = arith.constant 1536 : i32
        %parallel_loop3A_1390 = arith.addi %parallel_loop3A_1389, %parallel_loop3A_1347 : i32
        %parallel_loop3A_1391 = arith.index_cast %parallel_loop3A_1390 : i32 to index
        %parallel_loop3A_1392 = arith.constant 0 : index
        %parallel_loop3A_1393 = tpu.vector_load %arg11[%parallel_loop3A_1391, %parallel_loop3A_1392] {strides = array<i32>} : memref<2048x16xf32, #tpu.memory_space<vmem>>, vector<1x16xf32>,
        %parallel_loop3A_1394 = vector.shape_cast %parallel_loop3A_1393 : vector<1x16xf32> to vector<16xf32>
        %parallel_loop3A_1395 = arith.cmpi sge, %iota3A, %parallel_loop3A_1382 : vector<16xi32>
        %parallel_loop3A_1396 = arith.select %parallel_loop3A_1395, %parallel_loop3A_1388, %parallel_loop3A_1394 : vector<16xi1>, vector<16xf32>
        %parallel_loop3A_1397 = arith.addi %parallel_loop3A_1382, %iota3A : vector<16xi32>
        %parallel_loop3A_1398 = arith.constant 15 : i32
        %parallel_loop3A_1399 = vector.broadcast %parallel_loop3A_1398 : i32 to vector<16xi32>
        %parallel_loop3A_1400 = arith.andi %parallel_loop3A_1397, %parallel_loop3A_1399 : vector<16xi32>
        %parallel_loop3A_1401 = vector.shape_cast %parallel_loop3A_1400 : vector<16xi32> to vector<16x1xi32>
        %parallel_loop3A_1402 = vector.shape_cast %parallel_loop3A_1401 : vector<16x1xi32> to vector<16xi32>
        %parallel_loop3A_1403 = tpu.dynamic_gather %parallel_loop3A_1396[%parallel_loop3A_1402] in [0] : vector<16xf32>, vector<16xi32> -> vector<16xf32>
        %parallel_loop3A_1404 = arith.constant 32 : i32
        %parallel_loop3A_1405 = arith.muli %parallel_loop3A_1404, %parallel_loop3A_1347 : i32
        %parallel_loop3A_1406 = arith.constant 16 : i32
        %parallel_loop3A_1407 = arith.addi %parallel_loop3A_1405, %parallel_loop3A_1406 : i32
        %parallel_loop3A_1408 = arith.index_cast %parallel_loop3A_1407 : i32 to index
        %parallel_loop3A_1409 = tpu.vector_load %arg17[%parallel_loop3A_1408] {strides = array<i32>} : memref<16384xf32, #tpu.memory_space<vmem>>, vector<16xf32>,
        %parallel_loop3A_1410 = vector.shape_cast %parallel_loop3A_1409 : vector<16xf32> to vector<16xf32>
        %parallel_loop3A_1411 = vector.shape_cast %parallel_loop3A_1403 : vector<16xf32> to vector<16xf32>
        tpu.vector_store %arg17[%parallel_loop3A_1408], %parallel_loop3A_1411 {strides = array<i32>} : memref<16384xf32, #tpu.memory_space<vmem>>, vector<16xf32>,
        %parallel_loop3A_1412 = arith.constant 16 : i32
        %parallel_loop3A_1413 = arith.muli %parallel_loop3A_585, %parallel_loop3A_1412 : i32
        %parallel_loop3A_1414 = arith.constant 12 : i32
        %parallel_loop3A_1415 = arith.addi %parallel_loop3A_1413, %parallel_loop3A_1414 : i32
        %parallel_loop3A_1416 = vector.extract_strided_slice %parallel_loop3A_590 {offsets = [12], sizes = [1], strides = [1]} : vector<16xi32> to vector<1xi32>
        %parallel_loop3A_1417 = vector.extract %parallel_loop3A_1416[0] : i32 from vector<1xi32>
        %parallel_loop3A_1418 = vector.broadcast %parallel_loop3A_1417 : i32 to vector<16xi32>
        %parallel_loop3A_1419 = arith.constant 0 : i32
        %parallel_loop3A_1420 = arith.addi %parallel_loop3A_1419, %parallel_loop3A_1415 : i32
        %parallel_loop3A_1421 = arith.index_cast %parallel_loop3A_1420 : i32 to index
        %parallel_loop3A_1422 = arith.constant 0 : index
        %parallel_loop3A_1423 = tpu.vector_load %arg11[%parallel_loop3A_1421, %parallel_loop3A_1422] {strides = array<i32>} : memref<2048x16xf32, #tpu.memory_space<vmem>>, vector<1x16xf32>,
        %parallel_loop3A_1424 = vector.shape_cast %parallel_loop3A_1423 : vector<1x16xf32> to vector<16xf32>
        %parallel_loop3A_1425 = arith.constant 512 : i32
        %parallel_loop3A_1426 = arith.addi %parallel_loop3A_1425, %parallel_loop3A_1415 : i32
        %parallel_loop3A_1427 = arith.index_cast %parallel_loop3A_1426 : i32 to index
        %parallel_loop3A_1428 = arith.constant 0 : index
        %parallel_loop3A_1429 = tpu.vector_load %arg11[%parallel_loop3A_1427, %parallel_loop3A_1428] {strides = array<i32>} : memref<2048x16xf32, #tpu.memory_space<vmem>>, vector<1x16xf32>,
        %parallel_loop3A_1430 = vector.shape_cast %parallel_loop3A_1429 : vector<1x16xf32> to vector<16xf32>
        %parallel_loop3A_1431 = arith.cmpi sge, %iota3A, %parallel_loop3A_1418 : vector<16xi32>
        %parallel_loop3A_1432 = arith.select %parallel_loop3A_1431, %parallel_loop3A_1424, %parallel_loop3A_1430 : vector<16xi1>, vector<16xf32>
        %parallel_loop3A_1433 = arith.addi %parallel_loop3A_1418, %iota3A : vector<16xi32>
        %parallel_loop3A_1434 = arith.constant 15 : i32
        %parallel_loop3A_1435 = vector.broadcast %parallel_loop3A_1434 : i32 to vector<16xi32>
        %parallel_loop3A_1436 = arith.andi %parallel_loop3A_1433, %parallel_loop3A_1435 : vector<16xi32>
        %parallel_loop3A_1437 = vector.shape_cast %parallel_loop3A_1436 : vector<16xi32> to vector<16x1xi32>
        %parallel_loop3A_1438 = vector.shape_cast %parallel_loop3A_1437 : vector<16x1xi32> to vector<16xi32>
        %parallel_loop3A_1439 = tpu.dynamic_gather %parallel_loop3A_1432[%parallel_loop3A_1438] in [0] : vector<16xf32>, vector<16xi32> -> vector<16xf32>
        %parallel_loop3A_1440 = arith.constant 32 : i32
        %parallel_loop3A_1441 = arith.muli %parallel_loop3A_1440, %parallel_loop3A_1415 : i32
        %parallel_loop3A_1442 = arith.constant 0 : i32
        %parallel_loop3A_1443 = arith.addi %parallel_loop3A_1441, %parallel_loop3A_1442 : i32
        %parallel_loop3A_1444 = arith.index_cast %parallel_loop3A_1443 : i32 to index
        %parallel_loop3A_1445 = tpu.vector_load %arg17[%parallel_loop3A_1444] {strides = array<i32>} : memref<16384xf32, #tpu.memory_space<vmem>>, vector<16xf32>,
        %parallel_loop3A_1446 = vector.shape_cast %parallel_loop3A_1445 : vector<16xf32> to vector<16xf32>
        %parallel_loop3A_1447 = vector.shape_cast %parallel_loop3A_1439 : vector<16xf32> to vector<16xf32>
        tpu.vector_store %arg17[%parallel_loop3A_1444], %parallel_loop3A_1447 {strides = array<i32>} : memref<16384xf32, #tpu.memory_space<vmem>>, vector<16xf32>,
        %parallel_loop3A_1448 = vector.extract_strided_slice %parallel_loop3A_595 {offsets = [12], sizes = [1], strides = [1]} : vector<16xi32> to vector<1xi32>
        %parallel_loop3A_1449 = vector.extract %parallel_loop3A_1448[0] : i32 from vector<1xi32>
        %parallel_loop3A_1450 = vector.broadcast %parallel_loop3A_1449 : i32 to vector<16xi32>
        %parallel_loop3A_1451 = arith.constant 1024 : i32
        %parallel_loop3A_1452 = arith.addi %parallel_loop3A_1451, %parallel_loop3A_1415 : i32
        %parallel_loop3A_1453 = arith.index_cast %parallel_loop3A_1452 : i32 to index
        %parallel_loop3A_1454 = arith.constant 0 : index
        %parallel_loop3A_1455 = tpu.vector_load %arg11[%parallel_loop3A_1453, %parallel_loop3A_1454] {strides = array<i32>} : memref<2048x16xf32, #tpu.memory_space<vmem>>, vector<1x16xf32>,
        %parallel_loop3A_1456 = vector.shape_cast %parallel_loop3A_1455 : vector<1x16xf32> to vector<16xf32>
        %parallel_loop3A_1457 = arith.constant 1536 : i32
        %parallel_loop3A_1458 = arith.addi %parallel_loop3A_1457, %parallel_loop3A_1415 : i32
        %parallel_loop3A_1459 = arith.index_cast %parallel_loop3A_1458 : i32 to index
        %parallel_loop3A_1460 = arith.constant 0 : index
        %parallel_loop3A_1461 = tpu.vector_load %arg11[%parallel_loop3A_1459, %parallel_loop3A_1460] {strides = array<i32>} : memref<2048x16xf32, #tpu.memory_space<vmem>>, vector<1x16xf32>,
        %parallel_loop3A_1462 = vector.shape_cast %parallel_loop3A_1461 : vector<1x16xf32> to vector<16xf32>
        %parallel_loop3A_1463 = arith.cmpi sge, %iota3A, %parallel_loop3A_1450 : vector<16xi32>
        %parallel_loop3A_1464 = arith.select %parallel_loop3A_1463, %parallel_loop3A_1456, %parallel_loop3A_1462 : vector<16xi1>, vector<16xf32>
        %parallel_loop3A_1465 = arith.addi %parallel_loop3A_1450, %iota3A : vector<16xi32>
        %parallel_loop3A_1466 = arith.constant 15 : i32
        %parallel_loop3A_1467 = vector.broadcast %parallel_loop3A_1466 : i32 to vector<16xi32>
        %parallel_loop3A_1468 = arith.andi %parallel_loop3A_1465, %parallel_loop3A_1467 : vector<16xi32>
        %parallel_loop3A_1469 = vector.shape_cast %parallel_loop3A_1468 : vector<16xi32> to vector<16x1xi32>
        %parallel_loop3A_1470 = vector.shape_cast %parallel_loop3A_1469 : vector<16x1xi32> to vector<16xi32>
        %parallel_loop3A_1471 = tpu.dynamic_gather %parallel_loop3A_1464[%parallel_loop3A_1470] in [0] : vector<16xf32>, vector<16xi32> -> vector<16xf32>
        %parallel_loop3A_1472 = arith.constant 32 : i32
        %parallel_loop3A_1473 = arith.muli %parallel_loop3A_1472, %parallel_loop3A_1415 : i32
        %parallel_loop3A_1474 = arith.constant 16 : i32
        %parallel_loop3A_1475 = arith.addi %parallel_loop3A_1473, %parallel_loop3A_1474 : i32
        %parallel_loop3A_1476 = arith.index_cast %parallel_loop3A_1475 : i32 to index
        %parallel_loop3A_1477 = tpu.vector_load %arg17[%parallel_loop3A_1476] {strides = array<i32>} : memref<16384xf32, #tpu.memory_space<vmem>>, vector<16xf32>,
        %parallel_loop3A_1478 = vector.shape_cast %parallel_loop3A_1477 : vector<16xf32> to vector<16xf32>
        %parallel_loop3A_1479 = vector.shape_cast %parallel_loop3A_1471 : vector<16xf32> to vector<16xf32>
        tpu.vector_store %arg17[%parallel_loop3A_1476], %parallel_loop3A_1479 {strides = array<i32>} : memref<16384xf32, #tpu.memory_space<vmem>>, vector<16xf32>,
        %parallel_loop3A_1480 = arith.constant 16 : i32
        %parallel_loop3A_1481 = arith.muli %parallel_loop3A_585, %parallel_loop3A_1480 : i32
        %parallel_loop3A_1482 = arith.constant 13 : i32
        %parallel_loop3A_1483 = arith.addi %parallel_loop3A_1481, %parallel_loop3A_1482 : i32
        %parallel_loop3A_1484 = vector.extract_strided_slice %parallel_loop3A_590 {offsets = [13], sizes = [1], strides = [1]} : vector<16xi32> to vector<1xi32>
        %parallel_loop3A_1485 = vector.extract %parallel_loop3A_1484[0] : i32 from vector<1xi32>
        %parallel_loop3A_1486 = vector.broadcast %parallel_loop3A_1485 : i32 to vector<16xi32>
        %parallel_loop3A_1487 = arith.constant 0 : i32
        %parallel_loop3A_1488 = arith.addi %parallel_loop3A_1487, %parallel_loop3A_1483 : i32
        %parallel_loop3A_1489 = arith.index_cast %parallel_loop3A_1488 : i32 to index
        %parallel_loop3A_1490 = arith.constant 0 : index
        %parallel_loop3A_1491 = tpu.vector_load %arg11[%parallel_loop3A_1489, %parallel_loop3A_1490] {strides = array<i32>} : memref<2048x16xf32, #tpu.memory_space<vmem>>, vector<1x16xf32>,
        %parallel_loop3A_1492 = vector.shape_cast %parallel_loop3A_1491 : vector<1x16xf32> to vector<16xf32>
        %parallel_loop3A_1493 = arith.constant 512 : i32
        %parallel_loop3A_1494 = arith.addi %parallel_loop3A_1493, %parallel_loop3A_1483 : i32
        %parallel_loop3A_1495 = arith.index_cast %parallel_loop3A_1494 : i32 to index
        %parallel_loop3A_1496 = arith.constant 0 : index
        %parallel_loop3A_1497 = tpu.vector_load %arg11[%parallel_loop3A_1495, %parallel_loop3A_1496] {strides = array<i32>} : memref<2048x16xf32, #tpu.memory_space<vmem>>, vector<1x16xf32>,
        %parallel_loop3A_1498 = vector.shape_cast %parallel_loop3A_1497 : vector<1x16xf32> to vector<16xf32>
        %parallel_loop3A_1499 = arith.cmpi sge, %iota3A, %parallel_loop3A_1486 : vector<16xi32>
        %parallel_loop3A_1500 = arith.select %parallel_loop3A_1499, %parallel_loop3A_1492, %parallel_loop3A_1498 : vector<16xi1>, vector<16xf32>
        %parallel_loop3A_1501 = arith.addi %parallel_loop3A_1486, %iota3A : vector<16xi32>
        %parallel_loop3A_1502 = arith.constant 15 : i32
        %parallel_loop3A_1503 = vector.broadcast %parallel_loop3A_1502 : i32 to vector<16xi32>
        %parallel_loop3A_1504 = arith.andi %parallel_loop3A_1501, %parallel_loop3A_1503 : vector<16xi32>
        %parallel_loop3A_1505 = vector.shape_cast %parallel_loop3A_1504 : vector<16xi32> to vector<16x1xi32>
        %parallel_loop3A_1506 = vector.shape_cast %parallel_loop3A_1505 : vector<16x1xi32> to vector<16xi32>
        %parallel_loop3A_1507 = tpu.dynamic_gather %parallel_loop3A_1500[%parallel_loop3A_1506] in [0] : vector<16xf32>, vector<16xi32> -> vector<16xf32>
        %parallel_loop3A_1508 = arith.constant 32 : i32
        %parallel_loop3A_1509 = arith.muli %parallel_loop3A_1508, %parallel_loop3A_1483 : i32
        %parallel_loop3A_1510 = arith.constant 0 : i32
        %parallel_loop3A_1511 = arith.addi %parallel_loop3A_1509, %parallel_loop3A_1510 : i32
        %parallel_loop3A_1512 = arith.index_cast %parallel_loop3A_1511 : i32 to index
        %parallel_loop3A_1513 = tpu.vector_load %arg17[%parallel_loop3A_1512] {strides = array<i32>} : memref<16384xf32, #tpu.memory_space<vmem>>, vector<16xf32>,
        %parallel_loop3A_1514 = vector.shape_cast %parallel_loop3A_1513 : vector<16xf32> to vector<16xf32>
        %parallel_loop3A_1515 = vector.shape_cast %parallel_loop3A_1507 : vector<16xf32> to vector<16xf32>
        tpu.vector_store %arg17[%parallel_loop3A_1512], %parallel_loop3A_1515 {strides = array<i32>} : memref<16384xf32, #tpu.memory_space<vmem>>, vector<16xf32>,
        %parallel_loop3A_1516 = vector.extract_strided_slice %parallel_loop3A_595 {offsets = [13], sizes = [1], strides = [1]} : vector<16xi32> to vector<1xi32>
        %parallel_loop3A_1517 = vector.extract %parallel_loop3A_1516[0] : i32 from vector<1xi32>
        %parallel_loop3A_1518 = vector.broadcast %parallel_loop3A_1517 : i32 to vector<16xi32>
        %parallel_loop3A_1519 = arith.constant 1024 : i32
        %parallel_loop3A_1520 = arith.addi %parallel_loop3A_1519, %parallel_loop3A_1483 : i32
        %parallel_loop3A_1521 = arith.index_cast %parallel_loop3A_1520 : i32 to index
        %parallel_loop3A_1522 = arith.constant 0 : index
        %parallel_loop3A_1523 = tpu.vector_load %arg11[%parallel_loop3A_1521, %parallel_loop3A_1522] {strides = array<i32>} : memref<2048x16xf32, #tpu.memory_space<vmem>>, vector<1x16xf32>,
        %parallel_loop3A_1524 = vector.shape_cast %parallel_loop3A_1523 : vector<1x16xf32> to vector<16xf32>
        %parallel_loop3A_1525 = arith.constant 1536 : i32
        %parallel_loop3A_1526 = arith.addi %parallel_loop3A_1525, %parallel_loop3A_1483 : i32
        %parallel_loop3A_1527 = arith.index_cast %parallel_loop3A_1526 : i32 to index
        %parallel_loop3A_1528 = arith.constant 0 : index
        %parallel_loop3A_1529 = tpu.vector_load %arg11[%parallel_loop3A_1527, %parallel_loop3A_1528] {strides = array<i32>} : memref<2048x16xf32, #tpu.memory_space<vmem>>, vector<1x16xf32>,
        %parallel_loop3A_1530 = vector.shape_cast %parallel_loop3A_1529 : vector<1x16xf32> to vector<16xf32>
        %parallel_loop3A_1531 = arith.cmpi sge, %iota3A, %parallel_loop3A_1518 : vector<16xi32>
        %parallel_loop3A_1532 = arith.select %parallel_loop3A_1531, %parallel_loop3A_1524, %parallel_loop3A_1530 : vector<16xi1>, vector<16xf32>
        %parallel_loop3A_1533 = arith.addi %parallel_loop3A_1518, %iota3A : vector<16xi32>
        %parallel_loop3A_1534 = arith.constant 15 : i32
        %parallel_loop3A_1535 = vector.broadcast %parallel_loop3A_1534 : i32 to vector<16xi32>
        %parallel_loop3A_1536 = arith.andi %parallel_loop3A_1533, %parallel_loop3A_1535 : vector<16xi32>
        %parallel_loop3A_1537 = vector.shape_cast %parallel_loop3A_1536 : vector<16xi32> to vector<16x1xi32>
        %parallel_loop3A_1538 = vector.shape_cast %parallel_loop3A_1537 : vector<16x1xi32> to vector<16xi32>
        %parallel_loop3A_1539 = tpu.dynamic_gather %parallel_loop3A_1532[%parallel_loop3A_1538] in [0] : vector<16xf32>, vector<16xi32> -> vector<16xf32>
        %parallel_loop3A_1540 = arith.constant 32 : i32
        %parallel_loop3A_1541 = arith.muli %parallel_loop3A_1540, %parallel_loop3A_1483 : i32
        %parallel_loop3A_1542 = arith.constant 16 : i32
        %parallel_loop3A_1543 = arith.addi %parallel_loop3A_1541, %parallel_loop3A_1542 : i32
        %parallel_loop3A_1544 = arith.index_cast %parallel_loop3A_1543 : i32 to index
        %parallel_loop3A_1545 = tpu.vector_load %arg17[%parallel_loop3A_1544] {strides = array<i32>} : memref<16384xf32, #tpu.memory_space<vmem>>, vector<16xf32>,
        %parallel_loop3A_1546 = vector.shape_cast %parallel_loop3A_1545 : vector<16xf32> to vector<16xf32>
        %parallel_loop3A_1547 = vector.shape_cast %parallel_loop3A_1539 : vector<16xf32> to vector<16xf32>
        tpu.vector_store %arg17[%parallel_loop3A_1544], %parallel_loop3A_1547 {strides = array<i32>} : memref<16384xf32, #tpu.memory_space<vmem>>, vector<16xf32>,
        %parallel_loop3A_1548 = arith.constant 16 : i32
        %parallel_loop3A_1549 = arith.muli %parallel_loop3A_585, %parallel_loop3A_1548 : i32
        %parallel_loop3A_1550 = arith.constant 14 : i32
        %parallel_loop3A_1551 = arith.addi %parallel_loop3A_1549, %parallel_loop3A_1550 : i32
        %parallel_loop3A_1552 = vector.extract_strided_slice %parallel_loop3A_590 {offsets = [14], sizes = [1], strides = [1]} : vector<16xi32> to vector<1xi32>
        %parallel_loop3A_1553 = vector.extract %parallel_loop3A_1552[0] : i32 from vector<1xi32>
        %parallel_loop3A_1554 = vector.broadcast %parallel_loop3A_1553 : i32 to vector<16xi32>
        %parallel_loop3A_1555 = arith.constant 0 : i32
        %parallel_loop3A_1556 = arith.addi %parallel_loop3A_1555, %parallel_loop3A_1551 : i32
        %parallel_loop3A_1557 = arith.index_cast %parallel_loop3A_1556 : i32 to index
        %parallel_loop3A_1558 = arith.constant 0 : index
        %parallel_loop3A_1559 = tpu.vector_load %arg11[%parallel_loop3A_1557, %parallel_loop3A_1558] {strides = array<i32>} : memref<2048x16xf32, #tpu.memory_space<vmem>>, vector<1x16xf32>,
        %parallel_loop3A_1560 = vector.shape_cast %parallel_loop3A_1559 : vector<1x16xf32> to vector<16xf32>
        %parallel_loop3A_1561 = arith.constant 512 : i32
        %parallel_loop3A_1562 = arith.addi %parallel_loop3A_1561, %parallel_loop3A_1551 : i32
        %parallel_loop3A_1563 = arith.index_cast %parallel_loop3A_1562 : i32 to index
        %parallel_loop3A_1564 = arith.constant 0 : index
        %parallel_loop3A_1565 = tpu.vector_load %arg11[%parallel_loop3A_1563, %parallel_loop3A_1564] {strides = array<i32>} : memref<2048x16xf32, #tpu.memory_space<vmem>>, vector<1x16xf32>,
        %parallel_loop3A_1566 = vector.shape_cast %parallel_loop3A_1565 : vector<1x16xf32> to vector<16xf32>
        %parallel_loop3A_1567 = arith.cmpi sge, %iota3A, %parallel_loop3A_1554 : vector<16xi32>
        %parallel_loop3A_1568 = arith.select %parallel_loop3A_1567, %parallel_loop3A_1560, %parallel_loop3A_1566 : vector<16xi1>, vector<16xf32>
        %parallel_loop3A_1569 = arith.addi %parallel_loop3A_1554, %iota3A : vector<16xi32>
        %parallel_loop3A_1570 = arith.constant 15 : i32
        %parallel_loop3A_1571 = vector.broadcast %parallel_loop3A_1570 : i32 to vector<16xi32>
        %parallel_loop3A_1572 = arith.andi %parallel_loop3A_1569, %parallel_loop3A_1571 : vector<16xi32>
        %parallel_loop3A_1573 = vector.shape_cast %parallel_loop3A_1572 : vector<16xi32> to vector<16x1xi32>
        %parallel_loop3A_1574 = vector.shape_cast %parallel_loop3A_1573 : vector<16x1xi32> to vector<16xi32>
        %parallel_loop3A_1575 = tpu.dynamic_gather %parallel_loop3A_1568[%parallel_loop3A_1574] in [0] : vector<16xf32>, vector<16xi32> -> vector<16xf32>
        %parallel_loop3A_1576 = arith.constant 32 : i32
        %parallel_loop3A_1577 = arith.muli %parallel_loop3A_1576, %parallel_loop3A_1551 : i32
        %parallel_loop3A_1578 = arith.constant 0 : i32
        %parallel_loop3A_1579 = arith.addi %parallel_loop3A_1577, %parallel_loop3A_1578 : i32
        %parallel_loop3A_1580 = arith.index_cast %parallel_loop3A_1579 : i32 to index
        %parallel_loop3A_1581 = tpu.vector_load %arg17[%parallel_loop3A_1580] {strides = array<i32>} : memref<16384xf32, #tpu.memory_space<vmem>>, vector<16xf32>,
        %parallel_loop3A_1582 = vector.shape_cast %parallel_loop3A_1581 : vector<16xf32> to vector<16xf32>
        %parallel_loop3A_1583 = vector.shape_cast %parallel_loop3A_1575 : vector<16xf32> to vector<16xf32>
        tpu.vector_store %arg17[%parallel_loop3A_1580], %parallel_loop3A_1583 {strides = array<i32>} : memref<16384xf32, #tpu.memory_space<vmem>>, vector<16xf32>,
        %parallel_loop3A_1584 = vector.extract_strided_slice %parallel_loop3A_595 {offsets = [14], sizes = [1], strides = [1]} : vector<16xi32> to vector<1xi32>
        %parallel_loop3A_1585 = vector.extract %parallel_loop3A_1584[0] : i32 from vector<1xi32>
        %parallel_loop3A_1586 = vector.broadcast %parallel_loop3A_1585 : i32 to vector<16xi32>
        %parallel_loop3A_1587 = arith.constant 1024 : i32
        %parallel_loop3A_1588 = arith.addi %parallel_loop3A_1587, %parallel_loop3A_1551 : i32
        %parallel_loop3A_1589 = arith.index_cast %parallel_loop3A_1588 : i32 to index
        %parallel_loop3A_1590 = arith.constant 0 : index
        %parallel_loop3A_1591 = tpu.vector_load %arg11[%parallel_loop3A_1589, %parallel_loop3A_1590] {strides = array<i32>} : memref<2048x16xf32, #tpu.memory_space<vmem>>, vector<1x16xf32>,
        %parallel_loop3A_1592 = vector.shape_cast %parallel_loop3A_1591 : vector<1x16xf32> to vector<16xf32>
        %parallel_loop3A_1593 = arith.constant 1536 : i32
        %parallel_loop3A_1594 = arith.addi %parallel_loop3A_1593, %parallel_loop3A_1551 : i32
        %parallel_loop3A_1595 = arith.index_cast %parallel_loop3A_1594 : i32 to index
        %parallel_loop3A_1596 = arith.constant 0 : index
        %parallel_loop3A_1597 = tpu.vector_load %arg11[%parallel_loop3A_1595, %parallel_loop3A_1596] {strides = array<i32>} : memref<2048x16xf32, #tpu.memory_space<vmem>>, vector<1x16xf32>,
        %parallel_loop3A_1598 = vector.shape_cast %parallel_loop3A_1597 : vector<1x16xf32> to vector<16xf32>
        %parallel_loop3A_1599 = arith.cmpi sge, %iota3A, %parallel_loop3A_1586 : vector<16xi32>
        %parallel_loop3A_1600 = arith.select %parallel_loop3A_1599, %parallel_loop3A_1592, %parallel_loop3A_1598 : vector<16xi1>, vector<16xf32>
        %parallel_loop3A_1601 = arith.addi %parallel_loop3A_1586, %iota3A : vector<16xi32>
        %parallel_loop3A_1602 = arith.constant 15 : i32
        %parallel_loop3A_1603 = vector.broadcast %parallel_loop3A_1602 : i32 to vector<16xi32>
        %parallel_loop3A_1604 = arith.andi %parallel_loop3A_1601, %parallel_loop3A_1603 : vector<16xi32>
        %parallel_loop3A_1605 = vector.shape_cast %parallel_loop3A_1604 : vector<16xi32> to vector<16x1xi32>
        %parallel_loop3A_1606 = vector.shape_cast %parallel_loop3A_1605 : vector<16x1xi32> to vector<16xi32>
        %parallel_loop3A_1607 = tpu.dynamic_gather %parallel_loop3A_1600[%parallel_loop3A_1606] in [0] : vector<16xf32>, vector<16xi32> -> vector<16xf32>
        %parallel_loop3A_1608 = arith.constant 32 : i32
        %parallel_loop3A_1609 = arith.muli %parallel_loop3A_1608, %parallel_loop3A_1551 : i32
        %parallel_loop3A_1610 = arith.constant 16 : i32
        %parallel_loop3A_1611 = arith.addi %parallel_loop3A_1609, %parallel_loop3A_1610 : i32
        %parallel_loop3A_1612 = arith.index_cast %parallel_loop3A_1611 : i32 to index
        %parallel_loop3A_1613 = tpu.vector_load %arg17[%parallel_loop3A_1612] {strides = array<i32>} : memref<16384xf32, #tpu.memory_space<vmem>>, vector<16xf32>,
        %parallel_loop3A_1614 = vector.shape_cast %parallel_loop3A_1613 : vector<16xf32> to vector<16xf32>
        %parallel_loop3A_1615 = vector.shape_cast %parallel_loop3A_1607 : vector<16xf32> to vector<16xf32>
        tpu.vector_store %arg17[%parallel_loop3A_1612], %parallel_loop3A_1615 {strides = array<i32>} : memref<16384xf32, #tpu.memory_space<vmem>>, vector<16xf32>,
        %parallel_loop3A_1616 = arith.constant 16 : i32
        %parallel_loop3A_1617 = arith.muli %parallel_loop3A_585, %parallel_loop3A_1616 : i32
        %parallel_loop3A_1618 = arith.constant 15 : i32
        %parallel_loop3A_1619 = arith.addi %parallel_loop3A_1617, %parallel_loop3A_1618 : i32
        %parallel_loop3A_1620 = vector.extract_strided_slice %parallel_loop3A_590 {offsets = [15], sizes = [1], strides = [1]} : vector<16xi32> to vector<1xi32>
        %parallel_loop3A_1621 = vector.extract %parallel_loop3A_1620[0] : i32 from vector<1xi32>
        %parallel_loop3A_1622 = vector.broadcast %parallel_loop3A_1621 : i32 to vector<16xi32>
        %parallel_loop3A_1623 = arith.constant 0 : i32
        %parallel_loop3A_1624 = arith.addi %parallel_loop3A_1623, %parallel_loop3A_1619 : i32
        %parallel_loop3A_1625 = arith.index_cast %parallel_loop3A_1624 : i32 to index
        %parallel_loop3A_1626 = arith.constant 0 : index
        %parallel_loop3A_1627 = tpu.vector_load %arg11[%parallel_loop3A_1625, %parallel_loop3A_1626] {strides = array<i32>} : memref<2048x16xf32, #tpu.memory_space<vmem>>, vector<1x16xf32>,
        %parallel_loop3A_1628 = vector.shape_cast %parallel_loop3A_1627 : vector<1x16xf32> to vector<16xf32>
        %parallel_loop3A_1629 = arith.constant 512 : i32
        %parallel_loop3A_1630 = arith.addi %parallel_loop3A_1629, %parallel_loop3A_1619 : i32
        %parallel_loop3A_1631 = arith.index_cast %parallel_loop3A_1630 : i32 to index
        %parallel_loop3A_1632 = arith.constant 0 : index
        %parallel_loop3A_1633 = tpu.vector_load %arg11[%parallel_loop3A_1631, %parallel_loop3A_1632] {strides = array<i32>} : memref<2048x16xf32, #tpu.memory_space<vmem>>, vector<1x16xf32>,
        %parallel_loop3A_1634 = vector.shape_cast %parallel_loop3A_1633 : vector<1x16xf32> to vector<16xf32>
        %parallel_loop3A_1635 = arith.cmpi sge, %iota3A, %parallel_loop3A_1622 : vector<16xi32>
        %parallel_loop3A_1636 = arith.select %parallel_loop3A_1635, %parallel_loop3A_1628, %parallel_loop3A_1634 : vector<16xi1>, vector<16xf32>
        %parallel_loop3A_1637 = arith.addi %parallel_loop3A_1622, %iota3A : vector<16xi32>
        %parallel_loop3A_1638 = arith.constant 15 : i32
        %parallel_loop3A_1639 = vector.broadcast %parallel_loop3A_1638 : i32 to vector<16xi32>
        %parallel_loop3A_1640 = arith.andi %parallel_loop3A_1637, %parallel_loop3A_1639 : vector<16xi32>
        %parallel_loop3A_1641 = vector.shape_cast %parallel_loop3A_1640 : vector<16xi32> to vector<16x1xi32>
        %parallel_loop3A_1642 = vector.shape_cast %parallel_loop3A_1641 : vector<16x1xi32> to vector<16xi32>
        %parallel_loop3A_1643 = tpu.dynamic_gather %parallel_loop3A_1636[%parallel_loop3A_1642] in [0] : vector<16xf32>, vector<16xi32> -> vector<16xf32>
        %parallel_loop3A_1644 = arith.constant 32 : i32
        %parallel_loop3A_1645 = arith.muli %parallel_loop3A_1644, %parallel_loop3A_1619 : i32
        %parallel_loop3A_1646 = arith.constant 0 : i32
        %parallel_loop3A_1647 = arith.addi %parallel_loop3A_1645, %parallel_loop3A_1646 : i32
        %parallel_loop3A_1648 = arith.index_cast %parallel_loop3A_1647 : i32 to index
        %parallel_loop3A_1649 = tpu.vector_load %arg17[%parallel_loop3A_1648] {strides = array<i32>} : memref<16384xf32, #tpu.memory_space<vmem>>, vector<16xf32>,
        %parallel_loop3A_1650 = vector.shape_cast %parallel_loop3A_1649 : vector<16xf32> to vector<16xf32>
        %parallel_loop3A_1651 = vector.shape_cast %parallel_loop3A_1643 : vector<16xf32> to vector<16xf32>
        tpu.vector_store %arg17[%parallel_loop3A_1648], %parallel_loop3A_1651 {strides = array<i32>} : memref<16384xf32, #tpu.memory_space<vmem>>, vector<16xf32>,
        %parallel_loop3A_1652 = vector.extract_strided_slice %parallel_loop3A_595 {offsets = [15], sizes = [1], strides = [1]} : vector<16xi32> to vector<1xi32>
        %parallel_loop3A_1653 = vector.extract %parallel_loop3A_1652[0] : i32 from vector<1xi32>
        %parallel_loop3A_1654 = vector.broadcast %parallel_loop3A_1653 : i32 to vector<16xi32>
        %parallel_loop3A_1655 = arith.constant 1024 : i32
        %parallel_loop3A_1656 = arith.addi %parallel_loop3A_1655, %parallel_loop3A_1619 : i32
        %parallel_loop3A_1657 = arith.index_cast %parallel_loop3A_1656 : i32 to index
        %parallel_loop3A_1658 = arith.constant 0 : index
        %parallel_loop3A_1659 = tpu.vector_load %arg11[%parallel_loop3A_1657, %parallel_loop3A_1658] {strides = array<i32>} : memref<2048x16xf32, #tpu.memory_space<vmem>>, vector<1x16xf32>,
        %parallel_loop3A_1660 = vector.shape_cast %parallel_loop3A_1659 : vector<1x16xf32> to vector<16xf32>
        %parallel_loop3A_1661 = arith.constant 1536 : i32
        %parallel_loop3A_1662 = arith.addi %parallel_loop3A_1661, %parallel_loop3A_1619 : i32
        %parallel_loop3A_1663 = arith.index_cast %parallel_loop3A_1662 : i32 to index
        %parallel_loop3A_1664 = arith.constant 0 : index
        %parallel_loop3A_1665 = tpu.vector_load %arg11[%parallel_loop3A_1663, %parallel_loop3A_1664] {strides = array<i32>} : memref<2048x16xf32, #tpu.memory_space<vmem>>, vector<1x16xf32>,
        %parallel_loop3A_1666 = vector.shape_cast %parallel_loop3A_1665 : vector<1x16xf32> to vector<16xf32>
        %parallel_loop3A_1667 = arith.cmpi sge, %iota3A, %parallel_loop3A_1654 : vector<16xi32>
        %parallel_loop3A_1668 = arith.select %parallel_loop3A_1667, %parallel_loop3A_1660, %parallel_loop3A_1666 : vector<16xi1>, vector<16xf32>
        %parallel_loop3A_1669 = arith.addi %parallel_loop3A_1654, %iota3A : vector<16xi32>
        %parallel_loop3A_1670 = arith.constant 15 : i32
        %parallel_loop3A_1671 = vector.broadcast %parallel_loop3A_1670 : i32 to vector<16xi32>
        %parallel_loop3A_1672 = arith.andi %parallel_loop3A_1669, %parallel_loop3A_1671 : vector<16xi32>
        %parallel_loop3A_1673 = vector.shape_cast %parallel_loop3A_1672 : vector<16xi32> to vector<16x1xi32>
        %parallel_loop3A_1674 = vector.shape_cast %parallel_loop3A_1673 : vector<16x1xi32> to vector<16xi32>
        %parallel_loop3A_1675 = tpu.dynamic_gather %parallel_loop3A_1668[%parallel_loop3A_1674] in [0] : vector<16xf32>, vector<16xi32> -> vector<16xf32>
        %parallel_loop3A_1676 = arith.constant 32 : i32
        %parallel_loop3A_1677 = arith.muli %parallel_loop3A_1676, %parallel_loop3A_1619 : i32
        %parallel_loop3A_1678 = arith.constant 16 : i32
        %parallel_loop3A_1679 = arith.addi %parallel_loop3A_1677, %parallel_loop3A_1678 : i32
        %parallel_loop3A_1680 = arith.index_cast %parallel_loop3A_1679 : i32 to index
        %parallel_loop3A_1681 = tpu.vector_load %arg17[%parallel_loop3A_1680] {strides = array<i32>} : memref<16384xf32, #tpu.memory_space<vmem>>, vector<16xf32>,
        %parallel_loop3A_1682 = vector.shape_cast %parallel_loop3A_1681 : vector<16xf32> to vector<16xf32>
        %parallel_loop3A_1683 = vector.shape_cast %parallel_loop3A_1675 : vector<16xf32> to vector<16xf32>
        tpu.vector_store %arg17[%parallel_loop3A_1680], %parallel_loop3A_1683 {strides = array<i32>} : memref<16384xf32, #tpu.memory_space<vmem>>, vector<16xf32>,
      } {sc.loop_unroll_factor = 1 : i64, sc.parallel_access}
      %add3A_576 = arith.constant 1 : i32
      %add3A_577 = arith.addi %mul3A_159, %add3A_576 : i32
      %mul3A_578 = arith.constant 512 : i32
      %mul3A_579 = arith.muli %add3A_577, %mul3A_578 : i32
      %add3A_580 = arith.addi %mul3A_2, %mul3A_579 : i32
      %mul3A_581 = arith.constant 32 : i32
      %mul3A_582 = arith.muli %add3A_580, %mul3A_581 : i32
      %dma_start3A_583 = tpu.memref_slice %arg5[%mul3A_582] : memref<13631488xf32, #tpu.memory_space<hbm>> -> memref<16384xf32, #tpu.memory_space<hbm>>
      %dma_start3A_584 = tpu.memref_slice %arg5[%mul3A_582] : memref<13631488xf32, #tpu.memory_space<hbm>> -> memref<16384xf32, #tpu.memory_space<hbm>>
      tpu.enqueue_dma source(%arg17 : memref<16384xf32, #tpu.memory_space<vmem>>) target(%dma_start3A_584 : memref<16384xf32, #tpu.memory_space<hbm>>) target_semaphore(%arg21 : memref<!tpu.dma_semaphore, #tpu.memory_space<semaphore_mem>>)
    }
    %scan3A_149 = arith.constant 13 : i32
    %dma_wait3A = arith.constant 0 : i32
    %dma_wait3A_150 = tpu.memref_slice %arg5[%dma_wait3A] : memref<13631488xf32, #tpu.memory_space<hbm>> -> memref<16384xf32, #tpu.memory_space<hbm>>
    %dma_wait3A_151 = arith.constant 0 : i32
    %dma_wait3A_152 = tpu.memref_slice %arg5[%dma_wait3A_151] : memref<13631488xf32, #tpu.memory_space<hbm>> -> memref<16384xf32, #tpu.memory_space<hbm>>
    tpu.wait_dma2 semaphore(%arg20 : memref<!tpu.dma_semaphore, #tpu.memory_space<semaphore_mem>>) src(%arg16 : memref<16384xf32, #tpu.memory_space<vmem>>) dst(%dma_wait3A_152 : memref<16384xf32, #tpu.memory_space<hbm>>)
    %dma_wait3A_153 = arith.constant 0 : i32
    %dma_wait3A_154 = tpu.memref_slice %arg5[%dma_wait3A_153] : memref<13631488xf32, #tpu.memory_space<hbm>> -> memref<16384xf32, #tpu.memory_space<hbm>>
    %dma_wait3A_155 = arith.constant 0 : i32
    %dma_wait3A_156 = tpu.memref_slice %arg5[%dma_wait3A_155] : memref<13631488xf32, #tpu.memory_space<hbm>> -> memref<16384xf32, #tpu.memory_space<hbm>>
    tpu.wait_dma2 semaphore(%arg21 : memref<!tpu.dma_semaphore, #tpu.memory_space<semaphore_mem>>) src(%arg17 : memref<16384xf32, #tpu.memory_space<vmem>>) dst(%dma_wait3A_156 : memref<16384xf32, #tpu.memory_space<hbm>>)
    return
  }
}

</mosaic_0001>

<sc_bundles>
// kernel: kernel.3.cloned.1.call-start
scs
__scs_entry_jumppad:
0x0: {  	(pc) =	sbr.rel $0x88, $3  }
0x1: {  	(tag) =	ssettag $0x0;
	lr =	simm.s32 $0x1  }
0x2: {  	[smem:$0x3F9E] =	sst lr;
	_ =	strace $0xD0000000  }
0x3: {  	_ = 	snop  }
0x4: {  	_ = 	snop  }
0x5: {  	_ = 	snop  }
0x6: {  	_ = 	snop  }
0x7: {  	_ = 	snop  }
__scs_overlays_trampoline_lowered:
0x8: {  	[smem:$0x3FAD] =	sst s0  }
0x9: {  	[smem:$0x3FAE] =	sst s1  }
0xa: {  	[smem:$0x3FAF] =	sst s2  }
0xb: {  	[smem:$0x3FB0] =	sst s3  }
0xc: {  	[smem:$0x3FB1] =	sst s4  }
0xd: {  	[smem:$0x3FB2] =	sst s5  }
0xe: {  	[smem:$0x3FB3] =	sst s6  }
0xf: {  	[smem:$0x3FB4] =	sst s7  }
0x10: {  	[smem:$0x3FB5] =	sst s8  }
0x11: {  	[smem:$0x3FB6] =	sst s9;
	s0 =	simm.s32 @!p0 $0x0  }
0x12: {  	s1 =	sld [smem:$0x3F9C];
	s0 =	simm.s32 @p0 $0x1  }
0x13: {  	[smem:$0x3FB7] =	sst s0;
	s0 =	simm.s32 @!p1 $0x0  }
0x14: {  	s2 =	sld [smem:$0x3F9B];
	s0 =	simm.s32 @p1 $0x1  }
0x15: {  	[smem:$0x3FB8] =	sst s0;
	s0 =	simm.s32 @!p2 $0x0  }
0x16: {  	s3 =	sld [smem:$0x3FDB];
	s0 =	simm.s32 @p2 $0x1  }
0x17: {  	s4 =	simm.s32 $0x1BF5;
	[smem:$0x3FBA] =	sst s0  }
0x18: {  	s0 =	sld [smem:$0x3F9D];
	_ =	swait.ge [sflag:s4], $0x0  }
0x19: {  	s7 =	sld [smem:$0x3F9E]  }
0x1a: {  	s8 =	sadd.s32 $0xFFFFE003, lr  }
0x1b: {  	s9 =	sadd.s32 $0xFFFFFEF7, lr;
	s5 =	simm.s32 $0xFFFFFFFF;
	p2 =	slt.u32 s8, $0xFFFFF086  }
0x1c: {  	p1 =	slt.u32 s9, $0xF7A;
	s5 =	simm.s32 @!p2 $0x0  }
0x1d: {  	s5 =	simm.s32 @p1 $0x1;
	p0 =	seq.s32 s7, s2  }
0x1e: {  	s7 =	smul.u32 @!p0 $0xF7A, s2;
	p2 =	seq.s32 @!p0 s5, $0x0  }
0x1f: {  	s9 =	smul.u32 $0xF7A, s1;
	s8 =	simm.s32 @!p0 $0x1BF5;
	p2 =	por !p2, p0  }
0x20: {  	[sflag:s8] =	ssyncset.s32 @!p0 $0xFFFFF086;
	s6 =	sadd.s32 @!p0 s3, s7;
	s7 =	simm.s32 @!p0 $0x108  }
0x21: {  	s3 =	sadd.s32 s3, s9;
	s6 =	sadd.s32 @!p0 $0x88, s6;
	s7 =	simm.s32 @p2 $0x1082  }
0x22: {  	[simem:s7], [sflag:s8] =	dma.local @!p0 [hbm:s6], $0xF7A  }
0x23: {  	s9 =	sor.u32 $0xD0000000, s2;
	s6 =	simm.s32 $0x108;
	_ =	swait.ge @!p0 [sflag:s8], $0x0  }
0x24: {  	s3 =	sadd.s32 $0x88, s3;
	s6 =	simm.s32 @!p1 $0x1082;
	[sflag:s4] =	ssyncset.s32 $0xFFFFF086  }
0x25: {  	[simem:s6], [sflag:s4] =	dma.local [hbm:s3], $0xF7A  }
0x26: {  	[smem:$0x3F9E] =	sst s1;
	(tag) =	ssettag s2;
	_ =	strace s9  }
0x27: {  	s1 =	sld [smem:$0x3FAE]  }
0x28: {  	s2 =	sld [smem:$0x3FAF]  }
0x29: {  	s4 =	sld [smem:$0x3FB1]  }
0x2a: {  	p0 =	seq.s32 s5, $0x0;
	s5 =	sld [smem:$0x3FB2]  }
0x2b: {  	s6 =	sld [smem:$0x3FB3]  }
0x2c: {  	s7 =	sld [smem:$0x3FB4]  }
0x2d: {  	s3 =	simm.s32 $0x108;
	s8 =	sld [smem:$0x3FB5]  }
0x2e: {  	s3 =	simm.s32 @!p0 $0x1082;
	s9 =	sld [smem:$0x3FB6]  }
0x2f: {  	lr =	sadd.s32 s0, s3;
	s0 =	sld [smem:$0x3FAD]  }
0x30: {  	s3 =	sld [smem:$0x3FB0]  }
0x31: {  	[smem:$0x3FB9] =	sst s10  }
0x32: {  	s10 =	sld [smem:$0x3FB7];
	_ =	sdelay $0x3  }
0x33: {  	p0 =	seq.s32 s10, $0x1;
	s10 =	sld [smem:$0x3FB9];
	_ =	sdelay $0x3  }
0x34: {  	[smem:$0x3FB9] =	sst s10  }
0x35: {  	s10 =	sld [smem:$0x3FB8];
	_ =	sdelay $0x3  }
0x36: {  	p1 =	seq.s32 s10, $0x1;
	s10 =	sld [smem:$0x3FB9];
	_ =	sdelay $0x3  }
0x37: {  	[smem:$0x3FB9] =	sst s10  }
0x38: {  	s10 =	sld [smem:$0x3FBA]  }
0x39: {  	_ = 	snop;
	(pc) =	sbr.ind lr, $3  }
0x3a: {  	_ = 	snop  }
0x3b: {  	_ = 	snop  }
0x3c: {  	p2 =	seq.s32 s10, $0x1;
	s10 =	sld [smem:$0x3FB9]  }
0x3d: {  	_ =	shalt  }
0x3e: {  	_ =	shalt  }
0x3f: {  	_ =	shalt  }
0x40: {  	_ =	shalt  }
0x41: {  	_ =	shalt  }
0x42: {  	_ =	shalt  }
0x43: {  	_ =	shalt  }
0x44: {  	_ =	shalt  }
0x45: {  	_ =	shalt  }
0x46: {  	_ =	shalt  }
0x47: {  	_ =	shalt  }
0x48: {  	_ =	shalt  }
0x49: {  	_ =	shalt  }
0x4a: {  	_ =	shalt  }
0x4b: {  	_ =	shalt  }
0x4c: {  	_ =	shalt  }
0x4d: {  	_ =	shalt  }
0x4e: {  	_ =	shalt  }
0x4f: {  	_ =	shalt  }
0x50: {  	_ =	shalt  }
0x51: {  	_ =	shalt  }
0x52: {  	_ =	shalt  }
0x53: {  	_ =	shalt  }
0x54: {  	_ =	shalt  }
0x55: {  	_ =	shalt  }
0x56: {  	_ =	shalt  }
0x57: {  	_ =	shalt  }
0x58: {  	_ =	shalt  }
0x59: {  	_ =	shalt  }
0x5a: {  	_ =	shalt  }
0x5b: {  	_ =	shalt  }
0x5c: {  	_ =	shalt  }
0x5d: {  	_ =	shalt  }
0x5e: {  	_ =	shalt  }
0x5f: {  	_ =	shalt  }
0x60: {  	_ =	shalt  }
0x61: {  	_ =	shalt  }
0x62: {  	_ =	shalt  }
0x63: {  	_ =	shalt  }
0x64: {  	_ =	shalt  }
0x65: {  	_ =	shalt  }
0x66: {  	_ =	shalt  }
0x67: {  	_ =	shalt  }
0x68: {  	_ =	shalt  }
0x69: {  	_ =	shalt  }
0x6a: {  	_ =	shalt  }
0x6b: {  	_ =	shalt  }
0x6c: {  	_ =	shalt  }
0x6d: {  	_ =	shalt  }
0x6e: {  	_ =	shalt  }
0x6f: {  	_ =	shalt  }
0x70: {  	_ =	shalt  }
0x71: {  	_ =	shalt  }
0x72: {  	_ =	shalt  }
0x73: {  	_ =	shalt  }
0x74: {  	_ =	shalt  }
0x75: {  	_ =	shalt  }
0x76: {  	_ =	shalt  }
0x77: {  	_ =	shalt  }
0x78: {  	_ =	shalt  }
0x79: {  	_ =	shalt  }
0x7a: {  	_ =	shalt  }
0x7b: {  	_ =	shalt  }
0x7c: {  	_ =	shalt  }
0x7d: {  	_ =	shalt  }
0x7e: {  	_ =	shalt  }
0x7f: {  	_ =	shalt  }
0x80: {  	_ =	shalt  }
0x81: {  	_ =	shalt  }
0x82: {  	_ =	shalt  }
0x83: {  	_ =	shalt  }
0x84: {  	_ =	shalt  }
0x85: {  	_ =	shalt  }
0x86: {  	_ =	shalt  }
0x87: {  	_ =	shalt  }
.Lfunc_end0:
.L_simem_size_0:
called_computation.1_lowered:
.L_overlay_start_0:
0x88: {  	s2 =	sld [smem:$0x3FD9]  }
0x89: {  	s3 =	sld [smem:$0x3FFE];
	_ =	sdelay $0x1  }
0x8a: {  	s1 =	srdreg.scid  }
0x8b: {  	s0 =	sand.u32 $0x1, s1  }
0x8c: {  	s17 =	sshll.u32 s0, $0xA;
	s2 =	sadd.s32 s3, s2  }
0x8d: {  	s2 =	sadd.s32 s2, s17  }
0x8e: {  	[smem:$0x3FC5] =	sst s2  }
0x8f: {  	_ = 	snop  }
0x90: {  	s2 =	sld [smem:$0x3FC8]  }
0x91: {  	s18 =	sld [smem:$0x3FD0];
	(tm) =	ssettm $0x1  }
0x92: {  	s4 =	sld [smem:$0x3FFB];
	_ =	sdelay $0x3  }
0x93: {  	_ =	strace s4  }
0x94: {  	s4 =	sld [smem:$0x3FFC];
	_ =	sdelay $0x3  }
0x95: {  	_ =	strace s4  }
0x96: {  	s4 =	sld [smem:$0x3FFD];
	_ =	sdelay $0x3  }
0x97: {  	_ =	strace s4  }
0x98: {  	_ =	strace $0x8FFFFFFF  }
0x99: {  	s19 =	sld [smem:$0x3FDB];
	_ =	sdelay $0x1  }
0x9a: {  	s5 =	simm.s32 $_scs_section_size  }
0x9b: {  	s6 =	simm.s32 $_size__tile_overlayer_lowered;
	s7 =	simm.s32 $_tile_overlayer_lowered  }
0x9c: {  	s22 =	simm.s32 $0x1BFF;
	s21 =	sshll.u32 s7, $0x1;
	s4 =	sadd.s32 s5, s19  }
0x9d: {  	s8 =	simm.s32 $0x0;
	s20 =	sshll.u32 s6, $0x1;
	s6 =	sadd.s32 s21, s4  }
0x9e: {  	[timem:s8], [sflag:s22] =	dma.local [hbm:s6], s20  }
0x9f: {  	_ =	swait.ge [sflag:s22], s20  }
0xa0: {  	s5 =	ssub.s32 $0x0, s20;
	[sflag:s22] =	ssyncset.done $0x0  }
0xa1: {  	[sflag:s22] =	ssyncadd.s32 s5;
	_ =	sdelay $0x1  }
0xa2: {  	s23 =	simm.s32 $0x1B8B  }
0xa3: {  	_ =	swait.ge [sflag:s23], $0x1  }
0xa4: {  	[sflag:s23] =	ssyncset.done $0x0  }
0xa5: {  	s25 =	simm.s32 $0x1B8E;
	s24 =	sld [smem:$0x3FFE];
	[sflag:s23] =	ssyncadd.s32 $0xFFFFFFFF  }
0xa6: {  	s26 =	simm.s32 $execute0_lowered;
	[smem:$0x3FD2] =	sst s25  }
0xa7: {  	s6 =	sshll.u32 s26, $0x1;
	_ =	strace $0x80000046;
	[dreg:$0x1] =	wrdreg $0xFFFFFFFF  }
0xa8: {  	s28 =	simm.s32 $_size_execute0_lowered;
	s4 =	sadd.s32 s4, s6;
	[dreg:$0x0] =	wrdreg $0x0  }
0xa9: {  	s6 =	sshll.u32 s28, $0x1;
	[dreg:$0x2] =	wrdreg s4  }
0xaa: {  	[dreg:$0x3] =	wrdreg s6  }
0xab: {  	[dreg:$0x4] =	wrdreg $0xC0  }
0xac: {  	_ =	task [dreg:s8], $0x5FFFF  }
0xad: {  	[dreg:$0x1] =	wrdreg $0xFFFFFFFF  }
0xae: {  	[dreg:$0x0] =	wrdreg $0x60  }
0xaf: {  	[dreg:$0x2] =	wrdreg s24  }
0xb0: {  	[dreg:$0x3] =	wrdreg s2  }
0xb1: {  	[dreg:$0x4] =	wrdreg s18  }
0xb2: {  	[dreg:$0x5] =	wrdreg $0x9  }
0xb3: {  	_ =	task.clear_ibuf [dreg:s8], $0x6FFFF;
	_ =	strace $0x90000046  }
0xb4: {  	s29 =	simm.s32 $0x9;
	_ =	strace $0x80000048  }
0xb5: {  	_ =	swait.ge [sflag:s29], $0x1  }
0xb6: {  	[sflag:s29] =	ssyncadd.s32 $0xFFFFFFFF  }
0xb7: {  	_ =	strace $0x90000048  }
0xb8: {  	_ =	sfence  }
0xb9: {  	s30 =	sld [smem:$0x0];
	_ =	sdelay $0x2  }
0xba: {  	s31 =	sshll.u32 s1, $0xD;
	s1 =	sshrl.u32 s1, $0x2  }
0xbb: {  	s3 =	sand.u32 $0x4000, s31;
	s1 =	sadd.s32 s1, s30  }
0xbc: {  	s0 =	sor.u32 s3, s0;
	s1 =	sshll.u32 s1, $0x11  }
0xbd: {  	s0 =	sor.u32 s1, s0  }
0xbe: {  	s0 =	sadd.s32 $0x8F2B, s0  }
0xbf: {  	[sflag:s0] =	ssyncadd.remote.s32 $0x1  }
0xc0: {  	_ =	sfence.sel $0xFFFF  }
0xc1: {  	[dreg:$0x0] =	wrdreg $0xFFFFFFFF;
	(pc) =	sbr.abs _section_cstart, $3  }
0xc2: {  	[dreg:$0x1] =	wrdreg $0xFFFFFFFF  }
0xc3: {  	_ =	task.clear_ibuf [dreg:s8], $0x2FFFF;
	_ =	strace $0x9FFFFFFF  }
0xc4: {  	(tm) =	ssettm $0x7FFFFFFF  }
0xc5: {  	_ =	shalt  }
tec
execute0_lowered:
.L_overlay_start_1:
0x0: {  	(tag) =	ssettag $0x1  }
0x1: {  	s0 =	rddreg [dreg:$0x0]  }
0x2: {  	s2 =	rddreg [dreg:$0x1]  }
0x3: {  	s1 =	srdreg.scid;
	s4 =	stileid.u32  }
0x4: {  	s3 =	rddreg [dreg:$0x2];
	s11 =	simm.s32 $0x80;
	s19 =	simm.s32 $0x12C20  }
0x5: {  	s20 =	simm.s32 $0x4320;
	s21 =	simm.s32 $0x13420;
	s22 =	simm.s32 $0x43A0  }
0x6: {  	s23 =	simm.s32 $0x13C20;
	s1 =	sand.u32 $0x1, s1;
	s5 =	sshll.u32 s4, $0x1  }
0x7: {  	s24 =	simm.s32 $0x1;
	s4 =	simm.s32 $0x0;
	s5 =	sor.u32 s1, s5  }
0x8: {  	s25 =	simm.s32 $0x14C20;
	[smem:$0x7FF] =	sst s4;
	s6 =	smul.u32 $0x680, s5  }
0x9: {  	s26 =	simm.s32 $0x2;
	s1 =	ssub.s32 $0x2, s1;
	_ =	strace $0x80000047  }
0xa: {  	s30 =	sshrl.u32 s1, $0x1;
	s6 =	sadd.s32 s6, s0;
	s0 =	sadd.s32 $0x800, s0  }
0xb: {  	[dreg:$0x4] =	wrdreg s0;
	s0 =	ssub.s32 s1, s30;
	s31 =	sadd.s32 $0xA00, s6  }
0xc: {  	v0 =	vlaneseq.u32;
	s28 =	simm.s32 $0x18C20;
	[dreg:$0x5] =	wrdreg s31;
	s0 =	smax.u32 s0, $0x1  }
0xd: {  	v1 =	vadd.s32 $0x1, v0;
	s7 =	smul.u32 $0x68000, s5;
	s5 =	simm.s32 $0x0;
	[dreg:$0x6] =	wrdreg s0  }
.LBB2_1:
0xe: {  	[dreg:$0x7] =	wrdreg s5  }
0xf: {  	s0 =	rddreg [dreg:$0x4];
	s1 =	simm.s32 $0x3400;
	s30 =	simm.s32 $0x5  }
0x10: {  	[tilespmem:s1], [sflag:$0x5] =	stream.linear.gather [hbm4b:s0+s4], $0x20, $0x38;
	[tilespmem:$0x1CC20] =	vst v63  }
0x11: {  	_ =	swait.ge [sflag:s30], $0x20  }
0x12: {  	[sflag:s30] =	ssyncset.done $0x0  }
0x13: {  	s31 =	rddreg [dreg:$0x5];
	[sflag:s30] =	ssyncadd.s32 $0xFFFFFFE0  }
0x14: {  	[tilespmem:s4], [sflag:$0x5] =	stream.linear.gather [hbm4b:s31+s4], $0x3400, $0x38;
	[tilespmem:$0x1CC20] =	vst v63  }
0x15: {  	_ =	swait.ge [sflag:s30], $0x3400  }
0x16: {  	[sflag:s30] =	ssyncset.done $0x0  }
0x17: {  	[sflag:s30] =	ssyncadd.s32 $0xFFFFCC00  }
0x18: {  	s6 =	simm.s32 $0x0;
	v2 =	vld [tilespmem:$0x3410]  }
0x19: {  	v4 =	vld [tilespmem:s6+$0x0]  }
0x1a: {  	v3 =	vld [tilespmem:$0x3400];
	_ =	sdelay $0x1  }
0x1b: {  	s1 =	simm.s32 $0x10  }
0x1c: {  	v6 =	vld [tilespmem:s1+$0x0]  }
0x1d: {  	v5 =	vmul.u32 v2, v4  }
0x1e: {  	v4 =	vmul.u32 v3, v4  }
0x1f: {  	v7 =	vshrl.u32 v5, $0x4  }
0x20: {  	v8 =	vshrl.u32 v4, $0x4;
	v7 =	vmulhi.u32 $0x10C70939, v7  }
0x21: {  	v9 =	vmul.u32 v3, v6;
	v8 =	vmulhi.u32 $0x10C70939, v8  }
0x22: {  	s0 =	simm.s32 $0x20;
	v10 =	vmul.u32 v2, v6;
	v7 =	vshrl.u32 v7, $0xC  }
0x23: {  	v11 =	vshrl.u32 v9, $0x4;
	v8 =	vshrl.u32 v8, $0xC;
	v6 =	vmul.u32 $0xF4230, v7;
	v7 =	vld [tilespmem:s0+$0x0]  }
0x24: {  	v12 =	vshrl.u32 v10, $0x4;
	v11 =	vmulhi.u32 $0x10C70939, v11;
	v8 =	vmul.u32 $0xF4230, v8  }
0x25: {  	v5 =	vsub.s32 v5, v6;
	v6 =	vmulhi.u32 $0x10C70939, v12  }
0x26: {  	v11 =	vshrl.u32 v11, $0xC;
	v8 =	vsub.s32 v4, v8;
	v60 =	vshrl.u32 v5, $0x4  }
0x27: {  	v61 =	vand.u32 $0xF, v5;
	[tilespmem:s6+$0x3820] =	vst v60;
	v12 =	vadd.s32 $0x1, v60;
	v6 =	vshrl.u32 v6, $0xC  }
0x28: {  	s5 =	simm.s32 $0x30;
	[tilespmem:s6+$0x3A20] =	vst v12;
	v4 =	vmul.u32 v3, v7;
	v5 =	vmul.u32 v2, v7;
	v7 =	vmul.u32 $0xF4230, v6  }
0x29: {  	v16 =	vmul.u32 $0xF4230, v11;
	v13 =	vshrl.u32 v8, $0x4;
	v6 =	vld [tilespmem:s5+$0x0];
	[tilespmem:s6+$0x14820] =	vst v61  }
0x2a: {  	v8 =	vand.u32 $0xF, v8;
	[tilespmem:s6+$0x3420] =	vst v13;
	v14 =	vshrl.u32 v5, $0x4;
	v15 =	vsub.s32 v10, v7  }
0x2b: {  	[tilespmem:s6+$0x14420] =	vst v8;
	v62 =	vshrl.u32 v4, $0x4;
	v14 =	vmulhi.u32 $0x10C70939, v14;
	v10 =	vshrl.u32 v15, $0x4  }
0x2c: {  	v8 =	vsub.s32 v9, v16;
	v7 =	vmulhi.u32 $0x10C70939, v62;
	[tilespmem:s1+$0x3820] =	vst v10;
	v63 =	vadd.s32 $0x1, v10  }
0x2d: {  	s8 =	simm.s32 $0x100;
	v9 =	vand.u32 $0xF, v15;
	v10 =	vadd.s32 $0x1, v13;
	v11 =	vshrl.u32 v14, $0xC;
	[tilespmem:s1+$0x3A20] =	vst v63  }
.LBB2_2:
0x2e: {  	s9 =	sshra.s32 s8, $0x2;
	p0 =	sne.s32 s8, $0x7C0;
	s8 =	sadd.s32 $0x40, s8;
	v12 =	vmul.u32 v3, v6;
	v13 =	vmul.u32 v2, v6;
	v11 =	vmul.u32 $0xF4230, v11;
	[tilespmem:s6+$0x3620] =	vst v10  }
.Ltmp0:
0x2f: {  	v7 =	vshrl.u32 v7, $0xC;
	v10 =	vshrl.u32 v8, $0x4;
	v8 =	vand.u32 $0xF, v8;
	s6 =	smov.u32 s1;
	v6 =	vld [tilespmem:s9+$0x0];
	[tilespmem:s1+$0x14820] =	vst v9;
	s1 =	smov.u32 s0;
	(pc) =	sbr.rel @p0 .LBB2_2-.Ltmp0, $4  }
0x30: {  	s0 =	smov.u32 s5;
	s5 =	smov.u32 s9;
	v9 =	vshrl.u32 v12, $0x4;
	v14 =	vshrl.u32 v13, $0x4;
	v15 =	vsub.s32 v5, v11;
	[tilespmem:s6+$0x3420] =	vst v10;
	v5 =	vmovc v13  }
0x31: {  	v13 =	vmul.u32 $0xF4230, v7;
	v11 =	vmulhi.u32 $0x10C70939, v14;
	v14 =	vshrl.u32 v15, $0x4;
	[tilespmem:s6+$0x14420] =	vst v8  }
0x32: {  	v10 =	vadd.s32 $0x1, v10;
	v7 =	vmulhi.u32 $0x10C70939, v9;
	[tilespmem:s1+$0x3820] =	vst v14;
	v9 =	vadd.s32 $0x1, v14  }
0x33: {  	v8 =	vsub.s32 v4, v13;
	v4 =	vmovc v12;
	v11 =	vshrl.u32 v11, $0xC;
	[tilespmem:s1+$0x3A20] =	vst v9;
	v9 =	vand.u32 $0xF, v15  }
0x34: {  	[tilespmem:s6+$0x3620] =	vst v10;
	v51 =	vmul.u32 v2, v6;
	v11 =	vmul.u32 $0xF4230, v11  }
0x35: {  	v52 =	vmul.u32 v3, v6;
	v12 =	vshrl.u32 v8, $0x4;
	[tilespmem:s1+$0x14820] =	vst v9  }
0x36: {  	v53 =	vand.u32 $0xF, v8;
	[tilespmem:s1+$0x3420] =	vst v12;
	v54 =	vshrl.u32 v51, $0x4;
	v5 =	vsub.s32 v5, v11  }
0x37: {  	v7 =	vshrl.u32 v7, $0xC;
	[tilespmem:s1+$0x14420] =	vst v53;
	v9 =	vmulhi.u32 $0x10C70939, v54;
	v11 =	vshrl.u32 v5, $0x4  }
0x38: {  	v7 =	vmul.u32 $0xF4230, v7;
	[tilespmem:s0+$0x3820] =	vst v11;
	v55 =	vadd.s32 $0x1, v11  }
0x39: {  	v12 =	vadd.s32 $0x1, v12;
	v56 =	vshrl.u32 v52, $0x4;
	v9 =	vshrl.u32 v9, $0xC;
	[tilespmem:s0+$0x3A20] =	vst v55  }
0x3a: {  	v4 =	vsub.s32 v4, v7;
	v5 =	vand.u32 $0xF, v5;
	v57 =	vmul.u32 $0xF4230, v9;
	[tilespmem:s1+$0x3620] =	vst v12  }
0x3b: {  	v58 =	vmulhi.u32 $0x10C70939, v56;
	v59 =	vshrl.u32 v4, $0x4;
	[tilespmem:s0+$0x14820] =	vst v5  }
0x3c: {  	v4 =	vand.u32 $0xF, v4;
	[tilespmem:s0+$0x3420] =	vst v59;
	v5 =	vsub.s32 v51, v57  }
0x3d: {  	v60 =	vshrl.u32 v58, $0xC;
	[tilespmem:s0+$0x14420] =	vst v4;
	v61 =	vshrl.u32 v5, $0x4  }
0x3e: {  	v4 =	vmul.u32 $0xF4230, v60;
	[tilespmem:s5+$0x3820] =	vst v61;
	v62 =	vadd.s32 $0x1, v61  }
0x3f: {  	v63 =	vadd.s32 $0x1, v59;
	[tilespmem:s5+$0x3A20] =	vst v62  }
0x40: {  	v4 =	vsub.s32 v52, v4;
	v5 =	vand.u32 $0xF, v5;
	[tilespmem:s0+$0x3620] =	vst v63  }
0x41: {  	v6 =	vshrl.u32 v4, $0x4;
	[tilespmem:s5+$0x14820] =	vst v5  }
0x42: {  	v4 =	vand.u32 $0xF, v4;
	[tilespmem:s5+$0x3420] =	vst v6  }
0x43: {  	[tilespmem:s5+$0x14420] =	vst v4;
	v4 =	vadd.s32 $0x1, v6  }
0x44: {  	s10 =	simm.s32 $0x3420;
	s12 =	simm.s32 $0x4420;
	[tilespmem:s5+$0x3620] =	vst v4  }
0x45: {  	[tilespmem:s12], [sflag:$0x1] =	stream.indirect.gather [hbm4b:s2+s11], $0x10, s10, s11, $0xb8;
	[tilespmem:$0x1CC20] =	vst v63  }
0x46: {  	s13 =	simm.s32 $0x34A0;
	s14 =	simm.s32 $0x4C20  }
0x47: {  	[tilespmem:s14], [sflag:$0x1] =	stream.indirect.gather [hbm4b:s2+s11], $0x10, s13, s11, $0xb8;
	[tilespmem:$0x1CC20] =	vst v63  }
0x48: {  	s15 =	simm.s32 $0x3520;
	s16 =	simm.s32 $0x5420  }
0x49: {  	[tilespmem:s16], [sflag:$0x1] =	stream.indirect.gather [hbm4b:s2+s11], $0x10, s15, s11, $0xb8;
	[tilespmem:$0x1CC20] =	vst v63  }
0x4a: {  	s17 =	simm.s32 $0x35A0;
	s18 =	simm.s32 $0x5C20  }
0x4b: {  	[tilespmem:s18], [sflag:$0x1] =	stream.indirect.gather [hbm4b:s2+s11], $0x10, s17, s11, $0xb8;
	[tilespmem:$0x1CC20] =	vst v63  }
0x4c: {  	s6 =	simm.s32 $0x6420;
	s5 =	simm.s32 $0x3620  }
0x4d: {  	[tilespmem:s6], [sflag:$0x1] =	stream.indirect.gather [hbm4b:s2+s11], $0x10, s5, s11, $0xb8;
	[tilespmem:$0x1CC20] =	vst v63  }
0x4e: {  	s8 =	simm.s32 $0x36A0;
	s9 =	simm.s32 $0x6C20  }
0x4f: {  	[tilespmem:s9], [sflag:$0x1] =	stream.indirect.gather [hbm4b:s2+s11], $0x10, s8, s11, $0xb8;
	[tilespmem:$0x1CC20] =	vst v63  }
0x50: {  	s10 =	simm.s32 $0x3720;
	s12 =	simm.s32 $0x7420  }
0x51: {  	[tilespmem:s12], [sflag:$0x1] =	stream.indirect.gather [hbm4b:s2+s11], $0x10, s10, s11, $0xb8;
	[tilespmem:$0x1CC20] =	vst v63  }
0x52: {  	s13 =	simm.s32 $0x37A0;
	s14 =	simm.s32 $0x7C20  }
0x53: {  	[tilespmem:s14], [sflag:$0x1] =	stream.indirect.gather [hbm4b:s2+s11], $0x10, s13, s11, $0xb8;
	[tilespmem:$0x1CC20] =	vst v63  }
0x54: {  	s15 =	simm.s32 $0x3820;
	s16 =	simm.s32 $0x8420  }
0x55: {  	[tilespmem:s16], [sflag:$0x1] =	stream.indirect.gather [hbm4b:s2+s11], $0x10, s15, s11, $0xb8;
	[tilespmem:$0x1CC20] =	vst v63  }
0x56: {  	s17 =	simm.s32 $0x38A0;
	s18 =	simm.s32 $0x8C20  }
0x57: {  	[tilespmem:s18], [sflag:$0x1] =	stream.indirect.gather [hbm4b:s2+s11], $0x10, s17, s11, $0xb8;
	[tilespmem:$0x1CC20] =	vst v63  }
0x58: {  	s5 =	simm.s32 $0x3920;
	s6 =	simm.s32 $0x9420  }
0x59: {  	[tilespmem:s6], [sflag:$0x1] =	stream.indirect.gather [hbm4b:s2+s11], $0x10, s5, s11, $0xb8;
	[tilespmem:$0x1CC20] =	vst v63  }
0x5a: {  	s8 =	simm.s32 $0x39A0;
	s9 =	simm.s32 $0x9C20  }
0x5b: {  	[tilespmem:s9], [sflag:$0x1] =	stream.indirect.gather [hbm4b:s2+s11], $0x10, s8, s11, $0xb8;
	[tilespmem:$0x1CC20] =	vst v63  }
0x5c: {  	s10 =	simm.s32 $0x3A20;
	s12 =	simm.s32 $0xA420  }
0x5d: {  	[tilespmem:s12], [sflag:$0x1] =	stream.indirect.gather [hbm4b:s2+s11], $0x10, s10, s11, $0xb8;
	[tilespmem:$0x1CC20] =	vst v63  }
0x5e: {  	s29 =	simm.s32 $0x0;
	s13 =	simm.s32 $0x3AA0;
	s14 =	simm.s32 $0xAC20  }
0x5f: {  	[tilespmem:s14], [sflag:$0x1] =	stream.indirect.gather [hbm4b:s2+s11], $0x10, s13, s11, $0xb8;
	[tilespmem:$0x1CC20] =	vst v63  }
0x60: {  	s30 =	simm.s32 $0x200;
	s15 =	simm.s32 $0x3B20;
	s16 =	simm.s32 $0xB420  }
0x61: {  	[tilespmem:s16], [sflag:$0x1] =	stream.indirect.gather [hbm4b:s2+s11], $0x10, s15, s11, $0xb8;
	[tilespmem:$0x1CC20] =	vst v63  }
0x62: {  	s31 =	simm.s32 $0x400;
	s17 =	simm.s32 $0x3BA0;
	s18 =	simm.s32 $0xBC20  }
0x63: {  	[tilespmem:s18], [sflag:$0x1] =	stream.indirect.gather [hbm4b:s2+s11], $0x10, s17, s11, $0xb8;
	[tilespmem:$0x1CC20] =	vst v63  }
.LBB2_4:
0x64: {  	v4 =	vmov s30;
	_ =	sdelay $0x3  }
0x65: {  	s1 =	sshllo.u32 s29, $0x1;
	s0 =	simm.s32 $0x0;
	s5 =	simm.s32 $0x40  }
.LBB2_5:
0x66: {  	p0 =	sne.s32 s5, $0x7C0;
	v5 =	vld.idx.msk [tilespmem:v4+s0+$0x0 ss:$0x1], $0xffff;
	_ =	sdelay $0x5  }
0x67: {  	v6 =	vmul.u32 v3, v5;
	v5 =	vmul.u32 v2, v5;
	_ =	sdelay $0x1  }
0x68: {  	v7 =	vshrl.u32 v6, $0x4;
	v8 =	vshrl.u32 v5, $0x4  }
0x69: {  	v7 =	vmulhi.u32 $0x10C70939, v7  }
0x6a: {  	v8 =	vmulhi.u32 $0x10C70939, v8  }
0x6b: {  	v7 =	vshrl.u32 v7, $0xC  }
0x6c: {  	v8 =	vshrl.u32 v8, $0xC;
	v7 =	vmul.u32 $0xF4230, v7  }
0x6d: {  	v8 =	vmul.u32 $0xF4230, v8  }
0x6e: {  	v6 =	vsub.s32 v6, v7  }
0x6f: {  	v5 =	vsub.s32 v5, v8;
	v7 =	vshrl.u32 v6, $0x4;
	v6 =	vand.u32 $0xF, v6  }
0x70: {  	v8 =	vshrl.u32 v5, $0x4;
	v5 =	vand.u32 $0xF, v5;
	[tilespmem:s0+$0x3C20] =	vst v7;
	v7 =	vadd.s32 $0x1, v7  }
.Ltmp1:
0x71: {  	[tilespmem:s0+$0x3E20] =	vst v7;
	v7 =	vadd.s32 $0x1, v8;
	(pc) =	sbr.rel @p0 .LBB2_5-.Ltmp1, $4  }
0x72: {  	[tilespmem:s0+$0x4220] =	vst v7  }
0x73: {  	[tilespmem:s0+$0x4020] =	vst v8  }
0x74: {  	[tilespmem:s0+$0x14620] =	vst v6  }
0x75: {  	[tilespmem:s0+$0x14A20] =	vst v5;
	s0 =	sshra.s32 s5, $0x2;
	s5 =	sadd.s32 $0x40, s5  }
0x76: {  	_ =	sdelay $0x3  }
0x77: {  	v4 =	vld.idx.msk [tilespmem:v4+s0+$0x0 ss:$0x1], $0xffff;
	_ =	sdelay $0x4  }
0x78: {  	v5 =	vmul.u32 v3, v4  }
0x79: {  	v4 =	vmul.u32 v2, v4  }
0x7a: {  	v6 =	vshrl.u32 v5, $0x4  }
0x7b: {  	v7 =	vshrl.u32 v4, $0x4;
	v6 =	vmulhi.u32 $0x10C70939, v6  }
0x7c: {  	v7 =	vmulhi.u32 $0x10C70939, v7  }
0x7d: {  	v6 =	vshrl.u32 v6, $0xC  }
0x7e: {  	v7 =	vshrl.u32 v7, $0xC;
	v6 =	vmul.u32 $0xF4230, v6  }
0x7f: {  	v7 =	vmul.u32 $0xF4230, v7  }
0x80: {  	v5 =	vsub.s32 v5, v6  }
0x81: {  	v4 =	vsub.s32 v4, v7;
	v6 =	vshrl.u32 v5, $0x4  }
0x82: {  	v7 =	vshrl.u32 v4, $0x4;
	[tilespmem:s0+$0x3C20] =	vst v6  }
0x83: {  	v5 =	vand.u32 $0xF, v5;
	[tilespmem:s0+$0x4020] =	vst v7  }
0x84: {  	v4 =	vand.u32 $0xF, v4;
	[tilespmem:s0+$0x14620] =	vst v5  }
0x85: {  	v6 =	vadd.s32 $0x1, v6;
	[tilespmem:s0+$0x14A20] =	vst v4  }
0x86: {  	[tilespmem:s0+$0x3E20] =	vst v6;
	v6 =	vadd.s32 $0x1, v7  }
0x87: {  	s9 =	simm.s32 $0x3C20;
	s5 =	simm.s32 $0xC420;
	[tilespmem:s0+$0x4220] =	vst v6  }
0x88: {  	[tilespmem:s5], [sflag:$0x2] =	stream.indirect.gather [hbm4b:s2+s11], $0x10, s9, s11, $0xb8;
	[tilespmem:$0x1CC20] =	vst v63  }
0x89: {  	s10 =	simm.s32 $0x3CA0;
	s12 =	simm.s32 $0xCC20  }
0x8a: {  	[tilespmem:s12], [sflag:$0x2] =	stream.indirect.gather [hbm4b:s2+s11], $0x10, s10, s11, $0xb8;
	[tilespmem:$0x1CC20] =	vst v63  }
0x8b: {  	s13 =	simm.s32 $0x3D20;
	s14 =	simm.s32 $0xD420  }
0x8c: {  	[tilespmem:s14], [sflag:$0x2] =	stream.indirect.gather [hbm4b:s2+s11], $0x10, s13, s11, $0xb8;
	[tilespmem:$0x1CC20] =	vst v63  }
0x8d: {  	s15 =	simm.s32 $0x3DA0;
	s16 =	simm.s32 $0xDC20  }
0x8e: {  	[tilespmem:s16], [sflag:$0x2] =	stream.indirect.gather [hbm4b:s2+s11], $0x10, s15, s11, $0xb8;
	[tilespmem:$0x1CC20] =	vst v63  }
0x8f: {  	s17 =	simm.s32 $0x3E20;
	s18 =	simm.s32 $0xE420  }
0x90: {  	[tilespmem:s18], [sflag:$0x2] =	stream.indirect.gather [hbm4b:s2+s11], $0x10, s17, s11, $0xb8;
	[tilespmem:$0x1CC20] =	vst v63  }
0x91: {  	s6 =	simm.s32 $0xEC20;
	s5 =	simm.s32 $0x3EA0  }
0x92: {  	[tilespmem:s6], [sflag:$0x2] =	stream.indirect.gather [hbm4b:s2+s11], $0x10, s5, s11, $0xb8;
	[tilespmem:$0x1CC20] =	vst v63  }
0x93: {  	s8 =	simm.s32 $0x3F20;
	s9 =	simm.s32 $0xF420  }
0x94: {  	[tilespmem:s9], [sflag:$0x2] =	stream.indirect.gather [hbm4b:s2+s11], $0x10, s8, s11, $0xb8;
	[tilespmem:$0x1CC20] =	vst v63  }
0x95: {  	s10 =	simm.s32 $0x3FA0;
	s12 =	simm.s32 $0xFC20  }
0x96: {  	[tilespmem:s12], [sflag:$0x2] =	stream.indirect.gather [hbm4b:s2+s11], $0x10, s10, s11, $0xb8;
	[tilespmem:$0x1CC20] =	vst v63  }
0x97: {  	s13 =	simm.s32 $0x4020;
	s14 =	simm.s32 $0x10420  }
0x98: {  	[tilespmem:s14], [sflag:$0x2] =	stream.indirect.gather [hbm4b:s2+s11], $0x10, s13, s11, $0xb8;
	[tilespmem:$0x1CC20] =	vst v63  }
0x99: {  	s15 =	simm.s32 $0x40A0;
	s16 =	simm.s32 $0x10C20  }
0x9a: {  	[tilespmem:s16], [sflag:$0x2] =	stream.indirect.gather [hbm4b:s2+s11], $0x10, s15, s11, $0xb8;
	[tilespmem:$0x1CC20] =	vst v63  }
0x9b: {  	s17 =	simm.s32 $0x4120;
	s18 =	simm.s32 $0x11420  }
0x9c: {  	[tilespmem:s18], [sflag:$0x2] =	stream.indirect.gather [hbm4b:s2+s11], $0x10, s17, s11, $0xb8;
	[tilespmem:$0x1CC20] =	vst v63  }
0x9d: {  	s6 =	simm.s32 $0x41A0;
	s8 =	simm.s32 $0x11C20  }
0x9e: {  	[tilespmem:s8], [sflag:$0x2] =	stream.indirect.gather [hbm4b:s2+s11], $0x10, s6, s11, $0xb8;
	[tilespmem:$0x1CC20] =	vst v63  }
0x9f: {  	s9 =	simm.s32 $0x4220;
	s10 =	simm.s32 $0x12420  }
0xa0: {  	[tilespmem:s10], [sflag:$0x2] =	stream.indirect.gather [hbm4b:s2+s11], $0x10, s9, s11, $0xb8;
	[tilespmem:$0x1CC20] =	vst v63  }
0xa1: {  	s12 =	simm.s32 $0x42A0  }
0xa2: {  	[tilespmem:s19], [sflag:$0x2] =	stream.indirect.gather [hbm4b:s2+s11], $0x10, s12, s11, $0xb8;
	[tilespmem:$0x1CC20] =	vst v63  }
0xa3: {  	_ = 	snop  }
0xa4: {  	[tilespmem:s21], [sflag:$0x2] =	stream.indirect.gather [hbm4b:s2+s11], $0x10, s20, s11, $0xb8;
	[tilespmem:$0x1CC20] =	vst v63  }
0xa5: {  	_ = 	snop  }
0xa6: {  	[tilespmem:s23], [sflag:$0x2] =	stream.indirect.gather [hbm4b:s2+s11], $0x10, s22, s11, $0xb8;
	[tilespmem:$0x1CC20] =	vst v63  }
0xa7: {  	_ =	swait.ge [sflag:s24], $0x800  }
0xa8: {  	[sflag:s24] =	ssyncset.done $0x0  }
0xa9: {  	[sflag:s24] =	ssyncadd.s32 $0xFFFFF800  }
0xaa: {  	_ =	swait.ge [sflag:s24], $0x800  }
0xab: {  	[sflag:s24] =	ssyncset.done $0x0  }
0xac: {  	[sflag:s24] =	ssyncadd.s32 $0xFFFFF800  }
0xad: {  	_ =	swait.ge [sflag:s24], $0x800  }
0xae: {  	[sflag:s24] =	ssyncset.done $0x0  }
0xaf: {  	[sflag:s24] =	ssyncadd.s32 $0xFFFFF800  }
0xb0: {  	_ =	swait.ge [sflag:s24], $0x800  }
0xb1: {  	[sflag:s24] =	ssyncset.done $0x0  }
0xb2: {  	[sflag:s24] =	ssyncadd.s32 $0xFFFFF800  }
0xb3: {  	_ =	swait.ge [sflag:s24], $0x800  }
0xb4: {  	[sflag:s24] =	ssyncset.done $0x0  }
0xb5: {  	[sflag:s24] =	ssyncadd.s32 $0xFFFFF800  }
0xb6: {  	_ =	swait.ge [sflag:s24], $0x800  }
0xb7: {  	[sflag:s24] =	ssyncset.done $0x0  }
0xb8: {  	[sflag:s24] =	ssyncadd.s32 $0xFFFFF800  }
0xb9: {  	_ =	swait.ge [sflag:s24], $0x800  }
0xba: {  	[sflag:s24] =	ssyncset.done $0x0  }
0xbb: {  	[sflag:s24] =	ssyncadd.s32 $0xFFFFF800  }
0xbc: {  	_ =	swait.ge [sflag:s24], $0x800  }
0xbd: {  	[sflag:s24] =	ssyncset.done $0x0  }
0xbe: {  	[sflag:s24] =	ssyncadd.s32 $0xFFFFF800  }
0xbf: {  	_ =	swait.ge [sflag:s24], $0x800  }
0xc0: {  	[sflag:s24] =	ssyncset.done $0x0  }
0xc1: {  	[sflag:s24] =	ssyncadd.s32 $0xFFFFF800  }
0xc2: {  	_ =	swait.ge [sflag:s24], $0x800  }
0xc3: {  	[sflag:s24] =	ssyncset.done $0x0  }
0xc4: {  	[sflag:s24] =	ssyncadd.s32 $0xFFFFF800  }
0xc5: {  	_ =	swait.ge [sflag:s24], $0x800  }
0xc6: {  	[sflag:s24] =	ssyncset.done $0x0  }
0xc7: {  	[sflag:s24] =	ssyncadd.s32 $0xFFFFF800  }
0xc8: {  	_ =	swait.ge [sflag:s24], $0x800  }
0xc9: {  	[sflag:s24] =	ssyncset.done $0x0  }
0xca: {  	[sflag:s24] =	ssyncadd.s32 $0xFFFFF800  }
0xcb: {  	_ =	swait.ge [sflag:s24], $0x800  }
0xcc: {  	[sflag:s24] =	ssyncset.done $0x0  }
0xcd: {  	[sflag:s24] =	ssyncadd.s32 $0xFFFFF800  }
0xce: {  	_ =	swait.ge [sflag:s24], $0x800  }
0xcf: {  	[sflag:s24] =	ssyncset.done $0x0  }
0xd0: {  	[sflag:s24] =	ssyncadd.s32 $0xFFFFF800  }
0xd1: {  	_ =	swait.ge [sflag:s24], $0x800  }
0xd2: {  	[sflag:s24] =	ssyncset.done $0x0  }
0xd3: {  	[sflag:s24] =	ssyncadd.s32 $0xFFFFF800  }
0xd4: {  	_ =	swait.ge [sflag:s24], $0x800  }
0xd5: {  	p0 =	seq.s32 s29, $0x0;
	[sflag:s24] =	ssyncset.done $0x0  }
0xd6: {  	s0 =	simm.s32 @!p0 $0x3;
	[sflag:s24] =	ssyncadd.s32 $0xFFFFF800  }
0xd7: {  	_ =	swait.ge @!p0 [sflag:s0], $0x4000  }
0xd8: {  	[sflag:s0] =	ssyncset.done @!p0 $0x0  }
0xd9: {  	s13 =	simm.s32 $0x14420;
	[sflag:s0] =	ssyncadd.s32 @!p0 $0xFFFFC000  }
0xda: {  	v5 =	vld [tilespmem:s13+$0x0]  }
0xdb: {  	s9 =	simm.s32 $0x0  }
0xdc: {  	v4 =	vld [tilespmem:s9+$0x4420]  }
0xdd: {  	v6 =	vld [tilespmem:s9+$0x6420];
	_ =	sdelay $0x1  }
0xde: {  	v7 =	vbroadcast v5, $0x0;
	_ =	sdelay $0x1  }
0xdf: {  	vm0 =	vlt.s32 v7, v1  }
0xe0: {  	v4 =	vsel vm0, v4, v6;
	v6 =	vadd.s32 v0, v7  }
0xe1: {  	s14 =	simm.s32 $0x14820;
	v6 =	vperm.xlane v4, v6  }
0xe2: {  	s0 =	simm.s32 $0x14D20;
	v4 =	vld [tilespmem:s14+$0x0]  }
0xe3: {  	[tilespmem:s0+$0xFFFFFF00] =	vst v6  }
0xe4: {  	v6 =	vld [tilespmem:s9+$0x8420]  }
0xe5: {  	v7 =	vld [tilespmem:s9+$0xA420];
	_ =	sdelay $0x1  }
0xe6: {  	v8 =	vbroadcast v4, $0x0;
	_ =	sdelay $0x1  }
0xe7: {  	vm0 =	vlt.s32 v8, v1  }
0xe8: {  	v6 =	vsel vm0, v6, v7;
	v7 =	vadd.s32 v0, v8  }
0xe9: {  	v6 =	vperm.xlane v6, v7;
	_ =	sdelay $0x1  }
0xea: {  	[tilespmem:s0+$0xFFFFFF10] =	vst v6  }
0xeb: {  	v6 =	vld [tilespmem:s9+$0x4430]  }
0xec: {  	v7 =	vld [tilespmem:s9+$0x6430];
	_ =	sdelay $0x1  }
0xed: {  	v8 =	vbroadcast v5, $0x1;
	_ =	sdelay $0x1  }
0xee: {  	vm0 =	vlt.s32 v8, v1  }
0xef: {  	v6 =	vsel vm0, v6, v7;
	v7 =	vadd.s32 v0, v8  }
0xf0: {  	v6 =	vperm.xlane v6, v7;
	_ =	sdelay $0x1  }
0xf1: {  	[tilespmem:s0+$0xFFFFFF20] =	vst v6  }
0xf2: {  	v6 =	vld [tilespmem:s9+$0x8430]  }
0xf3: {  	v7 =	vld [tilespmem:s9+$0xA430];
	_ =	sdelay $0x1  }
0xf4: {  	v8 =	vbroadcast v4, $0x1;
	_ =	sdelay $0x1  }
0xf5: {  	vm0 =	vlt.s32 v8, v1  }
0xf6: {  	v6 =	vsel vm0, v6, v7;
	v7 =	vadd.s32 v0, v8  }
0xf7: {  	v6 =	vperm.xlane v6, v7;
	_ =	sdelay $0x1  }
0xf8: {  	[tilespmem:s0+$0xFFFFFF30] =	vst v6  }
0xf9: {  	v6 =	vld [tilespmem:s9+$0x4440]  }
0xfa: {  	v7 =	vld [tilespmem:s9+$0x6440];
	_ =	sdelay $0x1  }
0xfb: {  	v8 =	vbroadcast v5, $0x2;
	_ =	sdelay $0x1  }
0xfc: {  	vm0 =	vlt.s32 v8, v1  }
0xfd: {  	v6 =	vsel vm0, v6, v7;
	v7 =	vadd.s32 v0, v8  }
0xfe: {  	v6 =	vperm.xlane v6, v7;
	_ =	sdelay $0x1  }
0xff: {  	[tilespmem:s0+$0xFFFFFF40] =	vst v6  }
0x100: {  	v6 =	vld [tilespmem:s9+$0x8440]  }
0x101: {  	v7 =	vld [tilespmem:s9+$0xA440];
	_ =	sdelay $0x1  }
0x102: {  	v8 =	vbroadcast v4, $0x2;
	_ =	sdelay $0x1  }
0x103: {  	vm0 =	vlt.s32 v8, v1  }
0x104: {  	v6 =	vsel vm0, v6, v7;
	v7 =	vadd.s32 v0, v8  }
0x105: {  	v6 =	vperm.xlane v6, v7;
	_ =	sdelay $0x1  }
0x106: {  	[tilespmem:s0+$0xFFFFFF50] =	vst v6  }
0x107: {  	v6 =	vld [tilespmem:s9+$0x4450]  }
0x108: {  	v8 =	vld [tilespmem:s9+$0x6450];
	_ =	sdelay $0x1  }
0x109: {  	s15 =	simm.s32 $0x14430;
	v9 =	vbroadcast v5, $0x3  }
0x10a: {  	v7 =	vld [tilespmem:s15+$0x0]  }
0x10b: {  	s6 =	simm.s32 $0x100;
	vm0 =	vlt.s32 v9, v1  }
0x10c: {  	v10 =	vld [tilespmem:s6+$0x4420];
	v6 =	vsel vm0, v6, v8;
	v8 =	vadd.s32 v0, v9  }
0x10d: {  	v9 =	vld [tilespmem:s6+$0x6420];
	v6 =	vperm.xlane v6, v8;
	_ =	sdelay $0x1  }
0x10e: {  	v8 =	vbroadcast v7, $0x0;
	[tilespmem:s0+$0xFFFFFF60] =	vst v6  }
0x10f: {  	v11 =	vld [tilespmem:s9+$0x8450]  }
0x110: {  	vm0 =	vlt.s32 v8, v1;
	v12 =	vld [tilespmem:s9+$0xA450]  }
0x111: {  	v8 =	vadd.s32 v0, v8;
	v6 =	vsel vm0, v10, v9  }
0x112: {  	s16 =	simm.s32 $0x14830;
	v9 =	vbroadcast v4, $0x3;
	v8 =	vperm.xlane v6, v8  }
0x113: {  	s5 =	simm.s32 $0x14F20;
	v6 =	vld [tilespmem:s16+$0x0]  }
0x114: {  	vm0 =	vlt.s32 v9, v1;
	[tilespmem:s5+$0xFFFFFF00] =	vst v8  }
0x115: {  	v9 =	vadd.s32 v0, v9;
	v8 =	vld [tilespmem:s6+$0x8420];
	v10 =	vsel vm0, v11, v12  }
0x116: {  	v11 =	vld [tilespmem:s6+$0xA420];
	v9 =	vperm.xlane v10, v9;
	_ =	sdelay $0x1  }
0x117: {  	v10 =	vbroadcast v6, $0x0;
	[tilespmem:s0+$0xFFFFFF70] =	vst v9  }
0x118: {  	v9 =	vld [tilespmem:s9+$0x4460]  }
0x119: {  	vm0 =	vlt.s32 v10, v1;
	v12 =	vld [tilespmem:s9+$0x6460]  }
0x11a: {  	v10 =	vadd.s32 v0, v10;
	v8 =	vsel vm0, v8, v11  }
0x11b: {  	v8 =	vperm.xlane v8, v10;
	v10 =	vbroadcast v5, $0x4;
	_ =	sdelay $0x1  }
0x11c: {  	[tilespmem:s5+$0xFFFFFF10] =	vst v8;
	vm0 =	vlt.s32 v10, v1  }
0x11d: {  	v10 =	vadd.s32 v0, v10;
	v8 =	vld [tilespmem:s6+$0x4430];
	v9 =	vsel vm0, v9, v12  }
0x11e: {  	v11 =	vld [tilespmem:s6+$0x6430];
	v9 =	vperm.xlane v9, v10;
	_ =	sdelay $0x1  }
0x11f: {  	v10 =	vbroadcast v7, $0x1;
	[tilespmem:s0+$0xFFFFFF80] =	vst v9  }
0x120: {  	v9 =	vld [tilespmem:s9+$0x8460]  }
0x121: {  	vm0 =	vlt.s32 v10, v1;
	v12 =	vld [tilespmem:s9+$0xA460]  }
0x122: {  	v10 =	vadd.s32 v0, v10;
	v8 =	vsel vm0, v8, v11  }
0x123: {  	v8 =	vperm.xlane v8, v10;
	v10 =	vbroadcast v4, $0x4;
	_ =	sdelay $0x1  }
0x124: {  	[tilespmem:s5+$0xFFFFFF20] =	vst v8;
	vm0 =	vlt.s32 v10, v1  }
0x125: {  	v10 =	vadd.s32 v0, v10;
	v8 =	vld [tilespmem:s6+$0x8430];
	v9 =	vsel vm0, v9, v12  }
0x126: {  	v11 =	vld [tilespmem:s6+$0xA430];
	v9 =	vperm.xlane v9, v10;
	_ =	sdelay $0x1  }
0x127: {  	v10 =	vbroadcast v6, $0x1;
	[tilespmem:s0+$0xFFFFFF90] =	vst v9  }
0x128: {  	v9 =	vld [tilespmem:s9+$0x4470]  }
0x129: {  	vm0 =	vlt.s32 v10, v1;
	v12 =	vld [tilespmem:s9+$0x6470]  }
0x12a: {  	v10 =	vadd.s32 v0, v10;
	v8 =	vsel vm0, v8, v11  }
0x12b: {  	v8 =	vperm.xlane v8, v10;
	v10 =	vbroadcast v5, $0x5;
	_ =	sdelay $0x1  }
0x12c: {  	[tilespmem:s5+$0xFFFFFF30] =	vst v8;
	vm0 =	vlt.s32 v10, v1  }
0x12d: {  	v10 =	vadd.s32 v0, v10;
	v8 =	vld [tilespmem:s6+$0x4440];
	v9 =	vsel vm0, v9, v12  }
0x12e: {  	v11 =	vld [tilespmem:s6+$0x6440];
	v9 =	vperm.xlane v9, v10;
	_ =	sdelay $0x1  }
0x12f: {  	v10 =	vbroadcast v7, $0x2;
	[tilespmem:s0+$0xFFFFFFA0] =	vst v9  }
0x130: {  	v9 =	vld [tilespmem:s9+$0x8470]  }
0x131: {  	vm0 =	vlt.s32 v10, v1;
	v12 =	vld [tilespmem:s9+$0xA470]  }
0x132: {  	v10 =	vadd.s32 v0, v10;
	v8 =	vsel vm0, v8, v11  }
0x133: {  	v8 =	vperm.xlane v8, v10;
	v10 =	vbroadcast v4, $0x5;
	_ =	sdelay $0x1  }
0x134: {  	[tilespmem:s5+$0xFFFFFF40] =	vst v8;
	vm0 =	vlt.s32 v10, v1  }
0x135: {  	v10 =	vadd.s32 v0, v10;
	v8 =	vld [tilespmem:s6+$0x8440];
	v9 =	vsel vm0, v9, v12  }
0x136: {  	v11 =	vld [tilespmem:s6+$0xA440];
	v9 =	vperm.xlane v9, v10;
	_ =	sdelay $0x1  }
0x137: {  	v10 =	vbroadcast v6, $0x2;
	[tilespmem:s0+$0xFFFFFFB0] =	vst v9  }
0x138: {  	v9 =	vld [tilespmem:s9+$0x4480]  }
0x139: {  	vm0 =	vlt.s32 v10, v1;
	v12 =	vld [tilespmem:s9+$0x6480]  }
0x13a: {  	v10 =	vadd.s32 v0, v10;
	v8 =	vsel vm0, v8, v11  }
0x13b: {  	v8 =	vperm.xlane v8, v10;
	v10 =	vbroadcast v5, $0x6;
	_ =	sdelay $0x1  }
0x13c: {  	[tilespmem:s5+$0xFFFFFF50] =	vst v8;
	vm0 =	vlt.s32 v10, v1  }
0x13d: {  	v10 =	vadd.s32 v0, v10;
	v8 =	vld [tilespmem:s6+$0x4450];
	v9 =	vsel vm0, v9, v12  }
0x13e: {  	v11 =	vld [tilespmem:s6+$0x6450];
	v10 =	vperm.xlane v9, v10  }
0x13f: {  	s8 =	simm.s32 $0x14440  }
0x140: {  	v12 =	vbroadcast v7, $0x3;
	v9 =	vld [tilespmem:s8+$0x0];
	[tilespmem:s0+$0xFFFFFFC0] =	vst v10  }
0x141: {  	v10 =	vld [tilespmem:s9+$0x8480]  }
0x142: {  	s10 =	simm.s32 $0x200;
	vm0 =	vlt.s32 v12, v1;
	v13 =	vld [tilespmem:s9+$0xA480]  }
0x143: {  	v14 =	vld [tilespmem:s10+$0x4420];
	v8 =	vsel vm0, v8, v11;
	v11 =	vadd.s32 v0, v12  }
0x144: {  	v12 =	vld [tilespmem:s10+$0x6420];
	v8 =	vperm.xlane v8, v11;
	v11 =	vbroadcast v4, $0x6;
	_ =	sdelay $0x1  }
0x145: {  	v15 =	vbroadcast v9, $0x0;
	[tilespmem:s5+$0xFFFFFF60] =	vst v8;
	vm0 =	vlt.s32 v11, v1  }
0x146: {  	v16 =	vld [tilespmem:s6+$0x8450];
	v8 =	vsel vm0, v10, v13;
	v10 =	vadd.s32 v0, v11  }
0x147: {  	vm0 =	vlt.s32 v15, v1;
	v11 =	vld [tilespmem:s6+$0xA450];
	v10 =	vperm.xlane v8, v10  }
0x148: {  	s17 =	simm.s32 $0x14840;
	v13 =	vadd.s32 v0, v15;
	v12 =	vsel vm0, v14, v12  }
0x149: {  	v8 =	vld [tilespmem:s17+$0x0];
	v12 =	vperm.xlane v12, v13;
	v13 =	vbroadcast v6, $0x3;
	[tilespmem:s0+$0xFFFFFFD0] =	vst v10  }
0x14a: {  	s8 =	simm.s32 $0x15120;
	v10 =	vld [tilespmem:s9+$0x4490]  }
0x14b: {  	[tilespmem:s8+$0xFFFFFF00] =	vst v12;
	vm0 =	vlt.s32 v13, v1;
	v12 =	vld [tilespmem:s9+$0x6490]  }
0x14c: {  	v13 =	vadd.s32 v0, v13;
	v14 =	vld [tilespmem:s10+$0x8420];
	v11 =	vsel vm0, v16, v11  }
0x14d: {  	v15 =	vld [tilespmem:s10+$0xA420];
	v11 =	vperm.xlane v11, v13;
	v13 =	vbroadcast v5, $0x7;
	_ =	sdelay $0x1  }
0x14e: {  	v16 =	vbroadcast v8, $0x0;
	[tilespmem:s5+$0xFFFFFF70] =	vst v11;
	vm0 =	vlt.s32 v13, v1  }
0x14f: {  	v11 =	vld [tilespmem:s6+$0x4460];
	v10 =	vsel vm0, v10, v12;
	v12 =	vadd.s32 v0, v13  }
0x150: {  	vm0 =	vlt.s32 v16, v1;
	v13 =	vld [tilespmem:s6+$0x6460];
	v10 =	vperm.xlane v10, v12  }
0x151: {  	v12 =	vsel vm0, v14, v15;
	v14 =	vadd.s32 v0, v16  }
0x152: {  	v12 =	vperm.xlane v12, v14;
	v14 =	vbroadcast v7, $0x4;
	[tilespmem:s0+$0xFFFFFFE0] =	vst v10  }
0x153: {  	v10 =	vld [tilespmem:s9+$0x8490]  }
0x154: {  	[tilespmem:s8+$0xFFFFFF10] =	vst v12;
	vm0 =	vlt.s32 v14, v1;
	v12 =	vld [tilespmem:s9+$0xA490]  }
0x155: {  	v15 =	vld [tilespmem:s10+$0x4430];
	v11 =	vsel vm0, v11, v13;
	v13 =	vadd.s32 v0, v14  }
0x156: {  	v14 =	vld [tilespmem:s10+$0x6430];
	v11 =	vperm.xlane v11, v13;
	v13 =	vbroadcast v4, $0x7;
	_ =	sdelay $0x1  }
0x157: {  	v16 =	vbroadcast v9, $0x1;
	[tilespmem:s5+$0xFFFFFF80] =	vst v11;
	vm0 =	vlt.s32 v13, v1  }
0x158: {  	v11 =	vld [tilespmem:s6+$0x8460];
	v10 =	vsel vm0, v10, v12;
	v12 =	vadd.s32 v0, v13  }
0x159: {  	vm0 =	vlt.s32 v16, v1;
	v13 =	vld [tilespmem:s6+$0xA460];
	v10 =	vperm.xlane v10, v12  }
0x15a: {  	v12 =	vsel vm0, v15, v14;
	v14 =	vadd.s32 v0, v16  }
0x15b: {  	v12 =	vperm.xlane v12, v14;
	v14 =	vbroadcast v6, $0x4;
	[tilespmem:s0+$0xFFFFFFF0] =	vst v10  }
0x15c: {  	v10 =	vld [tilespmem:s9+$0x44A0]  }
0x15d: {  	[tilespmem:s8+$0xFFFFFF20] =	vst v12;
	vm0 =	vlt.s32 v14, v1;
	v12 =	vld [tilespmem:s9+$0x64A0]  }
0x15e: {  	v15 =	vld [tilespmem:s10+$0x8430];
	v11 =	vsel vm0, v11, v13;
	v13 =	vadd.s32 v0, v14  }
0x15f: {  	v14 =	vld [tilespmem:s10+$0xA430];
	v11 =	vperm.xlane v11, v13;
	v13 =	vbroadcast v5, $0x8;
	_ =	sdelay $0x1  }
0x160: {  	v16 =	vbroadcast v8, $0x1;
	[tilespmem:s5+$0xFFFFFF90] =	vst v11;
	vm0 =	vlt.s32 v13, v1  }
0x161: {  	v11 =	vld [tilespmem:s6+$0x4470];
	v10 =	vsel vm0, v10, v12;
	v12 =	vadd.s32 v0, v13  }
0x162: {  	vm0 =	vlt.s32 v16, v1;
	v13 =	vld [tilespmem:s6+$0x6470];
	v10 =	vperm.xlane v10, v12  }
0x163: {  	v12 =	vsel vm0, v15, v14;
	v14 =	vadd.s32 v0, v16  }
0x164: {  	v12 =	vperm.xlane v12, v14;
	v14 =	vbroadcast v7, $0x5;
	[tilespmem:s0+$0x0] =	vst v10  }
0x165: {  	v10 =	vld [tilespmem:s9+$0x84A0]  }
0x166: {  	[tilespmem:s8+$0xFFFFFF30] =	vst v12;
	vm0 =	vlt.s32 v14, v1;
	v12 =	vld [tilespmem:s9+$0xA4A0]  }
0x167: {  	v15 =	vld [tilespmem:s10+$0x4440];
	v11 =	vsel vm0, v11, v13;
	v13 =	vadd.s32 v0, v14  }
0x168: {  	v14 =	vld [tilespmem:s10+$0x6440];
	v11 =	vperm.xlane v11, v13;
	v13 =	vbroadcast v4, $0x8;
	_ =	sdelay $0x1  }
0x169: {  	v16 =	vbroadcast v9, $0x2;
	[tilespmem:s5+$0xFFFFFFA0] =	vst v11;
	vm0 =	vlt.s32 v13, v1  }
0x16a: {  	v11 =	vld [tilespmem:s6+$0x8470];
	v10 =	vsel vm0, v10, v12;
	v12 =	vadd.s32 v0, v13  }
0x16b: {  	vm0 =	vlt.s32 v16, v1;
	v13 =	vld [tilespmem:s6+$0xA470];
	v10 =	vperm.xlane v10, v12  }
0x16c: {  	v12 =	vsel vm0, v15, v14;
	v14 =	vadd.s32 v0, v16  }
0x16d: {  	v12 =	vperm.xlane v12, v14;
	v14 =	vbroadcast v6, $0x5;
	[tilespmem:s0+$0x10] =	vst v10  }
0x16e: {  	v10 =	vld [tilespmem:s9+$0x44B0]  }
0x16f: {  	[tilespmem:s8+$0xFFFFFF40] =	vst v12;
	vm0 =	vlt.s32 v14, v1;
	v12 =	vld [tilespmem:s9+$0x64B0]  }
0x170: {  	v15 =	vld [tilespmem:s10+$0x8440];
	v11 =	vsel vm0, v11, v13;
	v13 =	vadd.s32 v0, v14  }
0x171: {  	v14 =	vld [tilespmem:s10+$0xA440];
	v11 =	vperm.xlane v11, v13;
	v13 =	vbroadcast v5, $0x9;
	_ =	sdelay $0x1  }
0x172: {  	v16 =	vbroadcast v8, $0x2;
	[tilespmem:s5+$0xFFFFFFB0] =	vst v11;
	vm0 =	vlt.s32 v13, v1  }
0x173: {  	v11 =	vld [tilespmem:s6+$0x4480];
	v10 =	vsel vm0, v10, v12;
	v12 =	vadd.s32 v0, v13  }
0x174: {  	vm0 =	vlt.s32 v16, v1;
	v13 =	vld [tilespmem:s6+$0x6480];
	v10 =	vperm.xlane v10, v12  }
0x175: {  	v12 =	vsel vm0, v15, v14;
	v14 =	vadd.s32 v0, v16  }
0x176: {  	v12 =	vperm.xlane v12, v14;
	v14 =	vbroadcast v7, $0x6;
	[tilespmem:s0+$0x20] =	vst v10  }
0x177: {  	v10 =	vld [tilespmem:s9+$0x84B0]  }
0x178: {  	[tilespmem:s8+$0xFFFFFF50] =	vst v12;
	vm0 =	vlt.s32 v14, v1;
	v12 =	vld [tilespmem:s9+$0xA4B0]  }
0x179: {  	v15 =	vld [tilespmem:s10+$0x4450];
	v11 =	vsel vm0, v11, v13;
	v13 =	vadd.s32 v0, v14  }
0x17a: {  	v16 =	vbroadcast v4, $0x9;
	v14 =	vld [tilespmem:s10+$0x6450];
	v13 =	vperm.xlane v11, v13  }
0x17b: {  	s12 =	simm.s32 $0x14450  }
0x17c: {  	v17 =	vbroadcast v9, $0x3;
	vm0 =	vlt.s32 v16, v1;
	v11 =	vld [tilespmem:s12+$0x0];
	[tilespmem:s5+$0xFFFFFFC0] =	vst v13  }
0x17d: {  	v13 =	vld [tilespmem:s6+$0x8480];
	v10 =	vsel vm0, v10, v12;
	v12 =	vadd.s32 v0, v16  }
0x17e: {  	s13 =	simm.s32 $0x300;
	vm0 =	vlt.s32 v17, v1;
	v16 =	vld [tilespmem:s6+$0xA480];
	v10 =	vperm.xlane v10, v12  }
0x17f: {  	v12 =	vld [tilespmem:s13+$0x4420];
	v14 =	vsel vm0, v15, v14;
	v15 =	vadd.s32 v0, v17  }
0x180: {  	v17 =	vld [tilespmem:s13+$0x6420];
	v14 =	vperm.xlane v14, v15;
	v15 =	vbroadcast v6, $0x6;
	[tilespmem:s0+$0x30] =	vst v10  }
0x181: {  	v18 =	vld [tilespmem:s9+$0x44C0]  }
0x182: {  	v10 =	vbroadcast v11, $0x0;
	[tilespmem:s8+$0xFFFFFF60] =	vst v14;
	vm0 =	vlt.s32 v15, v1;
	v14 =	vld [tilespmem:s9+$0x64C0]  }
0x183: {  	v15 =	vadd.s32 v0, v15;
	v19 =	vld [tilespmem:s10+$0x8450];
	v13 =	vsel vm0, v13, v16  }
0x184: {  	vm0 =	vlt.s32 v10, v1;
	v16 =	vld [tilespmem:s10+$0xA450];
	v13 =	vperm.xlane v13, v15;
	v15 =	vbroadcast v5, $0xA  }
0x185: {  	s18 =	simm.s32 $0x14850;
	v12 =	vsel vm0, v12, v17;
	v17 =	vadd.s32 v0, v10  }
0x186: {  	v10 =	vld [tilespmem:s18+$0x0];
	v12 =	vperm.xlane v12, v17;
	v17 =	vbroadcast v8, $0x3;
	[tilespmem:s5+$0xFFFFFFD0] =	vst v13;
	vm0 =	vlt.s32 v15, v1  }
0x187: {  	s12 =	simm.s32 $0x15320;
	v15 =	vadd.s32 v0, v15;
	v13 =	vld [tilespmem:s6+$0x4490];
	v14 =	vsel vm0, v18, v14  }
0x188: {  	[tilespmem:s12+$0xFFFFFF00] =	vst v12;
	vm0 =	vlt.s32 v17, v1;
	v12 =	vld [tilespmem:s6+$0x6490];
	v14 =	vperm.xlane v14, v15  }
0x189: {  	v17 =	vadd.s32 v0, v17;
	v15 =	vld [tilespmem:s13+$0x8420];
	v16 =	vsel vm0, v19, v16  }
0x18a: {  	v18 =	vld [tilespmem:s13+$0xA420];
	v16 =	vperm.xlane v16, v17;
	v17 =	vbroadcast v7, $0x7;
	[tilespmem:s0+$0x40] =	vst v14  }
0x18b: {  	v14 =	vld [tilespmem:s9+$0x84C0]  }
0x18c: {  	v19 =	vbroadcast v10, $0x0;
	[tilespmem:s8+$0xFFFFFF70] =	vst v16;
	vm0 =	vlt.s32 v17, v1;
	v16 =	vld [tilespmem:s9+$0xA4C0]  }
0x18d: {  	v20 =	vld [tilespmem:s10+$0x4460];
	v12 =	vsel vm0, v13, v12;
	v13 =	vadd.s32 v0, v17  }
0x18e: {  	vm0 =	vlt.s32 v19, v1;
	v17 =	vld [tilespmem:s10+$0x6460];
	v12 =	vperm.xlane v12, v13;
	v13 =	vbroadcast v4, $0xA  }
0x18f: {  	v15 =	vsel vm0, v15, v18;
	v18 =	vadd.s32 v0, v19  }
0x190: {  	v15 =	vperm.xlane v15, v18;
	v18 =	vbroadcast v9, $0x4;
	[tilespmem:s5+$0xFFFFFFE0] =	vst v12;
	vm0 =	vlt.s32 v13, v1  }
0x191: {  	v13 =	vadd.s32 v0, v13;
	v12 =	vld [tilespmem:s6+$0x8490];
	v14 =	vsel vm0, v14, v16  }
0x192: {  	[tilespmem:s12+$0xFFFFFF10] =	vst v15;
	vm0 =	vlt.s32 v18, v1;
	v15 =	vld [tilespmem:s6+$0xA490];
	v13 =	vperm.xlane v14, v13  }
0x193: {  	v14 =	vld [tilespmem:s13+$0x4430];
	v16 =	vsel vm0, v20, v17;
	v17 =	vadd.s32 v0, v18  }
0x194: {  	v18 =	vld [tilespmem:s13+$0x6430];
	v16 =	vperm.xlane v16, v17;
	v17 =	vbroadcast v6, $0x7;
	[tilespmem:s0+$0x50] =	vst v13  }
0x195: {  	v13 =	vld [tilespmem:s9+$0x44D0]  }
0x196: {  	v19 =	vbroadcast v11, $0x1;
	[tilespmem:s8+$0xFFFFFF80] =	vst v16;
	vm0 =	vlt.s32 v17, v1;
	v16 =	vld [tilespmem:s9+$0x64D0]  }
0x197: {  	v20 =	vld [tilespmem:s10+$0x8460];
	v12 =	vsel vm0, v12, v15;
	v15 =	vadd.s32 v0, v17  }
0x198: {  	vm0 =	vlt.s32 v19, v1;
	v17 =	vld [tilespmem:s10+$0xA460];
	v12 =	vperm.xlane v12, v15;
	v15 =	vbroadcast v5, $0xB  }
0x199: {  	v14 =	vsel vm0, v14, v18;
	v18 =	vadd.s32 v0, v19  }
0x19a: {  	v14 =	vperm.xlane v14, v18;
	v18 =	vbroadcast v8, $0x4;
	[tilespmem:s5+$0xFFFFFFF0] =	vst v12;
	vm0 =	vlt.s32 v15, v1  }
0x19b: {  	v15 =	vadd.s32 v0, v15;
	v12 =	vld [tilespmem:s6+$0x44A0];
	v13 =	vsel vm0, v13, v16  }
0x19c: {  	[tilespmem:s12+$0xFFFFFF20] =	vst v14;
	vm0 =	vlt.s32 v18, v1;
	v14 =	vld [tilespmem:s6+$0x64A0];
	v13 =	vperm.xlane v13, v15  }
0x19d: {  	v15 =	vld [tilespmem:s13+$0x8430];
	v16 =	vsel vm0, v20, v17;
	v17 =	vadd.s32 v0, v18  }
0x19e: {  	v18 =	vld [tilespmem:s13+$0xA430];
	v16 =	vperm.xlane v16, v17;
	v17 =	vbroadcast v7, $0x8;
	[tilespmem:s0+$0x60] =	vst v13  }
0x19f: {  	v13 =	vld [tilespmem:s9+$0x84D0]  }
0x1a0: {  	v19 =	vbroadcast v10, $0x1;
	[tilespmem:s8+$0xFFFFFF90] =	vst v16;
	vm0 =	vlt.s32 v17, v1;
	v16 =	vld [tilespmem:s9+$0xA4D0]  }
0x1a1: {  	v20 =	vld [tilespmem:s10+$0x4470];
	v12 =	vsel vm0, v12, v14;
	v14 =	vadd.s32 v0, v17  }
0x1a2: {  	vm0 =	vlt.s32 v19, v1;
	v17 =	vld [tilespmem:s10+$0x6470];
	v12 =	vperm.xlane v12, v14;
	v14 =	vbroadcast v4, $0xB  }
0x1a3: {  	v15 =	vsel vm0, v15, v18;
	v18 =	vadd.s32 v0, v19  }
0x1a4: {  	v15 =	vperm.xlane v15, v18;
	v18 =	vbroadcast v9, $0x5;
	[tilespmem:s5+$0x0] =	vst v12;
	vm0 =	vlt.s32 v14, v1  }
0x1a5: {  	v14 =	vadd.s32 v0, v14;
	v12 =	vld [tilespmem:s6+$0x84A0];
	v13 =	vsel vm0, v13, v16  }
0x1a6: {  	[tilespmem:s12+$0xFFFFFF30] =	vst v15;
	vm0 =	vlt.s32 v18, v1;
	v15 =	vld [tilespmem:s6+$0xA4A0];
	v13 =	vperm.xlane v13, v14  }
0x1a7: {  	v14 =	vld [tilespmem:s13+$0x4440];
	v16 =	vsel vm0, v20, v17;
	v17 =	vadd.s32 v0, v18  }
0x1a8: {  	v18 =	vld [tilespmem:s13+$0x6440];
	v16 =	vperm.xlane v16, v17;
	v17 =	vbroadcast v6, $0x8;
	[tilespmem:s0+$0x70] =	vst v13  }
0x1a9: {  	v13 =	vld [tilespmem:s9+$0x44E0]  }
0x1aa: {  	v19 =	vbroadcast v11, $0x2;
	[tilespmem:s8+$0xFFFFFFA0] =	vst v16;
	vm0 =	vlt.s32 v17, v1;
	v16 =	vld [tilespmem:s9+$0x64E0]  }
0x1ab: {  	v20 =	vld [tilespmem:s10+$0x8470];
	v12 =	vsel vm0, v12, v15;
	v15 =	vadd.s32 v0, v17  }
0x1ac: {  	vm0 =	vlt.s32 v19, v1;
	v17 =	vld [tilespmem:s10+$0xA470];
	v12 =	vperm.xlane v12, v15;
	v15 =	vbroadcast v5, $0xC  }
0x1ad: {  	v14 =	vsel vm0, v14, v18;
	v18 =	vadd.s32 v0, v19  }
0x1ae: {  	v14 =	vperm.xlane v14, v18;
	v18 =	vbroadcast v8, $0x5;
	[tilespmem:s5+$0x10] =	vst v12;
	vm0 =	vlt.s32 v15, v1  }
0x1af: {  	v15 =	vadd.s32 v0, v15;
	v12 =	vld [tilespmem:s6+$0x44B0];
	v13 =	vsel vm0, v13, v16  }
0x1b0: {  	[tilespmem:s12+$0xFFFFFF40] =	vst v14;
	vm0 =	vlt.s32 v18, v1;
	v14 =	vld [tilespmem:s6+$0x64B0];
	v13 =	vperm.xlane v13, v15  }
0x1b1: {  	v15 =	vld [tilespmem:s13+$0x8440];
	v16 =	vsel vm0, v20, v17;
	v17 =	vadd.s32 v0, v18  }
0x1b2: {  	v18 =	vld [tilespmem:s13+$0xA440];
	v16 =	vperm.xlane v16, v17;
	v17 =	vbroadcast v7, $0x9;
	[tilespmem:s0+$0x80] =	vst v13  }
0x1b3: {  	v19 =	vld [tilespmem:s9+$0x84E0]  }
0x1b4: {  	v13 =	vbroadcast v10, $0x2;
	[tilespmem:s8+$0xFFFFFFB0] =	vst v16;
	vm0 =	vlt.s32 v17, v1;
	v16 =	vld [tilespmem:s9+$0xA4E0]  }
0x1b5: {  	v20 =	vld [tilespmem:s10+$0x4480];
	v12 =	vsel vm0, v12, v14;
	v14 =	vadd.s32 v0, v17  }
0x1b6: {  	v21 =	vbroadcast v4, $0xC;
	s15 =	simm.s32 $0x400;
	vm0 =	vlt.s32 v13, v1;
	v17 =	vld [tilespmem:s10+$0x6480];
	v14 =	vperm.xlane v12, v14  }
0x1b7: {  	v23 =	vld [tilespmem:s15+$0x4420];
	s17 =	simm.s32 $0x14460;
	v15 =	vsel vm0, v15, v18;
	v18 =	vadd.s32 v0, v13  }
0x1b8: {  	v13 =	vld [tilespmem:s17+$0x0];
	vm0 =	vlt.s32 v21, v1;
	v15 =	vperm.xlane v15, v18;
	v18 =	vbroadcast v9, $0x6;
	[tilespmem:s5+$0x20] =	vst v14  }
0x1b9: {  	v14 =	vld [tilespmem:s6+$0x84B0];
	v16 =	vsel vm0, v19, v16;
	v19 =	vadd.s32 v0, v21  }
0x1ba: {  	[tilespmem:s12+$0xFFFFFF50] =	vst v15;
	vm0 =	vlt.s32 v18, v1;
	v15 =	vld [tilespmem:s6+$0xA4B0];
	v16 =	vperm.xlane v16, v19  }
0x1bb: {  	v18 =	vadd.s32 v0, v18;
	v19 =	vld [tilespmem:s13+$0x4450];
	v17 =	vsel vm0, v20, v17  }
0x1bc: {  	v20 =	vld [tilespmem:s13+$0x6450];
	v17 =	vperm.xlane v17, v18;
	v18 =	vbroadcast v6, $0x9;
	[tilespmem:s0+$0x90] =	vst v16  }
0x1bd: {  	v16 =	vld [tilespmem:s9+$0x44F0]  }
0x1be: {  	v21 =	vbroadcast v11, $0x3;
	[tilespmem:s8+$0xFFFFFFC0] =	vst v17;
	vm0 =	vlt.s32 v18, v1;
	v17 =	vld [tilespmem:s9+$0x64F0]  }
0x1bf: {  	v22 =	vld [tilespmem:s10+$0x8480];
	v14 =	vsel vm0, v14, v15;
	v15 =	vadd.s32 v0, v18  }
0x1c0: {  	s16 =	simm.s32 $0x14860;
	vm0 =	vlt.s32 v21, v1;
	v18 =	vld [tilespmem:s10+$0xA480];
	v14 =	vperm.xlane v14, v15;
	v15 =	vbroadcast v5, $0xD  }
0x1c1: {  	v12 =	vld [tilespmem:s16+$0x0];
	v19 =	vsel vm0, v19, v20;
	v20 =	vadd.s32 v0, v21  }
0x1c2: {  	v21 =	vld [tilespmem:s15+$0x6420];
	v19 =	vperm.xlane v19, v20;
	v20 =	vbroadcast v8, $0x6;
	[tilespmem:s5+$0x30] =	vst v14;
	vm0 =	vlt.s32 v15, v1  }
0x1c3: {  	v15 =	vadd.s32 v0, v15;
	v14 =	vld [tilespmem:s6+$0x44C0];
	v16 =	vsel vm0, v16, v17  }
0x1c4: {  	v17 =	vbroadcast v13, $0x0;
	[tilespmem:s12+$0xFFFFFF60] =	vst v19;
	vm0 =	vlt.s32 v20, v1;
	v19 =	vld [tilespmem:s6+$0x64C0];
	v15 =	vperm.xlane v16, v15  }
0x1c5: {  	v20 =	vadd.s32 v0, v20;
	v16 =	vld [tilespmem:s13+$0x8450];
	v18 =	vsel vm0, v22, v18  }
0x1c6: {  	v22 =	vld [tilespmem:s13+$0xA450];
	vm0 =	vlt.s32 v17, v1;
	v18 =	vperm.xlane v18, v20;
	v20 =	vbroadcast v7, $0xA;
	[tilespmem:s0+$0xA0] =	vst v15  }
0x1c7: {  	v17 =	vadd.s32 v0, v17;
	v15 =	vsel vm0, v23, v21;
	v21 =	vld [tilespmem:s9+$0x84F0]  }
0x1c8: {  	v15 =	vperm.xlane v15, v17;
	v17 =	vbroadcast v10, $0x3;
	[tilespmem:s8+$0xFFFFFFD0] =	vst v18;
	vm0 =	vlt.s32 v20, v1;
	v18 =	vld [tilespmem:s9+$0xA4F0]  }
0x1c9: {  	s14 =	simm.s32 $0x15520;
	v23 =	vld [tilespmem:s10+$0x4490];
	v14 =	vsel vm0, v14, v19;
	v19 =	vadd.s32 v0, v20  }
0x1ca: {  	[tilespmem:s14+$0xFFFFFF00] =	vst v15;
	vm0 =	vlt.s32 v17, v1;
	v15 =	vld [tilespmem:s10+$0x6490];
	v14 =	vperm.xlane v14, v19;
	v19 =	vbroadcast v4, $0xD  }
0x1cb: {  	v17 =	vadd.s32 v0, v17;
	v20 =	vld [tilespmem:s15+$0x8420];
	v16 =	vsel vm0, v16, v22  }
0x1cc: {  	v22 =	vld [tilespmem:s15+$0xA420];
	v16 =	vperm.xlane v16, v17;
	v17 =	vbroadcast v9, $0x7;
	[tilespmem:s5+$0x40] =	vst v14;
	vm0 =	vlt.s32 v19, v1  }
0x1cd: {  	v19 =	vadd.s32 v0, v19;
	v14 =	vld [tilespmem:s6+$0x84C0];
	v18 =	vsel vm0, v21, v18  }
0x1ce: {  	v21 =	vbroadcast v12, $0x0;
	[tilespmem:s12+$0xFFFFFF70] =	vst v16;
	vm0 =	vlt.s32 v17, v1;
	v16 =	vld [tilespmem:s6+$0xA4C0];
	v18 =	vperm.xlane v18, v19  }
0x1cf: {  	v17 =	vadd.s32 v0, v17;
	v19 =	vld [tilespmem:s13+$0x4460];
	v15 =	vsel vm0, v23, v15  }
0x1d0: {  	vm0 =	vlt.s32 v21, v1;
	v23 =	vld [tilespmem:s13+$0x6460];
	v15 =	vperm.xlane v15, v17;
	v17 =	vbroadcast v6, $0xA;
	[tilespmem:s0+$0xB0] =	vst v18  }
0x1d1: {  	v18 =	vsel vm0, v20, v22;
	v20 =	vadd.s32 v0, v21;
	v21 =	vld [tilespmem:s9+$0x4500]  }
0x1d2: {  	v18 =	vperm.xlane v18, v20;
	v20 =	vbroadcast v11, $0x4;
	[tilespmem:s8+$0xFFFFFFE0] =	vst v15;
	vm0 =	vlt.s32 v17, v1;
	v15 =	vld [tilespmem:s9+$0x6500]  }
0x1d3: {  	v22 =	vld [tilespmem:s10+$0x8490];
	v14 =	vsel vm0, v14, v16;
	v16 =	vadd.s32 v0, v17  }
0x1d4: {  	[tilespmem:s14+$0xFFFFFF10] =	vst v18;
	vm0 =	vlt.s32 v20, v1;
	v17 =	vld [tilespmem:s10+$0xA490];
	v14 =	vperm.xlane v14, v16;
	v16 =	vbroadcast v5, $0xE  }
0x1d5: {  	v20 =	vadd.s32 v0, v20;
	v18 =	vld [tilespmem:s15+$0x4430];
	v19 =	vsel vm0, v19, v23  }
0x1d6: {  	v24 =	vbroadcast v8, $0x7;
	v23 =	vld [tilespmem:s15+$0x6430];
	v19 =	vperm.xlane v19, v20;
	[tilespmem:s5+$0x50] =	vst v14;
	vm0 =	vlt.s32 v16, v1  }
0x1d7: {  	v25 =	vld [tilespmem:s6+$0x44D0];
	v14 =	vsel vm0, v21, v15;
	v15 =	vadd.s32 v0, v16  }
0x1d8: {  	v16 =	vbroadcast v13, $0x1;
	[tilespmem:s12+$0xFFFFFF80] =	vst v19;
	vm0 =	vlt.s32 v24, v1;
	v19 =	vld [tilespmem:s6+$0x64D0];
	v14 =	vperm.xlane v14, v15  }
0x1d9: {  	v20 =	vld [tilespmem:s13+$0x8460];
	v15 =	vsel vm0, v22, v17;
	v17 =	vadd.s32 v0, v24  }
0x1da: {  	v21 =	vld [tilespmem:s13+$0xA460];
	vm0 =	vlt.s32 v16, v1;
	v15 =	vperm.xlane v15, v17;
	v17 =	vbroadcast v7, $0xB;
	[tilespmem:s0+$0xC0] =	vst v14  }
0x1db: {  	v16 =	vadd.s32 v0, v16;
	v18 =	vsel vm0, v18, v23;
	v14 =	vld [tilespmem:s9+$0x8500]  }
0x1dc: {  	v22 =	vbroadcast v10, $0x4;
	v16 =	vperm.xlane v18, v16;
	[tilespmem:s8+$0xFFFFFFF0] =	vst v15;
	vm0 =	vlt.s32 v17, v1;
	v15 =	vld [tilespmem:s9+$0xA500]  }
0x1dd: {  	v17 =	vadd.s32 v0, v17;
	v18 =	vld [tilespmem:s10+$0x44A0];
	v23 =	vsel vm0, v25, v19  }
0x1de: {  	s18 =	simm.s32 $0x1400;
	vm0 =	vlt.s32 v22, v1;
	v19 =	vld [tilespmem:s10+$0x64A0];
	[tilespmem:s14+$0xFFFFFF20] =	vst v16;
	v17 =	vperm.xlane v23, v17;
	v16 =	vbroadcast v4, $0xE  }
.LBB2_7:
0x1df: {  	p1 =	sne.s32 s18, $0x7C00;
	v23 =	vld [tilespmem:s15+$0x8430];
	v20 =	vsel vm0, v20, v21;
	v21 =	vadd.s32 v0, v22  }
0x1e0: {  	v22 =	vld [tilespmem:s15+$0xA430];
	v20 =	vperm.xlane v20, v21;
	v21 =	vbroadcast v9, $0x8;
	[tilespmem:s5+$0x60] =	vst v17;
	vm0 =	vlt.s32 v16, v1  }
0x1e1: {  	v17 =	vld [tilespmem:s6+$0x84D0];
	v14 =	vsel vm0, v14, v15;
	v15 =	vadd.s32 v0, v16  }
0x1e2: {  	v16 =	vbroadcast v12, $0x1;
	[tilespmem:s12+$0xFFFFFF90] =	vst v20;
	vm0 =	vlt.s32 v21, v1;
	v20 =	vld [tilespmem:s6+$0xA4D0];
	v14 =	vperm.xlane v14, v15  }
0x1e3: {  	v15 =	vld [tilespmem:s13+$0x4470];
	v18 =	vsel vm0, v18, v19;
	v19 =	vadd.s32 v0, v21  }
0x1e4: {  	vm0 =	vlt.s32 v16, v1;
	v21 =	vld [tilespmem:s13+$0x6470];
	v18 =	vperm.xlane v18, v19;
	v19 =	vbroadcast v6, $0xB;
	[tilespmem:s0+$0xD0] =	vst v14  }
0x1e5: {  	v16 =	vadd.s32 v0, v16;
	v14 =	vsel vm0, v23, v22;
	v22 =	vld [tilespmem:s9+$0x4510]  }
0x1e6: {  	v14 =	vperm.xlane v14, v16;
	v16 =	vbroadcast v11, $0x5;
	[tilespmem:s8+$0x0] =	vst v18;
	vm0 =	vlt.s32 v19, v1;
	v18 =	vld [tilespmem:s9+$0x6510]  }
0x1e7: {  	v19 =	vadd.s32 v0, v19;
	v23 =	vld [tilespmem:s10+$0x84A0];
	v17 =	vsel vm0, v17, v20  }
0x1e8: {  	[tilespmem:s14+$0xFFFFFF30] =	vst v14;
	vm0 =	vlt.s32 v16, v1;
	v14 =	vld [tilespmem:s10+$0xA4A0];
	v17 =	vperm.xlane v17, v19;
	v19 =	vbroadcast v5, $0xF;
	v5 =	vmovc v7  }
0x1e9: {  	v16 =	vadd.s32 v0, v16;
	v7 =	vmovc v9;
	v9 =	vmovc v11;
	v11 =	vmov v13;
	v20 =	vld [tilespmem:s15+$0x4440];
	v15 =	vsel vm0, v15, v21  }
0x1ea: {  	v13 =	vld [tilespmem:s15+$0x6440];
	v15 =	vperm.xlane v15, v16;
	v16 =	vbroadcast v8, $0x8;
	[tilespmem:s5+$0x70] =	vst v17;
	vm0 =	vlt.s32 v19, v1  }
0x1eb: {  	v19 =	vadd.s32 v0, v19;
	v17 =	vld [tilespmem:s6+$0x44E0];
	v18 =	vsel vm0, v22, v18  }
0x1ec: {  	v21 =	vbroadcast v11, $0x2;
	[tilespmem:s12+$0xFFFFFFA0] =	vst v15;
	vm0 =	vlt.s32 v16, v1;
	v15 =	vld [tilespmem:s6+$0x64E0];
	v18 =	vperm.xlane v18, v19  }
0x1ed: {  	v16 =	vadd.s32 v0, v16;
	v19 =	vld [tilespmem:s13+$0x8470];
	v14 =	vsel vm0, v23, v14  }
0x1ee: {  	vm0 =	vlt.s32 v21, v1;
	v22 =	vld [tilespmem:s13+$0xA470];
	v14 =	vperm.xlane v14, v16;
	v16 =	vbroadcast v5, $0xC;
	[tilespmem:s0+$0xE0] =	vst v18  }
0x1ef: {  	v18 =	vadd.s32 v0, v21;
	v13 =	vsel vm0, v20, v13;
	v20 =	vld [tilespmem:s9+$0x8510]  }
0x1f0: {  	v13 =	vperm.xlane v13, v18;
	v18 =	vbroadcast v10, $0x5;
	[tilespmem:s8+$0x10] =	vst v14;
	vm0 =	vlt.s32 v16, v1;
	v14 =	vld [tilespmem:s9+$0xA510];
	s9 =	smov.u32 s6;
	s6 =	smov.u32 s10;
	s10 =	smov.u32 s13  }
0x1f1: {  	v16 =	vadd.s32 v0, v16;
	s13 =	smov.u32 s15;
	v21 =	vld [tilespmem:s6+$0x44B0];
	v15 =	vsel vm0, v17, v15  }
0x1f2: {  	[tilespmem:s14+$0xFFFFFF40] =	vst v13;
	vm0 =	vlt.s32 v18, v1;
	v13 =	vld [tilespmem:s6+$0x64B0];
	v15 =	vperm.xlane v15, v16;
	v16 =	vbroadcast v4, $0xF;
	v4 =	vmovc v6  }
0x1f3: {  	v18 =	vadd.s32 v0, v18;
	v6 =	vmovc v8;
	v8 =	vmovc v10;
	v10 =	vmov v12;
	v17 =	vld [tilespmem:s13+$0x8440];
	v19 =	vsel vm0, v19, v22  }
0x1f4: {  	v22 =	vld [tilespmem:s13+$0xA440];
	v12 =	vperm.xlane v19, v18;
	v18 =	vbroadcast v7, $0x9;
	[tilespmem:s5+$0x80] =	vst v15;
	vm0 =	vlt.s32 v16, v1  }
0x1f5: {  	v16 =	vadd.s32 v0, v16;
	v15 =	vld [tilespmem:s9+$0x84E0];
	v14 =	vsel vm0, v20, v14  }
0x1f6: {  	v19 =	vbroadcast v10, $0x2;
	[tilespmem:s12+$0xFFFFFFB0] =	vst v12;
	vm0 =	vlt.s32 v18, v1;
	v20 =	vld [tilespmem:s9+$0xA4E0];
	v12 =	vperm.xlane v14, v16  }
0x1f7: {  	v16 =	vadd.s32 v0, v18;
	v14 =	vld [tilespmem:s10+$0x4480];
	v13 =	vsel vm0, v21, v13  }
0x1f8: {  	s16 =	sadd.s32 $0x10, s16;
	vm0 =	vlt.s32 v19, v1;
	v21 =	vbroadcast v4, $0xC;
	v18 =	vld [tilespmem:s10+$0x6480];
	v16 =	vperm.xlane v13, v16;
	[tilespmem:s0+$0xF0] =	vst v12;
	s0 =	smov.u32 s5;
	s5 =	smov.u32 s8  }
0x1f9: {  	s17 =	sadd.s32 $0x10, s17;
	v19 =	vadd.s32 v0, v19;
	s8 =	smov.u32 s12;
	s12 =	smov.u32 s14;
	v12 =	vld [tilespmem:s16+$0x0];
	v17 =	vsel vm0, v17, v22  }
0x1fa: {  	vm0 =	vlt.s32 v21, v1;
	v13 =	vld [tilespmem:s17+$0x0];
	v17 =	vperm.xlane v17, v19;
	v19 =	vbroadcast v9, $0x6;
	[tilespmem:s5+$0x20] =	vst v16  }
0x1fb: {  	v16 =	vld [tilespmem:s6+$0x84B0];
	v15 =	vsel vm0, v15, v20;
	v20 =	vadd.s32 v0, v21  }
0x1fc: {  	[tilespmem:s14+$0xFFFFFF50] =	vst v17;
	vm0 =	vlt.s32 v19, v1;
	v17 =	vld [tilespmem:s6+$0xA4B0];
	v15 =	vperm.xlane v15, v20  }
0x1fd: {  	v20 =	vld [tilespmem:s13+$0x4450];
	v14 =	vsel vm0, v14, v18;
	v18 =	vadd.s32 v0, v19  }
0x1fe: {  	v19 =	vld [tilespmem:s13+$0x6450];
	v14 =	vperm.xlane v14, v18;
	v18 =	vbroadcast v6, $0x9;
	[tilespmem:s0+$0x90] =	vst v15  }
0x1ff: {  	v15 =	vld [tilespmem:s9+$0x44F0]  }
0x200: {  	v21 =	vbroadcast v11, $0x3;
	[tilespmem:s8+$0xFFFFFFC0] =	vst v14;
	vm0 =	vlt.s32 v18, v1;
	v14 =	vld [tilespmem:s9+$0x64F0]  }
0x201: {  	v22 =	vld [tilespmem:s10+$0x8480];
	v16 =	vsel vm0, v16, v17;
	v17 =	vadd.s32 v0, v18  }
0x202: {  	s15 =	sshra.s32 s18, $0x2;
	vm0 =	vlt.s32 v21, v1;
	v18 =	vld [tilespmem:s10+$0xA480];
	v16 =	vperm.xlane v16, v17;
	v17 =	vbroadcast v5, $0xD  }
0x203: {  	v23 =	vld [tilespmem:s15+$0x4420];
	v19 =	vsel vm0, v20, v19;
	v20 =	vadd.s32 v0, v21  }
0x204: {  	v21 =	vld [tilespmem:s15+$0x6420];
	v19 =	vperm.xlane v19, v20;
	v20 =	vbroadcast v8, $0x6;
	[tilespmem:s5+$0x30] =	vst v16;
	vm0 =	vlt.s32 v17, v1  }
0x205: {  	v16 =	vld [tilespmem:s6+$0x44C0];
	v14 =	vsel vm0, v15, v14;
	v15 =	vadd.s32 v0, v17  }
0x206: {  	v17 =	vbroadcast v13, $0x0;
	[tilespmem:s14+$0xFFFFFF60] =	vst v19;
	vm0 =	vlt.s32 v20, v1;
	v19 =	vld [tilespmem:s6+$0x64C0];
	v14 =	vperm.xlane v14, v15  }
0x207: {  	v20 =	vadd.s32 v0, v20;
	v15 =	vld [tilespmem:s13+$0x8450];
	v18 =	vsel vm0, v22, v18  }
0x208: {  	vm0 =	vlt.s32 v17, v1;
	v22 =	vld [tilespmem:s13+$0xA450];
	v18 =	vperm.xlane v18, v20;
	v20 =	vbroadcast v7, $0xA;
	[tilespmem:s0+$0xA0] =	vst v14  }
0x209: {  	v17 =	vadd.s32 v0, v17;
	v14 =	vsel vm0, v23, v21;
	v21 =	vld [tilespmem:s9+$0x84F0]  }
0x20a: {  	v14 =	vperm.xlane v14, v17;
	v17 =	vbroadcast v10, $0x3;
	[tilespmem:s8+$0xFFFFFFD0] =	vst v18;
	vm0 =	vlt.s32 v20, v1;
	v18 =	vld [tilespmem:s9+$0xA4F0]  }
0x20b: {  	s14 =	sadd.s32 $0x200, s14;
	v23 =	vld [tilespmem:s10+$0x4490];
	v16 =	vsel vm0, v16, v19;
	v19 =	vadd.s32 v0, v20  }
0x20c: {  	[tilespmem:s14+$0xFFFFFF00] =	vst v14;
	vm0 =	vlt.s32 v17, v1;
	v14 =	vld [tilespmem:s10+$0x6490];
	v16 =	vperm.xlane v16, v19;
	v19 =	vbroadcast v4, $0xD  }
0x20d: {  	v17 =	vadd.s32 v0, v17;
	v20 =	vld [tilespmem:s15+$0x8420];
	v15 =	vsel vm0, v15, v22  }
0x20e: {  	v22 =	vld [tilespmem:s15+$0xA420];
	v15 =	vperm.xlane v15, v17;
	v17 =	vbroadcast v9, $0x7;
	[tilespmem:s5+$0x40] =	vst v16;
	vm0 =	vlt.s32 v19, v1  }
0x20f: {  	v19 =	vadd.s32 v0, v19;
	v16 =	vld [tilespmem:s6+$0x84C0];
	v18 =	vsel vm0, v21, v18  }
0x210: {  	v21 =	vbroadcast v12, $0x0;
	[tilespmem:s12+$0xFFFFFF70] =	vst v15;
	vm0 =	vlt.s32 v17, v1;
	v15 =	vld [tilespmem:s6+$0xA4C0];
	v18 =	vperm.xlane v18, v19  }
0x211: {  	v17 =	vadd.s32 v0, v17;
	v19 =	vld [tilespmem:s13+$0x4460];
	v14 =	vsel vm0, v23, v14  }
0x212: {  	vm0 =	vlt.s32 v21, v1;
	v23 =	vld [tilespmem:s13+$0x6460];
	v14 =	vperm.xlane v14, v17;
	v17 =	vbroadcast v6, $0xA;
	[tilespmem:s0+$0xB0] =	vst v18  }
0x213: {  	v18 =	vsel vm0, v20, v22;
	v20 =	vadd.s32 v0, v21;
	v21 =	vld [tilespmem:s9+$0x4500]  }
0x214: {  	v18 =	vperm.xlane v18, v20;
	v20 =	vbroadcast v11, $0x4;
	[tilespmem:s8+$0xFFFFFFE0] =	vst v14;
	vm0 =	vlt.s32 v17, v1;
	v14 =	vld [tilespmem:s9+$0x6500]  }
0x215: {  	v22 =	vld [tilespmem:s10+$0x8490];
	v15 =	vsel vm0, v16, v15;
	v16 =	vadd.s32 v0, v17  }
0x216: {  	[tilespmem:s14+$0xFFFFFF10] =	vst v18;
	vm0 =	vlt.s32 v20, v1;
	v17 =	vld [tilespmem:s10+$0xA490];
	v15 =	vperm.xlane v15, v16;
	v16 =	vbroadcast v5, $0xE  }
0x217: {  	v20 =	vadd.s32 v0, v20;
	v18 =	vld [tilespmem:s15+$0x4430];
	v19 =	vsel vm0, v19, v23  }
0x218: {  	v24 =	vbroadcast v8, $0x7;
	v23 =	vld [tilespmem:s15+$0x6430];
	v19 =	vperm.xlane v19, v20;
	[tilespmem:s5+$0x50] =	vst v15;
	vm0 =	vlt.s32 v16, v1  }
0x219: {  	v15 =	vadd.s32 v0, v16;
	v25 =	vld [tilespmem:s6+$0x44D0];
	v14 =	vsel vm0, v21, v14  }
0x21a: {  	v16 =	vbroadcast v13, $0x1;
	vm0 =	vlt.s32 v24, v1;
	[tilespmem:s12+$0xFFFFFF80] =	vst v19;
	v19 =	vld [tilespmem:s6+$0x64D0];
	v14 =	vperm.xlane v14, v15  }
0x21b: {  	v20 =	vld [tilespmem:s13+$0x8460];
	v15 =	vsel vm0, v22, v17;
	v17 =	vadd.s32 v0, v24  }
.Ltmp2:
0x21c: {  	vm0 =	vlt.s32 v16, v1;
	v21 =	vld [tilespmem:s13+$0xA460];
	v15 =	vperm.xlane v15, v17;
	v17 =	vbroadcast v7, $0xB;
	[tilespmem:s0+$0xC0] =	vst v14;
	(pc) =	sbr.rel @p1 .LBB2_7-.Ltmp2, $4  }
0x21d: {  	v16 =	vadd.s32 v0, v16;
	v18 =	vsel vm0, v18, v23;
	v14 =	vld [tilespmem:s9+$0x8500]  }
0x21e: {  	v22 =	vbroadcast v10, $0x4;
	v16 =	vperm.xlane v18, v16;
	[tilespmem:s8+$0xFFFFFFF0] =	vst v15;
	vm0 =	vlt.s32 v17, v1;
	v15 =	vld [tilespmem:s9+$0xA500]  }
0x21f: {  	v17 =	vadd.s32 v0, v17;
	v18 =	vld [tilespmem:s10+$0x44A0];
	v23 =	vsel vm0, v25, v19  }
0x220: {  	s18 =	sadd.s32 $0x400, s18;
	vm0 =	vlt.s32 v22, v1;
	[tilespmem:s14+$0xFFFFFF20] =	vst v16;
	v19 =	vld [tilespmem:s10+$0x64A0];
	v17 =	vperm.xlane v23, v17;
	v16 =	vbroadcast v4, $0xE  }
0x221: {  	v23 =	vld [tilespmem:s15+$0x8430]  }
0x222: {  	v24 =	vld [tilespmem:s15+$0xA430];
	_ =	sdelay $0x1  }
0x223: {  	v25 =	vbroadcast v12, $0x1;
	_ =	sdelay $0x1  }
0x224: {  	vm1 =	vlt.s32 v25, v1  }
0x225: {  	v49 =	vadd.s32 v0, v25;
	v23 =	vsel vm1, v23, v24  }
0x226: {  	v23 =	vperm.xlane v23, v49;
	_ =	sdelay $0x1  }
0x227: {  	[tilespmem:s14+$0xFFFFFF30] =	vst v23  }
0x228: {  	v23 =	vld [tilespmem:s15+$0x4440]  }
0x229: {  	v50 =	vld [tilespmem:s15+$0x6440];
	_ =	sdelay $0x1  }
0x22a: {  	v51 =	vbroadcast v13, $0x2;
	_ =	sdelay $0x1  }
0x22b: {  	vm10 =	vlt.s32 v51, v1  }
0x22c: {  	v52 =	vadd.s32 v0, v51;
	v23 =	vsel vm10, v23, v50  }
0x22d: {  	v23 =	vperm.xlane v23, v52;
	_ =	sdelay $0x1  }
0x22e: {  	[tilespmem:s14+$0xFFFFFF40] =	vst v23  }
0x22f: {  	v23 =	vld [tilespmem:s15+$0x8440]  }
0x230: {  	v53 =	vld [tilespmem:s15+$0xA440];
	_ =	sdelay $0x1  }
0x231: {  	v54 =	vbroadcast v12, $0x2;
	_ =	sdelay $0x1  }
0x232: {  	vm11 =	vlt.s32 v54, v1  }
0x233: {  	v55 =	vadd.s32 v0, v54;
	v23 =	vsel vm11, v23, v53  }
0x234: {  	v23 =	vperm.xlane v23, v55;
	_ =	sdelay $0x1  }
0x235: {  	[tilespmem:s14+$0xFFFFFF50] =	vst v23  }
0x236: {  	v23 =	vld [tilespmem:s15+$0x4450]  }
0x237: {  	v56 =	vld [tilespmem:s15+$0x6450];
	_ =	sdelay $0x1  }
0x238: {  	v57 =	vbroadcast v13, $0x3;
	_ =	sdelay $0x1  }
0x239: {  	vm12 =	vlt.s32 v57, v1  }
0x23a: {  	v58 =	vadd.s32 v0, v57;
	v23 =	vsel vm12, v23, v56  }
0x23b: {  	v23 =	vperm.xlane v23, v58;
	_ =	sdelay $0x1  }
0x23c: {  	[tilespmem:s14+$0xFFFFFF60] =	vst v23  }
0x23d: {  	v23 =	vld [tilespmem:s15+$0x8450]  }
0x23e: {  	v59 =	vld [tilespmem:s15+$0xA450];
	_ =	sdelay $0x1  }
0x23f: {  	v60 =	vbroadcast v12, $0x3;
	_ =	sdelay $0x1  }
0x240: {  	vm13 =	vlt.s32 v60, v1  }
0x241: {  	v61 =	vadd.s32 v0, v60;
	v23 =	vsel vm13, v23, v59  }
0x242: {  	v23 =	vperm.xlane v23, v61;
	_ =	sdelay $0x1  }
0x243: {  	[tilespmem:s14+$0xFFFFFF70] =	vst v23  }
0x244: {  	v23 =	vld [tilespmem:s15+$0x4460]  }
0x245: {  	v62 =	vld [tilespmem:s15+$0x6460];
	_ =	sdelay $0x1  }
0x246: {  	v63 =	vbroadcast v13, $0x4;
	_ =	sdelay $0x1  }
0x247: {  	vm14 =	vlt.s32 v63, v1  }
0x248: {  	v28 =	vadd.s32 v0, v63;
	v23 =	vsel vm14, v23, v62  }
0x249: {  	v23 =	vperm.xlane v23, v28;
	_ =	sdelay $0x1  }
0x24a: {  	[tilespmem:s14+$0xFFFFFF80] =	vst v23  }
0x24b: {  	v23 =	vld [tilespmem:s15+$0x8460]  }
0x24c: {  	v29 =	vld [tilespmem:s15+$0xA460];
	_ =	sdelay $0x1  }
0x24d: {  	v30 =	vbroadcast v12, $0x4  }
0x24e: {  	v20 =	vsel vm0, v20, v21;
	v31 =	vadd.s32 v0, v22  }
0x24f: {  	v20 =	vperm.xlane v20, v31;
	vm15 =	vlt.s32 v30, v1  }
0x250: {  	v33 =	vadd.s32 v0, v30;
	v32 =	vsel vm15, v23, v29  }
0x251: {  	[tilespmem:s12+$0xFFFFFF90] =	vst v20;
	v34 =	vperm.xlane v32, v33  }
0x252: {  	v35 =	vld [tilespmem:s13+$0x4470]  }
0x253: {  	v36 =	vld [tilespmem:s13+$0x6470];
	[tilespmem:s14+$0xFFFFFF90] =	vst v34  }
0x254: {  	v20 =	vld [tilespmem:s15+$0x4470]  }
0x255: {  	v37 =	vbroadcast v11, $0x5;
	v38 =	vld [tilespmem:s15+$0x6470];
	_ =	sdelay $0x1  }
0x256: {  	v39 =	vbroadcast v13, $0x5;
	vm4 =	vlt.s32 v37, v1  }
0x257: {  	v40 =	vadd.s32 v0, v37;
	v21 =	vsel vm4, v35, v36  }
0x258: {  	vm5 =	vlt.s32 v39, v1;
	v21 =	vperm.xlane v21, v40  }
0x259: {  	v41 =	vadd.s32 v0, v39;
	v20 =	vsel vm5, v20, v38  }
0x25a: {  	[tilespmem:s12+$0xFFFFFFA0] =	vst v21;
	v20 =	vperm.xlane v20, v41  }
0x25b: {  	v21 =	vld [tilespmem:s13+$0x8470]  }
0x25c: {  	v42 =	vld [tilespmem:s13+$0xA470];
	[tilespmem:s14+$0xFFFFFFA0] =	vst v20  }
0x25d: {  	v20 =	vld [tilespmem:s15+$0x8470]  }
0x25e: {  	v43 =	vbroadcast v10, $0x5;
	v44 =	vld [tilespmem:s15+$0xA470];
	_ =	sdelay $0x1  }
0x25f: {  	v45 =	vbroadcast v12, $0x5;
	vm6 =	vlt.s32 v43, v1  }
0x260: {  	v46 =	vadd.s32 v0, v43;
	v21 =	vsel vm6, v21, v42  }
0x261: {  	vm7 =	vlt.s32 v45, v1;
	v21 =	vperm.xlane v21, v46  }
0x262: {  	v47 =	vadd.s32 v0, v45;
	v20 =	vsel vm7, v20, v44  }
0x263: {  	[tilespmem:s12+$0xFFFFFFB0] =	vst v21;
	v20 =	vperm.xlane v20, v47  }
0x264: {  	v21 =	vld [tilespmem:s13+$0x4480]  }
0x265: {  	v48 =	vld [tilespmem:s13+$0x6480];
	[tilespmem:s14+$0xFFFFFFB0] =	vst v20  }
0x266: {  	v20 =	vld [tilespmem:s15+$0x4480]  }
0x267: {  	v49 =	vbroadcast v11, $0x6;
	v50 =	vld [tilespmem:s15+$0x6480];
	_ =	sdelay $0x1  }
0x268: {  	v51 =	vbroadcast v13, $0x6;
	vm8 =	vlt.s32 v49, v1  }
0x269: {  	v52 =	vadd.s32 v0, v49;
	v21 =	vsel vm8, v21, v48  }
0x26a: {  	vm9 =	vlt.s32 v51, v1;
	v21 =	vperm.xlane v21, v52  }
0x26b: {  	v53 =	vadd.s32 v0, v51;
	v20 =	vsel vm9, v20, v50  }
0x26c: {  	[tilespmem:s12+$0xFFFFFFC0] =	vst v21;
	v20 =	vperm.xlane v20, v53  }
0x26d: {  	v21 =	vld [tilespmem:s13+$0x8480]  }
0x26e: {  	v54 =	vld [tilespmem:s13+$0xA480];
	[tilespmem:s14+$0xFFFFFFC0] =	vst v20  }
0x26f: {  	v20 =	vld [tilespmem:s15+$0x8480]  }
0x270: {  	v55 =	vbroadcast v10, $0x6;
	v56 =	vld [tilespmem:s15+$0xA480];
	_ =	sdelay $0x1  }
0x271: {  	v57 =	vbroadcast v12, $0x6;
	vm10 =	vlt.s32 v55, v1  }
0x272: {  	v58 =	vadd.s32 v0, v55;
	v21 =	vsel vm10, v21, v54  }
0x273: {  	vm11 =	vlt.s32 v57, v1;
	v21 =	vperm.xlane v21, v58  }
0x274: {  	v59 =	vadd.s32 v0, v57;
	v20 =	vsel vm11, v20, v56  }
0x275: {  	[tilespmem:s12+$0xFFFFFFD0] =	vst v21;
	v20 =	vperm.xlane v20, v59  }
0x276: {  	v21 =	vld [tilespmem:s13+$0x4490]  }
0x277: {  	v60 =	vld [tilespmem:s13+$0x6490];
	[tilespmem:s14+$0xFFFFFFD0] =	vst v20  }
0x278: {  	v20 =	vld [tilespmem:s15+$0x4490]  }
0x279: {  	v61 =	vbroadcast v11, $0x7;
	v62 =	vld [tilespmem:s15+$0x6490];
	_ =	sdelay $0x1  }
0x27a: {  	v63 =	vbroadcast v13, $0x7;
	vm12 =	vlt.s32 v61, v1  }
0x27b: {  	v21 =	vsel vm12, v21, v60;
	v28 =	vadd.s32 v0, v61  }
0x27c: {  	vm13 =	vlt.s32 v63, v1;
	v21 =	vperm.xlane v21, v28  }
0x27d: {  	v29 =	vadd.s32 v0, v63;
	v20 =	vsel vm13, v20, v62  }
0x27e: {  	[tilespmem:s12+$0xFFFFFFE0] =	vst v21;
	v20 =	vperm.xlane v20, v29  }
0x27f: {  	v21 =	vld [tilespmem:s13+$0x8490]  }
0x280: {  	v30 =	vld [tilespmem:s13+$0xA490];
	[tilespmem:s14+$0xFFFFFFE0] =	vst v20  }
0x281: {  	v20 =	vld [tilespmem:s15+$0x8490]  }
0x282: {  	v31 =	vbroadcast v10, $0x7;
	v32 =	vld [tilespmem:s15+$0xA490];
	_ =	sdelay $0x1  }
0x283: {  	vm14 =	vlt.s32 v31, v1;
	v33 =	vbroadcast v12, $0x7  }
0x284: {  	v21 =	vsel vm14, v21, v30;
	v34 =	vadd.s32 v0, v31  }
0x285: {  	vm15 =	vlt.s32 v33, v1;
	v21 =	vperm.xlane v21, v34  }
0x286: {  	v35 =	vadd.s32 v0, v33;
	v20 =	vsel vm15, v20, v32  }
0x287: {  	[tilespmem:s12+$0xFFFFFFF0] =	vst v21;
	v20 =	vperm.xlane v20, v35  }
0x288: {  	v21 =	vld [tilespmem:s13+$0x44A0]  }
0x289: {  	v36 =	vbroadcast v9, $0x8;
	v37 =	vld [tilespmem:s13+$0x64A0];
	[tilespmem:s14+$0xFFFFFFF0] =	vst v20  }
0x28a: {  	v20 =	vld [tilespmem:s15+$0x44A0]  }
0x28b: {  	vm4 =	vlt.s32 v36, v1;
	v38 =	vbroadcast v11, $0x8;
	v39 =	vld [tilespmem:s15+$0x64A0]  }
0x28c: {  	v40 =	vadd.s32 v0, v36;
	v18 =	vsel vm4, v18, v19  }
0x28d: {  	v18 =	vperm.xlane v18, v40;
	v41 =	vbroadcast v13, $0x8;
	vm5 =	vlt.s32 v38, v1  }
0x28e: {  	v42 =	vadd.s32 v0, v38;
	v21 =	vsel vm5, v21, v37  }
0x28f: {  	[tilespmem:s8+$0x0] =	vst v18;
	vm6 =	vlt.s32 v41, v1;
	v43 =	vperm.xlane v21, v42  }
0x290: {  	v45 =	vld [tilespmem:s10+$0xA4A0];
	v19 =	vadd.s32 v0, v41;
	v20 =	vsel vm6, v20, v39  }
0x291: {  	[tilespmem:s12+$0x0] =	vst v43;
	v44 =	vld [tilespmem:s10+$0x84A0];
	v46 =	vperm.xlane v20, v19  }
0x292: {  	v49 =	vld [tilespmem:s13+$0xA4A0]  }
0x293: {  	v48 =	vbroadcast v8, $0x8;
	v47 =	vld [tilespmem:s13+$0x84A0];
	[tilespmem:s14+$0x0] =	vst v46  }
0x294: {  	v18 =	vld [tilespmem:s15+$0x84A0]  }
0x295: {  	vm7 =	vlt.s32 v48, v1;
	v50 =	vbroadcast v10, $0x8;
	v51 =	vld [tilespmem:s15+$0xA4A0]  }
0x296: {  	v21 =	vsel vm7, v44, v45;
	v20 =	vadd.s32 v0, v48  }
0x297: {  	v52 =	vbroadcast v12, $0x8;
	vm8 =	vlt.s32 v50, v1;
	v20 =	vperm.xlane v21, v20  }
0x298: {  	v53 =	vadd.s32 v0, v50;
	v19 =	vsel vm8, v47, v49  }
0x299: {  	vm9 =	vlt.s32 v52, v1;
	v19 =	vperm.xlane v19, v53;
	[tilespmem:s8+$0x10] =	vst v20  }
0x29a: {  	v21 =	vadd.s32 v0, v52;
	v20 =	vld [tilespmem:s10+$0x44B0];
	v18 =	vsel vm9, v18, v51  }
0x29b: {  	[tilespmem:s12+$0x10] =	vst v19;
	v54 =	vld [tilespmem:s10+$0x64B0];
	v18 =	vperm.xlane v18, v21  }
0x29c: {  	v19 =	vld [tilespmem:s13+$0x44B0]  }
0x29d: {  	v55 =	vbroadcast v9, $0x9;
	v56 =	vld [tilespmem:s13+$0x64B0];
	[tilespmem:s14+$0x10] =	vst v18  }
0x29e: {  	v18 =	vld [tilespmem:s15+$0x44B0]  }
0x29f: {  	vm10 =	vlt.s32 v55, v1;
	v57 =	vbroadcast v11, $0x9;
	v58 =	vld [tilespmem:s15+$0x64B0]  }
0x2a0: {  	v20 =	vsel vm10, v20, v54;
	v21 =	vadd.s32 v0, v55  }
0x2a1: {  	vm11 =	vlt.s32 v57, v1;
	v59 =	vbroadcast v13, $0x9;
	v20 =	vperm.xlane v20, v21  }
0x2a2: {  	v60 =	vadd.s32 v0, v57;
	v19 =	vsel vm11, v19, v56  }
0x2a3: {  	vm12 =	vlt.s32 v59, v1;
	v19 =	vperm.xlane v19, v60;
	[tilespmem:s8+$0x20] =	vst v20  }
0x2a4: {  	v21 =	vadd.s32 v0, v59;
	v20 =	vld [tilespmem:s10+$0x84B0];
	v18 =	vsel vm12, v18, v58  }
0x2a5: {  	[tilespmem:s12+$0x20] =	vst v19;
	v61 =	vld [tilespmem:s10+$0xA4B0];
	v18 =	vperm.xlane v18, v21  }
0x2a6: {  	v19 =	vld [tilespmem:s13+$0x84B0]  }
0x2a7: {  	v62 =	vbroadcast v8, $0x9;
	v63 =	vld [tilespmem:s13+$0xA4B0];
	[tilespmem:s14+$0x20] =	vst v18  }
0x2a8: {  	v18 =	vld [tilespmem:s15+$0x84B0]  }
0x2a9: {  	v28 =	vbroadcast v10, $0x9;
	vm13 =	vlt.s32 v62, v1;
	v29 =	vld [tilespmem:s15+$0xA4B0]  }
0x2aa: {  	v20 =	vsel vm13, v20, v61;
	v21 =	vadd.s32 v0, v62  }
0x2ab: {  	vm14 =	vlt.s32 v28, v1;
	v30 =	vbroadcast v12, $0x9;
	v20 =	vperm.xlane v20, v21  }
0x2ac: {  	v31 =	vadd.s32 v0, v28;
	v19 =	vsel vm14, v19, v63  }
0x2ad: {  	vm15 =	vlt.s32 v30, v1;
	v19 =	vperm.xlane v19, v31;
	[tilespmem:s8+$0x30] =	vst v20  }
0x2ae: {  	v21 =	vadd.s32 v0, v30;
	v20 =	vld [tilespmem:s10+$0x44C0];
	v18 =	vsel vm15, v18, v29  }
0x2af: {  	[tilespmem:s12+$0x30] =	vst v19;
	v32 =	vld [tilespmem:s10+$0x64C0];
	v18 =	vperm.xlane v18, v21  }
0x2b0: {  	v19 =	vld [tilespmem:s13+$0x44C0]  }
0x2b1: {  	v33 =	vbroadcast v9, $0xA;
	v34 =	vld [tilespmem:s13+$0x64C0];
	[tilespmem:s14+$0x30] =	vst v18  }
0x2b2: {  	v18 =	vld [tilespmem:s15+$0x44C0]  }
0x2b3: {  	vm4 =	vlt.s32 v33, v1;
	v35 =	vbroadcast v11, $0xA;
	v36 =	vld [tilespmem:s15+$0x64C0]  }
0x2b4: {  	v20 =	vsel vm4, v20, v32;
	v21 =	vadd.s32 v0, v33  }
0x2b5: {  	v37 =	vbroadcast v13, $0xA;
	vm5 =	vlt.s32 v35, v1;
	v20 =	vperm.xlane v20, v21  }
0x2b6: {  	v38 =	vadd.s32 v0, v35;
	v19 =	vsel vm5, v19, v34  }
0x2b7: {  	vm6 =	vlt.s32 v37, v1;
	v19 =	vperm.xlane v19, v38;
	[tilespmem:s8+$0x40] =	vst v20  }
0x2b8: {  	v21 =	vadd.s32 v0, v37;
	v20 =	vld [tilespmem:s10+$0x84C0];
	v18 =	vsel vm6, v18, v36  }
0x2b9: {  	[tilespmem:s12+$0x40] =	vst v19;
	v39 =	vld [tilespmem:s10+$0xA4C0];
	v18 =	vperm.xlane v18, v21  }
0x2ba: {  	v19 =	vld [tilespmem:s13+$0x84C0]  }
0x2bb: {  	v40 =	vbroadcast v8, $0xA;
	v41 =	vld [tilespmem:s13+$0xA4C0];
	[tilespmem:s14+$0x40] =	vst v18  }
0x2bc: {  	v18 =	vld [tilespmem:s15+$0x84C0]  }
0x2bd: {  	v42 =	vbroadcast v10, $0xA;
	vm7 =	vlt.s32 v40, v1;
	v43 =	vld [tilespmem:s15+$0xA4C0]  }
0x2be: {  	v20 =	vsel vm7, v20, v39;
	v21 =	vadd.s32 v0, v40  }
0x2bf: {  	v44 =	vbroadcast v12, $0xA;
	vm8 =	vlt.s32 v42, v1;
	v20 =	vperm.xlane v20, v21  }
0x2c0: {  	v45 =	vadd.s32 v0, v42;
	v19 =	vsel vm8, v19, v41  }
0x2c1: {  	vm9 =	vlt.s32 v44, v1;
	v19 =	vperm.xlane v19, v45;
	[tilespmem:s8+$0x50] =	vst v20  }
0x2c2: {  	v21 =	vadd.s32 v0, v44;
	v20 =	vld [tilespmem:s10+$0x44D0];
	v18 =	vsel vm9, v18, v43  }
0x2c3: {  	[tilespmem:s12+$0x50] =	vst v19;
	v46 =	vld [tilespmem:s10+$0x64D0];
	v18 =	vperm.xlane v18, v21  }
0x2c4: {  	v19 =	vld [tilespmem:s13+$0x44D0]  }
0x2c5: {  	v47 =	vbroadcast v9, $0xB;
	v48 =	vld [tilespmem:s13+$0x64D0];
	[tilespmem:s14+$0x50] =	vst v18  }
0x2c6: {  	v18 =	vld [tilespmem:s15+$0x44D0]  }
0x2c7: {  	v49 =	vbroadcast v11, $0xB;
	vm10 =	vlt.s32 v47, v1;
	v50 =	vld [tilespmem:s15+$0x64D0]  }
0x2c8: {  	v20 =	vsel vm10, v20, v46;
	v21 =	vadd.s32 v0, v47  }
0x2c9: {  	[tilespmem:s5+$0x60] =	vst v17;
	v52 =	vbroadcast v13, $0xB;
	vm11 =	vlt.s32 v49, v1;
	v51 =	vperm.xlane v20, v21  }
0x2ca: {  	v53 =	vld [tilespmem:s6+$0x84D0];
	v54 =	vadd.s32 v0, v49;
	v19 =	vsel vm11, v19, v48  }
0x2cb: {  	v55 =	vld [tilespmem:s6+$0xA4D0];
	vm12 =	vlt.s32 v52, v1;
	v56 =	vperm.xlane v19, v54;
	[tilespmem:s8+$0x60] =	vst v51  }
0x2cc: {  	v20 =	vadd.s32 v0, v52;
	v57 =	vld [tilespmem:s10+$0x84D0];
	v18 =	vsel vm12, v18, v50  }
0x2cd: {  	v58 =	vbroadcast v6, $0xB;
	[tilespmem:s12+$0x60] =	vst v56;
	v59 =	vld [tilespmem:s10+$0xA4D0];
	v60 =	vperm.xlane v18, v20  }
0x2ce: {  	v61 =	vld [tilespmem:s13+$0x84D0]  }
0x2cf: {  	v62 =	vbroadcast v8, $0xB;
	vm13 =	vlt.s32 v58, v1;
	v63 =	vld [tilespmem:s13+$0xA4D0];
	[tilespmem:s14+$0x60] =	vst v60  }
0x2d0: {  	v28 =	vsel vm13, v53, v55;
	v29 =	vadd.s32 v0, v58;
	v30 =	vld [tilespmem:s15+$0x84D0]  }
0x2d1: {  	v31 =	vbroadcast v10, $0xB;
	vm14 =	vlt.s32 v62, v1;
	v17 =	vperm.xlane v28, v29;
	v32 =	vld [tilespmem:s15+$0xA4D0]  }
0x2d2: {  	v19 =	vsel vm14, v57, v59;
	v20 =	vadd.s32 v0, v62  }
0x2d3: {  	vm15 =	vlt.s32 v31, v1;
	v34 =	vbroadcast v12, $0xB;
	[tilespmem:s5+$0x70] =	vst v17;
	v33 =	vperm.xlane v19, v20  }
0x2d4: {  	v35 =	vld [tilespmem:s6+$0x44E0];
	v21 =	vadd.s32 v0, v31;
	v18 =	vsel vm15, v61, v63  }
0x2d5: {  	vm4 =	vlt.s32 v34, v1;
	v36 =	vld [tilespmem:s6+$0x64E0];
	v37 =	vperm.xlane v18, v21;
	[tilespmem:s8+$0x70] =	vst v33  }
0x2d6: {  	v19 =	vadd.s32 v0, v34;
	v38 =	vld [tilespmem:s10+$0x44E0];
	v39 =	vsel vm4, v30, v32  }
0x2d7: {  	v40 =	vbroadcast v7, $0xC;
	[tilespmem:s12+$0x70] =	vst v37;
	v41 =	vld [tilespmem:s10+$0x64E0];
	v42 =	vperm.xlane v39, v19  }
0x2d8: {  	v43 =	vld [tilespmem:s13+$0x44E0]  }
0x2d9: {  	v44 =	vbroadcast v9, $0xC;
	vm5 =	vlt.s32 v40, v1;
	v45 =	vld [tilespmem:s13+$0x64E0];
	[tilespmem:s14+$0x70] =	vst v42  }
0x2da: {  	v46 =	vsel vm5, v35, v36;
	v47 =	vadd.s32 v0, v40;
	v48 =	vld [tilespmem:s15+$0x44E0]  }
0x2db: {  	v49 =	vbroadcast v11, $0xC;
	vm6 =	vlt.s32 v44, v1;
	v17 =	vperm.xlane v46, v47;
	v50 =	vld [tilespmem:s15+$0x64E0]  }
0x2dc: {  	v21 =	vadd.s32 v0, v44;
	v18 =	vsel vm6, v38, v41  }
0x2dd: {  	vm7 =	vlt.s32 v49, v1;
	v52 =	vbroadcast v13, $0xC;
	[tilespmem:s5+$0x80] =	vst v17;
	v51 =	vperm.xlane v18, v21  }
0x2de: {  	v53 =	vld [tilespmem:s6+$0x84E0];
	v20 =	vadd.s32 v0, v49;
	v19 =	vsel vm7, v43, v45  }
0x2df: {  	vm8 =	vlt.s32 v52, v1;
	v54 =	vld [tilespmem:s6+$0xA4E0];
	v55 =	vperm.xlane v19, v20;
	[tilespmem:s8+$0x80] =	vst v51  }
0x2e0: {  	v18 =	vadd.s32 v0, v52;
	v56 =	vld [tilespmem:s10+$0x84E0];
	v57 =	vsel vm8, v48, v50  }
0x2e1: {  	v58 =	vbroadcast v6, $0xC;
	[tilespmem:s12+$0x80] =	vst v55;
	v59 =	vld [tilespmem:s10+$0xA4E0];
	v60 =	vperm.xlane v57, v18  }
0x2e2: {  	v61 =	vld [tilespmem:s13+$0x84E0]  }
0x2e3: {  	vm9 =	vlt.s32 v58, v1;
	v62 =	vbroadcast v8, $0xC;
	v63 =	vld [tilespmem:s13+$0xA4E0];
	[tilespmem:s14+$0x80] =	vst v60  }
0x2e4: {  	v29 =	vadd.s32 v0, v58;
	v28 =	vsel vm9, v53, v54;
	v30 =	vld [tilespmem:s15+$0x84E0]  }
0x2e5: {  	v31 =	vbroadcast v10, $0xC;
	v17 =	vperm.xlane v28, v29;
	vm10 =	vlt.s32 v62, v1;
	v32 =	vld [tilespmem:s15+$0xA4E0]  }
0x2e6: {  	v20 =	vadd.s32 v0, v62;
	v19 =	vsel vm10, v56, v59  }
0x2e7: {  	vm11 =	vlt.s32 v31, v1;
	v34 =	vbroadcast v12, $0xC;
	[tilespmem:s5+$0x90] =	vst v17;
	v33 =	vperm.xlane v19, v20  }
0x2e8: {  	v35 =	vld [tilespmem:s6+$0x44F0];
	v21 =	vadd.s32 v0, v31;
	v18 =	vsel vm11, v61, v63  }
0x2e9: {  	vm12 =	vlt.s32 v34, v1;
	v36 =	vld [tilespmem:s6+$0x64F0];
	v37 =	vperm.xlane v18, v21;
	[tilespmem:s8+$0x90] =	vst v33  }
0x2ea: {  	v19 =	vadd.s32 v0, v34;
	v38 =	vld [tilespmem:s10+$0x44F0];
	v39 =	vsel vm12, v30, v32  }
0x2eb: {  	v40 =	vbroadcast v7, $0xD;
	[tilespmem:s12+$0x90] =	vst v37;
	v41 =	vld [tilespmem:s10+$0x64F0];
	v42 =	vperm.xlane v39, v19  }
0x2ec: {  	v43 =	vld [tilespmem:s13+$0x44F0]  }
0x2ed: {  	vm13 =	vlt.s32 v40, v1;
	v44 =	vbroadcast v9, $0xD;
	v45 =	vld [tilespmem:s13+$0x64F0];
	[tilespmem:s14+$0x90] =	vst v42  }
0x2ee: {  	v47 =	vadd.s32 v0, v40;
	v46 =	vsel vm13, v35, v36;
	v48 =	vld [tilespmem:s15+$0x44F0]  }
0x2ef: {  	v49 =	vbroadcast v11, $0xD;
	vm14 =	vlt.s32 v44, v1;
	v17 =	vperm.xlane v46, v47;
	v50 =	vld [tilespmem:s15+$0x64F0]  }
0x2f0: {  	v21 =	vadd.s32 v0, v44;
	v18 =	vsel vm14, v38, v41  }
0x2f1: {  	vm15 =	vlt.s32 v49, v1;
	v52 =	vbroadcast v13, $0xD;
	[tilespmem:s5+$0xA0] =	vst v17;
	v51 =	vperm.xlane v18, v21  }
0x2f2: {  	v53 =	vld [tilespmem:s6+$0x84F0];
	v20 =	vadd.s32 v0, v49;
	v19 =	vsel vm15, v43, v45  }
0x2f3: {  	vm4 =	vlt.s32 v52, v1;
	v54 =	vld [tilespmem:s6+$0xA4F0];
	v55 =	vperm.xlane v19, v20;
	[tilespmem:s8+$0xA0] =	vst v51  }
0x2f4: {  	v18 =	vadd.s32 v0, v52;
	v56 =	vld [tilespmem:s10+$0x84F0];
	v57 =	vsel vm4, v48, v50  }
0x2f5: {  	v58 =	vbroadcast v6, $0xD;
	[tilespmem:s12+$0xA0] =	vst v55;
	v59 =	vld [tilespmem:s10+$0xA4F0];
	v60 =	vperm.xlane v57, v18  }
0x2f6: {  	v61 =	vld [tilespmem:s13+$0x84F0]  }
0x2f7: {  	vm5 =	vlt.s32 v58, v1;
	v62 =	vbroadcast v8, $0xD;
	v63 =	vld [tilespmem:s13+$0xA4F0];
	[tilespmem:s14+$0xA0] =	vst v60  }
0x2f8: {  	v27 =	vadd.s32 v0, v58;
	v26 =	vsel vm5, v53, v54;
	v28 =	vld [tilespmem:s15+$0x84F0]  }
0x2f9: {  	v29 =	vbroadcast v10, $0xD;
	vm6 =	vlt.s32 v62, v1;
	v17 =	vperm.xlane v26, v27;
	v30 =	vld [tilespmem:s15+$0xA4F0]  }
0x2fa: {  	v20 =	vadd.s32 v0, v62;
	v19 =	vsel vm6, v56, v59  }
0x2fb: {  	vm7 =	vlt.s32 v29, v1;
	[tilespmem:s5+$0xB0] =	vst v17;
	v32 =	vbroadcast v12, $0xD;
	v31 =	vperm.xlane v19, v20  }
0x2fc: {  	v33 =	vld [tilespmem:s6+$0x4500];
	v21 =	vadd.s32 v0, v29;
	v18 =	vsel vm7, v61, v63  }
0x2fd: {  	v34 =	vld [tilespmem:s6+$0x6500];
	vm8 =	vlt.s32 v32, v1;
	v35 =	vperm.xlane v18, v21;
	[tilespmem:s8+$0xB0] =	vst v31  }
0x2fe: {  	v19 =	vadd.s32 v0, v32;
	v36 =	vld [tilespmem:s10+$0x4500];
	v37 =	vsel vm8, v28, v30  }
0x2ff: {  	v38 =	vbroadcast v7, $0xE;
	[tilespmem:s12+$0xB0] =	vst v35;
	v39 =	vld [tilespmem:s10+$0x6500];
	v40 =	vperm.xlane v37, v19  }
0x300: {  	v41 =	vld [tilespmem:s13+$0x4500]  }
0x301: {  	vm9 =	vlt.s32 v38, v1;
	v42 =	vbroadcast v9, $0xE;
	v43 =	vld [tilespmem:s13+$0x6500];
	[tilespmem:s14+$0xB0] =	vst v40  }
0x302: {  	v45 =	vadd.s32 v0, v38;
	v44 =	vsel vm9, v33, v34;
	v46 =	vld [tilespmem:s15+$0x4500]  }
0x303: {  	v47 =	vbroadcast v11, $0xE;
	v17 =	vperm.xlane v44, v45;
	vm10 =	vlt.s32 v42, v1;
	v48 =	vld [tilespmem:s15+$0x6500]  }
0x304: {  	v21 =	vadd.s32 v0, v42;
	v18 =	vsel vm10, v36, v39  }
0x305: {  	vm11 =	vlt.s32 v47, v1;
	[tilespmem:s5+$0xC0] =	vst v17;
	v50 =	vbroadcast v13, $0xE;
	v49 =	vperm.xlane v18, v21  }
0x306: {  	v51 =	vld [tilespmem:s6+$0x8500];
	v20 =	vadd.s32 v0, v47;
	v19 =	vsel vm11, v41, v43  }
0x307: {  	v52 =	vld [tilespmem:s6+$0xA500];
	vm12 =	vlt.s32 v50, v1;
	v19 =	vperm.xlane v19, v20;
	[tilespmem:s8+$0xC0] =	vst v49  }
0x308: {  	v18 =	vadd.s32 v0, v50;
	v53 =	vld [tilespmem:s10+$0x8500];
	v22 =	vsel vm12, v46, v48  }
0x309: {  	vm13 =	vlt.s32 v16, v1;
	v54 =	vbroadcast v6, $0xE;
	[tilespmem:s12+$0xC0] =	vst v19;
	v55 =	vld [tilespmem:s10+$0xA500];
	v18 =	vperm.xlane v22, v18  }
0x30a: {  	v14 =	vsel vm13, v14, v15;
	v56 =	vadd.s32 v0, v16;
	v57 =	vld [tilespmem:s13+$0x8500]  }
0x30b: {  	v58 =	vbroadcast v8, $0xE;
	vm14 =	vlt.s32 v54, v1;
	v14 =	vperm.xlane v14, v56;
	v59 =	vld [tilespmem:s13+$0xA500];
	[tilespmem:s14+$0xC0] =	vst v18  }
0x30c: {  	v60 =	vadd.s32 v0, v54;
	v17 =	vsel vm14, v51, v52;
	v61 =	vld [tilespmem:s15+$0x8500]  }
0x30d: {  	vm15 =	vlt.s32 v58, v1;
	v63 =	vbroadcast v10, $0xE;
	[tilespmem:s0+$0xD0] =	vst v14;
	v62 =	vperm.xlane v17, v60;
	v24 =	vld [tilespmem:s15+$0xA500]  }
0x30e: {  	v15 =	vadd.s32 v0, v58;
	v25 =	vld [tilespmem:s9+$0x4510];
	v19 =	vsel vm15, v53, v55  }
0x30f: {  	vm4 =	vlt.s32 v63, v1;
	v26 =	vld [tilespmem:s9+$0x6510];
	[tilespmem:s5+$0xD0] =	vst v62;
	v28 =	vbroadcast v12, $0xE;
	v27 =	vperm.xlane v19, v15  }
0x310: {  	v17 =	vadd.s32 v0, v63;
	v29 =	vld [tilespmem:s6+$0x4510];
	v16 =	vsel vm4, v57, v59  }
0x311: {  	v5 =	vbroadcast v5, $0xF;
	v30 =	vld [tilespmem:s6+$0x6510];
	vm5 =	vlt.s32 v28, v1;
	v31 =	vperm.xlane v16, v17;
	[tilespmem:s8+$0xD0] =	vst v27  }
0x312: {  	v15 =	vadd.s32 v0, v28;
	v32 =	vld [tilespmem:s10+$0x4510];
	v33 =	vsel vm5, v61, v24  }
0x313: {  	v34 =	vbroadcast v7, $0xF;
	vm6 =	vlt.s32 v5, v1;
	[tilespmem:s12+$0xD0] =	vst v31;
	v35 =	vld [tilespmem:s10+$0x6510];
	v36 =	vperm.xlane v33, v15  }
0x314: {  	v5 =	vadd.s32 v0, v5;
	v37 =	vsel vm6, v25, v26;
	v38 =	vld [tilespmem:s13+$0x4510]  }
0x315: {  	vm7 =	vlt.s32 v34, v1;
	v39 =	vbroadcast v9, $0xF;
	v5 =	vperm.xlane v37, v5;
	v40 =	vld [tilespmem:s13+$0x6510];
	[tilespmem:s14+$0xD0] =	vst v36  }
0x316: {  	v7 =	vadd.s32 v0, v34;
	v41 =	vsel vm7, v29, v30;
	v42 =	vld [tilespmem:s15+$0x4510]  }
0x317: {  	v43 =	vbroadcast v11, $0xF;
	vm8 =	vlt.s32 v39, v1;
	[tilespmem:s0+$0xE0] =	vst v5;
	v5 =	vperm.xlane v41, v7;
	v44 =	vld [tilespmem:s15+$0x6510]  }
0x318: {  	v9 =	vadd.s32 v0, v39;
	v45 =	vld [tilespmem:s9+$0x8510];
	v16 =	vsel vm8, v32, v35  }
0x319: {  	v47 =	vbroadcast v13, $0xF;
	vm9 =	vlt.s32 v43, v1;
	[tilespmem:s5+$0xE0] =	vst v5;
	v46 =	vld [tilespmem:s9+$0xA510];
	v5 =	vperm.xlane v16, v9  }
0x31a: {  	v7 =	vadd.s32 v0, v43;
	v48 =	vld [tilespmem:s6+$0x8510];
	v15 =	vsel vm9, v38, v40  }
0x31b: {  	vm10 =	vlt.s32 v47, v1;
	v49 =	vld [tilespmem:s6+$0xA510];
	[tilespmem:s8+$0xE0] =	vst v5;
	v5 =	vperm.xlane v15, v7  }
0x31c: {  	v9 =	vadd.s32 v0, v47;
	v50 =	vld [tilespmem:s10+$0x8510];
	v11 =	vsel vm10, v42, v44  }
0x31d: {  	v51 =	vld [tilespmem:s10+$0xA510];
	[tilespmem:s12+$0xE0] =	vst v5;
	v5 =	vperm.xlane v11, v9  }
0x31e: {  	v4 =	vbroadcast v4, $0xF;
	v52 =	vbroadcast v6, $0xF;
	v53 =	vld [tilespmem:s13+$0x8510]  }
0x31f: {  	v60 =	vbroadcast v12, $0xF;
	v55 =	vld [tilespmem:s13+$0xA510];
	[tilespmem:s14+$0xE0] =	vst v5  }
0x320: {  	v6 =	vadd.s32 v0, v52;
	vm11 =	vlt.s32 v4, v1;
	v59 =	vbroadcast v10, $0xF;
	v56 =	vld [tilespmem:s15+$0x8510]  }
0x321: {  	v4 =	vadd.s32 v0, v4;
	vm12 =	vlt.s32 v52, v1;
	v5 =	vbroadcast v8, $0xF;
	v58 =	vld [tilespmem:s15+$0xA510]  }
0x322: {  	vm15 =	vlt.s32 v60, v1;
	vm14 =	vlt.s32 v59, v1;
	v54 =	vsel vm11, v45, v46  }
0x323: {  	v57 =	vsel vm12, v48, v49;
	v4 =	vperm.xlane v54, v4;
	vm13 =	vlt.s32 v5, v1  }
0x324: {  	v6 =	vperm.xlane v57, v6;
	v5 =	vadd.s32 v0, v5;
	v7 =	vsel vm13, v50, v51  }
0x325: {  	p1 =	seq.s32 s29, $0xC;
	[tilespmem:s0+$0xF0] =	vst v4;
	v61 =	vadd.s32 v0, v59;
	v4 =	vsel vm14, v53, v55;
	v5 =	vperm.xlane v7, v5  }
.Ltmp3:
0x326: {  	s17 =	sshll.u32 s29, $0xF;
	v63 =	vadd.s32 v0, v60;
	[tilespmem:s5+$0xF0] =	vst v6;
	v4 =	vperm.xlane v4, v61;
	v62 =	vsel vm15, v56, v58;
	(pc) =	sbr.rel @p1 .LBB2_12-.Ltmp3, $4  }
0x327: {  	s0 =	sadd.s32 s7, s17;
	[tilespmem:s8+$0xF0] =	vst v5;
	v5 =	vperm.xlane v62, v63  }
0x328: {  	s0 =	sshrl.u32 s0, $0x3;
	[tilespmem:s12+$0xF0] =	vst v4  }
0x329: {  	s18 =	simm.s32 $0x0;
	s0 =	sadd.s32 s3, s0;
	[tilespmem:s14+$0xF0] =	vst v5  }
0x32a: {  	[hbm4b:s0+s18] =	stream.linear.scatter [tilespmem:s25], [sflag:$0x3], $0x4000, $0x38;
	[tilespmem:$0x1CC20] =	vst v63  }
0x32b: {  	s0 =	sadd.s32 $0x0, s31  }
0x32c: {  	v4 =	vld [tilespmem:s0+$0x0];
	_ =	sdelay $0x4  }
0x32d: {  	v5 =	vmul.u32 v3, v4  }
0x32e: {  	v4 =	vmul.u32 v2, v4  }
0x32f: {  	v6 =	vshrl.u32 v5, $0x4  }
0x330: {  	v7 =	vshrl.u32 v4, $0x4;
	v6 =	vmulhi.u32 $0x10C70939, v6  }
0x331: {  	v7 =	vmulhi.u32 $0x10C70939, v7  }
0x332: {  	v6 =	vshrl.u32 v6, $0xC  }
0x333: {  	v7 =	vshrl.u32 v7, $0xC;
	v6 =	vmul.u32 $0xF4230, v6  }
0x334: {  	v7 =	vmul.u32 $0xF4230, v7  }
0x335: {  	v5 =	vsub.s32 v5, v6  }
0x336: {  	s0 =	simm.s32 $0x0;
	v4 =	vsub.s32 v4, v7;
	v6 =	vshrl.u32 v5, $0x4  }
0x337: {  	v7 =	vshrl.u32 v4, $0x4;
	[tilespmem:s0+$0x3420] =	vst v6  }
0x338: {  	v5 =	vand.u32 $0xF, v5;
	[tilespmem:s0+$0x3820] =	vst v7  }
0x339: {  	v6 =	vadd.s32 $0x1, v6;
	[tilespmem:s0+$0x14420] =	vst v5  }
0x33a: {  	[tilespmem:s0+$0x3620] =	vst v6;
	v6 =	vadd.s32 $0x1, v7  }
0x33b: {  	s6 =	simm.s32 $0x10;
	s5 =	simm.s32 $0x80;
	v4 =	vand.u32 $0xF, v4;
	[tilespmem:s0+$0x3A20] =	vst v6  }
.LBB2_10:
0x33c: {  	p1 =	sne.s32 s5, $0x7C0;
	s8 =	sadd.s32 s6, s31;
	[tilespmem:s0+$0x14820] =	vst v4;
	s0 =	smov.u32 s6  }
0x33d: {  	v4 =	vld [tilespmem:s8+$0x0];
	_ =	sdelay $0x4  }
0x33e: {  	v5 =	vmul.u32 v3, v4;
	v4 =	vmul.u32 v2, v4;
	_ =	sdelay $0x1  }
0x33f: {  	v6 =	vshrl.u32 v5, $0x4;
	v7 =	vshrl.u32 v4, $0x4  }
0x340: {  	v6 =	vmulhi.u32 $0x10C70939, v6  }
0x341: {  	v7 =	vmulhi.u32 $0x10C70939, v7  }
0x342: {  	v6 =	vshrl.u32 v6, $0xC  }
0x343: {  	v7 =	vshrl.u32 v7, $0xC;
	v6 =	vmul.u32 $0xF4230, v6  }
0x344: {  	v7 =	vmul.u32 $0xF4230, v7  }
0x345: {  	v5 =	vsub.s32 v5, v6  }
0x346: {  	v4 =	vsub.s32 v4, v7;
	v6 =	vshrl.u32 v5, $0x4;
	v5 =	vand.u32 $0xF, v5  }
.Ltmp4:
0x347: {  	v7 =	vshrl.u32 v4, $0x4;
	v4 =	vand.u32 $0xF, v4;
	[tilespmem:s0+$0x3420] =	vst v6;
	v6 =	vadd.s32 $0x1, v6;
	(pc) =	sbr.rel @p1 .LBB2_10-.Ltmp4, $4  }
0x348: {  	[tilespmem:s0+$0x3620] =	vst v6;
	v6 =	vadd.s32 $0x1, v7  }
0x349: {  	[tilespmem:s0+$0x3A20] =	vst v6  }
0x34a: {  	[tilespmem:s0+$0x3820] =	vst v7  }
0x34b: {  	s6 =	sshra.s32 s5, $0x2;
	s5 =	sadd.s32 $0x40, s5;
	[tilespmem:s0+$0x14420] =	vst v5  }
0x34c: {  	[tilespmem:s0+$0x14820] =	vst v4;
	s10 =	sadd.s32 s6, s31  }
0x34d: {  	v4 =	vld [tilespmem:s10+$0x0];
	_ =	sdelay $0x4  }
0x34e: {  	v5 =	vmul.u32 v3, v4  }
0x34f: {  	v4 =	vmul.u32 v2, v4  }
0x350: {  	v6 =	vshrl.u32 v5, $0x4  }
0x351: {  	v7 =	vshrl.u32 v4, $0x4;
	v6 =	vmulhi.u32 $0x10C70939, v6  }
0x352: {  	v7 =	vmulhi.u32 $0x10C70939, v7  }
0x353: {  	v6 =	vshrl.u32 v6, $0xC  }
0x354: {  	v7 =	vshrl.u32 v7, $0xC;
	v6 =	vmul.u32 $0xF4230, v6  }
0x355: {  	v7 =	vmul.u32 $0xF4230, v7  }
0x356: {  	v5 =	vsub.s32 v5, v6  }
0x357: {  	v4 =	vsub.s32 v4, v7;
	v6 =	vshrl.u32 v5, $0x4  }
0x358: {  	v7 =	vshrl.u32 v4, $0x4;
	[tilespmem:s6+$0x3420] =	vst v6  }
0x359: {  	v5 =	vand.u32 $0xF, v5;
	[tilespmem:s6+$0x3820] =	vst v7  }
0x35a: {  	v4 =	vand.u32 $0xF, v4;
	[tilespmem:s6+$0x14420] =	vst v5  }
0x35b: {  	v6 =	vadd.s32 $0x1, v6;
	[tilespmem:s6+$0x14820] =	vst v4  }
0x35c: {  	v63 =	vadd.s32 $0x1, v7;
	[tilespmem:s6+$0x3620] =	vst v6  }
0x35d: {  	s12 =	simm.s32 $0x3420;
	s5 =	simm.s32 $0x4420;
	[tilespmem:s6+$0x3A20] =	vst v63  }
0x35e: {  	[tilespmem:s5], [sflag:$0x1] =	stream.indirect.gather [hbm4b:s2+s11], $0x10, s12, s11, $0xb8;
	[tilespmem:$0x1CC20] =	vst v63  }
0x35f: {  	s13 =	simm.s32 $0x34A0;
	s14 =	simm.s32 $0x4C20  }
0x360: {  	[tilespmem:s14], [sflag:$0x1] =	stream.indirect.gather [hbm4b:s2+s11], $0x10, s13, s11, $0xb8;
	[tilespmem:$0x1CC20] =	vst v63  }
0x361: {  	s15 =	simm.s32 $0x3520;
	s16 =	simm.s32 $0x5420  }
0x362: {  	[tilespmem:s16], [sflag:$0x1] =	stream.indirect.gather [hbm4b:s2+s11], $0x10, s15, s11, $0xb8;
	[tilespmem:$0x1CC20] =	vst v63  }
0x363: {  	s17 =	simm.s32 $0x35A0;
	s18 =	simm.s32 $0x5C20  }
0x364: {  	[tilespmem:s18], [sflag:$0x1] =	stream.indirect.gather [hbm4b:s2+s11], $0x10, s17, s11, $0xb8;
	[tilespmem:$0x1CC20] =	vst v63  }
0x365: {  	s6 =	simm.s32 $0x6420;
	s5 =	simm.s32 $0x3620  }
0x366: {  	[tilespmem:s6], [sflag:$0x1] =	stream.indirect.gather [hbm4b:s2+s11], $0x10, s5, s11, $0xb8;
	[tilespmem:$0x1CC20] =	vst v63  }
0x367: {  	s8 =	simm.s32 $0x36A0;
	s9 =	simm.s32 $0x6C20  }
0x368: {  	[tilespmem:s9], [sflag:$0x1] =	stream.indirect.gather [hbm4b:s2+s11], $0x10, s8, s11, $0xb8;
	[tilespmem:$0x1CC20] =	vst v63  }
0x369: {  	s10 =	simm.s32 $0x3720;
	s12 =	simm.s32 $0x7420  }
0x36a: {  	[tilespmem:s12], [sflag:$0x1] =	stream.indirect.gather [hbm4b:s2+s11], $0x10, s10, s11, $0xb8;
	[tilespmem:$0x1CC20] =	vst v63  }
0x36b: {  	s13 =	simm.s32 $0x37A0;
	s14 =	simm.s32 $0x7C20  }
0x36c: {  	[tilespmem:s14], [sflag:$0x1] =	stream.indirect.gather [hbm4b:s2+s11], $0x10, s13, s11, $0xb8;
	[tilespmem:$0x1CC20] =	vst v63  }
0x36d: {  	s15 =	simm.s32 $0x3820;
	s16 =	simm.s32 $0x8420  }
0x36e: {  	[tilespmem:s16], [sflag:$0x1] =	stream.indirect.gather [hbm4b:s2+s11], $0x10, s15, s11, $0xb8;
	[tilespmem:$0x1CC20] =	vst v63  }
0x36f: {  	s17 =	simm.s32 $0x38A0;
	s18 =	simm.s32 $0x8C20  }
0x370: {  	[tilespmem:s18], [sflag:$0x1] =	stream.indirect.gather [hbm4b:s2+s11], $0x10, s17, s11, $0xb8;
	[tilespmem:$0x1CC20] =	vst v63  }
0x371: {  	s5 =	simm.s32 $0x3920;
	s6 =	simm.s32 $0x9420  }
0x372: {  	[tilespmem:s6], [sflag:$0x1] =	stream.indirect.gather [hbm4b:s2+s11], $0x10, s5, s11, $0xb8;
	[tilespmem:$0x1CC20] =	vst v63  }
0x373: {  	s8 =	simm.s32 $0x39A0;
	s9 =	simm.s32 $0x9C20  }
0x374: {  	[tilespmem:s9], [sflag:$0x1] =	stream.indirect.gather [hbm4b:s2+s11], $0x10, s8, s11, $0xb8;
	[tilespmem:$0x1CC20] =	vst v63  }
0x375: {  	s10 =	simm.s32 $0x3A20;
	s12 =	simm.s32 $0xA420  }
0x376: {  	[tilespmem:s12], [sflag:$0x1] =	stream.indirect.gather [hbm4b:s2+s11], $0x10, s10, s11, $0xb8;
	[tilespmem:$0x1CC20] =	vst v63  }
0x377: {  	s13 =	simm.s32 $0x3AA0;
	s14 =	simm.s32 $0xAC20  }
0x378: {  	[tilespmem:s14], [sflag:$0x1] =	stream.indirect.gather [hbm4b:s2+s11], $0x10, s13, s11, $0xb8;
	[tilespmem:$0x1CC20] =	vst v63  }
0x379: {  	s15 =	simm.s32 $0x3B20;
	s16 =	simm.s32 $0xB420  }
0x37a: {  	[tilespmem:s16], [sflag:$0x1] =	stream.indirect.gather [hbm4b:s2+s11], $0x10, s15, s11, $0xb8;
	[tilespmem:$0x1CC20] =	vst v63  }
0x37b: {  	s17 =	simm.s32 $0x3BA0;
	s18 =	simm.s32 $0xBC20  }
0x37c: {  	[tilespmem:s18], [sflag:$0x1] =	stream.indirect.gather [hbm4b:s2+s11], $0x10, s17, s11, $0xb8;
	[tilespmem:$0x1CC20] =	vst v63  }
.LBB2_12:
0x37d: {  	_ =	swait.ge [sflag:s26], $0x800  }
0x37e: {  	[sflag:s26] =	ssyncset.done $0x0  }
0x37f: {  	[sflag:s26] =	ssyncadd.s32 $0xFFFFF800  }
0x380: {  	_ =	swait.ge [sflag:s26], $0x800  }
0x381: {  	[sflag:s26] =	ssyncset.done $0x0  }
0x382: {  	[sflag:s26] =	ssyncadd.s32 $0xFFFFF800  }
0x383: {  	_ =	swait.ge [sflag:s26], $0x800  }
0x384: {  	[sflag:s26] =	ssyncset.done $0x0  }
0x385: {  	[sflag:s26] =	ssyncadd.s32 $0xFFFFF800  }
0x386: {  	_ =	swait.ge [sflag:s26], $0x800  }
0x387: {  	[sflag:s26] =	ssyncset.done $0x0  }
0x388: {  	[sflag:s26] =	ssyncadd.s32 $0xFFFFF800  }
0x389: {  	_ =	swait.ge [sflag:s26], $0x800  }
0x38a: {  	[sflag:s26] =	ssyncset.done $0x0  }
0x38b: {  	[sflag:s26] =	ssyncadd.s32 $0xFFFFF800  }
0x38c: {  	_ =	swait.ge [sflag:s26], $0x800  }
0x38d: {  	[sflag:s26] =	ssyncset.done $0x0  }
0x38e: {  	[sflag:s26] =	ssyncadd.s32 $0xFFFFF800  }
0x38f: {  	_ =	swait.ge [sflag:s26], $0x800  }
0x390: {  	[sflag:s26] =	ssyncset.done $0x0  }
0x391: {  	[sflag:s26] =	ssyncadd.s32 $0xFFFFF800  }
0x392: {  	_ =	swait.ge [sflag:s26], $0x800  }
0x393: {  	[sflag:s26] =	ssyncset.done $0x0  }
0x394: {  	[sflag:s26] =	ssyncadd.s32 $0xFFFFF800  }
0x395: {  	_ =	swait.ge [sflag:s26], $0x800  }
0x396: {  	[sflag:s26] =	ssyncset.done $0x0  }
0x397: {  	[sflag:s26] =	ssyncadd.s32 $0xFFFFF800  }
0x398: {  	_ =	swait.ge [sflag:s26], $0x800  }
0x399: {  	[sflag:s26] =	ssyncset.done $0x0  }
0x39a: {  	[sflag:s26] =	ssyncadd.s32 $0xFFFFF800  }
0x39b: {  	_ =	swait.ge [sflag:s26], $0x800  }
0x39c: {  	[sflag:s26] =	ssyncset.done $0x0  }
0x39d: {  	[sflag:s26] =	ssyncadd.s32 $0xFFFFF800  }
0x39e: {  	_ =	swait.ge [sflag:s26], $0x800  }
0x39f: {  	[sflag:s26] =	ssyncset.done $0x0  }
0x3a0: {  	[sflag:s26] =	ssyncadd.s32 $0xFFFFF800  }
0x3a1: {  	_ =	swait.ge [sflag:s26], $0x800  }
0x3a2: {  	[sflag:s26] =	ssyncset.done $0x0  }
0x3a3: {  	[sflag:s26] =	ssyncadd.s32 $0xFFFFF800  }
0x3a4: {  	_ =	swait.ge [sflag:s26], $0x800  }
0x3a5: {  	[sflag:s26] =	ssyncset.done $0x0  }
0x3a6: {  	[sflag:s26] =	ssyncadd.s32 $0xFFFFF800  }
0x3a7: {  	_ =	swait.ge [sflag:s26], $0x800  }
0x3a8: {  	[sflag:s26] =	ssyncset.done $0x0  }
0x3a9: {  	[sflag:s26] =	ssyncadd.s32 $0xFFFFF800  }
0x3aa: {  	_ =	swait.ge [sflag:s26], $0x800  }
0x3ab: {  	[sflag:s26] =	ssyncset.done $0x0  }
0x3ac: {  	s0 =	simm.s32 @!p0 $0x4;
	[sflag:s26] =	ssyncadd.s32 $0xFFFFF800  }
0x3ad: {  	_ =	swait.ge @!p0 [sflag:s0], $0x4000  }
0x3ae: {  	[sflag:s0] =	ssyncset.done @!p0 $0x0  }
0x3af: {  	s14 =	simm.s32 $0x14620;
	[sflag:s0] =	ssyncadd.s32 @!p0 $0xFFFFC000  }
0x3b0: {  	v5 =	vld [tilespmem:s14+$0x0]  }
0x3b1: {  	s9 =	simm.s32 $0x0  }
0x3b2: {  	v4 =	vld [tilespmem:s9+$0xC420]  }
0x3b3: {  	v6 =	vld [tilespmem:s9+$0xE420];
	_ =	sdelay $0x1  }
0x3b4: {  	v7 =	vbroadcast v5, $0x0;
	_ =	sdelay $0x1  }
0x3b5: {  	vm0 =	vlt.s32 v7, v1  }
0x3b6: {  	v4 =	vsel vm0, v4, v6;
	v6 =	vadd.s32 v0, v7  }
0x3b7: {  	s5 =	simm.s32 $0x14A20;
	v6 =	vperm.xlane v4, v6  }
0x3b8: {  	s0 =	simm.s32 $0x18D20;
	v4 =	vld [tilespmem:s5+$0x0]  }
0x3b9: {  	[tilespmem:s0+$0xFFFFFF00] =	vst v6  }
0x3ba: {  	v6 =	vld [tilespmem:s9+$0x10420]  }
0x3bb: {  	v7 =	vld [tilespmem:s9+$0x12420];
	_ =	sdelay $0x1  }
0x3bc: {  	v8 =	vbroadcast v4, $0x0;
	_ =	sdelay $0x1  }
0x3bd: {  	vm0 =	vlt.s32 v8, v1  }
0x3be: {  	v6 =	vsel vm0, v6, v7;
	v7 =	vadd.s32 v0, v8  }
0x3bf: {  	v6 =	vperm.xlane v6, v7;
	_ =	sdelay $0x1  }
0x3c0: {  	[tilespmem:s0+$0xFFFFFF10] =	vst v6  }
0x3c1: {  	v6 =	vld [tilespmem:s9+$0xC430]  }
0x3c2: {  	v7 =	vld [tilespmem:s9+$0xE430];
	_ =	sdelay $0x1  }
0x3c3: {  	v8 =	vbroadcast v5, $0x1;
	_ =	sdelay $0x1  }
0x3c4: {  	vm0 =	vlt.s32 v8, v1  }
0x3c5: {  	v6 =	vsel vm0, v6, v7;
	v7 =	vadd.s32 v0, v8  }
0x3c6: {  	v6 =	vperm.xlane v6, v7;
	_ =	sdelay $0x1  }
0x3c7: {  	[tilespmem:s0+$0xFFFFFF20] =	vst v6  }
0x3c8: {  	v6 =	vld [tilespmem:s9+$0x10430]  }
0x3c9: {  	v7 =	vld [tilespmem:s9+$0x12430];
	_ =	sdelay $0x1  }
0x3ca: {  	v8 =	vbroadcast v4, $0x1;
	_ =	sdelay $0x1  }
0x3cb: {  	vm0 =	vlt.s32 v8, v1  }
0x3cc: {  	v6 =	vsel vm0, v6, v7;
	v7 =	vadd.s32 v0, v8  }
0x3cd: {  	v6 =	vperm.xlane v6, v7;
	_ =	sdelay $0x1  }
0x3ce: {  	[tilespmem:s0+$0xFFFFFF30] =	vst v6  }
0x3cf: {  	v6 =	vld [tilespmem:s9+$0xC440]  }
0x3d0: {  	v7 =	vld [tilespmem:s9+$0xE440];
	_ =	sdelay $0x1  }
0x3d1: {  	v8 =	vbroadcast v5, $0x2;
	_ =	sdelay $0x1  }
0x3d2: {  	vm0 =	vlt.s32 v8, v1  }
0x3d3: {  	v6 =	vsel vm0, v6, v7;
	v7 =	vadd.s32 v0, v8  }
0x3d4: {  	v6 =	vperm.xlane v6, v7;
	_ =	sdelay $0x1  }
0x3d5: {  	[tilespmem:s0+$0xFFFFFF40] =	vst v6  }
0x3d6: {  	v6 =	vld [tilespmem:s9+$0x10440]  }
0x3d7: {  	v7 =	vld [tilespmem:s9+$0x12440];
	_ =	sdelay $0x1  }
0x3d8: {  	v8 =	vbroadcast v4, $0x2;
	_ =	sdelay $0x1  }
0x3d9: {  	vm0 =	vlt.s32 v8, v1  }
0x3da: {  	v6 =	vsel vm0, v6, v7;
	v7 =	vadd.s32 v0, v8  }
0x3db: {  	v6 =	vperm.xlane v6, v7;
	_ =	sdelay $0x1  }
0x3dc: {  	[tilespmem:s0+$0xFFFFFF50] =	vst v6  }
0x3dd: {  	v6 =	vld [tilespmem:s9+$0xC450]  }
0x3de: {  	v8 =	vld [tilespmem:s9+$0xE450];
	_ =	sdelay $0x1  }
0x3df: {  	s15 =	simm.s32 $0x14630;
	v9 =	vbroadcast v5, $0x3  }
0x3e0: {  	v7 =	vld [tilespmem:s15+$0x0]  }
0x3e1: {  	s6 =	simm.s32 $0x100;
	vm0 =	vlt.s32 v9, v1  }
0x3e2: {  	v10 =	vld [tilespmem:s6+$0xC420];
	v6 =	vsel vm0, v6, v8;
	v8 =	vadd.s32 v0, v9  }
0x3e3: {  	v9 =	vld [tilespmem:s6+$0xE420];
	v6 =	vperm.xlane v6, v8;
	_ =	sdelay $0x1  }
0x3e4: {  	v8 =	vbroadcast v7, $0x0;
	[tilespmem:s0+$0xFFFFFF60] =	vst v6  }
0x3e5: {  	v11 =	vld [tilespmem:s9+$0x10450]  }
0x3e6: {  	vm0 =	vlt.s32 v8, v1;
	v12 =	vld [tilespmem:s9+$0x12450]  }
0x3e7: {  	v8 =	vadd.s32 v0, v8;
	v6 =	vsel vm0, v10, v9  }
0x3e8: {  	s16 =	simm.s32 $0x14A30;
	v9 =	vbroadcast v4, $0x3;
	v8 =	vperm.xlane v6, v8  }
0x3e9: {  	s5 =	simm.s32 $0x18F20;
	v6 =	vld [tilespmem:s16+$0x0]  }
0x3ea: {  	vm0 =	vlt.s32 v9, v1;
	[tilespmem:s5+$0xFFFFFF00] =	vst v8  }
0x3eb: {  	v9 =	vadd.s32 v0, v9;
	v8 =	vld [tilespmem:s6+$0x10420];
	v10 =	vsel vm0, v11, v12  }
0x3ec: {  	v11 =	vld [tilespmem:s6+$0x12420];
	v9 =	vperm.xlane v10, v9;
	_ =	sdelay $0x1  }
0x3ed: {  	v10 =	vbroadcast v6, $0x0;
	[tilespmem:s0+$0xFFFFFF70] =	vst v9  }
0x3ee: {  	v9 =	vld [tilespmem:s9+$0xC460]  }
0x3ef: {  	vm0 =	vlt.s32 v10, v1;
	v12 =	vld [tilespmem:s9+$0xE460]  }
0x3f0: {  	v10 =	vadd.s32 v0, v10;
	v8 =	vsel vm0, v8, v11  }
0x3f1: {  	v8 =	vperm.xlane v8, v10;
	v10 =	vbroadcast v5, $0x4;
	_ =	sdelay $0x1  }
0x3f2: {  	[tilespmem:s5+$0xFFFFFF10] =	vst v8;
	vm0 =	vlt.s32 v10, v1  }
0x3f3: {  	v10 =	vadd.s32 v0, v10;
	v8 =	vld [tilespmem:s6+$0xC430];
	v9 =	vsel vm0, v9, v12  }
0x3f4: {  	v11 =	vld [tilespmem:s6+$0xE430];
	v9 =	vperm.xlane v9, v10;
	_ =	sdelay $0x1  }
0x3f5: {  	v10 =	vbroadcast v7, $0x1;
	[tilespmem:s0+$0xFFFFFF80] =	vst v9  }
0x3f6: {  	v9 =	vld [tilespmem:s9+$0x10460]  }
0x3f7: {  	vm0 =	vlt.s32 v10, v1;
	v12 =	vld [tilespmem:s9+$0x12460]  }
0x3f8: {  	v10 =	vadd.s32 v0, v10;
	v8 =	vsel vm0, v8, v11  }
0x3f9: {  	v8 =	vperm.xlane v8, v10;
	v10 =	vbroadcast v4, $0x4;
	_ =	sdelay $0x1  }
0x3fa: {  	[tilespmem:s5+$0xFFFFFF20] =	vst v8;
	vm0 =	vlt.s32 v10, v1  }
0x3fb: {  	v10 =	vadd.s32 v0, v10;
	v8 =	vld [tilespmem:s6+$0x10430];
	v9 =	vsel vm0, v9, v12  }
0x3fc: {  	v11 =	vld [tilespmem:s6+$0x12430];
	v9 =	vperm.xlane v9, v10;
	_ =	sdelay $0x1  }
0x3fd: {  	v10 =	vbroadcast v6, $0x1;
	[tilespmem:s0+$0xFFFFFF90] =	vst v9  }
0x3fe: {  	v9 =	vld [tilespmem:s9+$0xC470]  }
0x3ff: {  	vm0 =	vlt.s32 v10, v1;
	v12 =	vld [tilespmem:s9+$0xE470]  }
0x400: {  	v10 =	vadd.s32 v0, v10;
	v8 =	vsel vm0, v8, v11  }
0x401: {  	v8 =	vperm.xlane v8, v10;
	v10 =	vbroadcast v5, $0x5;
	_ =	sdelay $0x1  }
0x402: {  	[tilespmem:s5+$0xFFFFFF30] =	vst v8;
	vm0 =	vlt.s32 v10, v1  }
0x403: {  	v10 =	vadd.s32 v0, v10;
	v8 =	vld [tilespmem:s6+$0xC440];
	v9 =	vsel vm0, v9, v12  }
0x404: {  	v11 =	vld [tilespmem:s6+$0xE440];
	v9 =	vperm.xlane v9, v10;
	_ =	sdelay $0x1  }
0x405: {  	v10 =	vbroadcast v7, $0x2;
	[tilespmem:s0+$0xFFFFFFA0] =	vst v9  }
0x406: {  	v9 =	vld [tilespmem:s9+$0x10470]  }
0x407: {  	vm0 =	vlt.s32 v10, v1;
	v12 =	vld [tilespmem:s9+$0x12470]  }
0x408: {  	v10 =	vadd.s32 v0, v10;
	v8 =	vsel vm0, v8, v11  }
0x409: {  	v8 =	vperm.xlane v8, v10;
	v10 =	vbroadcast v4, $0x5;
	_ =	sdelay $0x1  }
0x40a: {  	[tilespmem:s5+$0xFFFFFF40] =	vst v8;
	vm0 =	vlt.s32 v10, v1  }
0x40b: {  	v10 =	vadd.s32 v0, v10;
	v8 =	vld [tilespmem:s6+$0x10440];
	v9 =	vsel vm0, v9, v12  }
0x40c: {  	v11 =	vld [tilespmem:s6+$0x12440];
	v9 =	vperm.xlane v9, v10;
	_ =	sdelay $0x1  }
0x40d: {  	v10 =	vbroadcast v6, $0x2;
	[tilespmem:s0+$0xFFFFFFB0] =	vst v9  }
0x40e: {  	v9 =	vld [tilespmem:s9+$0xC480]  }
0x40f: {  	vm0 =	vlt.s32 v10, v1;
	v12 =	vld [tilespmem:s9+$0xE480]  }
0x410: {  	v10 =	vadd.s32 v0, v10;
	v8 =	vsel vm0, v8, v11  }
0x411: {  	v8 =	vperm.xlane v8, v10;
	v10 =	vbroadcast v5, $0x6;
	_ =	sdelay $0x1  }
0x412: {  	[tilespmem:s5+$0xFFFFFF50] =	vst v8;
	vm0 =	vlt.s32 v10, v1  }
0x413: {  	v10 =	vadd.s32 v0, v10;
	v8 =	vld [tilespmem:s6+$0xC450];
	v9 =	vsel vm0, v9, v12  }
0x414: {  	v11 =	vld [tilespmem:s6+$0xE450];
	v10 =	vperm.xlane v9, v10  }
0x415: {  	s8 =	simm.s32 $0x14640  }
0x416: {  	v12 =	vbroadcast v7, $0x3;
	v9 =	vld [tilespmem:s8+$0x0];
	[tilespmem:s0+$0xFFFFFFC0] =	vst v10  }
0x417: {  	v10 =	vld [tilespmem:s9+$0x10480]  }
0x418: {  	s10 =	simm.s32 $0x200;
	vm0 =	vlt.s32 v12, v1;
	v13 =	vld [tilespmem:s9+$0x12480]  }
0x419: {  	v14 =	vld [tilespmem:s10+$0xC420];
	v8 =	vsel vm0, v8, v11;
	v11 =	vadd.s32 v0, v12  }
0x41a: {  	v12 =	vld [tilespmem:s10+$0xE420];
	v8 =	vperm.xlane v8, v11;
	v11 =	vbroadcast v4, $0x6;
	_ =	sdelay $0x1  }
0x41b: {  	v15 =	vbroadcast v9, $0x0;
	[tilespmem:s5+$0xFFFFFF60] =	vst v8;
	vm0 =	vlt.s32 v11, v1  }
0x41c: {  	v16 =	vld [tilespmem:s6+$0x10450];
	v8 =	vsel vm0, v10, v13;
	v10 =	vadd.s32 v0, v11  }
0x41d: {  	vm0 =	vlt.s32 v15, v1;
	v11 =	vld [tilespmem:s6+$0x12450];
	v10 =	vperm.xlane v8, v10  }
0x41e: {  	s17 =	simm.s32 $0x14A40;
	v13 =	vadd.s32 v0, v15;
	v12 =	vsel vm0, v14, v12  }
0x41f: {  	v8 =	vld [tilespmem:s17+$0x0];
	v12 =	vperm.xlane v12, v13;
	v13 =	vbroadcast v6, $0x3;
	[tilespmem:s0+$0xFFFFFFD0] =	vst v10  }
0x420: {  	s8 =	simm.s32 $0x19120;
	v10 =	vld [tilespmem:s9+$0xC490]  }
0x421: {  	[tilespmem:s8+$0xFFFFFF00] =	vst v12;
	vm0 =	vlt.s32 v13, v1;
	v12 =	vld [tilespmem:s9+$0xE490]  }
0x422: {  	v13 =	vadd.s32 v0, v13;
	v14 =	vld [tilespmem:s10+$0x10420];
	v11 =	vsel vm0, v16, v11  }
0x423: {  	v15 =	vld [tilespmem:s10+$0x12420];
	v11 =	vperm.xlane v11, v13;
	v13 =	vbroadcast v5, $0x7;
	_ =	sdelay $0x1  }
0x424: {  	v16 =	vbroadcast v8, $0x0;
	[tilespmem:s5+$0xFFFFFF70] =	vst v11;
	vm0 =	vlt.s32 v13, v1  }
0x425: {  	v11 =	vld [tilespmem:s6+$0xC460];
	v10 =	vsel vm0, v10, v12;
	v12 =	vadd.s32 v0, v13  }
0x426: {  	vm0 =	vlt.s32 v16, v1;
	v13 =	vld [tilespmem:s6+$0xE460];
	v10 =	vperm.xlane v10, v12  }
0x427: {  	v12 =	vsel vm0, v14, v15;
	v14 =	vadd.s32 v0, v16  }
0x428: {  	v12 =	vperm.xlane v12, v14;
	v14 =	vbroadcast v7, $0x4;
	[tilespmem:s0+$0xFFFFFFE0] =	vst v10  }
0x429: {  	v10 =	vld [tilespmem:s9+$0x10490]  }
0x42a: {  	[tilespmem:s8+$0xFFFFFF10] =	vst v12;
	vm0 =	vlt.s32 v14, v1;
	v12 =	vld [tilespmem:s9+$0x12490]  }
0x42b: {  	v15 =	vld [tilespmem:s10+$0xC430];
	v11 =	vsel vm0, v11, v13;
	v13 =	vadd.s32 v0, v14  }
0x42c: {  	v14 =	vld [tilespmem:s10+$0xE430];
	v11 =	vperm.xlane v11, v13;
	v13 =	vbroadcast v4, $0x7;
	_ =	sdelay $0x1  }
0x42d: {  	v16 =	vbroadcast v9, $0x1;
	[tilespmem:s5+$0xFFFFFF80] =	vst v11;
	vm0 =	vlt.s32 v13, v1  }
0x42e: {  	v11 =	vld [tilespmem:s6+$0x10460];
	v10 =	vsel vm0, v10, v12;
	v12 =	vadd.s32 v0, v13  }
0x42f: {  	vm0 =	vlt.s32 v16, v1;
	v13 =	vld [tilespmem:s6+$0x12460];
	v10 =	vperm.xlane v10, v12  }
0x430: {  	v12 =	vsel vm0, v15, v14;
	v14 =	vadd.s32 v0, v16  }
0x431: {  	v12 =	vperm.xlane v12, v14;
	v14 =	vbroadcast v6, $0x4;
	[tilespmem:s0+$0xFFFFFFF0] =	vst v10  }
0x432: {  	v10 =	vld [tilespmem:s9+$0xC4A0]  }
0x433: {  	[tilespmem:s8+$0xFFFFFF20] =	vst v12;
	vm0 =	vlt.s32 v14, v1;
	v12 =	vld [tilespmem:s9+$0xE4A0]  }
0x434: {  	v15 =	vld [tilespmem:s10+$0x10430];
	v11 =	vsel vm0, v11, v13;
	v13 =	vadd.s32 v0, v14  }
0x435: {  	v14 =	vld [tilespmem:s10+$0x12430];
	v11 =	vperm.xlane v11, v13;
	v13 =	vbroadcast v5, $0x8;
	_ =	sdelay $0x1  }
0x436: {  	v16 =	vbroadcast v8, $0x1;
	[tilespmem:s5+$0xFFFFFF90] =	vst v11;
	vm0 =	vlt.s32 v13, v1  }
0x437: {  	v11 =	vld [tilespmem:s6+$0xC470];
	v10 =	vsel vm0, v10, v12;
	v12 =	vadd.s32 v0, v13  }
0x438: {  	vm0 =	vlt.s32 v16, v1;
	v13 =	vld [tilespmem:s6+$0xE470];
	v10 =	vperm.xlane v10, v12  }
0x439: {  	v12 =	vsel vm0, v15, v14;
	v14 =	vadd.s32 v0, v16  }
0x43a: {  	v12 =	vperm.xlane v12, v14;
	v14 =	vbroadcast v7, $0x5;
	[tilespmem:s0+$0x0] =	vst v10  }
0x43b: {  	v10 =	vld [tilespmem:s9+$0x104A0]  }
0x43c: {  	[tilespmem:s8+$0xFFFFFF30] =	vst v12;
	vm0 =	vlt.s32 v14, v1;
	v12 =	vld [tilespmem:s9+$0x124A0]  }
0x43d: {  	v15 =	vld [tilespmem:s10+$0xC440];
	v11 =	vsel vm0, v11, v13;
	v13 =	vadd.s32 v0, v14  }
0x43e: {  	v14 =	vld [tilespmem:s10+$0xE440];
	v11 =	vperm.xlane v11, v13;
	v13 =	vbroadcast v4, $0x8;
	_ =	sdelay $0x1  }
0x43f: {  	v16 =	vbroadcast v9, $0x2;
	[tilespmem:s5+$0xFFFFFFA0] =	vst v11;
	vm0 =	vlt.s32 v13, v1  }
0x440: {  	v11 =	vld [tilespmem:s6+$0x10470];
	v10 =	vsel vm0, v10, v12;
	v12 =	vadd.s32 v0, v13  }
0x441: {  	vm0 =	vlt.s32 v16, v1;
	v13 =	vld [tilespmem:s6+$0x12470];
	v10 =	vperm.xlane v10, v12  }
0x442: {  	v12 =	vsel vm0, v15, v14;
	v14 =	vadd.s32 v0, v16  }
0x443: {  	v12 =	vperm.xlane v12, v14;
	v14 =	vbroadcast v6, $0x5;
	[tilespmem:s0+$0x10] =	vst v10  }
0x444: {  	v10 =	vld [tilespmem:s9+$0xC4B0]  }
0x445: {  	[tilespmem:s8+$0xFFFFFF40] =	vst v12;
	vm0 =	vlt.s32 v14, v1;
	v12 =	vld [tilespmem:s9+$0xE4B0]  }
0x446: {  	v15 =	vld [tilespmem:s10+$0x10440];
	v11 =	vsel vm0, v11, v13;
	v13 =	vadd.s32 v0, v14  }
0x447: {  	v14 =	vld [tilespmem:s10+$0x12440];
	v11 =	vperm.xlane v11, v13;
	v13 =	vbroadcast v5, $0x9;
	_ =	sdelay $0x1  }
0x448: {  	v16 =	vbroadcast v8, $0x2;
	[tilespmem:s5+$0xFFFFFFB0] =	vst v11;
	vm0 =	vlt.s32 v13, v1  }
0x449: {  	v11 =	vld [tilespmem:s6+$0xC480];
	v10 =	vsel vm0, v10, v12;
	v12 =	vadd.s32 v0, v13  }
0x44a: {  	vm0 =	vlt.s32 v16, v1;
	v13 =	vld [tilespmem:s6+$0xE480];
	v10 =	vperm.xlane v10, v12  }
0x44b: {  	v12 =	vsel vm0, v15, v14;
	v14 =	vadd.s32 v0, v16  }
0x44c: {  	v12 =	vperm.xlane v12, v14;
	v14 =	vbroadcast v7, $0x6;
	[tilespmem:s0+$0x20] =	vst v10  }
0x44d: {  	v10 =	vld [tilespmem:s9+$0x104B0]  }
0x44e: {  	[tilespmem:s8+$0xFFFFFF50] =	vst v12;
	vm0 =	vlt.s32 v14, v1;
	v12 =	vld [tilespmem:s9+$0x124B0]  }
0x44f: {  	v15 =	vld [tilespmem:s10+$0xC450];
	v11 =	vsel vm0, v11, v13;
	v13 =	vadd.s32 v0, v14  }
0x450: {  	v16 =	vbroadcast v4, $0x9;
	v14 =	vld [tilespmem:s10+$0xE450];
	v13 =	vperm.xlane v11, v13  }
0x451: {  	s12 =	simm.s32 $0x14650  }
0x452: {  	v17 =	vbroadcast v9, $0x3;
	vm0 =	vlt.s32 v16, v1;
	v11 =	vld [tilespmem:s12+$0x0];
	[tilespmem:s5+$0xFFFFFFC0] =	vst v13  }
0x453: {  	v13 =	vld [tilespmem:s6+$0x10480];
	v10 =	vsel vm0, v10, v12;
	v12 =	vadd.s32 v0, v16  }
0x454: {  	s13 =	simm.s32 $0x300;
	vm0 =	vlt.s32 v17, v1;
	v16 =	vld [tilespmem:s6+$0x12480];
	v10 =	vperm.xlane v10, v12  }
0x455: {  	v12 =	vld [tilespmem:s13+$0xC420];
	v14 =	vsel vm0, v15, v14;
	v15 =	vadd.s32 v0, v17  }
0x456: {  	v17 =	vld [tilespmem:s13+$0xE420];
	v14 =	vperm.xlane v14, v15;
	v15 =	vbroadcast v6, $0x6;
	[tilespmem:s0+$0x30] =	vst v10  }
0x457: {  	v18 =	vld [tilespmem:s9+$0xC4C0]  }
0x458: {  	v10 =	vbroadcast v11, $0x0;
	[tilespmem:s8+$0xFFFFFF60] =	vst v14;
	vm0 =	vlt.s32 v15, v1;
	v14 =	vld [tilespmem:s9+$0xE4C0]  }
0x459: {  	v15 =	vadd.s32 v0, v15;
	v19 =	vld [tilespmem:s10+$0x10450];
	v13 =	vsel vm0, v13, v16  }
0x45a: {  	vm0 =	vlt.s32 v10, v1;
	v16 =	vld [tilespmem:s10+$0x12450];
	v13 =	vperm.xlane v13, v15;
	v15 =	vbroadcast v5, $0xA  }
0x45b: {  	s18 =	simm.s32 $0x14A50;
	v12 =	vsel vm0, v12, v17;
	v17 =	vadd.s32 v0, v10  }
0x45c: {  	v10 =	vld [tilespmem:s18+$0x0];
	v12 =	vperm.xlane v12, v17;
	v17 =	vbroadcast v8, $0x3;
	[tilespmem:s5+$0xFFFFFFD0] =	vst v13;
	vm0 =	vlt.s32 v15, v1  }
0x45d: {  	s12 =	simm.s32 $0x19320;
	v15 =	vadd.s32 v0, v15;
	v13 =	vld [tilespmem:s6+$0xC490];
	v14 =	vsel vm0, v18, v14  }
0x45e: {  	[tilespmem:s12+$0xFFFFFF00] =	vst v12;
	vm0 =	vlt.s32 v17, v1;
	v12 =	vld [tilespmem:s6+$0xE490];
	v14 =	vperm.xlane v14, v15  }
0x45f: {  	v17 =	vadd.s32 v0, v17;
	v15 =	vld [tilespmem:s13+$0x10420];
	v16 =	vsel vm0, v19, v16  }
0x460: {  	v18 =	vld [tilespmem:s13+$0x12420];
	v16 =	vperm.xlane v16, v17;
	v17 =	vbroadcast v7, $0x7;
	[tilespmem:s0+$0x40] =	vst v14  }
0x461: {  	v14 =	vld [tilespmem:s9+$0x104C0]  }
0x462: {  	v19 =	vbroadcast v10, $0x0;
	[tilespmem:s8+$0xFFFFFF70] =	vst v16;
	vm0 =	vlt.s32 v17, v1;
	v16 =	vld [tilespmem:s9+$0x124C0]  }
0x463: {  	v20 =	vld [tilespmem:s10+$0xC460];
	v12 =	vsel vm0, v13, v12;
	v13 =	vadd.s32 v0, v17  }
0x464: {  	vm0 =	vlt.s32 v19, v1;
	v17 =	vld [tilespmem:s10+$0xE460];
	v12 =	vperm.xlane v12, v13;
	v13 =	vbroadcast v4, $0xA  }
0x465: {  	v15 =	vsel vm0, v15, v18;
	v18 =	vadd.s32 v0, v19  }
0x466: {  	v15 =	vperm.xlane v15, v18;
	v18 =	vbroadcast v9, $0x4;
	[tilespmem:s5+$0xFFFFFFE0] =	vst v12;
	vm0 =	vlt.s32 v13, v1  }
0x467: {  	v13 =	vadd.s32 v0, v13;
	v12 =	vld [tilespmem:s6+$0x10490];
	v14 =	vsel vm0, v14, v16  }
0x468: {  	[tilespmem:s12+$0xFFFFFF10] =	vst v15;
	vm0 =	vlt.s32 v18, v1;
	v15 =	vld [tilespmem:s6+$0x12490];
	v13 =	vperm.xlane v14, v13  }
0x469: {  	v14 =	vld [tilespmem:s13+$0xC430];
	v16 =	vsel vm0, v20, v17;
	v17 =	vadd.s32 v0, v18  }
0x46a: {  	v18 =	vld [tilespmem:s13+$0xE430];
	v16 =	vperm.xlane v16, v17;
	v17 =	vbroadcast v6, $0x7;
	[tilespmem:s0+$0x50] =	vst v13  }
0x46b: {  	v13 =	vld [tilespmem:s9+$0xC4D0]  }
0x46c: {  	v19 =	vbroadcast v11, $0x1;
	[tilespmem:s8+$0xFFFFFF80] =	vst v16;
	vm0 =	vlt.s32 v17, v1;
	v16 =	vld [tilespmem:s9+$0xE4D0]  }
0x46d: {  	v20 =	vld [tilespmem:s10+$0x10460];
	v12 =	vsel vm0, v12, v15;
	v15 =	vadd.s32 v0, v17  }
0x46e: {  	vm0 =	vlt.s32 v19, v1;
	v17 =	vld [tilespmem:s10+$0x12460];
	v12 =	vperm.xlane v12, v15;
	v15 =	vbroadcast v5, $0xB  }
0x46f: {  	v14 =	vsel vm0, v14, v18;
	v18 =	vadd.s32 v0, v19  }
0x470: {  	v14 =	vperm.xlane v14, v18;
	v18 =	vbroadcast v8, $0x4;
	[tilespmem:s5+$0xFFFFFFF0] =	vst v12;
	vm0 =	vlt.s32 v15, v1  }
0x471: {  	v15 =	vadd.s32 v0, v15;
	v12 =	vld [tilespmem:s6+$0xC4A0];
	v13 =	vsel vm0, v13, v16  }
0x472: {  	[tilespmem:s12+$0xFFFFFF20] =	vst v14;
	vm0 =	vlt.s32 v18, v1;
	v14 =	vld [tilespmem:s6+$0xE4A0];
	v13 =	vperm.xlane v13, v15  }
0x473: {  	v15 =	vld [tilespmem:s13+$0x10430];
	v16 =	vsel vm0, v20, v17;
	v17 =	vadd.s32 v0, v18  }
0x474: {  	v18 =	vld [tilespmem:s13+$0x12430];
	v16 =	vperm.xlane v16, v17;
	v17 =	vbroadcast v7, $0x8;
	[tilespmem:s0+$0x60] =	vst v13  }
0x475: {  	v13 =	vld [tilespmem:s9+$0x104D0]  }
0x476: {  	v19 =	vbroadcast v10, $0x1;
	[tilespmem:s8+$0xFFFFFF90] =	vst v16;
	vm0 =	vlt.s32 v17, v1;
	v16 =	vld [tilespmem:s9+$0x124D0]  }
0x477: {  	v20 =	vld [tilespmem:s10+$0xC470];
	v12 =	vsel vm0, v12, v14;
	v14 =	vadd.s32 v0, v17  }
0x478: {  	vm0 =	vlt.s32 v19, v1;
	v17 =	vld [tilespmem:s10+$0xE470];
	v12 =	vperm.xlane v12, v14;
	v14 =	vbroadcast v4, $0xB  }
0x479: {  	v15 =	vsel vm0, v15, v18;
	v18 =	vadd.s32 v0, v19  }
0x47a: {  	v15 =	vperm.xlane v15, v18;
	v18 =	vbroadcast v9, $0x5;
	[tilespmem:s5+$0x0] =	vst v12;
	vm0 =	vlt.s32 v14, v1  }
0x47b: {  	v14 =	vadd.s32 v0, v14;
	v12 =	vld [tilespmem:s6+$0x104A0];
	v13 =	vsel vm0, v13, v16  }
0x47c: {  	[tilespmem:s12+$0xFFFFFF30] =	vst v15;
	vm0 =	vlt.s32 v18, v1;
	v15 =	vld [tilespmem:s6+$0x124A0];
	v13 =	vperm.xlane v13, v14  }
0x47d: {  	v14 =	vld [tilespmem:s13+$0xC440];
	v16 =	vsel vm0, v20, v17;
	v17 =	vadd.s32 v0, v18  }
0x47e: {  	v18 =	vld [tilespmem:s13+$0xE440];
	v16 =	vperm.xlane v16, v17;
	v17 =	vbroadcast v6, $0x8;
	[tilespmem:s0+$0x70] =	vst v13  }
0x47f: {  	v13 =	vld [tilespmem:s9+$0xC4E0]  }
0x480: {  	v19 =	vbroadcast v11, $0x2;
	[tilespmem:s8+$0xFFFFFFA0] =	vst v16;
	vm0 =	vlt.s32 v17, v1;
	v16 =	vld [tilespmem:s9+$0xE4E0]  }
0x481: {  	v20 =	vld [tilespmem:s10+$0x10470];
	v12 =	vsel vm0, v12, v15;
	v15 =	vadd.s32 v0, v17  }
0x482: {  	vm0 =	vlt.s32 v19, v1;
	v17 =	vld [tilespmem:s10+$0x12470];
	v12 =	vperm.xlane v12, v15;
	v15 =	vbroadcast v5, $0xC  }
0x483: {  	v14 =	vsel vm0, v14, v18;
	v18 =	vadd.s32 v0, v19  }
0x484: {  	v14 =	vperm.xlane v14, v18;
	v18 =	vbroadcast v8, $0x5;
	[tilespmem:s5+$0x10] =	vst v12;
	vm0 =	vlt.s32 v15, v1  }
0x485: {  	v15 =	vadd.s32 v0, v15;
	v12 =	vld [tilespmem:s6+$0xC4B0];
	v13 =	vsel vm0, v13, v16  }
0x486: {  	[tilespmem:s12+$0xFFFFFF40] =	vst v14;
	vm0 =	vlt.s32 v18, v1;
	v14 =	vld [tilespmem:s6+$0xE4B0];
	v13 =	vperm.xlane v13, v15  }
0x487: {  	v15 =	vld [tilespmem:s13+$0x10440];
	v16 =	vsel vm0, v20, v17;
	v17 =	vadd.s32 v0, v18  }
0x488: {  	v18 =	vld [tilespmem:s13+$0x12440];
	v16 =	vperm.xlane v16, v17;
	v17 =	vbroadcast v7, $0x9;
	[tilespmem:s0+$0x80] =	vst v13  }
0x489: {  	v19 =	vld [tilespmem:s9+$0x104E0]  }
0x48a: {  	v13 =	vbroadcast v10, $0x2;
	[tilespmem:s8+$0xFFFFFFB0] =	vst v16;
	vm0 =	vlt.s32 v17, v1;
	v16 =	vld [tilespmem:s9+$0x124E0]  }
0x48b: {  	v20 =	vld [tilespmem:s10+$0xC480];
	v12 =	vsel vm0, v12, v14;
	v14 =	vadd.s32 v0, v17  }
0x48c: {  	v21 =	vbroadcast v4, $0xC;
	s15 =	simm.s32 $0x400;
	vm0 =	vlt.s32 v13, v1;
	v17 =	vld [tilespmem:s10+$0xE480];
	v14 =	vperm.xlane v12, v14  }
0x48d: {  	v23 =	vld [tilespmem:s15+$0xC420];
	s17 =	simm.s32 $0x14660;
	v15 =	vsel vm0, v15, v18;
	v18 =	vadd.s32 v0, v13  }
0x48e: {  	v13 =	vld [tilespmem:s17+$0x0];
	vm0 =	vlt.s32 v21, v1;
	v15 =	vperm.xlane v15, v18;
	v18 =	vbroadcast v9, $0x6;
	[tilespmem:s5+$0x20] =	vst v14  }
0x48f: {  	v14 =	vld [tilespmem:s6+$0x104B0];
	v16 =	vsel vm0, v19, v16;
	v19 =	vadd.s32 v0, v21  }
0x490: {  	[tilespmem:s12+$0xFFFFFF50] =	vst v15;
	vm0 =	vlt.s32 v18, v1;
	v15 =	vld [tilespmem:s6+$0x124B0];
	v16 =	vperm.xlane v16, v19  }
0x491: {  	v18 =	vadd.s32 v0, v18;
	v19 =	vld [tilespmem:s13+$0xC450];
	v17 =	vsel vm0, v20, v17  }
0x492: {  	v20 =	vld [tilespmem:s13+$0xE450];
	v17 =	vperm.xlane v17, v18;
	v18 =	vbroadcast v6, $0x9;
	[tilespmem:s0+$0x90] =	vst v16  }
0x493: {  	v16 =	vld [tilespmem:s9+$0xC4F0]  }
0x494: {  	v21 =	vbroadcast v11, $0x3;
	[tilespmem:s8+$0xFFFFFFC0] =	vst v17;
	vm0 =	vlt.s32 v18, v1;
	v17 =	vld [tilespmem:s9+$0xE4F0]  }
0x495: {  	v22 =	vld [tilespmem:s10+$0x10480];
	v14 =	vsel vm0, v14, v15;
	v15 =	vadd.s32 v0, v18  }
0x496: {  	s16 =	simm.s32 $0x14A60;
	vm0 =	vlt.s32 v21, v1;
	v18 =	vld [tilespmem:s10+$0x12480];
	v14 =	vperm.xlane v14, v15;
	v15 =	vbroadcast v5, $0xD  }
0x497: {  	v12 =	vld [tilespmem:s16+$0x0];
	v19 =	vsel vm0, v19, v20;
	v20 =	vadd.s32 v0, v21  }
0x498: {  	v21 =	vld [tilespmem:s15+$0xE420];
	v19 =	vperm.xlane v19, v20;
	v20 =	vbroadcast v8, $0x6;
	[tilespmem:s5+$0x30] =	vst v14;
	vm0 =	vlt.s32 v15, v1  }
0x499: {  	v15 =	vadd.s32 v0, v15;
	v14 =	vld [tilespmem:s6+$0xC4C0];
	v16 =	vsel vm0, v16, v17  }
0x49a: {  	v17 =	vbroadcast v13, $0x0;
	[tilespmem:s12+$0xFFFFFF60] =	vst v19;
	vm0 =	vlt.s32 v20, v1;
	v19 =	vld [tilespmem:s6+$0xE4C0];
	v15 =	vperm.xlane v16, v15  }
0x49b: {  	v20 =	vadd.s32 v0, v20;
	v16 =	vld [tilespmem:s13+$0x10450];
	v18 =	vsel vm0, v22, v18  }
0x49c: {  	v22 =	vld [tilespmem:s13+$0x12450];
	vm0 =	vlt.s32 v17, v1;
	v18 =	vperm.xlane v18, v20;
	v20 =	vbroadcast v7, $0xA;
	[tilespmem:s0+$0xA0] =	vst v15  }
0x49d: {  	v17 =	vadd.s32 v0, v17;
	v15 =	vsel vm0, v23, v21;
	v21 =	vld [tilespmem:s9+$0x104F0]  }
0x49e: {  	v15 =	vperm.xlane v15, v17;
	v17 =	vbroadcast v10, $0x3;
	[tilespmem:s8+$0xFFFFFFD0] =	vst v18;
	vm0 =	vlt.s32 v20, v1;
	v18 =	vld [tilespmem:s9+$0x124F0]  }
0x49f: {  	s14 =	simm.s32 $0x19520;
	v23 =	vld [tilespmem:s10+$0xC490];
	v14 =	vsel vm0, v14, v19;
	v19 =	vadd.s32 v0, v20  }
0x4a0: {  	[tilespmem:s14+$0xFFFFFF00] =	vst v15;
	vm0 =	vlt.s32 v17, v1;
	v15 =	vld [tilespmem:s10+$0xE490];
	v14 =	vperm.xlane v14, v19;
	v19 =	vbroadcast v4, $0xD  }
0x4a1: {  	v17 =	vadd.s32 v0, v17;
	v20 =	vld [tilespmem:s15+$0x10420];
	v16 =	vsel vm0, v16, v22  }
0x4a2: {  	v22 =	vld [tilespmem:s15+$0x12420];
	v16 =	vperm.xlane v16, v17;
	v17 =	vbroadcast v9, $0x7;
	[tilespmem:s5+$0x40] =	vst v14;
	vm0 =	vlt.s32 v19, v1  }
0x4a3: {  	v19 =	vadd.s32 v0, v19;
	v14 =	vld [tilespmem:s6+$0x104C0];
	v18 =	vsel vm0, v21, v18  }
0x4a4: {  	v21 =	vbroadcast v12, $0x0;
	[tilespmem:s12+$0xFFFFFF70] =	vst v16;
	vm0 =	vlt.s32 v17, v1;
	v16 =	vld [tilespmem:s6+$0x124C0];
	v18 =	vperm.xlane v18, v19  }
0x4a5: {  	v17 =	vadd.s32 v0, v17;
	v19 =	vld [tilespmem:s13+$0xC460];
	v15 =	vsel vm0, v23, v15  }
0x4a6: {  	vm0 =	vlt.s32 v21, v1;
	v23 =	vld [tilespmem:s13+$0xE460];
	v15 =	vperm.xlane v15, v17;
	v17 =	vbroadcast v6, $0xA;
	[tilespmem:s0+$0xB0] =	vst v18  }
0x4a7: {  	v18 =	vsel vm0, v20, v22;
	v20 =	vadd.s32 v0, v21;
	v21 =	vld [tilespmem:s9+$0xC500]  }
0x4a8: {  	v18 =	vperm.xlane v18, v20;
	v20 =	vbroadcast v11, $0x4;
	[tilespmem:s8+$0xFFFFFFE0] =	vst v15;
	vm0 =	vlt.s32 v17, v1;
	v15 =	vld [tilespmem:s9+$0xE500]  }
0x4a9: {  	v22 =	vld [tilespmem:s10+$0x10490];
	v14 =	vsel vm0, v14, v16;
	v16 =	vadd.s32 v0, v17  }
0x4aa: {  	[tilespmem:s14+$0xFFFFFF10] =	vst v18;
	vm0 =	vlt.s32 v20, v1;
	v17 =	vld [tilespmem:s10+$0x12490];
	v14 =	vperm.xlane v14, v16;
	v16 =	vbroadcast v5, $0xE  }
0x4ab: {  	v20 =	vadd.s32 v0, v20;
	v18 =	vld [tilespmem:s15+$0xC430];
	v19 =	vsel vm0, v19, v23  }
0x4ac: {  	v24 =	vbroadcast v8, $0x7;
	v23 =	vld [tilespmem:s15+$0xE430];
	v19 =	vperm.xlane v19, v20;
	[tilespmem:s5+$0x50] =	vst v14;
	vm0 =	vlt.s32 v16, v1  }
0x4ad: {  	v25 =	vld [tilespmem:s6+$0xC4D0];
	v14 =	vsel vm0, v21, v15;
	v15 =	vadd.s32 v0, v16  }
0x4ae: {  	v16 =	vbroadcast v13, $0x1;
	[tilespmem:s12+$0xFFFFFF80] =	vst v19;
	vm0 =	vlt.s32 v24, v1;
	v19 =	vld [tilespmem:s6+$0xE4D0];
	v14 =	vperm.xlane v14, v15  }
0x4af: {  	v20 =	vld [tilespmem:s13+$0x10460];
	v15 =	vsel vm0, v22, v17;
	v17 =	vadd.s32 v0, v24  }
0x4b0: {  	v21 =	vld [tilespmem:s13+$0x12460];
	vm0 =	vlt.s32 v16, v1;
	v15 =	vperm.xlane v15, v17;
	v17 =	vbroadcast v7, $0xB;
	[tilespmem:s0+$0xC0] =	vst v14  }
0x4b1: {  	v16 =	vadd.s32 v0, v16;
	v18 =	vsel vm0, v18, v23;
	v14 =	vld [tilespmem:s9+$0x10500]  }
0x4b2: {  	v22 =	vbroadcast v10, $0x4;
	v16 =	vperm.xlane v18, v16;
	[tilespmem:s8+$0xFFFFFFF0] =	vst v15;
	vm0 =	vlt.s32 v17, v1;
	v15 =	vld [tilespmem:s9+$0x12500]  }
0x4b3: {  	v17 =	vadd.s32 v0, v17;
	v18 =	vld [tilespmem:s10+$0xC4A0];
	v23 =	vsel vm0, v25, v19  }
0x4b4: {  	s18 =	simm.s32 $0x1400;
	vm0 =	vlt.s32 v22, v1;
	v19 =	vld [tilespmem:s10+$0xE4A0];
	[tilespmem:s14+$0xFFFFFF20] =	vst v16;
	v17 =	vperm.xlane v23, v17;
	v16 =	vbroadcast v4, $0xE  }
.LBB2_13:
0x4b5: {  	p0 =	sne.s32 s18, $0x7C00;
	v23 =	vld [tilespmem:s15+$0x10430];
	v20 =	vsel vm0, v20, v21;
	v21 =	vadd.s32 v0, v22  }
0x4b6: {  	v22 =	vld [tilespmem:s15+$0x12430];
	v20 =	vperm.xlane v20, v21;
	v21 =	vbroadcast v9, $0x8;
	[tilespmem:s5+$0x60] =	vst v17;
	vm0 =	vlt.s32 v16, v1  }
0x4b7: {  	v17 =	vld [tilespmem:s6+$0x104D0];
	v14 =	vsel vm0, v14, v15;
	v15 =	vadd.s32 v0, v16  }
0x4b8: {  	v16 =	vbroadcast v12, $0x1;
	[tilespmem:s12+$0xFFFFFF90] =	vst v20;
	vm0 =	vlt.s32 v21, v1;
	v20 =	vld [tilespmem:s6+$0x124D0];
	v14 =	vperm.xlane v14, v15  }
0x4b9: {  	v15 =	vld [tilespmem:s13+$0xC470];
	v18 =	vsel vm0, v18, v19;
	v19 =	vadd.s32 v0, v21  }
0x4ba: {  	vm0 =	vlt.s32 v16, v1;
	v21 =	vld [tilespmem:s13+$0xE470];
	v18 =	vperm.xlane v18, v19;
	v19 =	vbroadcast v6, $0xB;
	[tilespmem:s0+$0xD0] =	vst v14  }
0x4bb: {  	v16 =	vadd.s32 v0, v16;
	v14 =	vsel vm0, v23, v22;
	v22 =	vld [tilespmem:s9+$0xC510]  }
0x4bc: {  	v14 =	vperm.xlane v14, v16;
	v16 =	vbroadcast v11, $0x5;
	[tilespmem:s8+$0x0] =	vst v18;
	vm0 =	vlt.s32 v19, v1;
	v18 =	vld [tilespmem:s9+$0xE510]  }
0x4bd: {  	v19 =	vadd.s32 v0, v19;
	v23 =	vld [tilespmem:s10+$0x104A0];
	v17 =	vsel vm0, v17, v20  }
0x4be: {  	[tilespmem:s14+$0xFFFFFF30] =	vst v14;
	vm0 =	vlt.s32 v16, v1;
	v14 =	vld [tilespmem:s10+$0x124A0];
	v17 =	vperm.xlane v17, v19;
	v19 =	vbroadcast v5, $0xF;
	v5 =	vmovc v7  }
0x4bf: {  	v16 =	vadd.s32 v0, v16;
	v7 =	vmovc v9;
	v9 =	vmovc v11;
	v11 =	vmov v13;
	v20 =	vld [tilespmem:s15+$0xC440];
	v15 =	vsel vm0, v15, v21  }
0x4c0: {  	v13 =	vld [tilespmem:s15+$0xE440];
	v15 =	vperm.xlane v15, v16;
	v16 =	vbroadcast v8, $0x8;
	[tilespmem:s5+$0x70] =	vst v17;
	vm0 =	vlt.s32 v19, v1  }
0x4c1: {  	v19 =	vadd.s32 v0, v19;
	v17 =	vld [tilespmem:s6+$0xC4E0];
	v18 =	vsel vm0, v22, v18  }
0x4c2: {  	v21 =	vbroadcast v11, $0x2;
	[tilespmem:s12+$0xFFFFFFA0] =	vst v15;
	vm0 =	vlt.s32 v16, v1;
	v15 =	vld [tilespmem:s6+$0xE4E0];
	v18 =	vperm.xlane v18, v19  }
0x4c3: {  	v16 =	vadd.s32 v0, v16;
	v19 =	vld [tilespmem:s13+$0x10470];
	v14 =	vsel vm0, v23, v14  }
0x4c4: {  	vm0 =	vlt.s32 v21, v1;
	v22 =	vld [tilespmem:s13+$0x12470];
	v14 =	vperm.xlane v14, v16;
	v16 =	vbroadcast v5, $0xC;
	[tilespmem:s0+$0xE0] =	vst v18  }
0x4c5: {  	v18 =	vadd.s32 v0, v21;
	v13 =	vsel vm0, v20, v13;
	v20 =	vld [tilespmem:s9+$0x10510]  }
0x4c6: {  	v13 =	vperm.xlane v13, v18;
	v18 =	vbroadcast v10, $0x5;
	[tilespmem:s8+$0x10] =	vst v14;
	vm0 =	vlt.s32 v16, v1;
	v14 =	vld [tilespmem:s9+$0x12510];
	s9 =	smov.u32 s6;
	s6 =	smov.u32 s10;
	s10 =	smov.u32 s13  }
0x4c7: {  	v16 =	vadd.s32 v0, v16;
	s13 =	smov.u32 s15;
	v21 =	vld [tilespmem:s6+$0xC4B0];
	v15 =	vsel vm0, v17, v15  }
0x4c8: {  	[tilespmem:s14+$0xFFFFFF40] =	vst v13;
	vm0 =	vlt.s32 v18, v1;
	v13 =	vld [tilespmem:s6+$0xE4B0];
	v15 =	vperm.xlane v15, v16;
	v16 =	vbroadcast v4, $0xF;
	v4 =	vmovc v6  }
0x4c9: {  	v18 =	vadd.s32 v0, v18;
	v6 =	vmovc v8;
	v8 =	vmovc v10;
	v10 =	vmov v12;
	v17 =	vld [tilespmem:s13+$0x10440];
	v19 =	vsel vm0, v19, v22  }
0x4ca: {  	v22 =	vld [tilespmem:s13+$0x12440];
	v12 =	vperm.xlane v19, v18;
	v18 =	vbroadcast v7, $0x9;
	[tilespmem:s5+$0x80] =	vst v15;
	vm0 =	vlt.s32 v16, v1  }
0x4cb: {  	v16 =	vadd.s32 v0, v16;
	v15 =	vld [tilespmem:s9+$0x104E0];
	v14 =	vsel vm0, v20, v14  }
0x4cc: {  	v19 =	vbroadcast v10, $0x2;
	[tilespmem:s12+$0xFFFFFFB0] =	vst v12;
	vm0 =	vlt.s32 v18, v1;
	v20 =	vld [tilespmem:s9+$0x124E0];
	v12 =	vperm.xlane v14, v16  }
0x4cd: {  	v16 =	vadd.s32 v0, v18;
	v14 =	vld [tilespmem:s10+$0xC480];
	v13 =	vsel vm0, v21, v13  }
0x4ce: {  	s16 =	sadd.s32 $0x10, s16;
	vm0 =	vlt.s32 v19, v1;
	v21 =	vbroadcast v4, $0xC;
	v18 =	vld [tilespmem:s10+$0xE480];
	v16 =	vperm.xlane v13, v16;
	[tilespmem:s0+$0xF0] =	vst v12;
	s0 =	smov.u32 s5;
	s5 =	smov.u32 s8  }
0x4cf: {  	s17 =	sadd.s32 $0x10, s17;
	v19 =	vadd.s32 v0, v19;
	s8 =	smov.u32 s12;
	s12 =	smov.u32 s14;
	v12 =	vld [tilespmem:s16+$0x0];
	v17 =	vsel vm0, v17, v22  }
0x4d0: {  	vm0 =	vlt.s32 v21, v1;
	v13 =	vld [tilespmem:s17+$0x0];
	v17 =	vperm.xlane v17, v19;
	v19 =	vbroadcast v9, $0x6;
	[tilespmem:s5+$0x20] =	vst v16  }
0x4d1: {  	v16 =	vld [tilespmem:s6+$0x104B0];
	v15 =	vsel vm0, v15, v20;
	v20 =	vadd.s32 v0, v21  }
0x4d2: {  	[tilespmem:s14+$0xFFFFFF50] =	vst v17;
	vm0 =	vlt.s32 v19, v1;
	v17 =	vld [tilespmem:s6+$0x124B0];
	v15 =	vperm.xlane v15, v20  }
0x4d3: {  	v20 =	vld [tilespmem:s13+$0xC450];
	v14 =	vsel vm0, v14, v18;
	v18 =	vadd.s32 v0, v19  }
0x4d4: {  	v19 =	vld [tilespmem:s13+$0xE450];
	v14 =	vperm.xlane v14, v18;
	v18 =	vbroadcast v6, $0x9;
	[tilespmem:s0+$0x90] =	vst v15  }
0x4d5: {  	v15 =	vld [tilespmem:s9+$0xC4F0]  }
0x4d6: {  	v21 =	vbroadcast v11, $0x3;
	[tilespmem:s8+$0xFFFFFFC0] =	vst v14;
	vm0 =	vlt.s32 v18, v1;
	v14 =	vld [tilespmem:s9+$0xE4F0]  }
0x4d7: {  	v22 =	vld [tilespmem:s10+$0x10480];
	v16 =	vsel vm0, v16, v17;
	v17 =	vadd.s32 v0, v18  }
0x4d8: {  	s15 =	sshra.s32 s18, $0x2;
	vm0 =	vlt.s32 v21, v1;
	v18 =	vld [tilespmem:s10+$0x12480];
	v16 =	vperm.xlane v16, v17;
	v17 =	vbroadcast v5, $0xD  }
0x4d9: {  	v23 =	vld [tilespmem:s15+$0xC420];
	v19 =	vsel vm0, v20, v19;
	v20 =	vadd.s32 v0, v21  }
0x4da: {  	v21 =	vld [tilespmem:s15+$0xE420];
	v19 =	vperm.xlane v19, v20;
	v20 =	vbroadcast v8, $0x6;
	[tilespmem:s5+$0x30] =	vst v16;
	vm0 =	vlt.s32 v17, v1  }
0x4db: {  	v16 =	vld [tilespmem:s6+$0xC4C0];
	v14 =	vsel vm0, v15, v14;
	v15 =	vadd.s32 v0, v17  }
0x4dc: {  	v17 =	vbroadcast v13, $0x0;
	[tilespmem:s14+$0xFFFFFF60] =	vst v19;
	vm0 =	vlt.s32 v20, v1;
	v19 =	vld [tilespmem:s6+$0xE4C0];
	v14 =	vperm.xlane v14, v15  }
0x4dd: {  	v20 =	vadd.s32 v0, v20;
	v15 =	vld [tilespmem:s13+$0x10450];
	v18 =	vsel vm0, v22, v18  }
0x4de: {  	vm0 =	vlt.s32 v17, v1;
	v22 =	vld [tilespmem:s13+$0x12450];
	v18 =	vperm.xlane v18, v20;
	v20 =	vbroadcast v7, $0xA;
	[tilespmem:s0+$0xA0] =	vst v14  }
0x4df: {  	v17 =	vadd.s32 v0, v17;
	v14 =	vsel vm0, v23, v21;
	v21 =	vld [tilespmem:s9+$0x104F0]  }
0x4e0: {  	v14 =	vperm.xlane v14, v17;
	v17 =	vbroadcast v10, $0x3;
	[tilespmem:s8+$0xFFFFFFD0] =	vst v18;
	vm0 =	vlt.s32 v20, v1;
	v18 =	vld [tilespmem:s9+$0x124F0]  }
0x4e1: {  	s14 =	sadd.s32 $0x200, s14;
	v23 =	vld [tilespmem:s10+$0xC490];
	v16 =	vsel vm0, v16, v19;
	v19 =	vadd.s32 v0, v20  }
0x4e2: {  	[tilespmem:s14+$0xFFFFFF00] =	vst v14;
	vm0 =	vlt.s32 v17, v1;
	v14 =	vld [tilespmem:s10+$0xE490];
	v16 =	vperm.xlane v16, v19;
	v19 =	vbroadcast v4, $0xD  }
0x4e3: {  	v17 =	vadd.s32 v0, v17;
	v20 =	vld [tilespmem:s15+$0x10420];
	v15 =	vsel vm0, v15, v22  }
0x4e4: {  	v22 =	vld [tilespmem:s15+$0x12420];
	v15 =	vperm.xlane v15, v17;
	v17 =	vbroadcast v9, $0x7;
	[tilespmem:s5+$0x40] =	vst v16;
	vm0 =	vlt.s32 v19, v1  }
0x4e5: {  	v19 =	vadd.s32 v0, v19;
	v16 =	vld [tilespmem:s6+$0x104C0];
	v18 =	vsel vm0, v21, v18  }
0x4e6: {  	v21 =	vbroadcast v12, $0x0;
	[tilespmem:s12+$0xFFFFFF70] =	vst v15;
	vm0 =	vlt.s32 v17, v1;
	v15 =	vld [tilespmem:s6+$0x124C0];
	v18 =	vperm.xlane v18, v19  }
0x4e7: {  	v17 =	vadd.s32 v0, v17;
	v19 =	vld [tilespmem:s13+$0xC460];
	v14 =	vsel vm0, v23, v14  }
0x4e8: {  	vm0 =	vlt.s32 v21, v1;
	v23 =	vld [tilespmem:s13+$0xE460];
	v14 =	vperm.xlane v14, v17;
	v17 =	vbroadcast v6, $0xA;
	[tilespmem:s0+$0xB0] =	vst v18  }
0x4e9: {  	v18 =	vsel vm0, v20, v22;
	v20 =	vadd.s32 v0, v21;
	v21 =	vld [tilespmem:s9+$0xC500]  }
0x4ea: {  	v18 =	vperm.xlane v18, v20;
	v20 =	vbroadcast v11, $0x4;
	[tilespmem:s8+$0xFFFFFFE0] =	vst v14;
	vm0 =	vlt.s32 v17, v1;
	v14 =	vld [tilespmem:s9+$0xE500]  }
0x4eb: {  	v22 =	vld [tilespmem:s10+$0x10490];
	v15 =	vsel vm0, v16, v15;
	v16 =	vadd.s32 v0, v17  }
0x4ec: {  	[tilespmem:s14+$0xFFFFFF10] =	vst v18;
	vm0 =	vlt.s32 v20, v1;
	v17 =	vld [tilespmem:s10+$0x12490];
	v15 =	vperm.xlane v15, v16;
	v16 =	vbroadcast v5, $0xE  }
0x4ed: {  	v20 =	vadd.s32 v0, v20;
	v18 =	vld [tilespmem:s15+$0xC430];
	v19 =	vsel vm0, v19, v23  }
0x4ee: {  	v24 =	vbroadcast v8, $0x7;
	v23 =	vld [tilespmem:s15+$0xE430];
	v19 =	vperm.xlane v19, v20;
	[tilespmem:s5+$0x50] =	vst v15;
	vm0 =	vlt.s32 v16, v1  }
0x4ef: {  	v15 =	vadd.s32 v0, v16;
	v25 =	vld [tilespmem:s6+$0xC4D0];
	v14 =	vsel vm0, v21, v14  }
0x4f0: {  	v16 =	vbroadcast v13, $0x1;
	vm0 =	vlt.s32 v24, v1;
	[tilespmem:s12+$0xFFFFFF80] =	vst v19;
	v19 =	vld [tilespmem:s6+$0xE4D0];
	v14 =	vperm.xlane v14, v15  }
0x4f1: {  	v20 =	vld [tilespmem:s13+$0x10460];
	v15 =	vsel vm0, v22, v17;
	v17 =	vadd.s32 v0, v24  }
.Ltmp5:
0x4f2: {  	vm0 =	vlt.s32 v16, v1;
	v21 =	vld [tilespmem:s13+$0x12460];
	v15 =	vperm.xlane v15, v17;
	v17 =	vbroadcast v7, $0xB;
	[tilespmem:s0+$0xC0] =	vst v14;
	(pc) =	sbr.rel @p0 .LBB2_13-.Ltmp5, $4  }
0x4f3: {  	v16 =	vadd.s32 v0, v16;
	v18 =	vsel vm0, v18, v23;
	v14 =	vld [tilespmem:s9+$0x10500]  }
0x4f4: {  	v22 =	vbroadcast v10, $0x4;
	v16 =	vperm.xlane v18, v16;
	[tilespmem:s8+$0xFFFFFFF0] =	vst v15;
	vm0 =	vlt.s32 v17, v1;
	v15 =	vld [tilespmem:s9+$0x12500]  }
0x4f5: {  	v17 =	vadd.s32 v0, v17;
	v18 =	vld [tilespmem:s10+$0xC4A0];
	v23 =	vsel vm0, v25, v19  }
0x4f6: {  	s18 =	sadd.s32 $0x400, s18;
	vm0 =	vlt.s32 v22, v1;
	[tilespmem:s14+$0xFFFFFF20] =	vst v16;
	v19 =	vld [tilespmem:s10+$0xE4A0];
	v17 =	vperm.xlane v23, v17;
	v16 =	vbroadcast v4, $0xE  }
0x4f7: {  	v23 =	vld [tilespmem:s15+$0x10430]  }
0x4f8: {  	v24 =	vld [tilespmem:s15+$0x12430];
	_ =	sdelay $0x1  }
0x4f9: {  	v25 =	vbroadcast v12, $0x1;
	_ =	sdelay $0x1  }
0x4fa: {  	vm1 =	vlt.s32 v25, v1  }
0x4fb: {  	v49 =	vadd.s32 v0, v25;
	v23 =	vsel vm1, v23, v24  }
0x4fc: {  	v23 =	vperm.xlane v23, v49;
	_ =	sdelay $0x1  }
0x4fd: {  	[tilespmem:s14+$0xFFFFFF30] =	vst v23  }
0x4fe: {  	v23 =	vld [tilespmem:s15+$0xC440]  }
0x4ff: {  	v50 =	vld [tilespmem:s15+$0xE440];
	_ =	sdelay $0x1  }
0x500: {  	v51 =	vbroadcast v13, $0x2;
	_ =	sdelay $0x1  }
0x501: {  	vm10 =	vlt.s32 v51, v1  }
0x502: {  	v52 =	vadd.s32 v0, v51;
	v23 =	vsel vm10, v23, v50  }
0x503: {  	v23 =	vperm.xlane v23, v52;
	_ =	sdelay $0x1  }
0x504: {  	[tilespmem:s14+$0xFFFFFF40] =	vst v23  }
0x505: {  	v23 =	vld [tilespmem:s15+$0x10440]  }
0x506: {  	v53 =	vld [tilespmem:s15+$0x12440];
	_ =	sdelay $0x1  }
0x507: {  	v54 =	vbroadcast v12, $0x2;
	_ =	sdelay $0x1  }
0x508: {  	vm11 =	vlt.s32 v54, v1  }
0x509: {  	v55 =	vadd.s32 v0, v54;
	v23 =	vsel vm11, v23, v53  }
0x50a: {  	v23 =	vperm.xlane v23, v55;
	_ =	sdelay $0x1  }
0x50b: {  	[tilespmem:s14+$0xFFFFFF50] =	vst v23  }
0x50c: {  	v23 =	vld [tilespmem:s15+$0xC450]  }
0x50d: {  	v56 =	vld [tilespmem:s15+$0xE450];
	_ =	sdelay $0x1  }
0x50e: {  	v57 =	vbroadcast v13, $0x3;
	_ =	sdelay $0x1  }
0x50f: {  	vm12 =	vlt.s32 v57, v1  }
0x510: {  	v58 =	vadd.s32 v0, v57;
	v23 =	vsel vm12, v23, v56  }
0x511: {  	v23 =	vperm.xlane v23, v58;
	_ =	sdelay $0x1  }
0x512: {  	[tilespmem:s14+$0xFFFFFF60] =	vst v23  }
0x513: {  	v23 =	vld [tilespmem:s15+$0x10450]  }
0x514: {  	v59 =	vld [tilespmem:s15+$0x12450];
	_ =	sdelay $0x1  }
0x515: {  	v60 =	vbroadcast v12, $0x3;
	_ =	sdelay $0x1  }
0x516: {  	vm13 =	vlt.s32 v60, v1  }
0x517: {  	v61 =	vadd.s32 v0, v60;
	v23 =	vsel vm13, v23, v59  }
0x518: {  	v23 =	vperm.xlane v23, v61;
	_ =	sdelay $0x1  }
0x519: {  	[tilespmem:s14+$0xFFFFFF70] =	vst v23  }
0x51a: {  	v23 =	vld [tilespmem:s15+$0xC460]  }
0x51b: {  	v62 =	vld [tilespmem:s15+$0xE460];
	_ =	sdelay $0x1  }
0x51c: {  	v63 =	vbroadcast v13, $0x4;
	_ =	sdelay $0x1  }
0x51d: {  	vm14 =	vlt.s32 v63, v1  }
0x51e: {  	v28 =	vadd.s32 v0, v63;
	v23 =	vsel vm14, v23, v62  }
0x51f: {  	v23 =	vperm.xlane v23, v28;
	_ =	sdelay $0x1  }
0x520: {  	[tilespmem:s14+$0xFFFFFF80] =	vst v23  }
0x521: {  	v23 =	vld [tilespmem:s15+$0x10460]  }
0x522: {  	v29 =	vld [tilespmem:s15+$0x12460];
	_ =	sdelay $0x1  }
0x523: {  	v30 =	vbroadcast v12, $0x4  }
0x524: {  	v20 =	vsel vm0, v20, v21;
	v31 =	vadd.s32 v0, v22  }
0x525: {  	v20 =	vperm.xlane v20, v31;
	vm15 =	vlt.s32 v30, v1  }
0x526: {  	v33 =	vadd.s32 v0, v30;
	v32 =	vsel vm15, v23, v29  }
0x527: {  	[tilespmem:s12+$0xFFFFFF90] =	vst v20;
	v34 =	vperm.xlane v32, v33  }
0x528: {  	v35 =	vld [tilespmem:s13+$0xC470]  }
0x529: {  	v36 =	vld [tilespmem:s13+$0xE470];
	[tilespmem:s14+$0xFFFFFF90] =	vst v34  }
0x52a: {  	v20 =	vld [tilespmem:s15+$0xC470]  }
0x52b: {  	v37 =	vbroadcast v11, $0x5;
	v38 =	vld [tilespmem:s15+$0xE470];
	_ =	sdelay $0x1  }
0x52c: {  	v39 =	vbroadcast v13, $0x5;
	vm4 =	vlt.s32 v37, v1  }
0x52d: {  	v40 =	vadd.s32 v0, v37;
	v21 =	vsel vm4, v35, v36  }
0x52e: {  	vm5 =	vlt.s32 v39, v1;
	v21 =	vperm.xlane v21, v40  }
0x52f: {  	v41 =	vadd.s32 v0, v39;
	v20 =	vsel vm5, v20, v38  }
0x530: {  	[tilespmem:s12+$0xFFFFFFA0] =	vst v21;
	v20 =	vperm.xlane v20, v41  }
0x531: {  	v21 =	vld [tilespmem:s13+$0x10470]  }
0x532: {  	v42 =	vld [tilespmem:s13+$0x12470];
	[tilespmem:s14+$0xFFFFFFA0] =	vst v20  }
0x533: {  	v20 =	vld [tilespmem:s15+$0x10470]  }
0x534: {  	v43 =	vbroadcast v10, $0x5;
	v44 =	vld [tilespmem:s15+$0x12470];
	_ =	sdelay $0x1  }
0x535: {  	v45 =	vbroadcast v12, $0x5;
	vm6 =	vlt.s32 v43, v1  }
0x536: {  	v46 =	vadd.s32 v0, v43;
	v21 =	vsel vm6, v21, v42  }
0x537: {  	vm7 =	vlt.s32 v45, v1;
	v21 =	vperm.xlane v21, v46  }
0x538: {  	v47 =	vadd.s32 v0, v45;
	v20 =	vsel vm7, v20, v44  }
0x539: {  	[tilespmem:s12+$0xFFFFFFB0] =	vst v21;
	v20 =	vperm.xlane v20, v47  }
0x53a: {  	v21 =	vld [tilespmem:s13+$0xC480]  }
0x53b: {  	v48 =	vld [tilespmem:s13+$0xE480];
	[tilespmem:s14+$0xFFFFFFB0] =	vst v20  }
0x53c: {  	v20 =	vld [tilespmem:s15+$0xC480]  }
0x53d: {  	v49 =	vbroadcast v11, $0x6;
	v50 =	vld [tilespmem:s15+$0xE480];
	_ =	sdelay $0x1  }
0x53e: {  	v51 =	vbroadcast v13, $0x6;
	vm8 =	vlt.s32 v49, v1  }
0x53f: {  	v52 =	vadd.s32 v0, v49;
	v21 =	vsel vm8, v21, v48  }
0x540: {  	vm9 =	vlt.s32 v51, v1;
	v21 =	vperm.xlane v21, v52  }
0x541: {  	v53 =	vadd.s32 v0, v51;
	v20 =	vsel vm9, v20, v50  }
0x542: {  	[tilespmem:s12+$0xFFFFFFC0] =	vst v21;
	v20 =	vperm.xlane v20, v53  }
0x543: {  	v21 =	vld [tilespmem:s13+$0x10480]  }
0x544: {  	v54 =	vld [tilespmem:s13+$0x12480];
	[tilespmem:s14+$0xFFFFFFC0] =	vst v20  }
0x545: {  	v20 =	vld [tilespmem:s15+$0x10480]  }
0x546: {  	v55 =	vbroadcast v10, $0x6;
	v56 =	vld [tilespmem:s15+$0x12480];
	_ =	sdelay $0x1  }
0x547: {  	v57 =	vbroadcast v12, $0x6;
	vm10 =	vlt.s32 v55, v1  }
0x548: {  	v58 =	vadd.s32 v0, v55;
	v21 =	vsel vm10, v21, v54  }
0x549: {  	vm11 =	vlt.s32 v57, v1;
	v21 =	vperm.xlane v21, v58  }
0x54a: {  	v59 =	vadd.s32 v0, v57;
	v20 =	vsel vm11, v20, v56  }
0x54b: {  	[tilespmem:s12+$0xFFFFFFD0] =	vst v21;
	v20 =	vperm.xlane v20, v59  }
0x54c: {  	v21 =	vld [tilespmem:s13+$0xC490]  }
0x54d: {  	v60 =	vld [tilespmem:s13+$0xE490];
	[tilespmem:s14+$0xFFFFFFD0] =	vst v20  }
0x54e: {  	v20 =	vld [tilespmem:s15+$0xC490]  }
0x54f: {  	v61 =	vbroadcast v11, $0x7;
	v62 =	vld [tilespmem:s15+$0xE490];
	_ =	sdelay $0x1  }
0x550: {  	v63 =	vbroadcast v13, $0x7;
	vm12 =	vlt.s32 v61, v1  }
0x551: {  	v21 =	vsel vm12, v21, v60;
	v28 =	vadd.s32 v0, v61  }
0x552: {  	vm13 =	vlt.s32 v63, v1;
	v21 =	vperm.xlane v21, v28  }
0x553: {  	v29 =	vadd.s32 v0, v63;
	v20 =	vsel vm13, v20, v62  }
0x554: {  	[tilespmem:s12+$0xFFFFFFE0] =	vst v21;
	v20 =	vperm.xlane v20, v29  }
0x555: {  	v21 =	vld [tilespmem:s13+$0x10490]  }
0x556: {  	v30 =	vld [tilespmem:s13+$0x12490];
	[tilespmem:s14+$0xFFFFFFE0] =	vst v20  }
0x557: {  	v20 =	vld [tilespmem:s15+$0x10490]  }
0x558: {  	v31 =	vbroadcast v10, $0x7;
	v32 =	vld [tilespmem:s15+$0x12490];
	_ =	sdelay $0x1  }
0x559: {  	vm14 =	vlt.s32 v31, v1;
	v33 =	vbroadcast v12, $0x7  }
0x55a: {  	v21 =	vsel vm14, v21, v30;
	v34 =	vadd.s32 v0, v31  }
0x55b: {  	vm15 =	vlt.s32 v33, v1;
	v21 =	vperm.xlane v21, v34  }
0x55c: {  	v35 =	vadd.s32 v0, v33;
	v20 =	vsel vm15, v20, v32  }
0x55d: {  	[tilespmem:s12+$0xFFFFFFF0] =	vst v21;
	v20 =	vperm.xlane v20, v35  }
0x55e: {  	v21 =	vld [tilespmem:s13+$0xC4A0]  }
0x55f: {  	v36 =	vbroadcast v9, $0x8;
	v37 =	vld [tilespmem:s13+$0xE4A0];
	[tilespmem:s14+$0xFFFFFFF0] =	vst v20  }
0x560: {  	v20 =	vld [tilespmem:s15+$0xC4A0]  }
0x561: {  	vm4 =	vlt.s32 v36, v1;
	v38 =	vbroadcast v11, $0x8;
	v39 =	vld [tilespmem:s15+$0xE4A0]  }
0x562: {  	v40 =	vadd.s32 v0, v36;
	v18 =	vsel vm4, v18, v19  }
0x563: {  	v18 =	vperm.xlane v18, v40;
	v41 =	vbroadcast v13, $0x8;
	vm5 =	vlt.s32 v38, v1  }
0x564: {  	v42 =	vadd.s32 v0, v38;
	v21 =	vsel vm5, v21, v37  }
0x565: {  	[tilespmem:s8+$0x0] =	vst v18;
	vm6 =	vlt.s32 v41, v1;
	v43 =	vperm.xlane v21, v42  }
0x566: {  	v45 =	vld [tilespmem:s10+$0x124A0];
	v19 =	vadd.s32 v0, v41;
	v20 =	vsel vm6, v20, v39  }
0x567: {  	[tilespmem:s12+$0x0] =	vst v43;
	v44 =	vld [tilespmem:s10+$0x104A0];
	v46 =	vperm.xlane v20, v19  }
0x568: {  	v49 =	vld [tilespmem:s13+$0x124A0]  }
0x569: {  	v48 =	vbroadcast v8, $0x8;
	v47 =	vld [tilespmem:s13+$0x104A0];
	[tilespmem:s14+$0x0] =	vst v46  }
0x56a: {  	v18 =	vld [tilespmem:s15+$0x104A0]  }
0x56b: {  	vm7 =	vlt.s32 v48, v1;
	v50 =	vbroadcast v10, $0x8;
	v51 =	vld [tilespmem:s15+$0x124A0]  }
0x56c: {  	v21 =	vsel vm7, v44, v45;
	v20 =	vadd.s32 v0, v48  }
0x56d: {  	v52 =	vbroadcast v12, $0x8;
	vm8 =	vlt.s32 v50, v1;
	v20 =	vperm.xlane v21, v20  }
0x56e: {  	v53 =	vadd.s32 v0, v50;
	v19 =	vsel vm8, v47, v49  }
0x56f: {  	vm9 =	vlt.s32 v52, v1;
	v19 =	vperm.xlane v19, v53;
	[tilespmem:s8+$0x10] =	vst v20  }
0x570: {  	v21 =	vadd.s32 v0, v52;
	v20 =	vld [tilespmem:s10+$0xC4B0];
	v18 =	vsel vm9, v18, v51  }
0x571: {  	[tilespmem:s12+$0x10] =	vst v19;
	v54 =	vld [tilespmem:s10+$0xE4B0];
	v18 =	vperm.xlane v18, v21  }
0x572: {  	v19 =	vld [tilespmem:s13+$0xC4B0]  }
0x573: {  	v55 =	vbroadcast v9, $0x9;
	v56 =	vld [tilespmem:s13+$0xE4B0];
	[tilespmem:s14+$0x10] =	vst v18  }
0x574: {  	v18 =	vld [tilespmem:s15+$0xC4B0]  }
0x575: {  	vm10 =	vlt.s32 v55, v1;
	v57 =	vbroadcast v11, $0x9;
	v58 =	vld [tilespmem:s15+$0xE4B0]  }
0x576: {  	v20 =	vsel vm10, v20, v54;
	v21 =	vadd.s32 v0, v55  }
0x577: {  	vm11 =	vlt.s32 v57, v1;
	v59 =	vbroadcast v13, $0x9;
	v20 =	vperm.xlane v20, v21  }
0x578: {  	v60 =	vadd.s32 v0, v57;
	v19 =	vsel vm11, v19, v56  }
0x579: {  	vm12 =	vlt.s32 v59, v1;
	v19 =	vperm.xlane v19, v60;
	[tilespmem:s8+$0x20] =	vst v20  }
0x57a: {  	v21 =	vadd.s32 v0, v59;
	v20 =	vld [tilespmem:s10+$0x104B0];
	v18 =	vsel vm12, v18, v58  }
0x57b: {  	[tilespmem:s12+$0x20] =	vst v19;
	v61 =	vld [tilespmem:s10+$0x124B0];
	v18 =	vperm.xlane v18, v21  }
0x57c: {  	v19 =	vld [tilespmem:s13+$0x104B0]  }
0x57d: {  	v62 =	vbroadcast v8, $0x9;
	v63 =	vld [tilespmem:s13+$0x124B0];
	[tilespmem:s14+$0x20] =	vst v18  }
0x57e: {  	v18 =	vld [tilespmem:s15+$0x104B0]  }
0x57f: {  	v28 =	vbroadcast v10, $0x9;
	vm13 =	vlt.s32 v62, v1;
	v29 =	vld [tilespmem:s15+$0x124B0]  }
0x580: {  	v20 =	vsel vm13, v20, v61;
	v21 =	vadd.s32 v0, v62  }
0x581: {  	vm14 =	vlt.s32 v28, v1;
	v30 =	vbroadcast v12, $0x9;
	v20 =	vperm.xlane v20, v21  }
0x582: {  	v31 =	vadd.s32 v0, v28;
	v19 =	vsel vm14, v19, v63  }
0x583: {  	vm15 =	vlt.s32 v30, v1;
	v19 =	vperm.xlane v19, v31;
	[tilespmem:s8+$0x30] =	vst v20  }
0x584: {  	v21 =	vadd.s32 v0, v30;
	v20 =	vld [tilespmem:s10+$0xC4C0];
	v18 =	vsel vm15, v18, v29  }
0x585: {  	[tilespmem:s12+$0x30] =	vst v19;
	v32 =	vld [tilespmem:s10+$0xE4C0];
	v18 =	vperm.xlane v18, v21  }
0x586: {  	v19 =	vld [tilespmem:s13+$0xC4C0]  }
0x587: {  	v33 =	vbroadcast v9, $0xA;
	v34 =	vld [tilespmem:s13+$0xE4C0];
	[tilespmem:s14+$0x30] =	vst v18  }
0x588: {  	v18 =	vld [tilespmem:s15+$0xC4C0]  }
0x589: {  	vm4 =	vlt.s32 v33, v1;
	v35 =	vbroadcast v11, $0xA;
	v36 =	vld [tilespmem:s15+$0xE4C0]  }
0x58a: {  	v20 =	vsel vm4, v20, v32;
	v21 =	vadd.s32 v0, v33  }
0x58b: {  	v37 =	vbroadcast v13, $0xA;
	vm5 =	vlt.s32 v35, v1;
	v20 =	vperm.xlane v20, v21  }
0x58c: {  	v38 =	vadd.s32 v0, v35;
	v19 =	vsel vm5, v19, v34  }
0x58d: {  	vm6 =	vlt.s32 v37, v1;
	v19 =	vperm.xlane v19, v38;
	[tilespmem:s8+$0x40] =	vst v20  }
0x58e: {  	v21 =	vadd.s32 v0, v37;
	v20 =	vld [tilespmem:s10+$0x104C0];
	v18 =	vsel vm6, v18, v36  }
0x58f: {  	[tilespmem:s12+$0x40] =	vst v19;
	v39 =	vld [tilespmem:s10+$0x124C0];
	v18 =	vperm.xlane v18, v21  }
0x590: {  	v19 =	vld [tilespmem:s13+$0x104C0]  }
0x591: {  	v40 =	vbroadcast v8, $0xA;
	v41 =	vld [tilespmem:s13+$0x124C0];
	[tilespmem:s14+$0x40] =	vst v18  }
0x592: {  	v18 =	vld [tilespmem:s15+$0x104C0]  }
0x593: {  	v42 =	vbroadcast v10, $0xA;
	vm7 =	vlt.s32 v40, v1;
	v43 =	vld [tilespmem:s15+$0x124C0]  }
0x594: {  	v20 =	vsel vm7, v20, v39;
	v21 =	vadd.s32 v0, v40  }
0x595: {  	v44 =	vbroadcast v12, $0xA;
	vm8 =	vlt.s32 v42, v1;
	v20 =	vperm.xlane v20, v21  }
0x596: {  	v45 =	vadd.s32 v0, v42;
	v19 =	vsel vm8, v19, v41  }
0x597: {  	vm9 =	vlt.s32 v44, v1;
	v19 =	vperm.xlane v19, v45;
	[tilespmem:s8+$0x50] =	vst v20  }
0x598: {  	v21 =	vadd.s32 v0, v44;
	v20 =	vld [tilespmem:s10+$0xC4D0];
	v18 =	vsel vm9, v18, v43  }
0x599: {  	[tilespmem:s12+$0x50] =	vst v19;
	v46 =	vld [tilespmem:s10+$0xE4D0];
	v18 =	vperm.xlane v18, v21  }
0x59a: {  	v19 =	vld [tilespmem:s13+$0xC4D0]  }
0x59b: {  	v47 =	vbroadcast v9, $0xB;
	v48 =	vld [tilespmem:s13+$0xE4D0];
	[tilespmem:s14+$0x50] =	vst v18  }
0x59c: {  	v18 =	vld [tilespmem:s15+$0xC4D0]  }
0x59d: {  	v49 =	vbroadcast v11, $0xB;
	vm10 =	vlt.s32 v47, v1;
	v50 =	vld [tilespmem:s15+$0xE4D0]  }
0x59e: {  	v20 =	vsel vm10, v20, v46;
	v21 =	vadd.s32 v0, v47  }
0x59f: {  	[tilespmem:s5+$0x60] =	vst v17;
	v52 =	vbroadcast v13, $0xB;
	vm11 =	vlt.s32 v49, v1;
	v51 =	vperm.xlane v20, v21  }
0x5a0: {  	v53 =	vld [tilespmem:s6+$0x104D0];
	v54 =	vadd.s32 v0, v49;
	v19 =	vsel vm11, v19, v48  }
0x5a1: {  	v55 =	vld [tilespmem:s6+$0x124D0];
	vm12 =	vlt.s32 v52, v1;
	v56 =	vperm.xlane v19, v54;
	[tilespmem:s8+$0x60] =	vst v51  }
0x5a2: {  	v20 =	vadd.s32 v0, v52;
	v57 =	vld [tilespmem:s10+$0x104D0];
	v18 =	vsel vm12, v18, v50  }
0x5a3: {  	v58 =	vbroadcast v6, $0xB;
	[tilespmem:s12+$0x60] =	vst v56;
	v59 =	vld [tilespmem:s10+$0x124D0];
	v60 =	vperm.xlane v18, v20  }
0x5a4: {  	v61 =	vld [tilespmem:s13+$0x104D0]  }
0x5a5: {  	v62 =	vbroadcast v8, $0xB;
	vm13 =	vlt.s32 v58, v1;
	v63 =	vld [tilespmem:s13+$0x124D0];
	[tilespmem:s14+$0x60] =	vst v60  }
0x5a6: {  	v28 =	vsel vm13, v53, v55;
	v29 =	vadd.s32 v0, v58;
	v30 =	vld [tilespmem:s15+$0x104D0]  }
0x5a7: {  	v31 =	vbroadcast v10, $0xB;
	vm14 =	vlt.s32 v62, v1;
	v17 =	vperm.xlane v28, v29;
	v32 =	vld [tilespmem:s15+$0x124D0]  }
0x5a8: {  	v19 =	vsel vm14, v57, v59;
	v20 =	vadd.s32 v0, v62  }
0x5a9: {  	vm15 =	vlt.s32 v31, v1;
	v34 =	vbroadcast v12, $0xB;
	[tilespmem:s5+$0x70] =	vst v17;
	v33 =	vperm.xlane v19, v20  }
0x5aa: {  	v35 =	vld [tilespmem:s6+$0xC4E0];
	v21 =	vadd.s32 v0, v31;
	v18 =	vsel vm15, v61, v63  }
0x5ab: {  	vm4 =	vlt.s32 v34, v1;
	v36 =	vld [tilespmem:s6+$0xE4E0];
	v37 =	vperm.xlane v18, v21;
	[tilespmem:s8+$0x70] =	vst v33  }
0x5ac: {  	v19 =	vadd.s32 v0, v34;
	v38 =	vld [tilespmem:s10+$0xC4E0];
	v39 =	vsel vm4, v30, v32  }
0x5ad: {  	v40 =	vbroadcast v7, $0xC;
	[tilespmem:s12+$0x70] =	vst v37;
	v41 =	vld [tilespmem:s10+$0xE4E0];
	v42 =	vperm.xlane v39, v19  }
0x5ae: {  	v43 =	vld [tilespmem:s13+$0xC4E0]  }
0x5af: {  	v44 =	vbroadcast v9, $0xC;
	vm5 =	vlt.s32 v40, v1;
	v45 =	vld [tilespmem:s13+$0xE4E0];
	[tilespmem:s14+$0x70] =	vst v42  }
0x5b0: {  	v46 =	vsel vm5, v35, v36;
	v47 =	vadd.s32 v0, v40;
	v48 =	vld [tilespmem:s15+$0xC4E0]  }
0x5b1: {  	v49 =	vbroadcast v11, $0xC;
	vm6 =	vlt.s32 v44, v1;
	v17 =	vperm.xlane v46, v47;
	v50 =	vld [tilespmem:s15+$0xE4E0]  }
0x5b2: {  	v21 =	vadd.s32 v0, v44;
	v18 =	vsel vm6, v38, v41  }
0x5b3: {  	vm7 =	vlt.s32 v49, v1;
	v52 =	vbroadcast v13, $0xC;
	[tilespmem:s5+$0x80] =	vst v17;
	v51 =	vperm.xlane v18, v21  }
0x5b4: {  	v53 =	vld [tilespmem:s6+$0x104E0];
	v20 =	vadd.s32 v0, v49;
	v19 =	vsel vm7, v43, v45  }
0x5b5: {  	vm8 =	vlt.s32 v52, v1;
	v54 =	vld [tilespmem:s6+$0x124E0];
	v55 =	vperm.xlane v19, v20;
	[tilespmem:s8+$0x80] =	vst v51  }
0x5b6: {  	v18 =	vadd.s32 v0, v52;
	v56 =	vld [tilespmem:s10+$0x104E0];
	v57 =	vsel vm8, v48, v50  }
0x5b7: {  	v58 =	vbroadcast v6, $0xC;
	[tilespmem:s12+$0x80] =	vst v55;
	v59 =	vld [tilespmem:s10+$0x124E0];
	v60 =	vperm.xlane v57, v18  }
0x5b8: {  	v61 =	vld [tilespmem:s13+$0x104E0]  }
0x5b9: {  	vm9 =	vlt.s32 v58, v1;
	v62 =	vbroadcast v8, $0xC;
	v63 =	vld [tilespmem:s13+$0x124E0];
	[tilespmem:s14+$0x80] =	vst v60  }
0x5ba: {  	v29 =	vadd.s32 v0, v58;
	v28 =	vsel vm9, v53, v54;
	v30 =	vld [tilespmem:s15+$0x104E0]  }
0x5bb: {  	v31 =	vbroadcast v10, $0xC;
	v17 =	vperm.xlane v28, v29;
	vm10 =	vlt.s32 v62, v1;
	v32 =	vld [tilespmem:s15+$0x124E0]  }
0x5bc: {  	v20 =	vadd.s32 v0, v62;
	v19 =	vsel vm10, v56, v59  }
0x5bd: {  	vm11 =	vlt.s32 v31, v1;
	v34 =	vbroadcast v12, $0xC;
	[tilespmem:s5+$0x90] =	vst v17;
	v33 =	vperm.xlane v19, v20  }
0x5be: {  	v35 =	vld [tilespmem:s6+$0xC4F0];
	v21 =	vadd.s32 v0, v31;
	v18 =	vsel vm11, v61, v63  }
0x5bf: {  	vm12 =	vlt.s32 v34, v1;
	v36 =	vld [tilespmem:s6+$0xE4F0];
	v37 =	vperm.xlane v18, v21;
	[tilespmem:s8+$0x90] =	vst v33  }
0x5c0: {  	v19 =	vadd.s32 v0, v34;
	v38 =	vld [tilespmem:s10+$0xC4F0];
	v39 =	vsel vm12, v30, v32  }
0x5c1: {  	v40 =	vbroadcast v7, $0xD;
	[tilespmem:s12+$0x90] =	vst v37;
	v41 =	vld [tilespmem:s10+$0xE4F0];
	v42 =	vperm.xlane v39, v19  }
0x5c2: {  	v43 =	vld [tilespmem:s13+$0xC4F0]  }
0x5c3: {  	vm13 =	vlt.s32 v40, v1;
	v44 =	vbroadcast v9, $0xD;
	v45 =	vld [tilespmem:s13+$0xE4F0];
	[tilespmem:s14+$0x90] =	vst v42  }
0x5c4: {  	v47 =	vadd.s32 v0, v40;
	v46 =	vsel vm13, v35, v36;
	v48 =	vld [tilespmem:s15+$0xC4F0]  }
0x5c5: {  	v49 =	vbroadcast v11, $0xD;
	vm14 =	vlt.s32 v44, v1;
	v17 =	vperm.xlane v46, v47;
	v50 =	vld [tilespmem:s15+$0xE4F0]  }
0x5c6: {  	v21 =	vadd.s32 v0, v44;
	v18 =	vsel vm14, v38, v41  }
0x5c7: {  	vm15 =	vlt.s32 v49, v1;
	v52 =	vbroadcast v13, $0xD;
	[tilespmem:s5+$0xA0] =	vst v17;
	v51 =	vperm.xlane v18, v21  }
0x5c8: {  	v53 =	vld [tilespmem:s6+$0x104F0];
	v20 =	vadd.s32 v0, v49;
	v19 =	vsel vm15, v43, v45  }
0x5c9: {  	vm4 =	vlt.s32 v52, v1;
	v54 =	vld [tilespmem:s6+$0x124F0];
	v55 =	vperm.xlane v19, v20;
	[tilespmem:s8+$0xA0] =	vst v51  }
0x5ca: {  	v18 =	vadd.s32 v0, v52;
	v56 =	vld [tilespmem:s10+$0x104F0];
	v57 =	vsel vm4, v48, v50  }
0x5cb: {  	v58 =	vbroadcast v6, $0xD;
	[tilespmem:s12+$0xA0] =	vst v55;
	v59 =	vld [tilespmem:s10+$0x124F0];
	v60 =	vperm.xlane v57, v18  }
0x5cc: {  	v61 =	vld [tilespmem:s13+$0x104F0]  }
0x5cd: {  	vm5 =	vlt.s32 v58, v1;
	v62 =	vbroadcast v8, $0xD;
	v63 =	vld [tilespmem:s13+$0x124F0];
	[tilespmem:s14+$0xA0] =	vst v60  }
0x5ce: {  	v27 =	vadd.s32 v0, v58;
	v26 =	vsel vm5, v53, v54;
	v28 =	vld [tilespmem:s15+$0x104F0]  }
0x5cf: {  	v29 =	vbroadcast v10, $0xD;
	vm6 =	vlt.s32 v62, v1;
	v17 =	vperm.xlane v26, v27;
	v30 =	vld [tilespmem:s15+$0x124F0]  }
0x5d0: {  	v20 =	vadd.s32 v0, v62;
	v19 =	vsel vm6, v56, v59  }
0x5d1: {  	vm7 =	vlt.s32 v29, v1;
	[tilespmem:s5+$0xB0] =	vst v17;
	v32 =	vbroadcast v12, $0xD;
	v31 =	vperm.xlane v19, v20  }
0x5d2: {  	v33 =	vld [tilespmem:s6+$0xC500];
	v21 =	vadd.s32 v0, v29;
	v18 =	vsel vm7, v61, v63  }
0x5d3: {  	v34 =	vld [tilespmem:s6+$0xE500];
	vm8 =	vlt.s32 v32, v1;
	v35 =	vperm.xlane v18, v21;
	[tilespmem:s8+$0xB0] =	vst v31  }
0x5d4: {  	v19 =	vadd.s32 v0, v32;
	v36 =	vld [tilespmem:s10+$0xC500];
	v37 =	vsel vm8, v28, v30  }
0x5d5: {  	v38 =	vbroadcast v7, $0xE;
	[tilespmem:s12+$0xB0] =	vst v35;
	v39 =	vld [tilespmem:s10+$0xE500];
	v40 =	vperm.xlane v37, v19  }
0x5d6: {  	v41 =	vld [tilespmem:s13+$0xC500]  }
0x5d7: {  	vm9 =	vlt.s32 v38, v1;
	v42 =	vbroadcast v9, $0xE;
	v43 =	vld [tilespmem:s13+$0xE500];
	[tilespmem:s14+$0xB0] =	vst v40  }
0x5d8: {  	v45 =	vadd.s32 v0, v38;
	v44 =	vsel vm9, v33, v34;
	v46 =	vld [tilespmem:s15+$0xC500]  }
0x5d9: {  	v47 =	vbroadcast v11, $0xE;
	v17 =	vperm.xlane v44, v45;
	vm10 =	vlt.s32 v42, v1;
	v48 =	vld [tilespmem:s15+$0xE500]  }
0x5da: {  	v21 =	vadd.s32 v0, v42;
	v18 =	vsel vm10, v36, v39  }
0x5db: {  	vm11 =	vlt.s32 v47, v1;
	[tilespmem:s5+$0xC0] =	vst v17;
	v50 =	vbroadcast v13, $0xE;
	v49 =	vperm.xlane v18, v21  }
0x5dc: {  	v51 =	vld [tilespmem:s6+$0x10500];
	v20 =	vadd.s32 v0, v47;
	v19 =	vsel vm11, v41, v43  }
0x5dd: {  	v52 =	vld [tilespmem:s6+$0x12500];
	vm12 =	vlt.s32 v50, v1;
	v19 =	vperm.xlane v19, v20;
	[tilespmem:s8+$0xC0] =	vst v49  }
0x5de: {  	v18 =	vadd.s32 v0, v50;
	v53 =	vld [tilespmem:s10+$0x10500];
	v22 =	vsel vm12, v46, v48  }
0x5df: {  	vm13 =	vlt.s32 v16, v1;
	v54 =	vbroadcast v6, $0xE;
	[tilespmem:s12+$0xC0] =	vst v19;
	v55 =	vld [tilespmem:s10+$0x12500];
	v18 =	vperm.xlane v22, v18  }
0x5e0: {  	v14 =	vsel vm13, v14, v15;
	v56 =	vadd.s32 v0, v16;
	v57 =	vld [tilespmem:s13+$0x10500]  }
0x5e1: {  	v58 =	vbroadcast v8, $0xE;
	vm14 =	vlt.s32 v54, v1;
	v14 =	vperm.xlane v14, v56;
	v59 =	vld [tilespmem:s13+$0x12500];
	[tilespmem:s14+$0xC0] =	vst v18  }
0x5e2: {  	v60 =	vadd.s32 v0, v54;
	v17 =	vsel vm14, v51, v52;
	v61 =	vld [tilespmem:s15+$0x10500]  }
0x5e3: {  	vm15 =	vlt.s32 v58, v1;
	v63 =	vbroadcast v10, $0xE;
	[tilespmem:s0+$0xD0] =	vst v14;
	v62 =	vperm.xlane v17, v60;
	v24 =	vld [tilespmem:s15+$0x12500]  }
0x5e4: {  	v15 =	vadd.s32 v0, v58;
	v25 =	vld [tilespmem:s9+$0xC510];
	v19 =	vsel vm15, v53, v55  }
0x5e5: {  	vm4 =	vlt.s32 v63, v1;
	v26 =	vld [tilespmem:s9+$0xE510];
	[tilespmem:s5+$0xD0] =	vst v62;
	v28 =	vbroadcast v12, $0xE;
	v27 =	vperm.xlane v19, v15  }
0x5e6: {  	v17 =	vadd.s32 v0, v63;
	v29 =	vld [tilespmem:s6+$0xC510];
	v16 =	vsel vm4, v57, v59  }
0x5e7: {  	v5 =	vbroadcast v5, $0xF;
	v30 =	vld [tilespmem:s6+$0xE510];
	vm5 =	vlt.s32 v28, v1;
	v31 =	vperm.xlane v16, v17;
	[tilespmem:s8+$0xD0] =	vst v27  }
0x5e8: {  	v15 =	vadd.s32 v0, v28;
	v32 =	vld [tilespmem:s10+$0xC510];
	v33 =	vsel vm5, v61, v24  }
0x5e9: {  	v34 =	vbroadcast v7, $0xF;
	vm6 =	vlt.s32 v5, v1;
	[tilespmem:s12+$0xD0] =	vst v31;
	v35 =	vld [tilespmem:s10+$0xE510];
	v36 =	vperm.xlane v33, v15  }
0x5ea: {  	v5 =	vadd.s32 v0, v5;
	v37 =	vsel vm6, v25, v26;
	v38 =	vld [tilespmem:s13+$0xC510]  }
0x5eb: {  	vm7 =	vlt.s32 v34, v1;
	v39 =	vbroadcast v9, $0xF;
	v5 =	vperm.xlane v37, v5;
	v40 =	vld [tilespmem:s13+$0xE510];
	[tilespmem:s14+$0xD0] =	vst v36  }
0x5ec: {  	v7 =	vadd.s32 v0, v34;
	v41 =	vsel vm7, v29, v30;
	v42 =	vld [tilespmem:s15+$0xC510]  }
0x5ed: {  	v43 =	vbroadcast v11, $0xF;
	vm8 =	vlt.s32 v39, v1;
	[tilespmem:s0+$0xE0] =	vst v5;
	v5 =	vperm.xlane v41, v7;
	v44 =	vld [tilespmem:s15+$0xE510]  }
0x5ee: {  	v9 =	vadd.s32 v0, v39;
	v45 =	vld [tilespmem:s9+$0x10510];
	v16 =	vsel vm8, v32, v35  }
0x5ef: {  	v47 =	vbroadcast v13, $0xF;
	vm9 =	vlt.s32 v43, v1;
	[tilespmem:s5+$0xE0] =	vst v5;
	v46 =	vld [tilespmem:s9+$0x12510];
	v5 =	vperm.xlane v16, v9  }
0x5f0: {  	v7 =	vadd.s32 v0, v43;
	v48 =	vld [tilespmem:s6+$0x10510];
	v15 =	vsel vm9, v38, v40  }
0x5f1: {  	vm10 =	vlt.s32 v47, v1;
	v49 =	vld [tilespmem:s6+$0x12510];
	[tilespmem:s8+$0xE0] =	vst v5;
	v5 =	vperm.xlane v15, v7  }
0x5f2: {  	v9 =	vadd.s32 v0, v47;
	v50 =	vld [tilespmem:s10+$0x10510];
	v11 =	vsel vm10, v42, v44  }
0x5f3: {  	v51 =	vld [tilespmem:s10+$0x12510];
	[tilespmem:s12+$0xE0] =	vst v5;
	v5 =	vperm.xlane v11, v9  }
0x5f4: {  	v4 =	vbroadcast v4, $0xF;
	v52 =	vbroadcast v6, $0xF;
	v53 =	vld [tilespmem:s13+$0x10510]  }
0x5f5: {  	v60 =	vbroadcast v12, $0xF;
	v55 =	vld [tilespmem:s13+$0x12510];
	[tilespmem:s14+$0xE0] =	vst v5  }
0x5f6: {  	v6 =	vadd.s32 v0, v52;
	vm11 =	vlt.s32 v4, v1;
	v59 =	vbroadcast v10, $0xF;
	v56 =	vld [tilespmem:s15+$0x10510]  }
0x5f7: {  	v4 =	vadd.s32 v0, v4;
	vm12 =	vlt.s32 v52, v1;
	v5 =	vbroadcast v8, $0xF;
	v58 =	vld [tilespmem:s15+$0x12510]  }
0x5f8: {  	vm15 =	vlt.s32 v60, v1;
	vm14 =	vlt.s32 v59, v1;
	v54 =	vsel vm11, v45, v46  }
0x5f9: {  	v57 =	vsel vm12, v48, v49;
	v4 =	vperm.xlane v54, v4;
	vm13 =	vlt.s32 v5, v1  }
0x5fa: {  	s29 =	sadd.s32 $0x1, s29;
	v6 =	vperm.xlane v57, v6;
	v5 =	vadd.s32 v0, v5;
	v7 =	vsel vm13, v50, v51  }
0x5fb: {  	p0 =	sne.s32 s29, $0xD;
	[tilespmem:s0+$0xF0] =	vst v4;
	v61 =	vadd.s32 v0, v59;
	v4 =	vsel vm14, v53, v55;
	v5 =	vperm.xlane v7, v5  }
.Ltmp6:
0x5fc: {  	s18 =	sshll.u32 s1, $0xE;
	v63 =	vadd.s32 v0, v60;
	[tilespmem:s5+$0xF0] =	vst v6;
	v4 =	vperm.xlane v4, v61;
	v62 =	vsel vm15, v56, v58;
	(pc) =	sbr.rel @p0 .LBB2_4-.Ltmp6, $4  }
0x5fd: {  	s0 =	sadd.s32 s7, s18;
	[tilespmem:s8+$0xF0] =	vst v5;
	v5 =	vperm.xlane v62, v63  }
0x5fe: {  	s0 =	sshrl.u32 s0, $0x3;
	[tilespmem:s12+$0xF0] =	vst v4  }
0x5ff: {  	s30 =	sadd.s32 $0x400, s30;
	s31 =	sadd.s32 $0x400, s31;
	s0 =	sadd.s32 s3, s0;
	[tilespmem:s14+$0xF0] =	vst v5  }
0x600: {  	[hbm4b:s0+s4] =	stream.linear.scatter [tilespmem:s28], [sflag:$0x4], $0x4000, $0x38;
	[tilespmem:$0x1CC20] =	vst v63  }
0x601: {  	s0 =	simm.s32 $0x3  }
0x602: {  	_ =	swait.ge [sflag:s0], $0x4000  }
0x603: {  	[sflag:s0] =	ssyncset.done $0x0  }
0x604: {  	s1 =	simm.s32 $0x4;
	[sflag:s0] =	ssyncadd.s32 $0xFFFFC000  }
0x605: {  	_ =	swait.ge [sflag:s1], $0x4000  }
0x606: {  	s5 =	rddreg [dreg:$0x7]  }
0x607: {  	s31 =	rddreg [dreg:$0x6];
	s5 =	sadd.s32 $0x1, s5  }
0x608: {  	p0 =	sne.s32 s5, s31  }
.Ltmp7:
0x609: {  	_ = 	snop;
	(pc) =	sbr.rel @p0 .LBB2_1-.Ltmp7, $3  }
0x60a: {  	_ =	sdelay $0x1  }
0x60b: {  	[sflag:s1] =	ssyncset.done $0x0  }
0x60c: {  	[sflag:s1] =	ssyncadd.s32 $0xFFFFC000  }
0x60d: {  	_ =	sfence.sel $0x180000  }
0x60e: {  	[bflag:$0x0] =	sbarrier.arrive $0xFFFF  }
0x60f: {  	_ =	strace $0x90000047  }
0x610: {  	s0 =	stileid.u32;
	[bflag:$0x2] =	sbarrier.arrive $0xFFFF  }
0x611: {  	p0 =	sne.s32 s0, $0x0;
	s0 =	rddreg [dreg:$0x3]  }
0x612: {  	s0 =	sadd.s32 @!p0 $0x100000, s0  }
0x613: {  	[sflag:s0] =	ssyncadd.tile.s32 @!p0 $0x1;
	_ =	shalt  }
.Lfunc_end2:
_tile_overlayer_lowered:
.L_overlay_start_2:
0x614: {  	(tag) =	ssettag $0x2  }
0x615: {  	s0 =	rddreg [dreg:$0x0];
	s2 =	stileid.u32  }
0x616: {  	s1 =	rddreg [dreg:$0x1];
	p0 =	sne.s32 s2, $0x0  }
0x617: {  	s3 =	rddreg [dreg:$0x2];
	[bflag:$0x3] =	sbarrier.arrive $0xFFFF;
	s2 =	simm.s32 @!p0 $0x1C05  }
0x618: {  	[timem:s3], [sflag:s2] =	dma.local @!p0 [hbm:s0], s1  }
0x619: {  	s0 =	simm.s32 @!p0 $0x5  }
0x61a: {  	_ =	swait.ge @!p0 [sflag:s0], s1  }
0x61b: {  	s1 =	ssub.s32 @!p0 $0x0, s1;
	[sflag:s0] =	ssyncset.done @!p0 $0x0  }
0x61c: {  	[sflag:s0] =	ssyncadd.s32 @!p0 s1  }
0x61d: {  	[bflag:$0x3] =	sbarrier.arrive $0xFFFF  }
0x61e: {  	_ =	shalt  }

// kernel: sparse-core-data-format-call.cloned.1.call-start
scs
called_computation_lowered:
.L_overlay_start_0:
0x0: {  	s2 =	sld [smem:$0x3FD9]  }
0x1: {  	s3 =	sld [smem:$0x3FFE];
	_ =	sdelay $0x1  }
0x2: {  	s1 =	srdreg.scid  }
0x3: {  	s0 =	sand.u32 $0x1, s1  }
0x4: {  	s18 =	sshll.u32 s0, $0xA;
	s2 =	sadd.s32 s3, s2  }
0x5: {  	s2 =	sadd.s32 s2, s18  }
0x6: {  	[smem:$0x3FC5] =	sst s2  }
0x7: {  	_ = 	snop  }
0x8: {  	s2 =	sld [smem:$0x3FD0];
	(tm) =	ssettm $0x1  }
0x9: {  	s19 =	sld [smem:$0x3FFB];
	_ =	sdelay $0x3  }
0xa: {  	_ =	strace s19  }
0xb: {  	s3 =	sld [smem:$0x3FFC];
	_ =	sdelay $0x3  }
0xc: {  	_ =	strace s3  }
0xd: {  	s3 =	sld [smem:$0x3FFD];
	_ =	sdelay $0x3  }
0xe: {  	_ =	strace s3  }
0xf: {  	_ =	strace $0x8FFFFFFF  }
0x10: {  	s20 =	sld [smem:$0x3FDB];
	_ =	sdelay $0x1  }
0x11: {  	s4 =	simm.s32 $_scs_section_size  }
0x12: {  	s5 =	simm.s32 $_size__tile_overlayer_lowered;
	s6 =	simm.s32 $_tile_overlayer_lowered  }
0x13: {  	s23 =	simm.s32 $0x1BFF;
	s22 =	sshll.u32 s6, $0x1;
	s3 =	sadd.s32 s4, s20  }
0x14: {  	s7 =	simm.s32 $0x0;
	s21 =	sshll.u32 s5, $0x1;
	s5 =	sadd.s32 s22, s3  }
0x15: {  	[timem:s7], [sflag:s23] =	dma.local [hbm:s5], s21  }
0x16: {  	_ =	swait.ge [sflag:s23], s21  }
0x17: {  	s4 =	ssub.s32 $0x0, s21;
	[sflag:s23] =	ssyncset.done $0x0  }
0x18: {  	[sflag:s23] =	ssyncadd.s32 s4;
	_ =	sdelay $0x1  }
0x19: {  	s24 =	simm.s32 $0x1B8B  }
0x1a: {  	_ =	swait.ge [sflag:s24], $0x1  }
0x1b: {  	[sflag:s24] =	ssyncset.done $0x0  }
0x1c: {  	s26 =	simm.s32 $0x1B8E;
	s25 =	sld [smem:$0x3FFE];
	[sflag:s24] =	ssyncadd.s32 $0xFFFFFFFF  }
0x1d: {  	s27 =	simm.s32 $execute0_lowered;
	[smem:$0x3FD2] =	sst s26  }
0x1e: {  	s5 =	sshll.u32 s27, $0x1;
	_ =	strace $0x80000049;
	[dreg:$0x1] =	wrdreg $0xFFFFFFFF  }
0x1f: {  	s28 =	simm.s32 $_size_execute0_lowered;
	s3 =	sadd.s32 s3, s5;
	[dreg:$0x0] =	wrdreg $0x0  }
0x20: {  	s5 =	sshll.u32 s28, $0x1;
	[dreg:$0x2] =	wrdreg s3  }
0x21: {  	[dreg:$0x3] =	wrdreg s5  }
0x22: {  	[dreg:$0x4] =	wrdreg $0xC0  }
0x23: {  	_ =	task [dreg:s7], $0x5FFFF  }
0x24: {  	[dreg:$0x1] =	wrdreg $0xFFFFFFFF  }
0x25: {  	[dreg:$0x0] =	wrdreg $0x60  }
0x26: {  	[dreg:$0x2] =	wrdreg s25  }
0x27: {  	[dreg:$0x3] =	wrdreg s2  }
0x28: {  	[dreg:$0x4] =	wrdreg $0x9  }
0x29: {  	_ =	task.clear_ibuf [dreg:s7], $0x5FFFF;
	_ =	strace $0x90000049  }
0x2a: {  	s29 =	simm.s32 $0x9;
	_ =	strace $0x8000004B  }
0x2b: {  	_ =	swait.ge [sflag:s29], $0x1  }
0x2c: {  	[sflag:s29] =	ssyncadd.s32 $0xFFFFFFFF  }
0x2d: {  	_ =	strace $0x9000004B  }
0x2e: {  	_ =	sfence  }
0x2f: {  	s30 =	sld [smem:$0x0];
	_ =	sdelay $0x2  }
0x30: {  	s31 =	sshll.u32 s1, $0xD;
	s1 =	sshrl.u32 s1, $0x2  }
0x31: {  	s3 =	sand.u32 $0x4000, s31;
	s1 =	sadd.s32 s1, s30  }
0x32: {  	s0 =	sor.u32 s3, s0;
	s1 =	sshll.u32 s1, $0x11  }
0x33: {  	s0 =	sor.u32 s1, s0  }
0x34: {  	s0 =	sadd.s32 $0x8F2B, s0  }
0x35: {  	[sflag:s0] =	ssyncadd.remote.s32 $0x1  }
0x36: {  	_ =	sfence.sel $0xFFFF  }
0x37: {  	[dreg:$0x0] =	wrdreg $0xFFFFFFFF;
	(pc) =	sbr.abs _section_cstart, $3  }
0x38: {  	[dreg:$0x1] =	wrdreg $0xFFFFFFFF  }
0x39: {  	_ =	task.clear_ibuf [dreg:s7], $0x2FFFF;
	_ =	strace $0x9FFFFFFF  }
0x3a: {  	(tm) =	ssettm $0x7FFFFFFF  }
0x3b: {  	_ =	shalt  }
tec
execute0_lowered:
.L_overlay_start_1:
0x0: {  	(tag) =	ssettag $0x1  }
0x1: {  	s0 =	srdreg.scid  }
0x2: {  	s1 =	sshll.u32 s0, $0x4  }
0x3: {  	s0 =	stileid.u32;
	s1 =	sand.u32 $0x10, s1  }
0x4: {  	s1 =	sor.u32 s0, s1  }
0x5: {  	s6 =	rddreg [dreg:$0x0];
	s4 =	simm.s32 $0x1;
	s2 =	sshll.u32 s1, $0x7  }
0x6: {  	s7 =	simm.s32 $0x2;
	s12 =	simm.s32 $0x0;
	s1 =	ssub.s32 $0x4000, s2  }
0x7: {  	s8 =	simm.s32 $0x20000;
	s13 =	simm.s32 $0x0;
	s3 =	sand.u32 $0xF80, s1  }
0x8: {  	s9 =	simm.s32 $0x0;
	s5 =	sshrl.u32 s1, $0xC;
	p0 =	sne.s32 s3, $0x0  }
.Ltmp0:
0x9: {  	s1 =	rddreg [dreg:$0x2];
	s4 =	simm.s32 @!p0 $0x0;
	(pc) =	sbr.rel .LBB1_1-.Ltmp0, $4  }
0xa: {  	s11 =	simm.s32 $0x0;
	s3 =	rddreg [dreg:$0x1];
	s5 =	sadd.s32 s4, s5  }
0xb: {  	_ =	strace $0x8000004A;
	s4 =	simm.s32 $0x1;
	s5 =	smul.u32 $0x1A, s5  }
0xc: {  	s6 =	sadd.s32 $0x800, s6;
	s10 =	smov.u32 s2;
	[sflag:s4] =	ssyncpa.u1 $0x0  }
0xd: {  	p0 =	por $0x0, $0x0;
	[sflag:s7] =	ssyncpa.u1 $0x0;
	s7 =	sor.u32 $0x1, s5  }
.LBB1_4:
0xe: {  	s16 =	sshll.u32 s13, $0x3;
	s17 =	sand.u32 $0x78, s13  }
0xf: {  	s30 =	sand.u32 $0xF800, s13;
	s12 =	sshll.u32 s12, $0x10;
	s16 =	sand.u32 $0x3C00, s16  }
0x10: {  	s31 =	sand.u32 $0x7, s13;
	s16 =	sor.u32 s17, s16;
	s17 =	sadd.s32 s3, s30  }
0x11: {  	s13 =	sshll.u32 s31, $0x12;
	s16 =	sshrl.u32 s16, $0x3;
	s12 =	sadd.s32 s12, s17  }
0x12: {  	[tilespmem:s15+$0x0 ss:$0x81] =	vst.msk $0xffff, v0;
	s13 =	sor.u32 $0x400, s13;
	s12 =	sadd.s32 s16, s12  }
0x13: {  	[hbm4b:s12+s13] =	stream.strided.scatter [tilespmem:s14], [sflag:$0x2], $0x1000, s8, s13, $0x20;
	[tilespmem:$0x4040] =	vst v63  }
.LBB1_5:
0x14: {  	s14 =	sadd.s32 $0x1, s9  }
0x15: {  	s12 =	sadd.s32 $0x1000, s10;
	s16 =	smov.u32 s10;
	p2 =	sgt.s32 s14, $0x19  }
0x16: {  	s16 =	smov.u32 @p2 s12  }
0x17: {  	s14 =	simm.s32 @p2 $0x0;
	p2 =	sgt.s32 s16, $0x3FFF  }
0x18: {  	s16 =	smov.u32 @p2 s2;
	p2 =	sne.s32 s11, s7  }
.Ltmp1:
0x19: {  	p1 =	slt.u32 s11, $0x2;
	(pc) =	sbr.rel @!p2 .LBB1_6-.Ltmp1, $4  }
0x1a: {  	s15 =	simm.s32 @!p1 $0x2  }
0x1b: {  	s13 =	smov.u32 s10;
	p0 =	por !p0, !p0;
	_ =	swait.ge @!p1 [sflag:s15], $0x1000  }
0x1c: {  	s12 =	smov.u32 s9;
	[sflag:s15] =	ssyncset.done @!p1 $0x0;
	s9 =	smov.u32 s14  }
0x1d: {  	s11 =	sadd.s32 $0x1, s11;
	[sflag:s15] =	ssyncadd.s32 @!p1 $0xFFFFF000;
	s10 =	smov.u32 s16  }
.LBB1_1:
0x1e: {  	p1 =	sge.u32 s11, s5  }
0x1f: {  	s31 =	sadd.s32 $0xFFFFFFFF, s11;
	s14 =	sxor.u32 @!p1 $0xFFFFFFFF, s11  }
0x20: {  	s15 =	sshll.u32 @!p1 s10, $0x9;
	s16 =	sshll.u32 @!p1 s9, $0x4;
	s17 =	simm.s32 @!p1 $0x1000  }
0x21: {  	s14 =	sshll.u32 @!p1 s14, $0xC;
	s16 =	sand.u32 @!p1 $0x1F0, s16;
	s15 =	sadd.s32 @!p1 s6, s15  }
0x22: {  	s14 =	sand.u32 @!p1 $0x1000, s14;
	s15 =	sadd.s32 @!p1 s16, s15;
	s16 =	simm.s32 @!p1 $0x20  }
0x23: {  	[tilespmem:s14], [sflag:$0x1] =	stream.strided.gather @!p1 [hbm4b:s15+s16], $0x1000, s17, s16, $0x38;
	[tilespmem:$0x4040] =	vst v63  }
0x24: {  	p1 =	sge.u32 s31, s5  }
.Ltmp2:
0x25: {  	_ = 	snop;
	(pc) =	sbr.rel @p1 .LBB1_5-.Ltmp2, $1  }
0x26: {  	_ =	sdelay $0x3  }
0x27: {  	s14 =	simm.s32 $0x1  }
0x28: {  	_ =	swait.ge [sflag:s4], $0x1000;
	s14 =	simm.s32 @!p0 $0x0  }
0x29: {  	[sflag:s4] =	ssyncset.done $0x0;
	s15 =	sshll.u32 s14, $0xC  }
0x2a: {  	[sflag:s4] =	ssyncadd.s32 $0xFFFFF000;
	s18 =	sor.u32 $0x10, s15  }
0x2b: {  	s14 =	smul.u32 $0x4080, s14;
	v1 =	vld [tilespmem:s18+$0x0]  }
0x2c: {  	s30 =	sand.u32 $0x1, s11;
	v0 =	vld [tilespmem:s18+$0xFFFFFFF0]  }
0x2d: {  	s15 =	smul.u32 $0x4080, s30;
	s14 =	sshrl.u32 s14, $0x2  }
0x2e: {  	s16 =	sor.u32 $0x2000, s14  }
0x2f: {  	s31 =	sshrl.u32 s15, $0x2;
	s15 =	sadd.s32 $0x0, s16  }
0x30: {  	s17 =	simm.s32 $0x4;
	s18 =	sadd.s32 $0x20, s18;
	s14 =	sor.u32 $0x2000, s31;
	[tilespmem:s15+$0x810 ss:$0x81] =	vst.msk $0xffff, v1  }
.LBB1_3:
0x31: {  	v1 =	vld [tilespmem:s18+$0x0];
	p1 =	sne.s32 s17, $0x1FC;
	[tilespmem:s15+$0x0 ss:$0x81] =	vst.msk $0xffff, v0;
	s15 =	smov.u32 s17;
	s17 =	sadd.s32 $0x4, s17  }
.Ltmp3:
0x32: {  	v0 =	vld [tilespmem:s18+$0xFFFFFFF0];
	(pc) =	sbr.rel @p1 .LBB1_3-.Ltmp3, $4  }
0x33: {  	_ = 	snop  }
0x34: {  	s15 =	sshra.s32 s15, $0x2  }
0x35: {  	s15 =	sadd.s32 s15, s16  }
0x36: {  	s18 =	sadd.s32 $0x20, s18;
	[tilespmem:s15+$0x810 ss:$0x81] =	vst.msk $0xffff, v1  }
.Ltmp4:
0x37: {  	_ = 	snop;
	(pc) =	sbr.rel .LBB1_4-.Ltmp4, $1  }
0x38: {  	_ =	sdelay $0x3  }
.LBB1_6:
0x39: {  	_ =	sfence.sel $0x180000  }
0x3a: {  	s2 =	simm.s32 $0x1;
	[bflag:$0x0] =	sbarrier.arrive $0xFFFF  }
0x3b: {  	s31 =	simm.s32 $0x2;
	[sflag:s2] =	ssyncpa.u1 $0x1  }
0x3c: {  	[sflag:s31] =	ssyncpa.u1 $0x1  }
0x3d: {  	p0 =	sne.s32 s0, $0x0;
	_ =	strace $0x9000004A  }
0x3e: {  	s0 =	sadd.s32 @!p0 $0x100000, s1;
	[bflag:$0x2] =	sbarrier.arrive $0xFFFF  }
0x3f: {  	[sflag:s0] =	ssyncadd.tile.s32 @!p0 $0x1;
	_ =	shalt  }
.Lfunc_end1:
_tile_overlayer_lowered:
.L_overlay_start_2:
0x40: {  	(tag) =	ssettag $0x2  }
0x41: {  	s0 =	rddreg [dreg:$0x0];
	s2 =	stileid.u32  }
0x42: {  	s1 =	rddreg [dreg:$0x1];
	p0 =	sne.s32 s2, $0x0  }
0x43: {  	s3 =	rddreg [dreg:$0x2];
	[bflag:$0x3] =	sbarrier.arrive $0xFFFF;
	s2 =	simm.s32 @!p0 $0x1C01  }
0x44: {  	[timem:s3], [sflag:s2] =	dma.local @!p0 [hbm:s0], s1  }
0x45: {  	s0 =	simm.s32 @!p0 $0x1  }
0x46: {  	_ =	swait.ge @!p0 [sflag:s0], s1  }
0x47: {  	s1 =	ssub.s32 @!p0 $0x0, s1;
	[sflag:s0] =	ssyncset.done @!p0 $0x0  }
0x48: {  	[sflag:s0] =	ssyncadd.s32 @!p0 s1  }
0x49: {  	[bflag:$0x3] =	sbarrier.arrive $0xFFFF  }
0x4a: {  	_ =	shalt  }

</sc_bundles>
